<compile_context>
chip_gen: v7x
topology: tpu7x:2x2x1
jax: 0.10.2.dev20260603
libtpu: 0.0.44.dev20260713+nightly
codegen_flags: <defaults>
</compile_context>

<pallas_src>
import functools

import jax
import jax.numpy as jnp
from jax import lax
from jax.experimental import pallas as pl
from jax.experimental.pallas import tpu as pltpu
from jax.experimental.pallas import tpu_sc as plsc

_N = 10000
_E = 320000
_D = 128
_G = 64
_C = 16

_NC = 2
_NS = 16
_NW = _NC * _NS
_K = 128
_CH = 80
_GS = 4
_NG = _CH // _GS
_EPT = _K * _CH
_EPAD = _NW * _EPT
_NP = 10240
_RPT = _NP // _NS
_DUMMY = _N



def _sc_agg_body(with_deg, *refs):
    if with_deg:
        (h_hbm, srcr, dstr, z2, z1, acc_out, deg_out,
         sg0, sg1, dg0, dg1, b0, b1, onesv, accs, degs,
         sem0, sem1, semg0, semg1) = refs
    else:
        (h_hbm, srcr, dstr, z2, acc_out,
         sg0, sg1, dg0, dg1, b0, b1, accs,
         sem0, sem1, semg0, semg1) = refs

    cid = lax.axis_index("c")
    sid = lax.axis_index("s")
    wid = sid * _NC + cid

    pltpu.sync_copy(z2.at[pl.ds(sid * _RPT, _RPT)],
                    accs.at[pl.ds(sid * _RPT, _RPT)])
    if with_deg:
        pltpu.sync_copy(z1.at[pl.ds(sid * _RPT, _RPT)],
                        degs.at[pl.ds(sid * _RPT, _RPT)])
        for t in range(_K // 16):
            onesv[pl.ds(t * 16, 16)] = jnp.ones((16,), jnp.float32)

    pltpu.sync_copy(srcr.at[wid, pl.ds(0, _GS)], sg0)
    pltpu.sync_copy(dstr.at[wid, pl.ds(0, _GS)], dg0)
    pltpu.async_copy(srcr.at[wid, pl.ds(_GS, _GS)], sg1, semg1)
    pltpu.async_copy(dstr.at[wid, pl.ds(_GS, _GS)], dg1, semg1)

    pltpu.async_copy(h_hbm.at[sg0.at[0]], b0, sem0)

    plsc.subcore_barrier()

    def scat(buf, dg, k):
        pltpu.sync_copy(buf, accs.at[dg.at[k]], add=True)
        if with_deg:
            pltpu.sync_copy(onesv, degs.at[dg.at[k]], add=True)

    def wait_group(sg, dg, sem):
        pltpu.make_async_copy(srcr.at[wid, pl.ds(0, _GS)], sg, sem).wait()
        pltpu.make_async_copy(dstr.at[wid, pl.ds(0, _GS)], dg, sem).wait()

    def step(j, carry):
        pltpu.async_copy(h_hbm.at[sg0.at[1]], b1, sem1)
        pltpu.make_async_copy(h_hbm.at[sg0.at[0]], b0, sem0).wait()
        scat(b0, dg0, 0)
        pltpu.async_copy(h_hbm.at[sg0.at[2]], b0, sem0)
        pltpu.make_async_copy(h_hbm.at[sg0.at[1]], b1, sem1).wait()
        scat(b1, dg0, 1)
        pltpu.async_copy(h_hbm.at[sg0.at[3]], b1, sem1)
        pltpu.make_async_copy(h_hbm.at[sg0.at[2]], b0, sem0).wait()
        scat(b0, dg0, 2)
        wait_group(sg1, dg1, semg1)
        pltpu.async_copy(h_hbm.at[sg1.at[0]], b0, sem0)
        pltpu.make_async_copy(h_hbm.at[sg0.at[3]], b1, sem1).wait()
        scat(b1, dg0, 3)
        g2 = jnp.where(j < _NG // 2 - 1, 2 * j + 2, 0)
        pltpu.async_copy(srcr.at[wid, pl.ds(g2 * _GS, _GS)], sg0, semg0)
        pltpu.async_copy(dstr.at[wid, pl.ds(g2 * _GS, _GS)], dg0, semg0)
        pltpu.async_copy(h_hbm.at[sg1.at[1]], b1, sem1)
        pltpu.make_async_copy(h_hbm.at[sg1.at[0]], b0, sem0).wait()
        scat(b0, dg1, 0)
        pltpu.async_copy(h_hbm.at[sg1.at[2]], b0, sem0)
        pltpu.make_async_copy(h_hbm.at[sg1.at[1]], b1, sem1).wait()
        scat(b1, dg1, 1)
        pltpu.async_copy(h_hbm.at[sg1.at[3]], b1, sem1)
        pltpu.make_async_copy(h_hbm.at[sg1.at[2]], b0, sem0).wait()
        scat(b0, dg1, 2)
        wait_group(sg0, dg0, semg0)
        pltpu.async_copy(h_hbm.at[sg0.at[0]], b0, sem0)
        pltpu.make_async_copy(h_hbm.at[sg1.at[3]], b1, sem1).wait()
        scat(b1, dg1, 3)
        g3 = jnp.where(j < _NG // 2 - 1, 2 * j + 3, 1)
        pltpu.async_copy(srcr.at[wid, pl.ds(g3 * _GS, _GS)], sg1, semg1)
        pltpu.async_copy(dstr.at[wid, pl.ds(g3 * _GS, _GS)], dg1, semg1)
        return carry

    lax.fori_loop(0, _NG // 2, step, 0)
    pltpu.make_async_copy(h_hbm.at[sg0.at[0]], b0, sem0).wait()
    wait_group(sg1, dg1, semg1)

    plsc.subcore_barrier()

    pltpu.sync_copy(accs.at[pl.ds(sid * _RPT, _RPT)],
                    acc_out.at[cid, pl.ds(sid * _RPT, _RPT)])
    if with_deg:
        @pl.when(sid == 0)
        def _():
            pltpu.sync_copy(degs, deg_out.at[cid])


@functools.cache
def _make_sc_agg(with_deg):
    mesh = plsc.VectorSubcoreMesh(core_axis_name="c", subcore_axis_name="s")
    out_type = [jax.ShapeDtypeStruct((_NC, _NP, _D), jnp.float32)]
    scratch = [
        pltpu.VMEM((_GS, _K), jnp.int32),
        pltpu.VMEM((_GS, _K), jnp.int32),
        pltpu.VMEM((_GS, _K), jnp.int32),
        pltpu.VMEM((_GS, _K), jnp.int32),
        pltpu.VMEM((_K, _D), jnp.float32),
        pltpu.VMEM((_K, _D), jnp.float32),
    ]
    if with_deg:
        out_type.append(jax.ShapeDtypeStruct((_NC, _NP), jnp.float32))
        scratch.append(pltpu.VMEM((_K,), jnp.float32))
    scratch.append(pltpu.VMEM_SHARED((_NP, _D), jnp.float32))
    if with_deg:
        scratch.append(pltpu.VMEM_SHARED((_NP,), jnp.float32))
    scratch += [pltpu.SemaphoreType.DMA] * 4
    return pl.kernel(
        functools.partial(_sc_agg_body, with_deg),
        out_type=tuple(out_type),
        mesh=mesh,
        scratch_types=tuple(scratch),
    )



_RB = 2048
_GRID = _NP // _RB


def _root_body(h, wrt, b, out):
    out[...] = (jnp.dot(h[...], wrt[...], preferred_element_type=jnp.float32)
                + b[...])


_tc_root = pl.pallas_call(
    _root_body,
    grid=(_GRID,),
    in_specs=[
        pl.BlockSpec((_RB, _D), lambda i: (i, 0)),
        pl.BlockSpec((_D, _D), lambda i: (0, 0)),
        pl.BlockSpec((1, _D), lambda i: (0, 0)),
    ],
    out_specs=pl.BlockSpec((_RB, _D), lambda i: (i, 0)),
    out_shape=jax.ShapeDtypeStruct((_NP, _D), jnp.float32),
)


def _combine1_body(accp, degt, hr, wlt, out_h, out_inv):
    d = degt[:, 0:1] + degt[:, 1:2]
    inv = 1.0 / jnp.maximum(d, 1.0)
    agg = (accp[0] + accp[1]) * inv
    out_h[...] = jnp.maximum(
        jnp.dot(agg, wlt[...], preferred_element_type=jnp.float32)
        + hr[...], 0.0)
    out_inv[...] = inv


def _combine23_body(accp, invr, hr, wlt, out_h):
    agg = (accp[0] + accp[1]) * invr[...]
    out_h[...] = jnp.maximum(
        jnp.dot(agg, wlt[...], preferred_element_type=jnp.float32)
        + hr[...], 0.0)


_tc_combine1 = pl.pallas_call(
    _combine1_body,
    grid=(_GRID,),
    in_specs=[
        pl.BlockSpec((_NC, _RB, _D), lambda i: (0, i, 0)),
        pl.BlockSpec((_RB, _NC), lambda i: (i, 0)),
        pl.BlockSpec((_RB, _D), lambda i: (i, 0)),
        pl.BlockSpec((_D, _D), lambda i: (0, 0)),
    ],
    out_specs=[
        pl.BlockSpec((_RB, _D), lambda i: (i, 0)),
        pl.BlockSpec((_RB, 1), lambda i: (i, 0)),
    ],
    out_shape=[
        jax.ShapeDtypeStruct((_NP, _D), jnp.float32),
        jax.ShapeDtypeStruct((_NP, 1), jnp.float32),
    ],
)

_tc_combine23 = pl.pallas_call(
    _combine23_body,
    grid=(_GRID,),
    in_specs=[
        pl.BlockSpec((_NC, _RB, _D), lambda i: (0, i, 0)),
        pl.BlockSpec((_RB, 1), lambda i: (i, 0)),
        pl.BlockSpec((_RB, _D), lambda i: (i, 0)),
        pl.BlockSpec((_D, _D), lambda i: (0, 0)),
    ],
    out_specs=pl.BlockSpec((_RB, _D), lambda i: (i, 0)),
    out_shape=jax.ShapeDtypeStruct((_NP, _D), jnp.float32),
)


def _pool_body(h3, batchr, wg, bg, w1t, b1, w2t, b2, out):
    h = h3[...]
    gate = jnp.sum(h * wg[...], axis=1, keepdims=True) + bg[...]
    gid = lax.broadcasted_iota(jnp.int32, (1, _G), 1)
    mask = batchr[...] == gid
    gate_eff = jnp.where(mask, gate, -1e30)
    gmax = jnp.max(gate_eff, axis=0, keepdims=True)
    e = jnp.where(mask, jnp.exp(gate_eff - gmax), 0.0)
    denom = jnp.sum(e, axis=0, keepdims=True)
    alpha = e / (denom + 1e-16)
    pooled = lax.dot_general(alpha, h, (((0,), (0,)), ((), ())),
                             preferred_element_type=jnp.float32)
    z = jnp.maximum(
        jnp.dot(pooled, w1t[...], preferred_element_type=jnp.float32)
        + b1[...], 0.0)
    o = (jnp.dot(z, w2t[...], preferred_element_type=jnp.float32)
         + b2[...])
    m = jnp.max(o, axis=1, keepdims=True)
    om = o - m
    out[...] = om - jnp.log(jnp.sum(jnp.exp(om), axis=1, keepdims=True))


_tc_pool = pl.pallas_call(
    _pool_body,
    out_shape=jax.ShapeDtypeStruct((_G, _C), jnp.float32),
)



def kernel(x, edge_index, batch, W1l, b1l, W1r, W2l, b2l, W2r,
           W3l, b3l, W3r, Wg, bg, Wlin1, blin1, Wlin2, blin2):
    xp = jnp.pad(x, ((0, _NP - _N), (0, 0)))
    srcp = jnp.pad(edge_index[0], (0, _EPAD - _E)).reshape(_NW, _CH, _K)
    dstp = jnp.pad(edge_index[1], (0, _EPAD - _E),
                   constant_values=_DUMMY).reshape(_NW, _CH, _K)
    z2 = jnp.zeros((_NP, _D), jnp.float32)
    z1 = jnp.zeros((_NP,), jnp.float32)
    batchp = jnp.pad(batch, (0, _NP - _N), constant_values=_G).reshape(_NP, 1)

    hr1 = _tc_root(xp, W1r.T, b1l.reshape(1, _D))
    accP, degP = _make_sc_agg(True)(xp, srcp, dstp, z2, z1)
    h1, inv = _tc_combine1(accP, degP.T, hr1, W1l.T)
    hr2 = _tc_root(h1, W2r.T, b2l.reshape(1, _D))
    accP2, = _make_sc_agg(False)(h1, srcp, dstp, z2)
    h2 = _tc_combine23(accP2, inv, hr2, W2l.T)
    hr3 = _tc_root(h2, W3r.T, b3l.reshape(1, _D))
    accP3, = _make_sc_agg(False)(h2, srcp, dstp, z2)
    h3 = _tc_combine23(accP3, inv, hr3, W3l.T)
    out = _tc_pool(h3, batchp, Wg, bg.reshape(1, 1), Wlin1.T,
                   blin1.reshape(1, _D), Wlin2.T, blin2.reshape(1, _C))
    return out

# --- scband reference (transcript-rebuilt; emitter-appended) ---
"""Pipeline reference for scband-global-attention-net-35622458753572 (READ-ONLY COPY).

The authoritative reference and input builder live on the scoring server;
editing this copy changes nothing except your own understanding.
"""

import jax, jax.numpy as jnp
import numpy as np

N = 10000
E = 320000
D = 128
H = 128
C = 16
G = 64


def setup_inputs(seed: int = 0) -> dict:
    key = jax.random.key(seed)
    ks = jax.random.split(key, 20)
    x = jax.random.normal(ks[0], (N, D), dtype=jnp.float32)
    edge_index = jax.random.randint(ks[1], (2, E), 0, N, dtype=jnp.int32)
    batch = jnp.sort(jax.random.randint(ks[2], (N,), 0, G, dtype=jnp.int32))
    s_d = 1.0 / np.sqrt(D)
    s_h = 1.0 / np.sqrt(H)
    # SAGEConv 1 (in=D, out=H): lin_l (with bias) on aggregated, lin_r (no bias) on root
    W1l = jax.random.uniform(ks[3], (H, D), jnp.float32, -s_d, s_d)
    b1l = jax.random.uniform(ks[4], (H,), jnp.float32, -s_d, s_d)
    W1r = jax.random.uniform(ks[5], (H, D), jnp.float32, -s_d, s_d)
    # SAGEConv 2
    W2l = jax.random.uniform(ks[6], (H, H), jnp.float32, -s_h, s_h)
    b2l = jax.random.uniform(ks[7], (H,), jnp.float32, -s_h, s_h)
    W2r = jax.random.uniform(ks[8], (H, H), jnp.float32, -s_h, s_h)
    # SAGEConv 3
    W3l = jax.random.uniform(ks[9], (H, H), jnp.float32, -s_h, s_h)
    b3l = jax.random.uniform(ks[10], (H,), jnp.float32, -s_h, s_h)
    W3r = jax.random.uniform(ks[11], (H, H), jnp.float32, -s_h, s_h)
    # GlobalAttention gate: Linear(H, 1)
    Wg = jax.random.uniform(ks[12], (1, H), jnp.float32, -s_h, s_h)
    bg = jax.random.uniform(ks[13], (1,), jnp.float32, -s_h, s_h)
    # lin1: Linear(H, H); lin2: Linear(H, C)
    Wlin1 = jax.random.uniform(ks[14], (H, H), jnp.float32, -s_h, s_h)
    blin1 = jax.random.uniform(ks[15], (H,), jnp.float32, -s_h, s_h)
    Wlin2 = jax.random.uniform(ks[16], (C, H), jnp.float32, -s_h, s_h)
    blin2 = jax.random.uniform(ks[17], (C,), jnp.float32, -s_h, s_h)
    return {"x": x, "edge_index": edge_index, "batch": batch,
            "W1l": W1l, "b1l": b1l, "W1r": W1r,
            "W2l": W2l, "b2l": b2l, "W2r": W2r,
            "W3l": W3l, "b3l": b3l, "W3r": W3r,
            "Wg": Wg, "bg": bg,
            "Wlin1": Wlin1, "blin1": blin1, "Wlin2": Wlin2, "blin2": blin2}


def _sage_conv(x, edge_index, Wl, bl, Wr):
    src = edge_index[0]
    dst = edge_index[1]
    msg = x[src]
    agg = jax.ops.segment_sum(msg, dst, num_segments=N)
    deg = jax.ops.segment_sum(jnp.ones((edge_index.shape[1],), x.dtype), dst, num_segments=N)
    agg = agg / jnp.clip(deg, 1.0)[:, None]
    return agg @ Wl.T + bl + x @ Wr.T


def reference(x, edge_index, batch, W1l, b1l, W1r, W2l, b2l, W2r, W3l, b3l, W3r, Wg, bg, Wlin1, blin1, Wlin2, blin2):
    h = jax.nn.relu(_sage_conv(x, edge_index, W1l, b1l, W1r))
    h = jax.nn.relu(_sage_conv(h, edge_index, W2l, b2l, W2r))
    h = jax.nn.relu(_sage_conv(h, edge_index, W3l, b3l, W3r))
    # GlobalAttention pooling over graphs in `batch`
    gate = (h @ Wg.T + bg)[:, 0]
    gmax = jax.ops.segment_max(gate, batch, num_segments=G)
    gate_shift = gate - gmax[batch]
    e = jnp.exp(gate_shift)
    denom = jax.ops.segment_sum(e, batch, num_segments=G)
    alpha = e / (denom[batch] + 1e-16)
    pooled = jax.ops.segment_sum(alpha[:, None] * h, batch, num_segments=G)
    z = jax.nn.relu(pooled @ Wlin1.T + blin1)
    # dropout is identity in eval mode
    out = z @ Wlin2.T + blin2
    return jax.nn.log_softmax(out, axis=-1)

if __name__ == "__main__":
    import jax
    _d = setup_inputs()
    print(jax.jit(kernel)(*tuple(_d.values())))

</pallas_src>

<mosaic_0001>
#map = affine_map<(d0, d1) -> (0, 0)>
#map1 = affine_map<(d0, d1) -> (0, 0, 0)>
#map2 = affine_map<(d0, d1) -> (0)>
module attributes {stable_mosaic.version = 14 : i64} {
  func.func @_sc_agg_body(%arg0: i32, %arg1: i32, %arg2: memref<10240x128xf32, #tpu.memory_space<hbm>>, %arg3: memref<32x80x128xi32, #tpu.memory_space<hbm>>, %arg4: memref<32x80x128xi32, #tpu.memory_space<hbm>>, %arg5: memref<10240x128xf32, #tpu.memory_space<hbm>>, %arg6: memref<10240xf32, #tpu.memory_space<hbm>>, %arg7: memref<2x10240x128xf32, #tpu.memory_space<hbm>>, %arg8: memref<2x10240xf32, #tpu.memory_space<hbm>>, %arg9: memref<4x128xi32, #tpu.memory_space<vmem>>, %arg10: memref<4x128xi32, #tpu.memory_space<vmem>>, %arg11: memref<4x128xi32, #tpu.memory_space<vmem>>, %arg12: memref<4x128xi32, #tpu.memory_space<vmem>>, %arg13: memref<128x128xf32, #tpu.memory_space<vmem>>, %arg14: memref<128x128xf32, #tpu.memory_space<vmem>>, %arg15: memref<128xf32, #tpu.memory_space<vmem>>, %arg16: memref<10240x128xf32, #tpu.memory_space<vmem_shared>>, %arg17: memref<10240xf32, #tpu.memory_space<vmem_shared>>, %arg18: memref<!tpu.dma_semaphore, #tpu.memory_space<semaphore_mem>>, %arg19: memref<!tpu.dma_semaphore, #tpu.memory_space<semaphore_mem>>, %arg20: memref<!tpu.dma_semaphore, #tpu.memory_space<semaphore_mem>>, %arg21: memref<!tpu.dma_semaphore, #tpu.memory_space<semaphore_mem>>) attributes {dimension_semantics = [#tpu.dimension_semantics<core_parallel>, #tpu.dimension_semantics<subcore_parallel>], iteration_bounds = array<i64: 2, 16>, scalar_prefetch = 0 : i64, scratch_operands = 13 : i64, tpu.core_type = #tpu.core_type<sc_vector_subcore>, window_params = [{transform_indices = #map}, {transform_indices = #map1}, {transform_indices = #map1}, {transform_indices = #map}, {transform_indices = #map2}, {transform_indices = #map1}, {transform_indices = #map}]} {
    %mul3A = arith.constant 2 : i32
    %mul3A_0 = arith.muli %arg1, %mul3A : i32
    %add3A = arith.addi %mul3A_0, %arg0 : i32
    %mul3A_1 = arith.constant 640 : i32
    %mul3A_2 = arith.muli %arg1, %mul3A_1 : i32
    %mul3A_3 = arith.constant 640 : i32
    %mul3A_4 = arith.muli %arg1, %mul3A_3 : i32
    "tpu.region"() ({
      %run_scoped3A = tpu.sem_alloc : memref<!tpu.dma_semaphore, #tpu.memory_space<semaphore_mem>>
      %dma_start3A_111 = arith.constant 0 : i32
      %dma_start3A_112 = tpu.memref_slice %arg16[%mul3A_4, %dma_start3A_111] : memref<10240x128xf32, #tpu.memory_space<vmem_shared>> -> memref<640x128xf32, #tpu.memory_space<vmem_shared>>
      %dma_start3A_113 = arith.constant 0 : i32
      %dma_start3A_114 = tpu.memref_slice %arg5[%mul3A_2, %dma_start3A_113] : memref<10240x128xf32, #tpu.memory_space<hbm>> -> memref<640x128xf32, #tpu.memory_space<hbm>>
      tpu.enqueue_dma source(%dma_start3A_114 : memref<640x128xf32, #tpu.memory_space<hbm>>) target(%dma_start3A_112 : memref<640x128xf32, #tpu.memory_space<vmem_shared>>) target_semaphore(%run_scoped3A : memref<!tpu.dma_semaphore, #tpu.memory_space<semaphore_mem>>)
      %dma_wait3A_115 = arith.constant 0 : i32
      %dma_wait3A_116 = tpu.memref_slice %arg16[%mul3A_4, %dma_wait3A_115] : memref<10240x128xf32, #tpu.memory_space<vmem_shared>> -> memref<640x128xf32, #tpu.memory_space<vmem_shared>>
      %dma_wait3A_117 = arith.constant 0 : i32
      %dma_wait3A_118 = tpu.memref_slice %arg5[%mul3A_2, %dma_wait3A_117] : memref<10240x128xf32, #tpu.memory_space<hbm>> -> memref<640x128xf32, #tpu.memory_space<hbm>>
      tpu.wait_dma2 semaphore(%run_scoped3A : memref<!tpu.dma_semaphore, #tpu.memory_space<semaphore_mem>>) src(%dma_wait3A_118 : memref<640x128xf32, #tpu.memory_space<hbm>>) dst(%dma_wait3A_116 : memref<640x128xf32, #tpu.memory_space<vmem_shared>>)
      tpu.yield
    }) : () -> ()
    %mul3A_5 = arith.constant 640 : i32
    %mul3A_6 = arith.muli %arg1, %mul3A_5 : i32
    %mul3A_7 = arith.constant 640 : i32
    %mul3A_8 = arith.muli %arg1, %mul3A_7 : i32
    "tpu.region"() ({
      %run_scoped3A = tpu.sem_alloc : memref<!tpu.dma_semaphore, #tpu.memory_space<semaphore_mem>>
      %dma_start3A_111 = tpu.memref_slice %arg17[%mul3A_8] : memref<10240xf32, #tpu.memory_space<vmem_shared>> -> memref<640xf32, #tpu.memory_space<vmem_shared>>
      %dma_start3A_112 = tpu.memref_slice %arg6[%mul3A_6] : memref<10240xf32, #tpu.memory_space<hbm>> -> memref<640xf32, #tpu.memory_space<hbm>>
      tpu.enqueue_dma source(%dma_start3A_112 : memref<640xf32, #tpu.memory_space<hbm>>) target(%dma_start3A_111 : memref<640xf32, #tpu.memory_space<vmem_shared>>) target_semaphore(%run_scoped3A : memref<!tpu.dma_semaphore, #tpu.memory_space<semaphore_mem>>)
      %dma_wait3A_113 = tpu.memref_slice %arg17[%mul3A_8] : memref<10240xf32, #tpu.memory_space<vmem_shared>> -> memref<640xf32, #tpu.memory_space<vmem_shared>>
      %dma_wait3A_114 = tpu.memref_slice %arg6[%mul3A_6] : memref<10240xf32, #tpu.memory_space<hbm>> -> memref<640xf32, #tpu.memory_space<hbm>>
      tpu.wait_dma2 semaphore(%run_scoped3A : memref<!tpu.dma_semaphore, #tpu.memory_space<semaphore_mem>>) src(%dma_wait3A_114 : memref<640xf32, #tpu.memory_space<hbm>>) dst(%dma_wait3A_113 : memref<640xf32, #tpu.memory_space<vmem_shared>>)
      tpu.yield
    }) : () -> ()
    %broadcast_in_dim3A = arith.constant 1.000000e+00 : f32
    %broadcast_in_dim3A_9 = vector.broadcast %broadcast_in_dim3A : f32 to vector<16xf32>
    %swap3A = arith.constant 0 : index
    %swap3A_10 = tpu.vector_load %arg15[%swap3A] {strides = array<i32>} : memref<128xf32, #tpu.memory_space<vmem>>, vector<16xf32>,
    %swap3A_11 = vector.shape_cast %swap3A_10 : vector<16xf32> to vector<16xf32>
    %swap3A_12 = vector.shape_cast %broadcast_in_dim3A_9 : vector<16xf32> to vector<16xf32>
    tpu.vector_store %arg15[%swap3A], %swap3A_12 {strides = array<i32>} : memref<128xf32, #tpu.memory_space<vmem>>, vector<16xf32>,
    %broadcast_in_dim3A_13 = arith.constant 1.000000e+00 : f32
    %broadcast_in_dim3A_14 = vector.broadcast %broadcast_in_dim3A_13 : f32 to vector<16xf32>
    %swap3A_15 = arith.constant 16 : index
    %swap3A_16 = tpu.vector_load %arg15[%swap3A_15] {strides = array<i32>} : memref<128xf32, #tpu.memory_space<vmem>>, vector<16xf32>,
    %swap3A_17 = vector.shape_cast %swap3A_16 : vector<16xf32> to vector<16xf32>
    %swap3A_18 = vector.shape_cast %broadcast_in_dim3A_14 : vector<16xf32> to vector<16xf32>
    tpu.vector_store %arg15[%swap3A_15], %swap3A_18 {strides = array<i32>} : memref<128xf32, #tpu.memory_space<vmem>>, vector<16xf32>,
    %broadcast_in_dim3A_19 = arith.constant 1.000000e+00 : f32
    %broadcast_in_dim3A_20 = vector.broadcast %broadcast_in_dim3A_19 : f32 to vector<16xf32>
    %swap3A_21 = arith.constant 32 : index
    %swap3A_22 = tpu.vector_load %arg15[%swap3A_21] {strides = array<i32>} : memref<128xf32, #tpu.memory_space<vmem>>, vector<16xf32>,
    %swap3A_23 = vector.shape_cast %swap3A_22 : vector<16xf32> to vector<16xf32>
    %swap3A_24 = vector.shape_cast %broadcast_in_dim3A_20 : vector<16xf32> to vector<16xf32>
    tpu.vector_store %arg15[%swap3A_21], %swap3A_24 {strides = array<i32>} : memref<128xf32, #tpu.memory_space<vmem>>, vector<16xf32>,
    %broadcast_in_dim3A_25 = arith.constant 1.000000e+00 : f32
    %broadcast_in_dim3A_26 = vector.broadcast %broadcast_in_dim3A_25 : f32 to vector<16xf32>
    %swap3A_27 = arith.constant 48 : index
    %swap3A_28 = tpu.vector_load %arg15[%swap3A_27] {strides = array<i32>} : memref<128xf32, #tpu.memory_space<vmem>>, vector<16xf32>,
    %swap3A_29 = vector.shape_cast %swap3A_28 : vector<16xf32> to vector<16xf32>
    %swap3A_30 = vector.shape_cast %broadcast_in_dim3A_26 : vector<16xf32> to vector<16xf32>
    tpu.vector_store %arg15[%swap3A_27], %swap3A_30 {strides = array<i32>} : memref<128xf32, #tpu.memory_space<vmem>>, vector<16xf32>,
    %broadcast_in_dim3A_31 = arith.constant 1.000000e+00 : f32
    %broadcast_in_dim3A_32 = vector.broadcast %broadcast_in_dim3A_31 : f32 to vector<16xf32>
    %swap3A_33 = arith.constant 64 : index
    %swap3A_34 = tpu.vector_load %arg15[%swap3A_33] {strides = array<i32>} : memref<128xf32, #tpu.memory_space<vmem>>, vector<16xf32>,
    %swap3A_35 = vector.shape_cast %swap3A_34 : vector<16xf32> to vector<16xf32>
    %swap3A_36 = vector.shape_cast %broadcast_in_dim3A_32 : vector<16xf32> to vector<16xf32>
    tpu.vector_store %arg15[%swap3A_33], %swap3A_36 {strides = array<i32>} : memref<128xf32, #tpu.memory_space<vmem>>, vector<16xf32>,
    %broadcast_in_dim3A_37 = arith.constant 1.000000e+00 : f32
    %broadcast_in_dim3A_38 = vector.broadcast %broadcast_in_dim3A_37 : f32 to vector<16xf32>
    %swap3A_39 = arith.constant 80 : index
    %swap3A_40 = tpu.vector_load %arg15[%swap3A_39] {strides = array<i32>} : memref<128xf32, #tpu.memory_space<vmem>>, vector<16xf32>,
    %swap3A_41 = vector.shape_cast %swap3A_40 : vector<16xf32> to vector<16xf32>
    %swap3A_42 = vector.shape_cast %broadcast_in_dim3A_38 : vector<16xf32> to vector<16xf32>
    tpu.vector_store %arg15[%swap3A_39], %swap3A_42 {strides = array<i32>} : memref<128xf32, #tpu.memory_space<vmem>>, vector<16xf32>,
    %broadcast_in_dim3A_43 = arith.constant 1.000000e+00 : f32
    %broadcast_in_dim3A_44 = vector.broadcast %broadcast_in_dim3A_43 : f32 to vector<16xf32>
    %swap3A_45 = arith.constant 96 : index
    %swap3A_46 = tpu.vector_load %arg15[%swap3A_45] {strides = array<i32>} : memref<128xf32, #tpu.memory_space<vmem>>, vector<16xf32>,
    %swap3A_47 = vector.shape_cast %swap3A_46 : vector<16xf32> to vector<16xf32>
    %swap3A_48 = vector.shape_cast %broadcast_in_dim3A_44 : vector<16xf32> to vector<16xf32>
    tpu.vector_store %arg15[%swap3A_45], %swap3A_48 {strides = array<i32>} : memref<128xf32, #tpu.memory_space<vmem>>, vector<16xf32>,
    %broadcast_in_dim3A_49 = arith.constant 1.000000e+00 : f32
    %broadcast_in_dim3A_50 = vector.broadcast %broadcast_in_dim3A_49 : f32 to vector<16xf32>
    %swap3A_51 = arith.constant 112 : index
    %swap3A_52 = tpu.vector_load %arg15[%swap3A_51] {strides = array<i32>} : memref<128xf32, #tpu.memory_space<vmem>>, vector<16xf32>,
    %swap3A_53 = vector.shape_cast %swap3A_52 : vector<16xf32> to vector<16xf32>
    %swap3A_54 = vector.shape_cast %broadcast_in_dim3A_50 : vector<16xf32> to vector<16xf32>
    tpu.vector_store %arg15[%swap3A_51], %swap3A_54 {strides = array<i32>} : memref<128xf32, #tpu.memory_space<vmem>>, vector<16xf32>,
    "tpu.region"() ({
      %run_scoped3A = tpu.sem_alloc : memref<!tpu.dma_semaphore, #tpu.memory_space<semaphore_mem>>
      %dma_start3A_111 = arith.constant 0 : i32
      %dma_start3A_112 = arith.constant 0 : i32
      %dma_start3A_113 = tpu.memref_slice %arg3[%add3A, %dma_start3A_111, %dma_start3A_112] : memref<32x80x128xi32, #tpu.memory_space<hbm>> -> memref<1x4x128xi32, #tpu.memory_space<hbm>>
      %dma_start3A_114 = tpu.memref_squeeze %dma_start3A_113 : memref<1x4x128xi32, #tpu.memory_space<hbm>> -> memref<4x128xi32, #tpu.memory_space<hbm>>
      %dma_start3A_115 = arith.constant 0 : i32
      %dma_start3A_116 = arith.constant 0 : i32
      %dma_start3A_117 = tpu.memref_slice %arg3[%add3A, %dma_start3A_115, %dma_start3A_116] : memref<32x80x128xi32, #tpu.memory_space<hbm>> -> memref<1x4x128xi32, #tpu.memory_space<hbm>>
      %dma_start3A_118 = tpu.memref_squeeze %dma_start3A_117 : memref<1x4x128xi32, #tpu.memory_space<hbm>> -> memref<4x128xi32, #tpu.memory_space<hbm>>
      tpu.enqueue_dma source(%dma_start3A_118 : memref<4x128xi32, #tpu.memory_space<hbm>>) target(%arg9 : memref<4x128xi32, #tpu.memory_space<vmem>>) target_semaphore(%run_scoped3A : memref<!tpu.dma_semaphore, #tpu.memory_space<semaphore_mem>>)
      %dma_wait3A_119 = arith.constant 0 : i32
      %dma_wait3A_120 = arith.constant 0 : i32
      %dma_wait3A_121 = tpu.memref_slice %arg3[%add3A, %dma_wait3A_119, %dma_wait3A_120] : memref<32x80x128xi32, #tpu.memory_space<hbm>> -> memref<1x4x128xi32, #tpu.memory_space<hbm>>
      %dma_wait3A_122 = tpu.memref_squeeze %dma_wait3A_121 : memref<1x4x128xi32, #tpu.memory_space<hbm>> -> memref<4x128xi32, #tpu.memory_space<hbm>>
      %dma_wait3A_123 = arith.constant 0 : i32
      %dma_wait3A_124 = arith.constant 0 : i32
      %dma_wait3A_125 = tpu.memref_slice %arg3[%add3A, %dma_wait3A_123, %dma_wait3A_124] : memref<32x80x128xi32, #tpu.memory_space<hbm>> -> memref<1x4x128xi32, #tpu.memory_space<hbm>>
      %dma_wait3A_126 = tpu.memref_squeeze %dma_wait3A_125 : memref<1x4x128xi32, #tpu.memory_space<hbm>> -> memref<4x128xi32, #tpu.memory_space<hbm>>
      tpu.wait_dma2 semaphore(%run_scoped3A : memref<!tpu.dma_semaphore, #tpu.memory_space<semaphore_mem>>) src(%dma_wait3A_126 : memref<4x128xi32, #tpu.memory_space<hbm>>) dst(%arg9 : memref<4x128xi32, #tpu.memory_space<vmem>>)
      tpu.yield
    }) : () -> ()
    "tpu.region"() ({
      %run_scoped3A = tpu.sem_alloc : memref<!tpu.dma_semaphore, #tpu.memory_space<semaphore_mem>>
      %dma_start3A_111 = arith.constant 0 : i32
      %dma_start3A_112 = arith.constant 0 : i32
      %dma_start3A_113 = tpu.memref_slice %arg4[%add3A, %dma_start3A_111, %dma_start3A_112] : memref<32x80x128xi32, #tpu.memory_space<hbm>> -> memref<1x4x128xi32, #tpu.memory_space<hbm>>
      %dma_start3A_114 = tpu.memref_squeeze %dma_start3A_113 : memref<1x4x128xi32, #tpu.memory_space<hbm>> -> memref<4x128xi32, #tpu.memory_space<hbm>>
      %dma_start3A_115 = arith.constant 0 : i32
      %dma_start3A_116 = arith.constant 0 : i32
      %dma_start3A_117 = tpu.memref_slice %arg4[%add3A, %dma_start3A_115, %dma_start3A_116] : memref<32x80x128xi32, #tpu.memory_space<hbm>> -> memref<1x4x128xi32, #tpu.memory_space<hbm>>
      %dma_start3A_118 = tpu.memref_squeeze %dma_start3A_117 : memref<1x4x128xi32, #tpu.memory_space<hbm>> -> memref<4x128xi32, #tpu.memory_space<hbm>>
      tpu.enqueue_dma source(%dma_start3A_118 : memref<4x128xi32, #tpu.memory_space<hbm>>) target(%arg11 : memref<4x128xi32, #tpu.memory_space<vmem>>) target_semaphore(%run_scoped3A : memref<!tpu.dma_semaphore, #tpu.memory_space<semaphore_mem>>)
      %dma_wait3A_119 = arith.constant 0 : i32
      %dma_wait3A_120 = arith.constant 0 : i32
      %dma_wait3A_121 = tpu.memref_slice %arg4[%add3A, %dma_wait3A_119, %dma_wait3A_120] : memref<32x80x128xi32, #tpu.memory_space<hbm>> -> memref<1x4x128xi32, #tpu.memory_space<hbm>>
      %dma_wait3A_122 = tpu.memref_squeeze %dma_wait3A_121 : memref<1x4x128xi32, #tpu.memory_space<hbm>> -> memref<4x128xi32, #tpu.memory_space<hbm>>
      %dma_wait3A_123 = arith.constant 0 : i32
      %dma_wait3A_124 = arith.constant 0 : i32
      %dma_wait3A_125 = tpu.memref_slice %arg4[%add3A, %dma_wait3A_123, %dma_wait3A_124] : memref<32x80x128xi32, #tpu.memory_space<hbm>> -> memref<1x4x128xi32, #tpu.memory_space<hbm>>
      %dma_wait3A_126 = tpu.memref_squeeze %dma_wait3A_125 : memref<1x4x128xi32, #tpu.memory_space<hbm>> -> memref<4x128xi32, #tpu.memory_space<hbm>>
      tpu.wait_dma2 semaphore(%run_scoped3A : memref<!tpu.dma_semaphore, #tpu.memory_space<semaphore_mem>>) src(%dma_wait3A_126 : memref<4x128xi32, #tpu.memory_space<hbm>>) dst(%arg11 : memref<4x128xi32, #tpu.memory_space<vmem>>)
      tpu.yield
    }) : () -> ()
    %dma_start3A = arith.constant 4 : i32
    %dma_start3A_55 = arith.constant 0 : i32
    %dma_start3A_56 = tpu.memref_slice %arg3[%add3A, %dma_start3A, %dma_start3A_55] : memref<32x80x128xi32, #tpu.memory_space<hbm>> -> memref<1x4x128xi32, #tpu.memory_space<hbm>>
    %dma_start3A_57 = tpu.memref_squeeze %dma_start3A_56 : memref<1x4x128xi32, #tpu.memory_space<hbm>> -> memref<4x128xi32, #tpu.memory_space<hbm>>
    %dma_start3A_58 = arith.constant 4 : i32
    %dma_start3A_59 = arith.constant 0 : i32
    %dma_start3A_60 = tpu.memref_slice %arg3[%add3A, %dma_start3A_58, %dma_start3A_59] : memref<32x80x128xi32, #tpu.memory_space<hbm>> -> memref<1x4x128xi32, #tpu.memory_space<hbm>>
    %dma_start3A_61 = tpu.memref_squeeze %dma_start3A_60 : memref<1x4x128xi32, #tpu.memory_space<hbm>> -> memref<4x128xi32, #tpu.memory_space<hbm>>
    tpu.enqueue_dma source(%dma_start3A_61 : memref<4x128xi32, #tpu.memory_space<hbm>>) target(%arg10 : memref<4x128xi32, #tpu.memory_space<vmem>>) target_semaphore(%arg21 : memref<!tpu.dma_semaphore, #tpu.memory_space<semaphore_mem>>)
    %dma_start3A_62 = arith.constant 4 : i32
    %dma_start3A_63 = arith.constant 0 : i32
    %dma_start3A_64 = tpu.memref_slice %arg4[%add3A, %dma_start3A_62, %dma_start3A_63] : memref<32x80x128xi32, #tpu.memory_space<hbm>> -> memref<1x4x128xi32, #tpu.memory_space<hbm>>
    %dma_start3A_65 = tpu.memref_squeeze %dma_start3A_64 : memref<1x4x128xi32, #tpu.memory_space<hbm>> -> memref<4x128xi32, #tpu.memory_space<hbm>>
    %dma_start3A_66 = arith.constant 4 : i32
    %dma_start3A_67 = arith.constant 0 : i32
    %dma_start3A_68 = tpu.memref_slice %arg4[%add3A, %dma_start3A_66, %dma_start3A_67] : memref<32x80x128xi32, #tpu.memory_space<hbm>> -> memref<1x4x128xi32, #tpu.memory_space<hbm>>
    %dma_start3A_69 = tpu.memref_squeeze %dma_start3A_68 : memref<1x4x128xi32, #tpu.memory_space<hbm>> -> memref<4x128xi32, #tpu.memory_space<hbm>>
    tpu.enqueue_dma source(%dma_start3A_69 : memref<4x128xi32, #tpu.memory_space<hbm>>) target(%arg12 : memref<4x128xi32, #tpu.memory_space<vmem>>) target_semaphore(%arg21 : memref<!tpu.dma_semaphore, #tpu.memory_space<semaphore_mem>>)
    %dma_start3A_70 = arith.constant 0 : i32
    %dma_start3A_71 = arith.constant 0 : i32
    %dma_start3A_72 = tpu.memref_slice %arg9[%dma_start3A_70, %dma_start3A_71] : memref<4x128xi32, #tpu.memory_space<vmem>> -> memref<1x128xi32, #tpu.memory_space<vmem>>
    %dma_start3A_73 = tpu.memref_squeeze %dma_start3A_72 : memref<1x128xi32, #tpu.memory_space<vmem>> -> memref<128xi32, #tpu.memory_space<vmem>>
    %dma_start3A_74 = arith.constant 0 : i32
    %dma_start3A_75 = arith.constant 0 : i32
    %dma_start3A_76 = tpu.memref_slice %arg2[%dma_start3A_74, %dma_start3A_75] : memref<10240x128xf32, #tpu.memory_space<hbm>> -> memref<10240x128xf32, #tpu.memory_space<hbm>>
    tpu.enqueue_indirect_dma source(%dma_start3A_76 : memref<10240x128xf32, #tpu.memory_space<hbm>>) target(%arg13 : memref<128x128xf32, #tpu.memory_space<vmem>>) offsets(%dma_start3A_73 : memref<128xi32, #tpu.memory_space<vmem>>) semaphore(%arg18 : memref<!tpu.dma_semaphore, #tpu.memory_space<semaphore_mem>>)
    %barrier3A = arith.constant 0 : index
    tpu.barrier barrier_id(%barrier3A)
    %scan3A = arith.constant 0 : i32
    %scan3A_77 = arith.constant 0 : i32
    %scan3A_78 = arith.constant 10 : i32
    %scan3A_79 = arith.addi %scan3A_77, %scan3A_78 : i32
    %scan3A_80 = arith.constant 1 : i32
    scf.for %scan3A_111 = %scan3A_77 to %scan3A_79 step %scan3A_80  : i32 {
      %dma_start3A_112 = arith.constant 1 : i32
      %dma_start3A_113 = arith.constant 0 : i32
      %dma_start3A_114 = tpu.memref_slice %arg9[%dma_start3A_112, %dma_start3A_113] : memref<4x128xi32, #tpu.memory_space<vmem>> -> memref<1x128xi32, #tpu.memory_space<vmem>>
      %dma_start3A_115 = tpu.memref_squeeze %dma_start3A_114 : memref<1x128xi32, #tpu.memory_space<vmem>> -> memref<128xi32, #tpu.memory_space<vmem>>
      %dma_start3A_116 = arith.constant 0 : i32
      %dma_start3A_117 = arith.constant 0 : i32
      %dma_start3A_118 = tpu.memref_slice %arg2[%dma_start3A_116, %dma_start3A_117] : memref<10240x128xf32, #tpu.memory_space<hbm>> -> memref<10240x128xf32, #tpu.memory_space<hbm>>
      tpu.enqueue_indirect_dma source(%dma_start3A_118 : memref<10240x128xf32, #tpu.memory_space<hbm>>) target(%arg14 : memref<128x128xf32, #tpu.memory_space<vmem>>) offsets(%dma_start3A_115 : memref<128xi32, #tpu.memory_space<vmem>>) semaphore(%arg19 : memref<!tpu.dma_semaphore, #tpu.memory_space<semaphore_mem>>)
      %dma_wait3A_119 = arith.constant 0 : i32
      %dma_wait3A_120 = arith.constant 0 : i32
      %dma_wait3A_121 = tpu.memref_slice %arg9[%dma_wait3A_119, %dma_wait3A_120] : memref<4x128xi32, #tpu.memory_space<vmem>> -> memref<1x128xi32, #tpu.memory_space<vmem>>
      %dma_wait3A_122 = tpu.memref_squeeze %dma_wait3A_121 : memref<1x128xi32, #tpu.memory_space<vmem>> -> memref<128xi32, #tpu.memory_space<vmem>>
      %dma_wait3A_123 = arith.constant 0 : i32
      %dma_wait3A_124 = arith.constant 0 : i32
      %dma_wait3A_125 = tpu.memref_slice %arg2[%dma_wait3A_123, %dma_wait3A_124] : memref<10240x128xf32, #tpu.memory_space<hbm>> -> memref<10240x128xf32, #tpu.memory_space<hbm>>
      tpu.wait_indirect_dma semaphore(%arg18 : memref<!tpu.dma_semaphore, #tpu.memory_space<semaphore_mem>>) src(%dma_wait3A_125 : memref<10240x128xf32, #tpu.memory_space<hbm>>) dst(%arg13 : memref<128x128xf32, #tpu.memory_space<vmem>>)
      %run_scoped3A = arith.constant 0 : i32
      "tpu.region"() ({
        %run_scoped3A_316 = tpu.sem_alloc : memref<!tpu.dma_semaphore, #tpu.memory_space<semaphore_mem>>
        %dma_start3A_317 = arith.constant 0 : i32
        %dma_start3A_318 = tpu.memref_slice %arg11[%run_scoped3A, %dma_start3A_317] : memref<4x128xi32, #tpu.memory_space<vmem>> -> memref<1x128xi32, #tpu.memory_space<vmem>>
        %dma_start3A_319 = tpu.memref_squeeze %dma_start3A_318 : memref<1x128xi32, #tpu.memory_space<vmem>> -> memref<128xi32, #tpu.memory_space<vmem>>
        %dma_start3A_320 = arith.constant 0 : i32
        %dma_start3A_321 = arith.constant 0 : i32
        %dma_start3A_322 = tpu.memref_slice %arg16[%dma_start3A_320, %dma_start3A_321] : memref<10240x128xf32, #tpu.memory_space<vmem_shared>> -> memref<10240x128xf32, #tpu.memory_space<vmem_shared>>
        tpu.enqueue_indirect_dma source(%arg13 : memref<128x128xf32, #tpu.memory_space<vmem>>) target(%dma_start3A_322 : memref<10240x128xf32, #tpu.memory_space<vmem_shared>>) offsets(%dma_start3A_319 : memref<128xi32, #tpu.memory_space<vmem>>) semaphore(%run_scoped3A_316 : memref<!tpu.dma_semaphore, #tpu.memory_space<semaphore_mem>>) {add = true}
        %dma_wait3A_323 = arith.constant 0 : i32
        %dma_wait3A_324 = tpu.memref_slice %arg11[%run_scoped3A, %dma_wait3A_323] : memref<4x128xi32, #tpu.memory_space<vmem>> -> memref<1x128xi32, #tpu.memory_space<vmem>>
        %dma_wait3A_325 = tpu.memref_squeeze %dma_wait3A_324 : memref<1x128xi32, #tpu.memory_space<vmem>> -> memref<128xi32, #tpu.memory_space<vmem>>
        %dma_wait3A_326 = arith.constant 0 : i32
        %dma_wait3A_327 = arith.constant 0 : i32
        %dma_wait3A_328 = tpu.memref_slice %arg16[%dma_wait3A_326, %dma_wait3A_327] : memref<10240x128xf32, #tpu.memory_space<vmem_shared>> -> memref<10240x128xf32, #tpu.memory_space<vmem_shared>>
        tpu.wait_indirect_dma semaphore(%run_scoped3A_316 : memref<!tpu.dma_semaphore, #tpu.memory_space<semaphore_mem>>) src(%arg13 : memref<128x128xf32, #tpu.memory_space<vmem>>) dst(%dma_wait3A_328 : memref<10240x128xf32, #tpu.memory_space<vmem_shared>>)
        tpu.yield
      }) : () -> ()
      %run_scoped3A_126 = arith.constant 0 : i32
      "tpu.region"() ({
        %run_scoped3A_316 = tpu.sem_alloc : memref<!tpu.dma_semaphore, #tpu.memory_space<semaphore_mem>>
        %dma_start3A_317 = arith.constant 0 : i32
        %dma_start3A_318 = tpu.memref_slice %arg11[%run_scoped3A_126, %dma_start3A_317] : memref<4x128xi32, #tpu.memory_space<vmem>> -> memref<1x128xi32, #tpu.memory_space<vmem>>
        %dma_start3A_319 = tpu.memref_squeeze %dma_start3A_318 : memref<1x128xi32, #tpu.memory_space<vmem>> -> memref<128xi32, #tpu.memory_space<vmem>>
        %dma_start3A_320 = arith.constant 0 : i32
        %dma_start3A_321 = tpu.memref_slice %arg17[%dma_start3A_320] : memref<10240xf32, #tpu.memory_space<vmem_shared>> -> memref<10240xf32, #tpu.memory_space<vmem_shared>>
        tpu.enqueue_indirect_dma source(%arg15 : memref<128xf32, #tpu.memory_space<vmem>>) target(%dma_start3A_321 : memref<10240xf32, #tpu.memory_space<vmem_shared>>) offsets(%dma_start3A_319 : memref<128xi32, #tpu.memory_space<vmem>>) semaphore(%run_scoped3A_316 : memref<!tpu.dma_semaphore, #tpu.memory_space<semaphore_mem>>) {add = true}
        %dma_wait3A_322 = arith.constant 0 : i32
        %dma_wait3A_323 = tpu.memref_slice %arg11[%run_scoped3A_126, %dma_wait3A_322] : memref<4x128xi32, #tpu.memory_space<vmem>> -> memref<1x128xi32, #tpu.memory_space<vmem>>
        %dma_wait3A_324 = tpu.memref_squeeze %dma_wait3A_323 : memref<1x128xi32, #tpu.memory_space<vmem>> -> memref<128xi32, #tpu.memory_space<vmem>>
        %dma_wait3A_325 = arith.constant 0 : i32
        %dma_wait3A_326 = tpu.memref_slice %arg17[%dma_wait3A_325] : memref<10240xf32, #tpu.memory_space<vmem_shared>> -> memref<10240xf32, #tpu.memory_space<vmem_shared>>
        tpu.wait_indirect_dma semaphore(%run_scoped3A_316 : memref<!tpu.dma_semaphore, #tpu.memory_space<semaphore_mem>>) src(%arg15 : memref<128xf32, #tpu.memory_space<vmem>>) dst(%dma_wait3A_326 : memref<10240xf32, #tpu.memory_space<vmem_shared>>)
        tpu.yield
      }) : () -> ()
      %dma_start3A_127 = arith.constant 2 : i32
      %dma_start3A_128 = arith.constant 0 : i32
      %dma_start3A_129 = tpu.memref_slice %arg9[%dma_start3A_127, %dma_start3A_128] : memref<4x128xi32, #tpu.memory_space<vmem>> -> memref<1x128xi32, #tpu.memory_space<vmem>>
      %dma_start3A_130 = tpu.memref_squeeze %dma_start3A_129 : memref<1x128xi32, #tpu.memory_space<vmem>> -> memref<128xi32, #tpu.memory_space<vmem>>
      %dma_start3A_131 = arith.constant 0 : i32
      %dma_start3A_132 = arith.constant 0 : i32
      %dma_start3A_133 = tpu.memref_slice %arg2[%dma_start3A_131, %dma_start3A_132] : memref<10240x128xf32, #tpu.memory_space<hbm>> -> memref<10240x128xf32, #tpu.memory_space<hbm>>
      tpu.enqueue_indirect_dma source(%dma_start3A_133 : memref<10240x128xf32, #tpu.memory_space<hbm>>) target(%arg13 : memref<128x128xf32, #tpu.memory_space<vmem>>) offsets(%dma_start3A_130 : memref<128xi32, #tpu.memory_space<vmem>>) semaphore(%arg18 : memref<!tpu.dma_semaphore, #tpu.memory_space<semaphore_mem>>)
      %dma_wait3A_134 = arith.constant 1 : i32
      %dma_wait3A_135 = arith.constant 0 : i32
      %dma_wait3A_136 = tpu.memref_slice %arg9[%dma_wait3A_134, %dma_wait3A_135] : memref<4x128xi32, #tpu.memory_space<vmem>> -> memref<1x128xi32, #tpu.memory_space<vmem>>
      %dma_wait3A_137 = tpu.memref_squeeze %dma_wait3A_136 : memref<1x128xi32, #tpu.memory_space<vmem>> -> memref<128xi32, #tpu.memory_space<vmem>>
      %dma_wait3A_138 = arith.constant 0 : i32
      %dma_wait3A_139 = arith.constant 0 : i32
      %dma_wait3A_140 = tpu.memref_slice %arg2[%dma_wait3A_138, %dma_wait3A_139] : memref<10240x128xf32, #tpu.memory_space<hbm>> -> memref<10240x128xf32, #tpu.memory_space<hbm>>
      tpu.wait_indirect_dma semaphore(%arg19 : memref<!tpu.dma_semaphore, #tpu.memory_space<semaphore_mem>>) src(%dma_wait3A_140 : memref<10240x128xf32, #tpu.memory_space<hbm>>) dst(%arg14 : memref<128x128xf32, #tpu.memory_space<vmem>>)
      %run_scoped3A_141 = arith.constant 1 : i32
      "tpu.region"() ({
        %run_scoped3A_316 = tpu.sem_alloc : memref<!tpu.dma_semaphore, #tpu.memory_space<semaphore_mem>>
        %dma_start3A_317 = arith.constant 0 : i32
        %dma_start3A_318 = tpu.memref_slice %arg11[%run_scoped3A_141, %dma_start3A_317] : memref<4x128xi32, #tpu.memory_space<vmem>> -> memref<1x128xi32, #tpu.memory_space<vmem>>
        %dma_start3A_319 = tpu.memref_squeeze %dma_start3A_318 : memref<1x128xi32, #tpu.memory_space<vmem>> -> memref<128xi32, #tpu.memory_space<vmem>>
        %dma_start3A_320 = arith.constant 0 : i32
        %dma_start3A_321 = arith.constant 0 : i32
        %dma_start3A_322 = tpu.memref_slice %arg16[%dma_start3A_320, %dma_start3A_321] : memref<10240x128xf32, #tpu.memory_space<vmem_shared>> -> memref<10240x128xf32, #tpu.memory_space<vmem_shared>>
        tpu.enqueue_indirect_dma source(%arg14 : memref<128x128xf32, #tpu.memory_space<vmem>>) target(%dma_start3A_322 : memref<10240x128xf32, #tpu.memory_space<vmem_shared>>) offsets(%dma_start3A_319 : memref<128xi32, #tpu.memory_space<vmem>>) semaphore(%run_scoped3A_316 : memref<!tpu.dma_semaphore, #tpu.memory_space<semaphore_mem>>) {add = true}
        %dma_wait3A_323 = arith.constant 0 : i32
        %dma_wait3A_324 = tpu.memref_slice %arg11[%run_scoped3A_141, %dma_wait3A_323] : memref<4x128xi32, #tpu.memory_space<vmem>> -> memref<1x128xi32, #tpu.memory_space<vmem>>
        %dma_wait3A_325 = tpu.memref_squeeze %dma_wait3A_324 : memref<1x128xi32, #tpu.memory_space<vmem>> -> memref<128xi32, #tpu.memory_space<vmem>>
        %dma_wait3A_326 = arith.constant 0 : i32
        %dma_wait3A_327 = arith.constant 0 : i32
        %dma_wait3A_328 = tpu.memref_slice %arg16[%dma_wait3A_326, %dma_wait3A_327] : memref<10240x128xf32, #tpu.memory_space<vmem_shared>> -> memref<10240x128xf32, #tpu.memory_space<vmem_shared>>
        tpu.wait_indirect_dma semaphore(%run_scoped3A_316 : memref<!tpu.dma_semaphore, #tpu.memory_space<semaphore_mem>>) src(%arg14 : memref<128x128xf32, #tpu.memory_space<vmem>>) dst(%dma_wait3A_328 : memref<10240x128xf32, #tpu.memory_space<vmem_shared>>)
        tpu.yield
      }) : () -> ()
      %run_scoped3A_142 = arith.constant 1 : i32
      "tpu.region"() ({
        %run_scoped3A_316 = tpu.sem_alloc : memref<!tpu.dma_semaphore, #tpu.memory_space<semaphore_mem>>
        %dma_start3A_317 = arith.constant 0 : i32
        %dma_start3A_318 = tpu.memref_slice %arg11[%run_scoped3A_142, %dma_start3A_317] : memref<4x128xi32, #tpu.memory_space<vmem>> -> memref<1x128xi32, #tpu.memory_space<vmem>>
        %dma_start3A_319 = tpu.memref_squeeze %dma_start3A_318 : memref<1x128xi32, #tpu.memory_space<vmem>> -> memref<128xi32, #tpu.memory_space<vmem>>
        %dma_start3A_320 = arith.constant 0 : i32
        %dma_start3A_321 = tpu.memref_slice %arg17[%dma_start3A_320] : memref<10240xf32, #tpu.memory_space<vmem_shared>> -> memref<10240xf32, #tpu.memory_space<vmem_shared>>
        tpu.enqueue_indirect_dma source(%arg15 : memref<128xf32, #tpu.memory_space<vmem>>) target(%dma_start3A_321 : memref<10240xf32, #tpu.memory_space<vmem_shared>>) offsets(%dma_start3A_319 : memref<128xi32, #tpu.memory_space<vmem>>) semaphore(%run_scoped3A_316 : memref<!tpu.dma_semaphore, #tpu.memory_space<semaphore_mem>>) {add = true}
        %dma_wait3A_322 = arith.constant 0 : i32
        %dma_wait3A_323 = tpu.memref_slice %arg11[%run_scoped3A_142, %dma_wait3A_322] : memref<4x128xi32, #tpu.memory_space<vmem>> -> memref<1x128xi32, #tpu.memory_space<vmem>>
        %dma_wait3A_324 = tpu.memref_squeeze %dma_wait3A_323 : memref<1x128xi32, #tpu.memory_space<vmem>> -> memref<128xi32, #tpu.memory_space<vmem>>
        %dma_wait3A_325 = arith.constant 0 : i32
        %dma_wait3A_326 = tpu.memref_slice %arg17[%dma_wait3A_325] : memref<10240xf32, #tpu.memory_space<vmem_shared>> -> memref<10240xf32, #tpu.memory_space<vmem_shared>>
        tpu.wait_indirect_dma semaphore(%run_scoped3A_316 : memref<!tpu.dma_semaphore, #tpu.memory_space<semaphore_mem>>) src(%arg15 : memref<128xf32, #tpu.memory_space<vmem>>) dst(%dma_wait3A_326 : memref<10240xf32, #tpu.memory_space<vmem_shared>>)
        tpu.yield
      }) : () -> ()
      %dma_start3A_143 = arith.constant 3 : i32
      %dma_start3A_144 = arith.constant 0 : i32
      %dma_start3A_145 = tpu.memref_slice %arg9[%dma_start3A_143, %dma_start3A_144] : memref<4x128xi32, #tpu.memory_space<vmem>> -> memref<1x128xi32, #tpu.memory_space<vmem>>
      %dma_start3A_146 = tpu.memref_squeeze %dma_start3A_145 : memref<1x128xi32, #tpu.memory_space<vmem>> -> memref<128xi32, #tpu.memory_space<vmem>>
      %dma_start3A_147 = arith.constant 0 : i32
      %dma_start3A_148 = arith.constant 0 : i32
      %dma_start3A_149 = tpu.memref_slice %arg2[%dma_start3A_147, %dma_start3A_148] : memref<10240x128xf32, #tpu.memory_space<hbm>> -> memref<10240x128xf32, #tpu.memory_space<hbm>>
      tpu.enqueue_indirect_dma source(%dma_start3A_149 : memref<10240x128xf32, #tpu.memory_space<hbm>>) target(%arg14 : memref<128x128xf32, #tpu.memory_space<vmem>>) offsets(%dma_start3A_146 : memref<128xi32, #tpu.memory_space<vmem>>) semaphore(%arg19 : memref<!tpu.dma_semaphore, #tpu.memory_space<semaphore_mem>>)
      %dma_wait3A_150 = arith.constant 2 : i32
      %dma_wait3A_151 = arith.constant 0 : i32
      %dma_wait3A_152 = tpu.memref_slice %arg9[%dma_wait3A_150, %dma_wait3A_151] : memref<4x128xi32, #tpu.memory_space<vmem>> -> memref<1x128xi32, #tpu.memory_space<vmem>>
      %dma_wait3A_153 = tpu.memref_squeeze %dma_wait3A_152 : memref<1x128xi32, #tpu.memory_space<vmem>> -> memref<128xi32, #tpu.memory_space<vmem>>
      %dma_wait3A_154 = arith.constant 0 : i32
      %dma_wait3A_155 = arith.constant 0 : i32
      %dma_wait3A_156 = tpu.memref_slice %arg2[%dma_wait3A_154, %dma_wait3A_155] : memref<10240x128xf32, #tpu.memory_space<hbm>> -> memref<10240x128xf32, #tpu.memory_space<hbm>>
      tpu.wait_indirect_dma semaphore(%arg18 : memref<!tpu.dma_semaphore, #tpu.memory_space<semaphore_mem>>) src(%dma_wait3A_156 : memref<10240x128xf32, #tpu.memory_space<hbm>>) dst(%arg13 : memref<128x128xf32, #tpu.memory_space<vmem>>)
      %run_scoped3A_157 = arith.constant 2 : i32
      "tpu.region"() ({
        %run_scoped3A_316 = tpu.sem_alloc : memref<!tpu.dma_semaphore, #tpu.memory_space<semaphore_mem>>
        %dma_start3A_317 = arith.constant 0 : i32
        %dma_start3A_318 = tpu.memref_slice %arg11[%run_scoped3A_157, %dma_start3A_317] : memref<4x128xi32, #tpu.memory_space<vmem>> -> memref<1x128xi32, #tpu.memory_space<vmem>>
        %dma_start3A_319 = tpu.memref_squeeze %dma_start3A_318 : memref<1x128xi32, #tpu.memory_space<vmem>> -> memref<128xi32, #tpu.memory_space<vmem>>
        %dma_start3A_320 = arith.constant 0 : i32
        %dma_start3A_321 = arith.constant 0 : i32
        %dma_start3A_322 = tpu.memref_slice %arg16[%dma_start3A_320, %dma_start3A_321] : memref<10240x128xf32, #tpu.memory_space<vmem_shared>> -> memref<10240x128xf32, #tpu.memory_space<vmem_shared>>
        tpu.enqueue_indirect_dma source(%arg13 : memref<128x128xf32, #tpu.memory_space<vmem>>) target(%dma_start3A_322 : memref<10240x128xf32, #tpu.memory_space<vmem_shared>>) offsets(%dma_start3A_319 : memref<128xi32, #tpu.memory_space<vmem>>) semaphore(%run_scoped3A_316 : memref<!tpu.dma_semaphore, #tpu.memory_space<semaphore_mem>>) {add = true}
        %dma_wait3A_323 = arith.constant 0 : i32
        %dma_wait3A_324 = tpu.memref_slice %arg11[%run_scoped3A_157, %dma_wait3A_323] : memref<4x128xi32, #tpu.memory_space<vmem>> -> memref<1x128xi32, #tpu.memory_space<vmem>>
        %dma_wait3A_325 = tpu.memref_squeeze %dma_wait3A_324 : memref<1x128xi32, #tpu.memory_space<vmem>> -> memref<128xi32, #tpu.memory_space<vmem>>
        %dma_wait3A_326 = arith.constant 0 : i32
        %dma_wait3A_327 = arith.constant 0 : i32
        %dma_wait3A_328 = tpu.memref_slice %arg16[%dma_wait3A_326, %dma_wait3A_327] : memref<10240x128xf32, #tpu.memory_space<vmem_shared>> -> memref<10240x128xf32, #tpu.memory_space<vmem_shared>>
        tpu.wait_indirect_dma semaphore(%run_scoped3A_316 : memref<!tpu.dma_semaphore, #tpu.memory_space<semaphore_mem>>) src(%arg13 : memref<128x128xf32, #tpu.memory_space<vmem>>) dst(%dma_wait3A_328 : memref<10240x128xf32, #tpu.memory_space<vmem_shared>>)
        tpu.yield
      }) : () -> ()
      %run_scoped3A_158 = arith.constant 2 : i32
      "tpu.region"() ({
        %run_scoped3A_316 = tpu.sem_alloc : memref<!tpu.dma_semaphore, #tpu.memory_space<semaphore_mem>>
        %dma_start3A_317 = arith.constant 0 : i32
        %dma_start3A_318 = tpu.memref_slice %arg11[%run_scoped3A_158, %dma_start3A_317] : memref<4x128xi32, #tpu.memory_space<vmem>> -> memref<1x128xi32, #tpu.memory_space<vmem>>
        %dma_start3A_319 = tpu.memref_squeeze %dma_start3A_318 : memref<1x128xi32, #tpu.memory_space<vmem>> -> memref<128xi32, #tpu.memory_space<vmem>>
        %dma_start3A_320 = arith.constant 0 : i32
        %dma_start3A_321 = tpu.memref_slice %arg17[%dma_start3A_320] : memref<10240xf32, #tpu.memory_space<vmem_shared>> -> memref<10240xf32, #tpu.memory_space<vmem_shared>>
        tpu.enqueue_indirect_dma source(%arg15 : memref<128xf32, #tpu.memory_space<vmem>>) target(%dma_start3A_321 : memref<10240xf32, #tpu.memory_space<vmem_shared>>) offsets(%dma_start3A_319 : memref<128xi32, #tpu.memory_space<vmem>>) semaphore(%run_scoped3A_316 : memref<!tpu.dma_semaphore, #tpu.memory_space<semaphore_mem>>) {add = true}
        %dma_wait3A_322 = arith.constant 0 : i32
        %dma_wait3A_323 = tpu.memref_slice %arg11[%run_scoped3A_158, %dma_wait3A_322] : memref<4x128xi32, #tpu.memory_space<vmem>> -> memref<1x128xi32, #tpu.memory_space<vmem>>
        %dma_wait3A_324 = tpu.memref_squeeze %dma_wait3A_323 : memref<1x128xi32, #tpu.memory_space<vmem>> -> memref<128xi32, #tpu.memory_space<vmem>>
        %dma_wait3A_325 = arith.constant 0 : i32
        %dma_wait3A_326 = tpu.memref_slice %arg17[%dma_wait3A_325] : memref<10240xf32, #tpu.memory_space<vmem_shared>> -> memref<10240xf32, #tpu.memory_space<vmem_shared>>
        tpu.wait_indirect_dma semaphore(%run_scoped3A_316 : memref<!tpu.dma_semaphore, #tpu.memory_space<semaphore_mem>>) src(%arg15 : memref<128xf32, #tpu.memory_space<vmem>>) dst(%dma_wait3A_326 : memref<10240xf32, #tpu.memory_space<vmem_shared>>)
        tpu.yield
      }) : () -> ()
      %dma_wait3A_159 = arith.constant 0 : i32
      %dma_wait3A_160 = arith.constant 0 : i32
      %dma_wait3A_161 = tpu.memref_slice %arg3[%add3A, %dma_wait3A_159, %dma_wait3A_160] : memref<32x80x128xi32, #tpu.memory_space<hbm>> -> memref<1x4x128xi32, #tpu.memory_space<hbm>>
      %dma_wait3A_162 = tpu.memref_squeeze %dma_wait3A_161 : memref<1x4x128xi32, #tpu.memory_space<hbm>> -> memref<4x128xi32, #tpu.memory_space<hbm>>
      %dma_wait3A_163 = arith.constant 0 : i32
      %dma_wait3A_164 = arith.constant 0 : i32
      %dma_wait3A_165 = tpu.memref_slice %arg3[%add3A, %dma_wait3A_163, %dma_wait3A_164] : memref<32x80x128xi32, #tpu.memory_space<hbm>> -> memref<1x4x128xi32, #tpu.memory_space<hbm>>
      %dma_wait3A_166 = tpu.memref_squeeze %dma_wait3A_165 : memref<1x4x128xi32, #tpu.memory_space<hbm>> -> memref<4x128xi32, #tpu.memory_space<hbm>>
      tpu.wait_dma2 semaphore(%arg21 : memref<!tpu.dma_semaphore, #tpu.memory_space<semaphore_mem>>) src(%dma_wait3A_166 : memref<4x128xi32, #tpu.memory_space<hbm>>) dst(%arg10 : memref<4x128xi32, #tpu.memory_space<vmem>>)
      %dma_wait3A_167 = arith.constant 0 : i32
      %dma_wait3A_168 = arith.constant 0 : i32
      %dma_wait3A_169 = tpu.memref_slice %arg4[%add3A, %dma_wait3A_167, %dma_wait3A_168] : memref<32x80x128xi32, #tpu.memory_space<hbm>> -> memref<1x4x128xi32, #tpu.memory_space<hbm>>
      %dma_wait3A_170 = tpu.memref_squeeze %dma_wait3A_169 : memref<1x4x128xi32, #tpu.memory_space<hbm>> -> memref<4x128xi32, #tpu.memory_space<hbm>>
      %dma_wait3A_171 = arith.constant 0 : i32
      %dma_wait3A_172 = arith.constant 0 : i32
      %dma_wait3A_173 = tpu.memref_slice %arg4[%add3A, %dma_wait3A_171, %dma_wait3A_172] : memref<32x80x128xi32, #tpu.memory_space<hbm>> -> memref<1x4x128xi32, #tpu.memory_space<hbm>>
      %dma_wait3A_174 = tpu.memref_squeeze %dma_wait3A_173 : memref<1x4x128xi32, #tpu.memory_space<hbm>> -> memref<4x128xi32, #tpu.memory_space<hbm>>
      tpu.wait_dma2 semaphore(%arg21 : memref<!tpu.dma_semaphore, #tpu.memory_space<semaphore_mem>>) src(%dma_wait3A_174 : memref<4x128xi32, #tpu.memory_space<hbm>>) dst(%arg12 : memref<4x128xi32, #tpu.memory_space<vmem>>)
      %dma_start3A_175 = arith.constant 0 : i32
      %dma_start3A_176 = arith.constant 0 : i32
      %dma_start3A_177 = tpu.memref_slice %arg10[%dma_start3A_175, %dma_start3A_176] : memref<4x128xi32, #tpu.memory_space<vmem>> -> memref<1x128xi32, #tpu.memory_space<vmem>>
      %dma_start3A_178 = tpu.memref_squeeze %dma_start3A_177 : memref<1x128xi32, #tpu.memory_space<vmem>> -> memref<128xi32, #tpu.memory_space<vmem>>
      %dma_start3A_179 = arith.constant 0 : i32
      %dma_start3A_180 = arith.constant 0 : i32
      %dma_start3A_181 = tpu.memref_slice %arg2[%dma_start3A_179, %dma_start3A_180] : memref<10240x128xf32, #tpu.memory_space<hbm>> -> memref<10240x128xf32, #tpu.memory_space<hbm>>
      tpu.enqueue_indirect_dma source(%dma_start3A_181 : memref<10240x128xf32, #tpu.memory_space<hbm>>) target(%arg13 : memref<128x128xf32, #tpu.memory_space<vmem>>) offsets(%dma_start3A_178 : memref<128xi32, #tpu.memory_space<vmem>>) semaphore(%arg18 : memref<!tpu.dma_semaphore, #tpu.memory_space<semaphore_mem>>)
      %dma_wait3A_182 = arith.constant 3 : i32
      %dma_wait3A_183 = arith.constant 0 : i32
      %dma_wait3A_184 = tpu.memref_slice %arg9[%dma_wait3A_182, %dma_wait3A_183] : memref<4x128xi32, #tpu.memory_space<vmem>> -> memref<1x128xi32, #tpu.memory_space<vmem>>
      %dma_wait3A_185 = tpu.memref_squeeze %dma_wait3A_184 : memref<1x128xi32, #tpu.memory_space<vmem>> -> memref<128xi32, #tpu.memory_space<vmem>>
      %dma_wait3A_186 = arith.constant 0 : i32
      %dma_wait3A_187 = arith.constant 0 : i32
      %dma_wait3A_188 = tpu.memref_slice %arg2[%dma_wait3A_186, %dma_wait3A_187] : memref<10240x128xf32, #tpu.memory_space<hbm>> -> memref<10240x128xf32, #tpu.memory_space<hbm>>
      tpu.wait_indirect_dma semaphore(%arg19 : memref<!tpu.dma_semaphore, #tpu.memory_space<semaphore_mem>>) src(%dma_wait3A_188 : memref<10240x128xf32, #tpu.memory_space<hbm>>) dst(%arg14 : memref<128x128xf32, #tpu.memory_space<vmem>>)
      %run_scoped3A_189 = arith.constant 3 : i32
      "tpu.region"() ({
        %run_scoped3A_316 = tpu.sem_alloc : memref<!tpu.dma_semaphore, #tpu.memory_space<semaphore_mem>>
        %dma_start3A_317 = arith.constant 0 : i32
        %dma_start3A_318 = tpu.memref_slice %arg11[%run_scoped3A_189, %dma_start3A_317] : memref<4x128xi32, #tpu.memory_space<vmem>> -> memref<1x128xi32, #tpu.memory_space<vmem>>
        %dma_start3A_319 = tpu.memref_squeeze %dma_start3A_318 : memref<1x128xi32, #tpu.memory_space<vmem>> -> memref<128xi32, #tpu.memory_space<vmem>>
        %dma_start3A_320 = arith.constant 0 : i32
        %dma_start3A_321 = arith.constant 0 : i32
        %dma_start3A_322 = tpu.memref_slice %arg16[%dma_start3A_320, %dma_start3A_321] : memref<10240x128xf32, #tpu.memory_space<vmem_shared>> -> memref<10240x128xf32, #tpu.memory_space<vmem_shared>>
        tpu.enqueue_indirect_dma source(%arg14 : memref<128x128xf32, #tpu.memory_space<vmem>>) target(%dma_start3A_322 : memref<10240x128xf32, #tpu.memory_space<vmem_shared>>) offsets(%dma_start3A_319 : memref<128xi32, #tpu.memory_space<vmem>>) semaphore(%run_scoped3A_316 : memref<!tpu.dma_semaphore, #tpu.memory_space<semaphore_mem>>) {add = true}
        %dma_wait3A_323 = arith.constant 0 : i32
        %dma_wait3A_324 = tpu.memref_slice %arg11[%run_scoped3A_189, %dma_wait3A_323] : memref<4x128xi32, #tpu.memory_space<vmem>> -> memref<1x128xi32, #tpu.memory_space<vmem>>
        %dma_wait3A_325 = tpu.memref_squeeze %dma_wait3A_324 : memref<1x128xi32, #tpu.memory_space<vmem>> -> memref<128xi32, #tpu.memory_space<vmem>>
        %dma_wait3A_326 = arith.constant 0 : i32
        %dma_wait3A_327 = arith.constant 0 : i32
        %dma_wait3A_328 = tpu.memref_slice %arg16[%dma_wait3A_326, %dma_wait3A_327] : memref<10240x128xf32, #tpu.memory_space<vmem_shared>> -> memref<10240x128xf32, #tpu.memory_space<vmem_shared>>
        tpu.wait_indirect_dma semaphore(%run_scoped3A_316 : memref<!tpu.dma_semaphore, #tpu.memory_space<semaphore_mem>>) src(%arg14 : memref<128x128xf32, #tpu.memory_space<vmem>>) dst(%dma_wait3A_328 : memref<10240x128xf32, #tpu.memory_space<vmem_shared>>)
        tpu.yield
      }) : () -> ()
      %run_scoped3A_190 = arith.constant 3 : i32
      "tpu.region"() ({
        %run_scoped3A_316 = tpu.sem_alloc : memref<!tpu.dma_semaphore, #tpu.memory_space<semaphore_mem>>
        %dma_start3A_317 = arith.constant 0 : i32
        %dma_start3A_318 = tpu.memref_slice %arg11[%run_scoped3A_190, %dma_start3A_317] : memref<4x128xi32, #tpu.memory_space<vmem>> -> memref<1x128xi32, #tpu.memory_space<vmem>>
        %dma_start3A_319 = tpu.memref_squeeze %dma_start3A_318 : memref<1x128xi32, #tpu.memory_space<vmem>> -> memref<128xi32, #tpu.memory_space<vmem>>
        %dma_start3A_320 = arith.constant 0 : i32
        %dma_start3A_321 = tpu.memref_slice %arg17[%dma_start3A_320] : memref<10240xf32, #tpu.memory_space<vmem_shared>> -> memref<10240xf32, #tpu.memory_space<vmem_shared>>
        tpu.enqueue_indirect_dma source(%arg15 : memref<128xf32, #tpu.memory_space<vmem>>) target(%dma_start3A_321 : memref<10240xf32, #tpu.memory_space<vmem_shared>>) offsets(%dma_start3A_319 : memref<128xi32, #tpu.memory_space<vmem>>) semaphore(%run_scoped3A_316 : memref<!tpu.dma_semaphore, #tpu.memory_space<semaphore_mem>>) {add = true}
        %dma_wait3A_322 = arith.constant 0 : i32
        %dma_wait3A_323 = tpu.memref_slice %arg11[%run_scoped3A_190, %dma_wait3A_322] : memref<4x128xi32, #tpu.memory_space<vmem>> -> memref<1x128xi32, #tpu.memory_space<vmem>>
        %dma_wait3A_324 = tpu.memref_squeeze %dma_wait3A_323 : memref<1x128xi32, #tpu.memory_space<vmem>> -> memref<128xi32, #tpu.memory_space<vmem>>
        %dma_wait3A_325 = arith.constant 0 : i32
        %dma_wait3A_326 = tpu.memref_slice %arg17[%dma_wait3A_325] : memref<10240xf32, #tpu.memory_space<vmem_shared>> -> memref<10240xf32, #tpu.memory_space<vmem_shared>>
        tpu.wait_indirect_dma semaphore(%run_scoped3A_316 : memref<!tpu.dma_semaphore, #tpu.memory_space<semaphore_mem>>) src(%arg15 : memref<128xf32, #tpu.memory_space<vmem>>) dst(%dma_wait3A_326 : memref<10240xf32, #tpu.memory_space<vmem_shared>>)
        tpu.yield
      }) : () -> ()
      %lt3A = arith.constant 9 : i32
      %lt3A_191 = arith.cmpi slt, %scan3A_111, %lt3A : i32
      %mul3A_192 = arith.constant 2 : i32
      %mul3A_193 = arith.muli %mul3A_192, %scan3A_111 : i32
      %add3A_194 = arith.constant 2 : i32
      %add3A_195 = arith.addi %mul3A_193, %add3A_194 : i32
      %jit3A = arith.constant 0 : i32
      %select_n3A = arith.select %lt3A_191, %add3A_195, %jit3A : i32
      %mul3A_196 = arith.constant 4 : i32
      %mul3A_197 = arith.muli %select_n3A, %mul3A_196 : i32
      %dma_start3A_198 = arith.constant 0 : i32
      %dma_start3A_199 = tpu.memref_slice %arg3[%add3A, %mul3A_197, %dma_start3A_198] : memref<32x80x128xi32, #tpu.memory_space<hbm>> -> memref<1x4x128xi32, #tpu.memory_space<hbm>>
      %dma_start3A_200 = tpu.memref_squeeze %dma_start3A_199 : memref<1x4x128xi32, #tpu.memory_space<hbm>> -> memref<4x128xi32, #tpu.memory_space<hbm>>
      %dma_start3A_201 = arith.constant 0 : i32
      %dma_start3A_202 = tpu.memref_slice %arg3[%add3A, %mul3A_197, %dma_start3A_201] : memref<32x80x128xi32, #tpu.memory_space<hbm>> -> memref<1x4x128xi32, #tpu.memory_space<hbm>>
      %dma_start3A_203 = tpu.memref_squeeze %dma_start3A_202 : memref<1x4x128xi32, #tpu.memory_space<hbm>> -> memref<4x128xi32, #tpu.memory_space<hbm>>
      tpu.enqueue_dma source(%dma_start3A_203 : memref<4x128xi32, #tpu.memory_space<hbm>>) target(%arg9 : memref<4x128xi32, #tpu.memory_space<vmem>>) target_semaphore(%arg20 : memref<!tpu.dma_semaphore, #tpu.memory_space<semaphore_mem>>)
      %mul3A_204 = arith.constant 4 : i32
      %mul3A_205 = arith.muli %select_n3A, %mul3A_204 : i32
      %dma_start3A_206 = arith.constant 0 : i32
      %dma_start3A_207 = tpu.memref_slice %arg4[%add3A, %mul3A_205, %dma_start3A_206] : memref<32x80x128xi32, #tpu.memory_space<hbm>> -> memref<1x4x128xi32, #tpu.memory_space<hbm>>
      %dma_start3A_208 = tpu.memref_squeeze %dma_start3A_207 : memref<1x4x128xi32, #tpu.memory_space<hbm>> -> memref<4x128xi32, #tpu.memory_space<hbm>>
      %dma_start3A_209 = arith.constant 0 : i32
      %dma_start3A_210 = tpu.memref_slice %arg4[%add3A, %mul3A_205, %dma_start3A_209] : memref<32x80x128xi32, #tpu.memory_space<hbm>> -> memref<1x4x128xi32, #tpu.memory_space<hbm>>
      %dma_start3A_211 = tpu.memref_squeeze %dma_start3A_210 : memref<1x4x128xi32, #tpu.memory_space<hbm>> -> memref<4x128xi32, #tpu.memory_space<hbm>>
      tpu.enqueue_dma source(%dma_start3A_211 : memref<4x128xi32, #tpu.memory_space<hbm>>) target(%arg11 : memref<4x128xi32, #tpu.memory_space<vmem>>) target_semaphore(%arg20 : memref<!tpu.dma_semaphore, #tpu.memory_space<semaphore_mem>>)
      %dma_start3A_212 = arith.constant 1 : i32
      %dma_start3A_213 = arith.constant 0 : i32
      %dma_start3A_214 = tpu.memref_slice %arg10[%dma_start3A_212, %dma_start3A_213] : memref<4x128xi32, #tpu.memory_space<vmem>> -> memref<1x128xi32, #tpu.memory_space<vmem>>
      %dma_start3A_215 = tpu.memref_squeeze %dma_start3A_214 : memref<1x128xi32, #tpu.memory_space<vmem>> -> memref<128xi32, #tpu.memory_space<vmem>>
      %dma_start3A_216 = arith.constant 0 : i32
      %dma_start3A_217 = arith.constant 0 : i32
      %dma_start3A_218 = tpu.memref_slice %arg2[%dma_start3A_216, %dma_start3A_217] : memref<10240x128xf32, #tpu.memory_space<hbm>> -> memref<10240x128xf32, #tpu.memory_space<hbm>>
      tpu.enqueue_indirect_dma source(%dma_start3A_218 : memref<10240x128xf32, #tpu.memory_space<hbm>>) target(%arg14 : memref<128x128xf32, #tpu.memory_space<vmem>>) offsets(%dma_start3A_215 : memref<128xi32, #tpu.memory_space<vmem>>) semaphore(%arg19 : memref<!tpu.dma_semaphore, #tpu.memory_space<semaphore_mem>>)
      %dma_wait3A_219 = arith.constant 0 : i32
      %dma_wait3A_220 = arith.constant 0 : i32
      %dma_wait3A_221 = tpu.memref_slice %arg10[%dma_wait3A_219, %dma_wait3A_220] : memref<4x128xi32, #tpu.memory_space<vmem>> -> memref<1x128xi32, #tpu.memory_space<vmem>>
      %dma_wait3A_222 = tpu.memref_squeeze %dma_wait3A_221 : memref<1x128xi32, #tpu.memory_space<vmem>> -> memref<128xi32, #tpu.memory_space<vmem>>
      %dma_wait3A_223 = arith.constant 0 : i32
      %dma_wait3A_224 = arith.constant 0 : i32
      %dma_wait3A_225 = tpu.memref_slice %arg2[%dma_wait3A_223, %dma_wait3A_224] : memref<10240x128xf32, #tpu.memory_space<hbm>> -> memref<10240x128xf32, #tpu.memory_space<hbm>>
      tpu.wait_indirect_dma semaphore(%arg18 : memref<!tpu.dma_semaphore, #tpu.memory_space<semaphore_mem>>) src(%dma_wait3A_225 : memref<10240x128xf32, #tpu.memory_space<hbm>>) dst(%arg13 : memref<128x128xf32, #tpu.memory_space<vmem>>)
      %run_scoped3A_226 = arith.constant 0 : i32
      "tpu.region"() ({
        %run_scoped3A_316 = tpu.sem_alloc : memref<!tpu.dma_semaphore, #tpu.memory_space<semaphore_mem>>
        %dma_start3A_317 = arith.constant 0 : i32
        %dma_start3A_318 = tpu.memref_slice %arg12[%run_scoped3A_226, %dma_start3A_317] : memref<4x128xi32, #tpu.memory_space<vmem>> -> memref<1x128xi32, #tpu.memory_space<vmem>>
        %dma_start3A_319 = tpu.memref_squeeze %dma_start3A_318 : memref<1x128xi32, #tpu.memory_space<vmem>> -> memref<128xi32, #tpu.memory_space<vmem>>
        %dma_start3A_320 = arith.constant 0 : i32
        %dma_start3A_321 = arith.constant 0 : i32
        %dma_start3A_322 = tpu.memref_slice %arg16[%dma_start3A_320, %dma_start3A_321] : memref<10240x128xf32, #tpu.memory_space<vmem_shared>> -> memref<10240x128xf32, #tpu.memory_space<vmem_shared>>
        tpu.enqueue_indirect_dma source(%arg13 : memref<128x128xf32, #tpu.memory_space<vmem>>) target(%dma_start3A_322 : memref<10240x128xf32, #tpu.memory_space<vmem_shared>>) offsets(%dma_start3A_319 : memref<128xi32, #tpu.memory_space<vmem>>) semaphore(%run_scoped3A_316 : memref<!tpu.dma_semaphore, #tpu.memory_space<semaphore_mem>>) {add = true}
        %dma_wait3A_323 = arith.constant 0 : i32
        %dma_wait3A_324 = tpu.memref_slice %arg12[%run_scoped3A_226, %dma_wait3A_323] : memref<4x128xi32, #tpu.memory_space<vmem>> -> memref<1x128xi32, #tpu.memory_space<vmem>>
        %dma_wait3A_325 = tpu.memref_squeeze %dma_wait3A_324 : memref<1x128xi32, #tpu.memory_space<vmem>> -> memref<128xi32, #tpu.memory_space<vmem>>
        %dma_wait3A_326 = arith.constant 0 : i32
        %dma_wait3A_327 = arith.constant 0 : i32
        %dma_wait3A_328 = tpu.memref_slice %arg16[%dma_wait3A_326, %dma_wait3A_327] : memref<10240x128xf32, #tpu.memory_space<vmem_shared>> -> memref<10240x128xf32, #tpu.memory_space<vmem_shared>>
        tpu.wait_indirect_dma semaphore(%run_scoped3A_316 : memref<!tpu.dma_semaphore, #tpu.memory_space<semaphore_mem>>) src(%arg13 : memref<128x128xf32, #tpu.memory_space<vmem>>) dst(%dma_wait3A_328 : memref<10240x128xf32, #tpu.memory_space<vmem_shared>>)
        tpu.yield
      }) : () -> ()
      %run_scoped3A_227 = arith.constant 0 : i32
      "tpu.region"() ({
        %run_scoped3A_316 = tpu.sem_alloc : memref<!tpu.dma_semaphore, #tpu.memory_space<semaphore_mem>>
        %dma_start3A_317 = arith.constant 0 : i32
        %dma_start3A_318 = tpu.memref_slice %arg12[%run_scoped3A_227, %dma_start3A_317] : memref<4x128xi32, #tpu.memory_space<vmem>> -> memref<1x128xi32, #tpu.memory_space<vmem>>
        %dma_start3A_319 = tpu.memref_squeeze %dma_start3A_318 : memref<1x128xi32, #tpu.memory_space<vmem>> -> memref<128xi32, #tpu.memory_space<vmem>>
        %dma_start3A_320 = arith.constant 0 : i32
        %dma_start3A_321 = tpu.memref_slice %arg17[%dma_start3A_320] : memref<10240xf32, #tpu.memory_space<vmem_shared>> -> memref<10240xf32, #tpu.memory_space<vmem_shared>>
        tpu.enqueue_indirect_dma source(%arg15 : memref<128xf32, #tpu.memory_space<vmem>>) target(%dma_start3A_321 : memref<10240xf32, #tpu.memory_space<vmem_shared>>) offsets(%dma_start3A_319 : memref<128xi32, #tpu.memory_space<vmem>>) semaphore(%run_scoped3A_316 : memref<!tpu.dma_semaphore, #tpu.memory_space<semaphore_mem>>) {add = true}
        %dma_wait3A_322 = arith.constant 0 : i32
        %dma_wait3A_323 = tpu.memref_slice %arg12[%run_scoped3A_227, %dma_wait3A_322] : memref<4x128xi32, #tpu.memory_space<vmem>> -> memref<1x128xi32, #tpu.memory_space<vmem>>
        %dma_wait3A_324 = tpu.memref_squeeze %dma_wait3A_323 : memref<1x128xi32, #tpu.memory_space<vmem>> -> memref<128xi32, #tpu.memory_space<vmem>>
        %dma_wait3A_325 = arith.constant 0 : i32
        %dma_wait3A_326 = tpu.memref_slice %arg17[%dma_wait3A_325] : memref<10240xf32, #tpu.memory_space<vmem_shared>> -> memref<10240xf32, #tpu.memory_space<vmem_shared>>
        tpu.wait_indirect_dma semaphore(%run_scoped3A_316 : memref<!tpu.dma_semaphore, #tpu.memory_space<semaphore_mem>>) src(%arg15 : memref<128xf32, #tpu.memory_space<vmem>>) dst(%dma_wait3A_326 : memref<10240xf32, #tpu.memory_space<vmem_shared>>)
        tpu.yield
      }) : () -> ()
      %dma_start3A_228 = arith.constant 2 : i32
      %dma_start3A_229 = arith.constant 0 : i32
      %dma_start3A_230 = tpu.memref_slice %arg10[%dma_start3A_228, %dma_start3A_229] : memref<4x128xi32, #tpu.memory_space<vmem>> -> memref<1x128xi32, #tpu.memory_space<vmem>>
      %dma_start3A_231 = tpu.memref_squeeze %dma_start3A_230 : memref<1x128xi32, #tpu.memory_space<vmem>> -> memref<128xi32, #tpu.memory_space<vmem>>
      %dma_start3A_232 = arith.constant 0 : i32
      %dma_start3A_233 = arith.constant 0 : i32
      %dma_start3A_234 = tpu.memref_slice %arg2[%dma_start3A_232, %dma_start3A_233] : memref<10240x128xf32, #tpu.memory_space<hbm>> -> memref<10240x128xf32, #tpu.memory_space<hbm>>
      tpu.enqueue_indirect_dma source(%dma_start3A_234 : memref<10240x128xf32, #tpu.memory_space<hbm>>) target(%arg13 : memref<128x128xf32, #tpu.memory_space<vmem>>) offsets(%dma_start3A_231 : memref<128xi32, #tpu.memory_space<vmem>>) semaphore(%arg18 : memref<!tpu.dma_semaphore, #tpu.memory_space<semaphore_mem>>)
      %dma_wait3A_235 = arith.constant 1 : i32
      %dma_wait3A_236 = arith.constant 0 : i32
      %dma_wait3A_237 = tpu.memref_slice %arg10[%dma_wait3A_235, %dma_wait3A_236] : memref<4x128xi32, #tpu.memory_space<vmem>> -> memref<1x128xi32, #tpu.memory_space<vmem>>
      %dma_wait3A_238 = tpu.memref_squeeze %dma_wait3A_237 : memref<1x128xi32, #tpu.memory_space<vmem>> -> memref<128xi32, #tpu.memory_space<vmem>>
      %dma_wait3A_239 = arith.constant 0 : i32
      %dma_wait3A_240 = arith.constant 0 : i32
      %dma_wait3A_241 = tpu.memref_slice %arg2[%dma_wait3A_239, %dma_wait3A_240] : memref<10240x128xf32, #tpu.memory_space<hbm>> -> memref<10240x128xf32, #tpu.memory_space<hbm>>
      tpu.wait_indirect_dma semaphore(%arg19 : memref<!tpu.dma_semaphore, #tpu.memory_space<semaphore_mem>>) src(%dma_wait3A_241 : memref<10240x128xf32, #tpu.memory_space<hbm>>) dst(%arg14 : memref<128x128xf32, #tpu.memory_space<vmem>>)
      %run_scoped3A_242 = arith.constant 1 : i32
      "tpu.region"() ({
        %run_scoped3A_316 = tpu.sem_alloc : memref<!tpu.dma_semaphore, #tpu.memory_space<semaphore_mem>>
        %dma_start3A_317 = arith.constant 0 : i32
        %dma_start3A_318 = tpu.memref_slice %arg12[%run_scoped3A_242, %dma_start3A_317] : memref<4x128xi32, #tpu.memory_space<vmem>> -> memref<1x128xi32, #tpu.memory_space<vmem>>
        %dma_start3A_319 = tpu.memref_squeeze %dma_start3A_318 : memref<1x128xi32, #tpu.memory_space<vmem>> -> memref<128xi32, #tpu.memory_space<vmem>>
        %dma_start3A_320 = arith.constant 0 : i32
        %dma_start3A_321 = arith.constant 0 : i32
        %dma_start3A_322 = tpu.memref_slice %arg16[%dma_start3A_320, %dma_start3A_321] : memref<10240x128xf32, #tpu.memory_space<vmem_shared>> -> memref<10240x128xf32, #tpu.memory_space<vmem_shared>>
        tpu.enqueue_indirect_dma source(%arg14 : memref<128x128xf32, #tpu.memory_space<vmem>>) target(%dma_start3A_322 : memref<10240x128xf32, #tpu.memory_space<vmem_shared>>) offsets(%dma_start3A_319 : memref<128xi32, #tpu.memory_space<vmem>>) semaphore(%run_scoped3A_316 : memref<!tpu.dma_semaphore, #tpu.memory_space<semaphore_mem>>) {add = true}
        %dma_wait3A_323 = arith.constant 0 : i32
        %dma_wait3A_324 = tpu.memref_slice %arg12[%run_scoped3A_242, %dma_wait3A_323] : memref<4x128xi32, #tpu.memory_space<vmem>> -> memref<1x128xi32, #tpu.memory_space<vmem>>
        %dma_wait3A_325 = tpu.memref_squeeze %dma_wait3A_324 : memref<1x128xi32, #tpu.memory_space<vmem>> -> memref<128xi32, #tpu.memory_space<vmem>>
        %dma_wait3A_326 = arith.constant 0 : i32
        %dma_wait3A_327 = arith.constant 0 : i32
        %dma_wait3A_328 = tpu.memref_slice %arg16[%dma_wait3A_326, %dma_wait3A_327] : memref<10240x128xf32, #tpu.memory_space<vmem_shared>> -> memref<10240x128xf32, #tpu.memory_space<vmem_shared>>
        tpu.wait_indirect_dma semaphore(%run_scoped3A_316 : memref<!tpu.dma_semaphore, #tpu.memory_space<semaphore_mem>>) src(%arg14 : memref<128x128xf32, #tpu.memory_space<vmem>>) dst(%dma_wait3A_328 : memref<10240x128xf32, #tpu.memory_space<vmem_shared>>)
        tpu.yield
      }) : () -> ()
      %run_scoped3A_243 = arith.constant 1 : i32
      "tpu.region"() ({
        %run_scoped3A_316 = tpu.sem_alloc : memref<!tpu.dma_semaphore, #tpu.memory_space<semaphore_mem>>
        %dma_start3A_317 = arith.constant 0 : i32
        %dma_start3A_318 = tpu.memref_slice %arg12[%run_scoped3A_243, %dma_start3A_317] : memref<4x128xi32, #tpu.memory_space<vmem>> -> memref<1x128xi32, #tpu.memory_space<vmem>>
        %dma_start3A_319 = tpu.memref_squeeze %dma_start3A_318 : memref<1x128xi32, #tpu.memory_space<vmem>> -> memref<128xi32, #tpu.memory_space<vmem>>
        %dma_start3A_320 = arith.constant 0 : i32
        %dma_start3A_321 = tpu.memref_slice %arg17[%dma_start3A_320] : memref<10240xf32, #tpu.memory_space<vmem_shared>> -> memref<10240xf32, #tpu.memory_space<vmem_shared>>
        tpu.enqueue_indirect_dma source(%arg15 : memref<128xf32, #tpu.memory_space<vmem>>) target(%dma_start3A_321 : memref<10240xf32, #tpu.memory_space<vmem_shared>>) offsets(%dma_start3A_319 : memref<128xi32, #tpu.memory_space<vmem>>) semaphore(%run_scoped3A_316 : memref<!tpu.dma_semaphore, #tpu.memory_space<semaphore_mem>>) {add = true}
        %dma_wait3A_322 = arith.constant 0 : i32
        %dma_wait3A_323 = tpu.memref_slice %arg12[%run_scoped3A_243, %dma_wait3A_322] : memref<4x128xi32, #tpu.memory_space<vmem>> -> memref<1x128xi32, #tpu.memory_space<vmem>>
        %dma_wait3A_324 = tpu.memref_squeeze %dma_wait3A_323 : memref<1x128xi32, #tpu.memory_space<vmem>> -> memref<128xi32, #tpu.memory_space<vmem>>
        %dma_wait3A_325 = arith.constant 0 : i32
        %dma_wait3A_326 = tpu.memref_slice %arg17[%dma_wait3A_325] : memref<10240xf32, #tpu.memory_space<vmem_shared>> -> memref<10240xf32, #tpu.memory_space<vmem_shared>>
        tpu.wait_indirect_dma semaphore(%run_scoped3A_316 : memref<!tpu.dma_semaphore, #tpu.memory_space<semaphore_mem>>) src(%arg15 : memref<128xf32, #tpu.memory_space<vmem>>) dst(%dma_wait3A_326 : memref<10240xf32, #tpu.memory_space<vmem_shared>>)
        tpu.yield
      }) : () -> ()
      %dma_start3A_244 = arith.constant 3 : i32
      %dma_start3A_245 = arith.constant 0 : i32
      %dma_start3A_246 = tpu.memref_slice %arg10[%dma_start3A_244, %dma_start3A_245] : memref<4x128xi32, #tpu.memory_space<vmem>> -> memref<1x128xi32, #tpu.memory_space<vmem>>
      %dma_start3A_247 = tpu.memref_squeeze %dma_start3A_246 : memref<1x128xi32, #tpu.memory_space<vmem>> -> memref<128xi32, #tpu.memory_space<vmem>>
      %dma_start3A_248 = arith.constant 0 : i32
      %dma_start3A_249 = arith.constant 0 : i32
      %dma_start3A_250 = tpu.memref_slice %arg2[%dma_start3A_248, %dma_start3A_249] : memref<10240x128xf32, #tpu.memory_space<hbm>> -> memref<10240x128xf32, #tpu.memory_space<hbm>>
      tpu.enqueue_indirect_dma source(%dma_start3A_250 : memref<10240x128xf32, #tpu.memory_space<hbm>>) target(%arg14 : memref<128x128xf32, #tpu.memory_space<vmem>>) offsets(%dma_start3A_247 : memref<128xi32, #tpu.memory_space<vmem>>) semaphore(%arg19 : memref<!tpu.dma_semaphore, #tpu.memory_space<semaphore_mem>>)
      %dma_wait3A_251 = arith.constant 2 : i32
      %dma_wait3A_252 = arith.constant 0 : i32
      %dma_wait3A_253 = tpu.memref_slice %arg10[%dma_wait3A_251, %dma_wait3A_252] : memref<4x128xi32, #tpu.memory_space<vmem>> -> memref<1x128xi32, #tpu.memory_space<vmem>>
      %dma_wait3A_254 = tpu.memref_squeeze %dma_wait3A_253 : memref<1x128xi32, #tpu.memory_space<vmem>> -> memref<128xi32, #tpu.memory_space<vmem>>
      %dma_wait3A_255 = arith.constant 0 : i32
      %dma_wait3A_256 = arith.constant 0 : i32
      %dma_wait3A_257 = tpu.memref_slice %arg2[%dma_wait3A_255, %dma_wait3A_256] : memref<10240x128xf32, #tpu.memory_space<hbm>> -> memref<10240x128xf32, #tpu.memory_space<hbm>>
      tpu.wait_indirect_dma semaphore(%arg18 : memref<!tpu.dma_semaphore, #tpu.memory_space<semaphore_mem>>) src(%dma_wait3A_257 : memref<10240x128xf32, #tpu.memory_space<hbm>>) dst(%arg13 : memref<128x128xf32, #tpu.memory_space<vmem>>)
      %run_scoped3A_258 = arith.constant 2 : i32
      "tpu.region"() ({
        %run_scoped3A_316 = tpu.sem_alloc : memref<!tpu.dma_semaphore, #tpu.memory_space<semaphore_mem>>
        %dma_start3A_317 = arith.constant 0 : i32
        %dma_start3A_318 = tpu.memref_slice %arg12[%run_scoped3A_258, %dma_start3A_317] : memref<4x128xi32, #tpu.memory_space<vmem>> -> memref<1x128xi32, #tpu.memory_space<vmem>>
        %dma_start3A_319 = tpu.memref_squeeze %dma_start3A_318 : memref<1x128xi32, #tpu.memory_space<vmem>> -> memref<128xi32, #tpu.memory_space<vmem>>
        %dma_start3A_320 = arith.constant 0 : i32
        %dma_start3A_321 = arith.constant 0 : i32
        %dma_start3A_322 = tpu.memref_slice %arg16[%dma_start3A_320, %dma_start3A_321] : memref<10240x128xf32, #tpu.memory_space<vmem_shared>> -> memref<10240x128xf32, #tpu.memory_space<vmem_shared>>
        tpu.enqueue_indirect_dma source(%arg13 : memref<128x128xf32, #tpu.memory_space<vmem>>) target(%dma_start3A_322 : memref<10240x128xf32, #tpu.memory_space<vmem_shared>>) offsets(%dma_start3A_319 : memref<128xi32, #tpu.memory_space<vmem>>) semaphore(%run_scoped3A_316 : memref<!tpu.dma_semaphore, #tpu.memory_space<semaphore_mem>>) {add = true}
        %dma_wait3A_323 = arith.constant 0 : i32
        %dma_wait3A_324 = tpu.memref_slice %arg12[%run_scoped3A_258, %dma_wait3A_323] : memref<4x128xi32, #tpu.memory_space<vmem>> -> memref<1x128xi32, #tpu.memory_space<vmem>>
        %dma_wait3A_325 = tpu.memref_squeeze %dma_wait3A_324 : memref<1x128xi32, #tpu.memory_space<vmem>> -> memref<128xi32, #tpu.memory_space<vmem>>
        %dma_wait3A_326 = arith.constant 0 : i32
        %dma_wait3A_327 = arith.constant 0 : i32
        %dma_wait3A_328 = tpu.memref_slice %arg16[%dma_wait3A_326, %dma_wait3A_327] : memref<10240x128xf32, #tpu.memory_space<vmem_shared>> -> memref<10240x128xf32, #tpu.memory_space<vmem_shared>>
        tpu.wait_indirect_dma semaphore(%run_scoped3A_316 : memref<!tpu.dma_semaphore, #tpu.memory_space<semaphore_mem>>) src(%arg13 : memref<128x128xf32, #tpu.memory_space<vmem>>) dst(%dma_wait3A_328 : memref<10240x128xf32, #tpu.memory_space<vmem_shared>>)
        tpu.yield
      }) : () -> ()
      %run_scoped3A_259 = arith.constant 2 : i32
      "tpu.region"() ({
        %run_scoped3A_316 = tpu.sem_alloc : memref<!tpu.dma_semaphore, #tpu.memory_space<semaphore_mem>>
        %dma_start3A_317 = arith.constant 0 : i32
        %dma_start3A_318 = tpu.memref_slice %arg12[%run_scoped3A_259, %dma_start3A_317] : memref<4x128xi32, #tpu.memory_space<vmem>> -> memref<1x128xi32, #tpu.memory_space<vmem>>
        %dma_start3A_319 = tpu.memref_squeeze %dma_start3A_318 : memref<1x128xi32, #tpu.memory_space<vmem>> -> memref<128xi32, #tpu.memory_space<vmem>>
        %dma_start3A_320 = arith.constant 0 : i32
        %dma_start3A_321 = tpu.memref_slice %arg17[%dma_start3A_320] : memref<10240xf32, #tpu.memory_space<vmem_shared>> -> memref<10240xf32, #tpu.memory_space<vmem_shared>>
        tpu.enqueue_indirect_dma source(%arg15 : memref<128xf32, #tpu.memory_space<vmem>>) target(%dma_start3A_321 : memref<10240xf32, #tpu.memory_space<vmem_shared>>) offsets(%dma_start3A_319 : memref<128xi32, #tpu.memory_space<vmem>>) semaphore(%run_scoped3A_316 : memref<!tpu.dma_semaphore, #tpu.memory_space<semaphore_mem>>) {add = true}
        %dma_wait3A_322 = arith.constant 0 : i32
        %dma_wait3A_323 = tpu.memref_slice %arg12[%run_scoped3A_259, %dma_wait3A_322] : memref<4x128xi32, #tpu.memory_space<vmem>> -> memref<1x128xi32, #tpu.memory_space<vmem>>
        %dma_wait3A_324 = tpu.memref_squeeze %dma_wait3A_323 : memref<1x128xi32, #tpu.memory_space<vmem>> -> memref<128xi32, #tpu.memory_space<vmem>>
        %dma_wait3A_325 = arith.constant 0 : i32
        %dma_wait3A_326 = tpu.memref_slice %arg17[%dma_wait3A_325] : memref<10240xf32, #tpu.memory_space<vmem_shared>> -> memref<10240xf32, #tpu.memory_space<vmem_shared>>
        tpu.wait_indirect_dma semaphore(%run_scoped3A_316 : memref<!tpu.dma_semaphore, #tpu.memory_space<semaphore_mem>>) src(%arg15 : memref<128xf32, #tpu.memory_space<vmem>>) dst(%dma_wait3A_326 : memref<10240xf32, #tpu.memory_space<vmem_shared>>)
        tpu.yield
      }) : () -> ()
      %dma_wait3A_260 = arith.constant 0 : i32
      %dma_wait3A_261 = arith.constant 0 : i32
      %dma_wait3A_262 = tpu.memref_slice %arg3[%add3A, %dma_wait3A_260, %dma_wait3A_261] : memref<32x80x128xi32, #tpu.memory_space<hbm>> -> memref<1x4x128xi32, #tpu.memory_space<hbm>>
      %dma_wait3A_263 = tpu.memref_squeeze %dma_wait3A_262 : memref<1x4x128xi32, #tpu.memory_space<hbm>> -> memref<4x128xi32, #tpu.memory_space<hbm>>
      %dma_wait3A_264 = arith.constant 0 : i32
      %dma_wait3A_265 = arith.constant 0 : i32
      %dma_wait3A_266 = tpu.memref_slice %arg3[%add3A, %dma_wait3A_264, %dma_wait3A_265] : memref<32x80x128xi32, #tpu.memory_space<hbm>> -> memref<1x4x128xi32, #tpu.memory_space<hbm>>
      %dma_wait3A_267 = tpu.memref_squeeze %dma_wait3A_266 : memref<1x4x128xi32, #tpu.memory_space<hbm>> -> memref<4x128xi32, #tpu.memory_space<hbm>>
      tpu.wait_dma2 semaphore(%arg20 : memref<!tpu.dma_semaphore, #tpu.memory_space<semaphore_mem>>) src(%dma_wait3A_267 : memref<4x128xi32, #tpu.memory_space<hbm>>) dst(%arg9 : memref<4x128xi32, #tpu.memory_space<vmem>>)
      %dma_wait3A_268 = arith.constant 0 : i32
      %dma_wait3A_269 = arith.constant 0 : i32
      %dma_wait3A_270 = tpu.memref_slice %arg4[%add3A, %dma_wait3A_268, %dma_wait3A_269] : memref<32x80x128xi32, #tpu.memory_space<hbm>> -> memref<1x4x128xi32, #tpu.memory_space<hbm>>
      %dma_wait3A_271 = tpu.memref_squeeze %dma_wait3A_270 : memref<1x4x128xi32, #tpu.memory_space<hbm>> -> memref<4x128xi32, #tpu.memory_space<hbm>>
      %dma_wait3A_272 = arith.constant 0 : i32
      %dma_wait3A_273 = arith.constant 0 : i32
      %dma_wait3A_274 = tpu.memref_slice %arg4[%add3A, %dma_wait3A_272, %dma_wait3A_273] : memref<32x80x128xi32, #tpu.memory_space<hbm>> -> memref<1x4x128xi32, #tpu.memory_space<hbm>>
      %dma_wait3A_275 = tpu.memref_squeeze %dma_wait3A_274 : memref<1x4x128xi32, #tpu.memory_space<hbm>> -> memref<4x128xi32, #tpu.memory_space<hbm>>
      tpu.wait_dma2 semaphore(%arg20 : memref<!tpu.dma_semaphore, #tpu.memory_space<semaphore_mem>>) src(%dma_wait3A_275 : memref<4x128xi32, #tpu.memory_space<hbm>>) dst(%arg11 : memref<4x128xi32, #tpu.memory_space<vmem>>)
      %dma_start3A_276 = arith.constant 0 : i32
      %dma_start3A_277 = arith.constant 0 : i32
      %dma_start3A_278 = tpu.memref_slice %arg9[%dma_start3A_276, %dma_start3A_277] : memref<4x128xi32, #tpu.memory_space<vmem>> -> memref<1x128xi32, #tpu.memory_space<vmem>>
      %dma_start3A_279 = tpu.memref_squeeze %dma_start3A_278 : memref<1x128xi32, #tpu.memory_space<vmem>> -> memref<128xi32, #tpu.memory_space<vmem>>
      %dma_start3A_280 = arith.constant 0 : i32
      %dma_start3A_281 = arith.constant 0 : i32
      %dma_start3A_282 = tpu.memref_slice %arg2[%dma_start3A_280, %dma_start3A_281] : memref<10240x128xf32, #tpu.memory_space<hbm>> -> memref<10240x128xf32, #tpu.memory_space<hbm>>
      tpu.enqueue_indirect_dma source(%dma_start3A_282 : memref<10240x128xf32, #tpu.memory_space<hbm>>) target(%arg13 : memref<128x128xf32, #tpu.memory_space<vmem>>) offsets(%dma_start3A_279 : memref<128xi32, #tpu.memory_space<vmem>>) semaphore(%arg18 : memref<!tpu.dma_semaphore, #tpu.memory_space<semaphore_mem>>)
      %dma_wait3A_283 = arith.constant 3 : i32
      %dma_wait3A_284 = arith.constant 0 : i32
      %dma_wait3A_285 = tpu.memref_slice %arg10[%dma_wait3A_283, %dma_wait3A_284] : memref<4x128xi32, #tpu.memory_space<vmem>> -> memref<1x128xi32, #tpu.memory_space<vmem>>
      %dma_wait3A_286 = tpu.memref_squeeze %dma_wait3A_285 : memref<1x128xi32, #tpu.memory_space<vmem>> -> memref<128xi32, #tpu.memory_space<vmem>>
      %dma_wait3A_287 = arith.constant 0 : i32
      %dma_wait3A_288 = arith.constant 0 : i32
      %dma_wait3A_289 = tpu.memref_slice %arg2[%dma_wait3A_287, %dma_wait3A_288] : memref<10240x128xf32, #tpu.memory_space<hbm>> -> memref<10240x128xf32, #tpu.memory_space<hbm>>
      tpu.wait_indirect_dma semaphore(%arg19 : memref<!tpu.dma_semaphore, #tpu.memory_space<semaphore_mem>>) src(%dma_wait3A_289 : memref<10240x128xf32, #tpu.memory_space<hbm>>) dst(%arg14 : memref<128x128xf32, #tpu.memory_space<vmem>>)
      %run_scoped3A_290 = arith.constant 3 : i32
      "tpu.region"() ({
        %run_scoped3A_316 = tpu.sem_alloc : memref<!tpu.dma_semaphore, #tpu.memory_space<semaphore_mem>>
        %dma_start3A_317 = arith.constant 0 : i32
        %dma_start3A_318 = tpu.memref_slice %arg12[%run_scoped3A_290, %dma_start3A_317] : memref<4x128xi32, #tpu.memory_space<vmem>> -> memref<1x128xi32, #tpu.memory_space<vmem>>
        %dma_start3A_319 = tpu.memref_squeeze %dma_start3A_318 : memref<1x128xi32, #tpu.memory_space<vmem>> -> memref<128xi32, #tpu.memory_space<vmem>>
        %dma_start3A_320 = arith.constant 0 : i32
        %dma_start3A_321 = arith.constant 0 : i32
        %dma_start3A_322 = tpu.memref_slice %arg16[%dma_start3A_320, %dma_start3A_321] : memref<10240x128xf32, #tpu.memory_space<vmem_shared>> -> memref<10240x128xf32, #tpu.memory_space<vmem_shared>>
        tpu.enqueue_indirect_dma source(%arg14 : memref<128x128xf32, #tpu.memory_space<vmem>>) target(%dma_start3A_322 : memref<10240x128xf32, #tpu.memory_space<vmem_shared>>) offsets(%dma_start3A_319 : memref<128xi32, #tpu.memory_space<vmem>>) semaphore(%run_scoped3A_316 : memref<!tpu.dma_semaphore, #tpu.memory_space<semaphore_mem>>) {add = true}
        %dma_wait3A_323 = arith.constant 0 : i32
        %dma_wait3A_324 = tpu.memref_slice %arg12[%run_scoped3A_290, %dma_wait3A_323] : memref<4x128xi32, #tpu.memory_space<vmem>> -> memref<1x128xi32, #tpu.memory_space<vmem>>
        %dma_wait3A_325 = tpu.memref_squeeze %dma_wait3A_324 : memref<1x128xi32, #tpu.memory_space<vmem>> -> memref<128xi32, #tpu.memory_space<vmem>>
        %dma_wait3A_326 = arith.constant 0 : i32
        %dma_wait3A_327 = arith.constant 0 : i32
        %dma_wait3A_328 = tpu.memref_slice %arg16[%dma_wait3A_326, %dma_wait3A_327] : memref<10240x128xf32, #tpu.memory_space<vmem_shared>> -> memref<10240x128xf32, #tpu.memory_space<vmem_shared>>
        tpu.wait_indirect_dma semaphore(%run_scoped3A_316 : memref<!tpu.dma_semaphore, #tpu.memory_space<semaphore_mem>>) src(%arg14 : memref<128x128xf32, #tpu.memory_space<vmem>>) dst(%dma_wait3A_328 : memref<10240x128xf32, #tpu.memory_space<vmem_shared>>)
        tpu.yield
      }) : () -> ()
      %run_scoped3A_291 = arith.constant 3 : i32
      "tpu.region"() ({
        %run_scoped3A_316 = tpu.sem_alloc : memref<!tpu.dma_semaphore, #tpu.memory_space<semaphore_mem>>
        %dma_start3A_317 = arith.constant 0 : i32
        %dma_start3A_318 = tpu.memref_slice %arg12[%run_scoped3A_291, %dma_start3A_317] : memref<4x128xi32, #tpu.memory_space<vmem>> -> memref<1x128xi32, #tpu.memory_space<vmem>>
        %dma_start3A_319 = tpu.memref_squeeze %dma_start3A_318 : memref<1x128xi32, #tpu.memory_space<vmem>> -> memref<128xi32, #tpu.memory_space<vmem>>
        %dma_start3A_320 = arith.constant 0 : i32
        %dma_start3A_321 = tpu.memref_slice %arg17[%dma_start3A_320] : memref<10240xf32, #tpu.memory_space<vmem_shared>> -> memref<10240xf32, #tpu.memory_space<vmem_shared>>
        tpu.enqueue_indirect_dma source(%arg15 : memref<128xf32, #tpu.memory_space<vmem>>) target(%dma_start3A_321 : memref<10240xf32, #tpu.memory_space<vmem_shared>>) offsets(%dma_start3A_319 : memref<128xi32, #tpu.memory_space<vmem>>) semaphore(%run_scoped3A_316 : memref<!tpu.dma_semaphore, #tpu.memory_space<semaphore_mem>>) {add = true}
        %dma_wait3A_322 = arith.constant 0 : i32
        %dma_wait3A_323 = tpu.memref_slice %arg12[%run_scoped3A_291, %dma_wait3A_322] : memref<4x128xi32, #tpu.memory_space<vmem>> -> memref<1x128xi32, #tpu.memory_space<vmem>>
        %dma_wait3A_324 = tpu.memref_squeeze %dma_wait3A_323 : memref<1x128xi32, #tpu.memory_space<vmem>> -> memref<128xi32, #tpu.memory_space<vmem>>
        %dma_wait3A_325 = arith.constant 0 : i32
        %dma_wait3A_326 = tpu.memref_slice %arg17[%dma_wait3A_325] : memref<10240xf32, #tpu.memory_space<vmem_shared>> -> memref<10240xf32, #tpu.memory_space<vmem_shared>>
        tpu.wait_indirect_dma semaphore(%run_scoped3A_316 : memref<!tpu.dma_semaphore, #tpu.memory_space<semaphore_mem>>) src(%arg15 : memref<128xf32, #tpu.memory_space<vmem>>) dst(%dma_wait3A_326 : memref<10240xf32, #tpu.memory_space<vmem_shared>>)
        tpu.yield
      }) : () -> ()
      %lt3A_292 = arith.constant 9 : i32
      %lt3A_293 = arith.cmpi slt, %scan3A_111, %lt3A_292 : i32
      %mul3A_294 = arith.constant 2 : i32
      %mul3A_295 = arith.muli %mul3A_294, %scan3A_111 : i32
      %add3A_296 = arith.constant 3 : i32
      %add3A_297 = arith.addi %mul3A_295, %add3A_296 : i32
      %jit3A_298 = arith.constant 1 : i32
      %select_n3A_299 = arith.select %lt3A_293, %add3A_297, %jit3A_298 : i32
      %mul3A_300 = arith.constant 4 : i32
      %mul3A_301 = arith.muli %select_n3A_299, %mul3A_300 : i32
      %dma_start3A_302 = arith.constant 0 : i32
      %dma_start3A_303 = tpu.memref_slice %arg3[%add3A, %mul3A_301, %dma_start3A_302] : memref<32x80x128xi32, #tpu.memory_space<hbm>> -> memref<1x4x128xi32, #tpu.memory_space<hbm>>
      %dma_start3A_304 = tpu.memref_squeeze %dma_start3A_303 : memref<1x4x128xi32, #tpu.memory_space<hbm>> -> memref<4x128xi32, #tpu.memory_space<hbm>>
      %dma_start3A_305 = arith.constant 0 : i32
      %dma_start3A_306 = tpu.memref_slice %arg3[%add3A, %mul3A_301, %dma_start3A_305] : memref<32x80x128xi32, #tpu.memory_space<hbm>> -> memref<1x4x128xi32, #tpu.memory_space<hbm>>
      %dma_start3A_307 = tpu.memref_squeeze %dma_start3A_306 : memref<1x4x128xi32, #tpu.memory_space<hbm>> -> memref<4x128xi32, #tpu.memory_space<hbm>>
      tpu.enqueue_dma source(%dma_start3A_307 : memref<4x128xi32, #tpu.memory_space<hbm>>) target(%arg10 : memref<4x128xi32, #tpu.memory_space<vmem>>) target_semaphore(%arg21 : memref<!tpu.dma_semaphore, #tpu.memory_space<semaphore_mem>>)
      %mul3A_308 = arith.constant 4 : i32
      %mul3A_309 = arith.muli %select_n3A_299, %mul3A_308 : i32
      %dma_start3A_310 = arith.constant 0 : i32
      %dma_start3A_311 = tpu.memref_slice %arg4[%add3A, %mul3A_309, %dma_start3A_310] : memref<32x80x128xi32, #tpu.memory_space<hbm>> -> memref<1x4x128xi32, #tpu.memory_space<hbm>>
      %dma_start3A_312 = tpu.memref_squeeze %dma_start3A_311 : memref<1x4x128xi32, #tpu.memory_space<hbm>> -> memref<4x128xi32, #tpu.memory_space<hbm>>
      %dma_start3A_313 = arith.constant 0 : i32
      %dma_start3A_314 = tpu.memref_slice %arg4[%add3A, %mul3A_309, %dma_start3A_313] : memref<32x80x128xi32, #tpu.memory_space<hbm>> -> memref<1x4x128xi32, #tpu.memory_space<hbm>>
      %dma_start3A_315 = tpu.memref_squeeze %dma_start3A_314 : memref<1x4x128xi32, #tpu.memory_space<hbm>> -> memref<4x128xi32, #tpu.memory_space<hbm>>
      tpu.enqueue_dma source(%dma_start3A_315 : memref<4x128xi32, #tpu.memory_space<hbm>>) target(%arg12 : memref<4x128xi32, #tpu.memory_space<vmem>>) target_semaphore(%arg21 : memref<!tpu.dma_semaphore, #tpu.memory_space<semaphore_mem>>)
    }
    %scan3A_81 = arith.constant 10 : i32
    %dma_wait3A = arith.constant 0 : i32
    %dma_wait3A_82 = arith.constant 0 : i32
    %dma_wait3A_83 = tpu.memref_slice %arg9[%dma_wait3A, %dma_wait3A_82] : memref<4x128xi32, #tpu.memory_space<vmem>> -> memref<1x128xi32, #tpu.memory_space<vmem>>
    %dma_wait3A_84 = tpu.memref_squeeze %dma_wait3A_83 : memref<1x128xi32, #tpu.memory_space<vmem>> -> memref<128xi32, #tpu.memory_space<vmem>>
    %dma_wait3A_85 = arith.constant 0 : i32
    %dma_wait3A_86 = arith.constant 0 : i32
    %dma_wait3A_87 = tpu.memref_slice %arg2[%dma_wait3A_85, %dma_wait3A_86] : memref<10240x128xf32, #tpu.memory_space<hbm>> -> memref<10240x128xf32, #tpu.memory_space<hbm>>
    tpu.wait_indirect_dma semaphore(%arg18 : memref<!tpu.dma_semaphore, #tpu.memory_space<semaphore_mem>>) src(%dma_wait3A_87 : memref<10240x128xf32, #tpu.memory_space<hbm>>) dst(%arg13 : memref<128x128xf32, #tpu.memory_space<vmem>>)
    %dma_wait3A_88 = arith.constant 0 : i32
    %dma_wait3A_89 = arith.constant 0 : i32
    %dma_wait3A_90 = tpu.memref_slice %arg3[%add3A, %dma_wait3A_88, %dma_wait3A_89] : memref<32x80x128xi32, #tpu.memory_space<hbm>> -> memref<1x4x128xi32, #tpu.memory_space<hbm>>
    %dma_wait3A_91 = tpu.memref_squeeze %dma_wait3A_90 : memref<1x4x128xi32, #tpu.memory_space<hbm>> -> memref<4x128xi32, #tpu.memory_space<hbm>>
    %dma_wait3A_92 = arith.constant 0 : i32
    %dma_wait3A_93 = arith.constant 0 : i32
    %dma_wait3A_94 = tpu.memref_slice %arg3[%add3A, %dma_wait3A_92, %dma_wait3A_93] : memref<32x80x128xi32, #tpu.memory_space<hbm>> -> memref<1x4x128xi32, #tpu.memory_space<hbm>>
    %dma_wait3A_95 = tpu.memref_squeeze %dma_wait3A_94 : memref<1x4x128xi32, #tpu.memory_space<hbm>> -> memref<4x128xi32, #tpu.memory_space<hbm>>
    tpu.wait_dma2 semaphore(%arg21 : memref<!tpu.dma_semaphore, #tpu.memory_space<semaphore_mem>>) src(%dma_wait3A_95 : memref<4x128xi32, #tpu.memory_space<hbm>>) dst(%arg10 : memref<4x128xi32, #tpu.memory_space<vmem>>)
    %dma_wait3A_96 = arith.constant 0 : i32
    %dma_wait3A_97 = arith.constant 0 : i32
    %dma_wait3A_98 = tpu.memref_slice %arg4[%add3A, %dma_wait3A_96, %dma_wait3A_97] : memref<32x80x128xi32, #tpu.memory_space<hbm>> -> memref<1x4x128xi32, #tpu.memory_space<hbm>>
    %dma_wait3A_99 = tpu.memref_squeeze %dma_wait3A_98 : memref<1x4x128xi32, #tpu.memory_space<hbm>> -> memref<4x128xi32, #tpu.memory_space<hbm>>
    %dma_wait3A_100 = arith.constant 0 : i32
    %dma_wait3A_101 = arith.constant 0 : i32
    %dma_wait3A_102 = tpu.memref_slice %arg4[%add3A, %dma_wait3A_100, %dma_wait3A_101] : memref<32x80x128xi32, #tpu.memory_space<hbm>> -> memref<1x4x128xi32, #tpu.memory_space<hbm>>
    %dma_wait3A_103 = tpu.memref_squeeze %dma_wait3A_102 : memref<1x4x128xi32, #tpu.memory_space<hbm>> -> memref<4x128xi32, #tpu.memory_space<hbm>>
    tpu.wait_dma2 semaphore(%arg21 : memref<!tpu.dma_semaphore, #tpu.memory_space<semaphore_mem>>) src(%dma_wait3A_103 : memref<4x128xi32, #tpu.memory_space<hbm>>) dst(%arg12 : memref<4x128xi32, #tpu.memory_space<vmem>>)
    %barrier3A_104 = arith.constant 0 : index
    tpu.barrier barrier_id(%barrier3A_104)
    %mul3A_105 = arith.constant 640 : i32
    %mul3A_106 = arith.muli %arg1, %mul3A_105 : i32
    %mul3A_107 = arith.constant 640 : i32
    %mul3A_108 = arith.muli %arg1, %mul3A_107 : i32
    "tpu.region"() ({
      %run_scoped3A = tpu.sem_alloc : memref<!tpu.dma_semaphore, #tpu.memory_space<semaphore_mem>>
      %dma_start3A_111 = arith.constant 0 : i32
      %dma_start3A_112 = tpu.memref_slice %arg7[%arg0, %mul3A_108, %dma_start3A_111] : memref<2x10240x128xf32, #tpu.memory_space<hbm>> -> memref<1x640x128xf32, #tpu.memory_space<hbm>>
      %dma_start3A_113 = tpu.memref_squeeze %dma_start3A_112 : memref<1x640x128xf32, #tpu.memory_space<hbm>> -> memref<640x128xf32, #tpu.memory_space<hbm>>
      %dma_start3A_114 = arith.constant 0 : i32
      %dma_start3A_115 = tpu.memref_slice %arg16[%mul3A_106, %dma_start3A_114] : memref<10240x128xf32, #tpu.memory_space<vmem_shared>> -> memref<640x128xf32, #tpu.memory_space<vmem_shared>>
      tpu.enqueue_dma source(%dma_start3A_115 : memref<640x128xf32, #tpu.memory_space<vmem_shared>>) target(%dma_start3A_113 : memref<640x128xf32, #tpu.memory_space<hbm>>) target_semaphore(%run_scoped3A : memref<!tpu.dma_semaphore, #tpu.memory_space<semaphore_mem>>)
      %dma_wait3A_116 = arith.constant 0 : i32
      %dma_wait3A_117 = tpu.memref_slice %arg7[%arg0, %mul3A_108, %dma_wait3A_116] : memref<2x10240x128xf32, #tpu.memory_space<hbm>> -> memref<1x640x128xf32, #tpu.memory_space<hbm>>
      %dma_wait3A_118 = tpu.memref_squeeze %dma_wait3A_117 : memref<1x640x128xf32, #tpu.memory_space<hbm>> -> memref<640x128xf32, #tpu.memory_space<hbm>>
      %dma_wait3A_119 = arith.constant 0 : i32
      %dma_wait3A_120 = tpu.memref_slice %arg16[%mul3A_106, %dma_wait3A_119] : memref<10240x128xf32, #tpu.memory_space<vmem_shared>> -> memref<640x128xf32, #tpu.memory_space<vmem_shared>>
      tpu.wait_dma2 semaphore(%run_scoped3A : memref<!tpu.dma_semaphore, #tpu.memory_space<semaphore_mem>>) src(%dma_wait3A_120 : memref<640x128xf32, #tpu.memory_space<vmem_shared>>) dst(%dma_wait3A_118 : memref<640x128xf32, #tpu.memory_space<hbm>>)
      tpu.yield
    }) : () -> ()
    %eq3A = arith.constant 0 : i32
    %eq3A_109 = arith.cmpi eq, %arg1, %eq3A : i32
    %convert_element_type3A = arith.extui %eq3A_109 : i1 to i32
    %cond3A = arith.constant 0 : i32
    %cond3A_110 = arith.cmpi ne, %convert_element_type3A, %cond3A : i32
    scf.if %cond3A_110 {
      "tpu.region"() ({
        %run_scoped3A = tpu.sem_alloc : memref<!tpu.dma_semaphore, #tpu.memory_space<semaphore_mem>>
        %dma_start3A_111 = arith.constant 0 : i32
        %dma_start3A_112 = tpu.memref_slice %arg8[%arg0, %dma_start3A_111] : memref<2x10240xf32, #tpu.memory_space<hbm>> -> memref<1x10240xf32, #tpu.memory_space<hbm>>
        %dma_start3A_113 = tpu.memref_squeeze %dma_start3A_112 : memref<1x10240xf32, #tpu.memory_space<hbm>> -> memref<10240xf32, #tpu.memory_space<hbm>>
        tpu.enqueue_dma source(%arg17 : memref<10240xf32, #tpu.memory_space<vmem_shared>>) target(%dma_start3A_113 : memref<10240xf32, #tpu.memory_space<hbm>>) target_semaphore(%run_scoped3A : memref<!tpu.dma_semaphore, #tpu.memory_space<semaphore_mem>>)
        %dma_wait3A_114 = arith.constant 0 : i32
        %dma_wait3A_115 = tpu.memref_slice %arg8[%arg0, %dma_wait3A_114] : memref<2x10240xf32, #tpu.memory_space<hbm>> -> memref<1x10240xf32, #tpu.memory_space<hbm>>
        %dma_wait3A_116 = tpu.memref_squeeze %dma_wait3A_115 : memref<1x10240xf32, #tpu.memory_space<hbm>> -> memref<10240xf32, #tpu.memory_space<hbm>>
        tpu.wait_dma2 semaphore(%run_scoped3A : memref<!tpu.dma_semaphore, #tpu.memory_space<semaphore_mem>>) src(%arg17 : memref<10240xf32, #tpu.memory_space<vmem_shared>>) dst(%dma_wait3A_116 : memref<10240xf32, #tpu.memory_space<hbm>>)
        tpu.yield
      }) : () -> ()
    } else {
    }
    return
  }
}

#map = affine_map<(d0, d1) -> (0, 0)>
#map1 = affine_map<(d0, d1) -> (0, 0, 0)>
module attributes {stable_mosaic.version = 14 : i64} {
  func.func @_sc_agg_body(%arg0: i32, %arg1: i32, %arg2: memref<10240x128xf32, #tpu.memory_space<hbm>>, %arg3: memref<32x80x128xi32, #tpu.memory_space<hbm>>, %arg4: memref<32x80x128xi32, #tpu.memory_space<hbm>>, %arg5: memref<10240x128xf32, #tpu.memory_space<hbm>>, %arg6: memref<2x10240x128xf32, #tpu.memory_space<hbm>>, %arg7: memref<4x128xi32, #tpu.memory_space<vmem>>, %arg8: memref<4x128xi32, #tpu.memory_space<vmem>>, %arg9: memref<4x128xi32, #tpu.memory_space<vmem>>, %arg10: memref<4x128xi32, #tpu.memory_space<vmem>>, %arg11: memref<128x128xf32, #tpu.memory_space<vmem>>, %arg12: memref<128x128xf32, #tpu.memory_space<vmem>>, %arg13: memref<10240x128xf32, #tpu.memory_space<vmem_shared>>, %arg14: memref<!tpu.dma_semaphore, #tpu.memory_space<semaphore_mem>>, %arg15: memref<!tpu.dma_semaphore, #tpu.memory_space<semaphore_mem>>, %arg16: memref<!tpu.dma_semaphore, #tpu.memory_space<semaphore_mem>>, %arg17: memref<!tpu.dma_semaphore, #tpu.memory_space<semaphore_mem>>) attributes {dimension_semantics = [#tpu.dimension_semantics<core_parallel>, #tpu.dimension_semantics<subcore_parallel>], iteration_bounds = array<i64: 2, 16>, scalar_prefetch = 0 : i64, scratch_operands = 11 : i64, tpu.core_type = #tpu.core_type<sc_vector_subcore>, window_params = [{transform_indices = #map}, {transform_indices = #map1}, {transform_indices = #map1}, {transform_indices = #map}, {transform_indices = #map1}]} {
    %mul3A = arith.constant 2 : i32
    %mul3A_0 = arith.muli %arg1, %mul3A : i32
    %add3A = arith.addi %mul3A_0, %arg0 : i32
    %mul3A_1 = arith.constant 640 : i32
    %mul3A_2 = arith.muli %arg1, %mul3A_1 : i32
    %mul3A_3 = arith.constant 640 : i32
    %mul3A_4 = arith.muli %arg1, %mul3A_3 : i32
    "tpu.region"() ({
      %run_scoped3A = tpu.sem_alloc : memref<!tpu.dma_semaphore, #tpu.memory_space<semaphore_mem>>
      %dma_start3A_59 = arith.constant 0 : i32
      %dma_start3A_60 = tpu.memref_slice %arg13[%mul3A_4, %dma_start3A_59] : memref<10240x128xf32, #tpu.memory_space<vmem_shared>> -> memref<640x128xf32, #tpu.memory_space<vmem_shared>>
      %dma_start3A_61 = arith.constant 0 : i32
      %dma_start3A_62 = tpu.memref_slice %arg5[%mul3A_2, %dma_start3A_61] : memref<10240x128xf32, #tpu.memory_space<hbm>> -> memref<640x128xf32, #tpu.memory_space<hbm>>
      tpu.enqueue_dma source(%dma_start3A_62 : memref<640x128xf32, #tpu.memory_space<hbm>>) target(%dma_start3A_60 : memref<640x128xf32, #tpu.memory_space<vmem_shared>>) target_semaphore(%run_scoped3A : memref<!tpu.dma_semaphore, #tpu.memory_space<semaphore_mem>>)
      %dma_wait3A_63 = arith.constant 0 : i32
      %dma_wait3A_64 = tpu.memref_slice %arg13[%mul3A_4, %dma_wait3A_63] : memref<10240x128xf32, #tpu.memory_space<vmem_shared>> -> memref<640x128xf32, #tpu.memory_space<vmem_shared>>
      %dma_wait3A_65 = arith.constant 0 : i32
      %dma_wait3A_66 = tpu.memref_slice %arg5[%mul3A_2, %dma_wait3A_65] : memref<10240x128xf32, #tpu.memory_space<hbm>> -> memref<640x128xf32, #tpu.memory_space<hbm>>
      tpu.wait_dma2 semaphore(%run_scoped3A : memref<!tpu.dma_semaphore, #tpu.memory_space<semaphore_mem>>) src(%dma_wait3A_66 : memref<640x128xf32, #tpu.memory_space<hbm>>) dst(%dma_wait3A_64 : memref<640x128xf32, #tpu.memory_space<vmem_shared>>)
      tpu.yield
    }) : () -> ()
    "tpu.region"() ({
      %run_scoped3A = tpu.sem_alloc : memref<!tpu.dma_semaphore, #tpu.memory_space<semaphore_mem>>
      %dma_start3A_59 = arith.constant 0 : i32
      %dma_start3A_60 = arith.constant 0 : i32
      %dma_start3A_61 = tpu.memref_slice %arg3[%add3A, %dma_start3A_59, %dma_start3A_60] : memref<32x80x128xi32, #tpu.memory_space<hbm>> -> memref<1x4x128xi32, #tpu.memory_space<hbm>>
      %dma_start3A_62 = tpu.memref_squeeze %dma_start3A_61 : memref<1x4x128xi32, #tpu.memory_space<hbm>> -> memref<4x128xi32, #tpu.memory_space<hbm>>
      %dma_start3A_63 = arith.constant 0 : i32
      %dma_start3A_64 = arith.constant 0 : i32
      %dma_start3A_65 = tpu.memref_slice %arg3[%add3A, %dma_start3A_63, %dma_start3A_64] : memref<32x80x128xi32, #tpu.memory_space<hbm>> -> memref<1x4x128xi32, #tpu.memory_space<hbm>>
      %dma_start3A_66 = tpu.memref_squeeze %dma_start3A_65 : memref<1x4x128xi32, #tpu.memory_space<hbm>> -> memref<4x128xi32, #tpu.memory_space<hbm>>
      tpu.enqueue_dma source(%dma_start3A_66 : memref<4x128xi32, #tpu.memory_space<hbm>>) target(%arg7 : memref<4x128xi32, #tpu.memory_space<vmem>>) target_semaphore(%run_scoped3A : memref<!tpu.dma_semaphore, #tpu.memory_space<semaphore_mem>>)
      %dma_wait3A_67 = arith.constant 0 : i32
      %dma_wait3A_68 = arith.constant 0 : i32
      %dma_wait3A_69 = tpu.memref_slice %arg3[%add3A, %dma_wait3A_67, %dma_wait3A_68] : memref<32x80x128xi32, #tpu.memory_space<hbm>> -> memref<1x4x128xi32, #tpu.memory_space<hbm>>
      %dma_wait3A_70 = tpu.memref_squeeze %dma_wait3A_69 : memref<1x4x128xi32, #tpu.memory_space<hbm>> -> memref<4x128xi32, #tpu.memory_space<hbm>>
      %dma_wait3A_71 = arith.constant 0 : i32
      %dma_wait3A_72 = arith.constant 0 : i32
      %dma_wait3A_73 = tpu.memref_slice %arg3[%add3A, %dma_wait3A_71, %dma_wait3A_72] : memref<32x80x128xi32, #tpu.memory_space<hbm>> -> memref<1x4x128xi32, #tpu.memory_space<hbm>>
      %dma_wait3A_74 = tpu.memref_squeeze %dma_wait3A_73 : memref<1x4x128xi32, #tpu.memory_space<hbm>> -> memref<4x128xi32, #tpu.memory_space<hbm>>
      tpu.wait_dma2 semaphore(%run_scoped3A : memref<!tpu.dma_semaphore, #tpu.memory_space<semaphore_mem>>) src(%dma_wait3A_74 : memref<4x128xi32, #tpu.memory_space<hbm>>) dst(%arg7 : memref<4x128xi32, #tpu.memory_space<vmem>>)
      tpu.yield
    }) : () -> ()
    "tpu.region"() ({
      %run_scoped3A = tpu.sem_alloc : memref<!tpu.dma_semaphore, #tpu.memory_space<semaphore_mem>>
      %dma_start3A_59 = arith.constant 0 : i32
      %dma_start3A_60 = arith.constant 0 : i32
      %dma_start3A_61 = tpu.memref_slice %arg4[%add3A, %dma_start3A_59, %dma_start3A_60] : memref<32x80x128xi32, #tpu.memory_space<hbm>> -> memref<1x4x128xi32, #tpu.memory_space<hbm>>
      %dma_start3A_62 = tpu.memref_squeeze %dma_start3A_61 : memref<1x4x128xi32, #tpu.memory_space<hbm>> -> memref<4x128xi32, #tpu.memory_space<hbm>>
      %dma_start3A_63 = arith.constant 0 : i32
      %dma_start3A_64 = arith.constant 0 : i32
      %dma_start3A_65 = tpu.memref_slice %arg4[%add3A, %dma_start3A_63, %dma_start3A_64] : memref<32x80x128xi32, #tpu.memory_space<hbm>> -> memref<1x4x128xi32, #tpu.memory_space<hbm>>
      %dma_start3A_66 = tpu.memref_squeeze %dma_start3A_65 : memref<1x4x128xi32, #tpu.memory_space<hbm>> -> memref<4x128xi32, #tpu.memory_space<hbm>>
      tpu.enqueue_dma source(%dma_start3A_66 : memref<4x128xi32, #tpu.memory_space<hbm>>) target(%arg9 : memref<4x128xi32, #tpu.memory_space<vmem>>) target_semaphore(%run_scoped3A : memref<!tpu.dma_semaphore, #tpu.memory_space<semaphore_mem>>)
      %dma_wait3A_67 = arith.constant 0 : i32
      %dma_wait3A_68 = arith.constant 0 : i32
      %dma_wait3A_69 = tpu.memref_slice %arg4[%add3A, %dma_wait3A_67, %dma_wait3A_68] : memref<32x80x128xi32, #tpu.memory_space<hbm>> -> memref<1x4x128xi32, #tpu.memory_space<hbm>>
      %dma_wait3A_70 = tpu.memref_squeeze %dma_wait3A_69 : memref<1x4x128xi32, #tpu.memory_space<hbm>> -> memref<4x128xi32, #tpu.memory_space<hbm>>
      %dma_wait3A_71 = arith.constant 0 : i32
      %dma_wait3A_72 = arith.constant 0 : i32
      %dma_wait3A_73 = tpu.memref_slice %arg4[%add3A, %dma_wait3A_71, %dma_wait3A_72] : memref<32x80x128xi32, #tpu.memory_space<hbm>> -> memref<1x4x128xi32, #tpu.memory_space<hbm>>
      %dma_wait3A_74 = tpu.memref_squeeze %dma_wait3A_73 : memref<1x4x128xi32, #tpu.memory_space<hbm>> -> memref<4x128xi32, #tpu.memory_space<hbm>>
      tpu.wait_dma2 semaphore(%run_scoped3A : memref<!tpu.dma_semaphore, #tpu.memory_space<semaphore_mem>>) src(%dma_wait3A_74 : memref<4x128xi32, #tpu.memory_space<hbm>>) dst(%arg9 : memref<4x128xi32, #tpu.memory_space<vmem>>)
      tpu.yield
    }) : () -> ()
    %dma_start3A = arith.constant 4 : i32
    %dma_start3A_5 = arith.constant 0 : i32
    %dma_start3A_6 = tpu.memref_slice %arg3[%add3A, %dma_start3A, %dma_start3A_5] : memref<32x80x128xi32, #tpu.memory_space<hbm>> -> memref<1x4x128xi32, #tpu.memory_space<hbm>>
    %dma_start3A_7 = tpu.memref_squeeze %dma_start3A_6 : memref<1x4x128xi32, #tpu.memory_space<hbm>> -> memref<4x128xi32, #tpu.memory_space<hbm>>
    %dma_start3A_8 = arith.constant 4 : i32
    %dma_start3A_9 = arith.constant 0 : i32
    %dma_start3A_10 = tpu.memref_slice %arg3[%add3A, %dma_start3A_8, %dma_start3A_9] : memref<32x80x128xi32, #tpu.memory_space<hbm>> -> memref<1x4x128xi32, #tpu.memory_space<hbm>>
    %dma_start3A_11 = tpu.memref_squeeze %dma_start3A_10 : memref<1x4x128xi32, #tpu.memory_space<hbm>> -> memref<4x128xi32, #tpu.memory_space<hbm>>
    tpu.enqueue_dma source(%dma_start3A_11 : memref<4x128xi32, #tpu.memory_space<hbm>>) target(%arg8 : memref<4x128xi32, #tpu.memory_space<vmem>>) target_semaphore(%arg17 : memref<!tpu.dma_semaphore, #tpu.memory_space<semaphore_mem>>)
    %dma_start3A_12 = arith.constant 4 : i32
    %dma_start3A_13 = arith.constant 0 : i32
    %dma_start3A_14 = tpu.memref_slice %arg4[%add3A, %dma_start3A_12, %dma_start3A_13] : memref<32x80x128xi32, #tpu.memory_space<hbm>> -> memref<1x4x128xi32, #tpu.memory_space<hbm>>
    %dma_start3A_15 = tpu.memref_squeeze %dma_start3A_14 : memref<1x4x128xi32, #tpu.memory_space<hbm>> -> memref<4x128xi32, #tpu.memory_space<hbm>>
    %dma_start3A_16 = arith.constant 4 : i32
    %dma_start3A_17 = arith.constant 0 : i32
    %dma_start3A_18 = tpu.memref_slice %arg4[%add3A, %dma_start3A_16, %dma_start3A_17] : memref<32x80x128xi32, #tpu.memory_space<hbm>> -> memref<1x4x128xi32, #tpu.memory_space<hbm>>
    %dma_start3A_19 = tpu.memref_squeeze %dma_start3A_18 : memref<1x4x128xi32, #tpu.memory_space<hbm>> -> memref<4x128xi32, #tpu.memory_space<hbm>>
    tpu.enqueue_dma source(%dma_start3A_19 : memref<4x128xi32, #tpu.memory_space<hbm>>) target(%arg10 : memref<4x128xi32, #tpu.memory_space<vmem>>) target_semaphore(%arg17 : memref<!tpu.dma_semaphore, #tpu.memory_space<semaphore_mem>>)
    %dma_start3A_20 = arith.constant 0 : i32
    %dma_start3A_21 = arith.constant 0 : i32
    %dma_start3A_22 = tpu.memref_slice %arg7[%dma_start3A_20, %dma_start3A_21] : memref<4x128xi32, #tpu.memory_space<vmem>> -> memref<1x128xi32, #tpu.memory_space<vmem>>
    %dma_start3A_23 = tpu.memref_squeeze %dma_start3A_22 : memref<1x128xi32, #tpu.memory_space<vmem>> -> memref<128xi32, #tpu.memory_space<vmem>>
    %dma_start3A_24 = arith.constant 0 : i32
    %dma_start3A_25 = arith.constant 0 : i32
    %dma_start3A_26 = tpu.memref_slice %arg2[%dma_start3A_24, %dma_start3A_25] : memref<10240x128xf32, #tpu.memory_space<hbm>> -> memref<10240x128xf32, #tpu.memory_space<hbm>>
    tpu.enqueue_indirect_dma source(%dma_start3A_26 : memref<10240x128xf32, #tpu.memory_space<hbm>>) target(%arg11 : memref<128x128xf32, #tpu.memory_space<vmem>>) offsets(%dma_start3A_23 : memref<128xi32, #tpu.memory_space<vmem>>) semaphore(%arg14 : memref<!tpu.dma_semaphore, #tpu.memory_space<semaphore_mem>>)
    %barrier3A = arith.constant 0 : index
    tpu.barrier barrier_id(%barrier3A)
    %scan3A = arith.constant 0 : i32
    %scan3A_27 = arith.constant 0 : i32
    %scan3A_28 = arith.constant 10 : i32
    %scan3A_29 = arith.addi %scan3A_27, %scan3A_28 : i32
    %scan3A_30 = arith.constant 1 : i32
    scf.for %scan3A_59 = %scan3A_27 to %scan3A_29 step %scan3A_30  : i32 {
      %dma_start3A_60 = arith.constant 1 : i32
      %dma_start3A_61 = arith.constant 0 : i32
      %dma_start3A_62 = tpu.memref_slice %arg7[%dma_start3A_60, %dma_start3A_61] : memref<4x128xi32, #tpu.memory_space<vmem>> -> memref<1x128xi32, #tpu.memory_space<vmem>>
      %dma_start3A_63 = tpu.memref_squeeze %dma_start3A_62 : memref<1x128xi32, #tpu.memory_space<vmem>> -> memref<128xi32, #tpu.memory_space<vmem>>
      %dma_start3A_64 = arith.constant 0 : i32
      %dma_start3A_65 = arith.constant 0 : i32
      %dma_start3A_66 = tpu.memref_slice %arg2[%dma_start3A_64, %dma_start3A_65] : memref<10240x128xf32, #tpu.memory_space<hbm>> -> memref<10240x128xf32, #tpu.memory_space<hbm>>
      tpu.enqueue_indirect_dma source(%dma_start3A_66 : memref<10240x128xf32, #tpu.memory_space<hbm>>) target(%arg12 : memref<128x128xf32, #tpu.memory_space<vmem>>) offsets(%dma_start3A_63 : memref<128xi32, #tpu.memory_space<vmem>>) semaphore(%arg15 : memref<!tpu.dma_semaphore, #tpu.memory_space<semaphore_mem>>)
      %dma_wait3A_67 = arith.constant 0 : i32
      %dma_wait3A_68 = arith.constant 0 : i32
      %dma_wait3A_69 = tpu.memref_slice %arg7[%dma_wait3A_67, %dma_wait3A_68] : memref<4x128xi32, #tpu.memory_space<vmem>> -> memref<1x128xi32, #tpu.memory_space<vmem>>
      %dma_wait3A_70 = tpu.memref_squeeze %dma_wait3A_69 : memref<1x128xi32, #tpu.memory_space<vmem>> -> memref<128xi32, #tpu.memory_space<vmem>>
      %dma_wait3A_71 = arith.constant 0 : i32
      %dma_wait3A_72 = arith.constant 0 : i32
      %dma_wait3A_73 = tpu.memref_slice %arg2[%dma_wait3A_71, %dma_wait3A_72] : memref<10240x128xf32, #tpu.memory_space<hbm>> -> memref<10240x128xf32, #tpu.memory_space<hbm>>
      tpu.wait_indirect_dma semaphore(%arg14 : memref<!tpu.dma_semaphore, #tpu.memory_space<semaphore_mem>>) src(%dma_wait3A_73 : memref<10240x128xf32, #tpu.memory_space<hbm>>) dst(%arg11 : memref<128x128xf32, #tpu.memory_space<vmem>>)
      %run_scoped3A = arith.constant 0 : i32
      "tpu.region"() ({
        %run_scoped3A_256 = tpu.sem_alloc : memref<!tpu.dma_semaphore, #tpu.memory_space<semaphore_mem>>
        %dma_start3A_257 = arith.constant 0 : i32
        %dma_start3A_258 = tpu.memref_slice %arg9[%run_scoped3A, %dma_start3A_257] : memref<4x128xi32, #tpu.memory_space<vmem>> -> memref<1x128xi32, #tpu.memory_space<vmem>>
        %dma_start3A_259 = tpu.memref_squeeze %dma_start3A_258 : memref<1x128xi32, #tpu.memory_space<vmem>> -> memref<128xi32, #tpu.memory_space<vmem>>
        %dma_start3A_260 = arith.constant 0 : i32
        %dma_start3A_261 = arith.constant 0 : i32
        %dma_start3A_262 = tpu.memref_slice %arg13[%dma_start3A_260, %dma_start3A_261] : memref<10240x128xf32, #tpu.memory_space<vmem_shared>> -> memref<10240x128xf32, #tpu.memory_space<vmem_shared>>
        tpu.enqueue_indirect_dma source(%arg11 : memref<128x128xf32, #tpu.memory_space<vmem>>) target(%dma_start3A_262 : memref<10240x128xf32, #tpu.memory_space<vmem_shared>>) offsets(%dma_start3A_259 : memref<128xi32, #tpu.memory_space<vmem>>) semaphore(%run_scoped3A_256 : memref<!tpu.dma_semaphore, #tpu.memory_space<semaphore_mem>>) {add = true}
        %dma_wait3A_263 = arith.constant 0 : i32
        %dma_wait3A_264 = tpu.memref_slice %arg9[%run_scoped3A, %dma_wait3A_263] : memref<4x128xi32, #tpu.memory_space<vmem>> -> memref<1x128xi32, #tpu.memory_space<vmem>>
        %dma_wait3A_265 = tpu.memref_squeeze %dma_wait3A_264 : memref<1x128xi32, #tpu.memory_space<vmem>> -> memref<128xi32, #tpu.memory_space<vmem>>
        %dma_wait3A_266 = arith.constant 0 : i32
        %dma_wait3A_267 = arith.constant 0 : i32
        %dma_wait3A_268 = tpu.memref_slice %arg13[%dma_wait3A_266, %dma_wait3A_267] : memref<10240x128xf32, #tpu.memory_space<vmem_shared>> -> memref<10240x128xf32, #tpu.memory_space<vmem_shared>>
        tpu.wait_indirect_dma semaphore(%run_scoped3A_256 : memref<!tpu.dma_semaphore, #tpu.memory_space<semaphore_mem>>) src(%arg11 : memref<128x128xf32, #tpu.memory_space<vmem>>) dst(%dma_wait3A_268 : memref<10240x128xf32, #tpu.memory_space<vmem_shared>>)
        tpu.yield
      }) : () -> ()
      %dma_start3A_74 = arith.constant 2 : i32
      %dma_start3A_75 = arith.constant 0 : i32
      %dma_start3A_76 = tpu.memref_slice %arg7[%dma_start3A_74, %dma_start3A_75] : memref<4x128xi32, #tpu.memory_space<vmem>> -> memref<1x128xi32, #tpu.memory_space<vmem>>
      %dma_start3A_77 = tpu.memref_squeeze %dma_start3A_76 : memref<1x128xi32, #tpu.memory_space<vmem>> -> memref<128xi32, #tpu.memory_space<vmem>>
      %dma_start3A_78 = arith.constant 0 : i32
      %dma_start3A_79 = arith.constant 0 : i32
      %dma_start3A_80 = tpu.memref_slice %arg2[%dma_start3A_78, %dma_start3A_79] : memref<10240x128xf32, #tpu.memory_space<hbm>> -> memref<10240x128xf32, #tpu.memory_space<hbm>>
      tpu.enqueue_indirect_dma source(%dma_start3A_80 : memref<10240x128xf32, #tpu.memory_space<hbm>>) target(%arg11 : memref<128x128xf32, #tpu.memory_space<vmem>>) offsets(%dma_start3A_77 : memref<128xi32, #tpu.memory_space<vmem>>) semaphore(%arg14 : memref<!tpu.dma_semaphore, #tpu.memory_space<semaphore_mem>>)
      %dma_wait3A_81 = arith.constant 1 : i32
      %dma_wait3A_82 = arith.constant 0 : i32
      %dma_wait3A_83 = tpu.memref_slice %arg7[%dma_wait3A_81, %dma_wait3A_82] : memref<4x128xi32, #tpu.memory_space<vmem>> -> memref<1x128xi32, #tpu.memory_space<vmem>>
      %dma_wait3A_84 = tpu.memref_squeeze %dma_wait3A_83 : memref<1x128xi32, #tpu.memory_space<vmem>> -> memref<128xi32, #tpu.memory_space<vmem>>
      %dma_wait3A_85 = arith.constant 0 : i32
      %dma_wait3A_86 = arith.constant 0 : i32
      %dma_wait3A_87 = tpu.memref_slice %arg2[%dma_wait3A_85, %dma_wait3A_86] : memref<10240x128xf32, #tpu.memory_space<hbm>> -> memref<10240x128xf32, #tpu.memory_space<hbm>>
      tpu.wait_indirect_dma semaphore(%arg15 : memref<!tpu.dma_semaphore, #tpu.memory_space<semaphore_mem>>) src(%dma_wait3A_87 : memref<10240x128xf32, #tpu.memory_space<hbm>>) dst(%arg12 : memref<128x128xf32, #tpu.memory_space<vmem>>)
      %run_scoped3A_88 = arith.constant 1 : i32
      "tpu.region"() ({
        %run_scoped3A_256 = tpu.sem_alloc : memref<!tpu.dma_semaphore, #tpu.memory_space<semaphore_mem>>
        %dma_start3A_257 = arith.constant 0 : i32
        %dma_start3A_258 = tpu.memref_slice %arg9[%run_scoped3A_88, %dma_start3A_257] : memref<4x128xi32, #tpu.memory_space<vmem>> -> memref<1x128xi32, #tpu.memory_space<vmem>>
        %dma_start3A_259 = tpu.memref_squeeze %dma_start3A_258 : memref<1x128xi32, #tpu.memory_space<vmem>> -> memref<128xi32, #tpu.memory_space<vmem>>
        %dma_start3A_260 = arith.constant 0 : i32
        %dma_start3A_261 = arith.constant 0 : i32
        %dma_start3A_262 = tpu.memref_slice %arg13[%dma_start3A_260, %dma_start3A_261] : memref<10240x128xf32, #tpu.memory_space<vmem_shared>> -> memref<10240x128xf32, #tpu.memory_space<vmem_shared>>
        tpu.enqueue_indirect_dma source(%arg12 : memref<128x128xf32, #tpu.memory_space<vmem>>) target(%dma_start3A_262 : memref<10240x128xf32, #tpu.memory_space<vmem_shared>>) offsets(%dma_start3A_259 : memref<128xi32, #tpu.memory_space<vmem>>) semaphore(%run_scoped3A_256 : memref<!tpu.dma_semaphore, #tpu.memory_space<semaphore_mem>>) {add = true}
        %dma_wait3A_263 = arith.constant 0 : i32
        %dma_wait3A_264 = tpu.memref_slice %arg9[%run_scoped3A_88, %dma_wait3A_263] : memref<4x128xi32, #tpu.memory_space<vmem>> -> memref<1x128xi32, #tpu.memory_space<vmem>>
        %dma_wait3A_265 = tpu.memref_squeeze %dma_wait3A_264 : memref<1x128xi32, #tpu.memory_space<vmem>> -> memref<128xi32, #tpu.memory_space<vmem>>
        %dma_wait3A_266 = arith.constant 0 : i32
        %dma_wait3A_267 = arith.constant 0 : i32
        %dma_wait3A_268 = tpu.memref_slice %arg13[%dma_wait3A_266, %dma_wait3A_267] : memref<10240x128xf32, #tpu.memory_space<vmem_shared>> -> memref<10240x128xf32, #tpu.memory_space<vmem_shared>>
        tpu.wait_indirect_dma semaphore(%run_scoped3A_256 : memref<!tpu.dma_semaphore, #tpu.memory_space<semaphore_mem>>) src(%arg12 : memref<128x128xf32, #tpu.memory_space<vmem>>) dst(%dma_wait3A_268 : memref<10240x128xf32, #tpu.memory_space<vmem_shared>>)
        tpu.yield
      }) : () -> ()
      %dma_start3A_89 = arith.constant 3 : i32
      %dma_start3A_90 = arith.constant 0 : i32
      %dma_start3A_91 = tpu.memref_slice %arg7[%dma_start3A_89, %dma_start3A_90] : memref<4x128xi32, #tpu.memory_space<vmem>> -> memref<1x128xi32, #tpu.memory_space<vmem>>
      %dma_start3A_92 = tpu.memref_squeeze %dma_start3A_91 : memref<1x128xi32, #tpu.memory_space<vmem>> -> memref<128xi32, #tpu.memory_space<vmem>>
      %dma_start3A_93 = arith.constant 0 : i32
      %dma_start3A_94 = arith.constant 0 : i32
      %dma_start3A_95 = tpu.memref_slice %arg2[%dma_start3A_93, %dma_start3A_94] : memref<10240x128xf32, #tpu.memory_space<hbm>> -> memref<10240x128xf32, #tpu.memory_space<hbm>>
      tpu.enqueue_indirect_dma source(%dma_start3A_95 : memref<10240x128xf32, #tpu.memory_space<hbm>>) target(%arg12 : memref<128x128xf32, #tpu.memory_space<vmem>>) offsets(%dma_start3A_92 : memref<128xi32, #tpu.memory_space<vmem>>) semaphore(%arg15 : memref<!tpu.dma_semaphore, #tpu.memory_space<semaphore_mem>>)
      %dma_wait3A_96 = arith.constant 2 : i32
      %dma_wait3A_97 = arith.constant 0 : i32
      %dma_wait3A_98 = tpu.memref_slice %arg7[%dma_wait3A_96, %dma_wait3A_97] : memref<4x128xi32, #tpu.memory_space<vmem>> -> memref<1x128xi32, #tpu.memory_space<vmem>>
      %dma_wait3A_99 = tpu.memref_squeeze %dma_wait3A_98 : memref<1x128xi32, #tpu.memory_space<vmem>> -> memref<128xi32, #tpu.memory_space<vmem>>
      %dma_wait3A_100 = arith.constant 0 : i32
      %dma_wait3A_101 = arith.constant 0 : i32
      %dma_wait3A_102 = tpu.memref_slice %arg2[%dma_wait3A_100, %dma_wait3A_101] : memref<10240x128xf32, #tpu.memory_space<hbm>> -> memref<10240x128xf32, #tpu.memory_space<hbm>>
      tpu.wait_indirect_dma semaphore(%arg14 : memref<!tpu.dma_semaphore, #tpu.memory_space<semaphore_mem>>) src(%dma_wait3A_102 : memref<10240x128xf32, #tpu.memory_space<hbm>>) dst(%arg11 : memref<128x128xf32, #tpu.memory_space<vmem>>)
      %run_scoped3A_103 = arith.constant 2 : i32
      "tpu.region"() ({
        %run_scoped3A_256 = tpu.sem_alloc : memref<!tpu.dma_semaphore, #tpu.memory_space<semaphore_mem>>
        %dma_start3A_257 = arith.constant 0 : i32
        %dma_start3A_258 = tpu.memref_slice %arg9[%run_scoped3A_103, %dma_start3A_257] : memref<4x128xi32, #tpu.memory_space<vmem>> -> memref<1x128xi32, #tpu.memory_space<vmem>>
        %dma_start3A_259 = tpu.memref_squeeze %dma_start3A_258 : memref<1x128xi32, #tpu.memory_space<vmem>> -> memref<128xi32, #tpu.memory_space<vmem>>
        %dma_start3A_260 = arith.constant 0 : i32
        %dma_start3A_261 = arith.constant 0 : i32
        %dma_start3A_262 = tpu.memref_slice %arg13[%dma_start3A_260, %dma_start3A_261] : memref<10240x128xf32, #tpu.memory_space<vmem_shared>> -> memref<10240x128xf32, #tpu.memory_space<vmem_shared>>
        tpu.enqueue_indirect_dma source(%arg11 : memref<128x128xf32, #tpu.memory_space<vmem>>) target(%dma_start3A_262 : memref<10240x128xf32, #tpu.memory_space<vmem_shared>>) offsets(%dma_start3A_259 : memref<128xi32, #tpu.memory_space<vmem>>) semaphore(%run_scoped3A_256 : memref<!tpu.dma_semaphore, #tpu.memory_space<semaphore_mem>>) {add = true}
        %dma_wait3A_263 = arith.constant 0 : i32
        %dma_wait3A_264 = tpu.memref_slice %arg9[%run_scoped3A_103, %dma_wait3A_263] : memref<4x128xi32, #tpu.memory_space<vmem>> -> memref<1x128xi32, #tpu.memory_space<vmem>>
        %dma_wait3A_265 = tpu.memref_squeeze %dma_wait3A_264 : memref<1x128xi32, #tpu.memory_space<vmem>> -> memref<128xi32, #tpu.memory_space<vmem>>
        %dma_wait3A_266 = arith.constant 0 : i32
        %dma_wait3A_267 = arith.constant 0 : i32
        %dma_wait3A_268 = tpu.memref_slice %arg13[%dma_wait3A_266, %dma_wait3A_267] : memref<10240x128xf32, #tpu.memory_space<vmem_shared>> -> memref<10240x128xf32, #tpu.memory_space<vmem_shared>>
        tpu.wait_indirect_dma semaphore(%run_scoped3A_256 : memref<!tpu.dma_semaphore, #tpu.memory_space<semaphore_mem>>) src(%arg11 : memref<128x128xf32, #tpu.memory_space<vmem>>) dst(%dma_wait3A_268 : memref<10240x128xf32, #tpu.memory_space<vmem_shared>>)
        tpu.yield
      }) : () -> ()
      %dma_wait3A_104 = arith.constant 0 : i32
      %dma_wait3A_105 = arith.constant 0 : i32
      %dma_wait3A_106 = tpu.memref_slice %arg3[%add3A, %dma_wait3A_104, %dma_wait3A_105] : memref<32x80x128xi32, #tpu.memory_space<hbm>> -> memref<1x4x128xi32, #tpu.memory_space<hbm>>
      %dma_wait3A_107 = tpu.memref_squeeze %dma_wait3A_106 : memref<1x4x128xi32, #tpu.memory_space<hbm>> -> memref<4x128xi32, #tpu.memory_space<hbm>>
      %dma_wait3A_108 = arith.constant 0 : i32
      %dma_wait3A_109 = arith.constant 0 : i32
      %dma_wait3A_110 = tpu.memref_slice %arg3[%add3A, %dma_wait3A_108, %dma_wait3A_109] : memref<32x80x128xi32, #tpu.memory_space<hbm>> -> memref<1x4x128xi32, #tpu.memory_space<hbm>>
      %dma_wait3A_111 = tpu.memref_squeeze %dma_wait3A_110 : memref<1x4x128xi32, #tpu.memory_space<hbm>> -> memref<4x128xi32, #tpu.memory_space<hbm>>
      tpu.wait_dma2 semaphore(%arg17 : memref<!tpu.dma_semaphore, #tpu.memory_space<semaphore_mem>>) src(%dma_wait3A_111 : memref<4x128xi32, #tpu.memory_space<hbm>>) dst(%arg8 : memref<4x128xi32, #tpu.memory_space<vmem>>)
      %dma_wait3A_112 = arith.constant 0 : i32
      %dma_wait3A_113 = arith.constant 0 : i32
      %dma_wait3A_114 = tpu.memref_slice %arg4[%add3A, %dma_wait3A_112, %dma_wait3A_113] : memref<32x80x128xi32, #tpu.memory_space<hbm>> -> memref<1x4x128xi32, #tpu.memory_space<hbm>>
      %dma_wait3A_115 = tpu.memref_squeeze %dma_wait3A_114 : memref<1x4x128xi32, #tpu.memory_space<hbm>> -> memref<4x128xi32, #tpu.memory_space<hbm>>
      %dma_wait3A_116 = arith.constant 0 : i32
      %dma_wait3A_117 = arith.constant 0 : i32
      %dma_wait3A_118 = tpu.memref_slice %arg4[%add3A, %dma_wait3A_116, %dma_wait3A_117] : memref<32x80x128xi32, #tpu.memory_space<hbm>> -> memref<1x4x128xi32, #tpu.memory_space<hbm>>
      %dma_wait3A_119 = tpu.memref_squeeze %dma_wait3A_118 : memref<1x4x128xi32, #tpu.memory_space<hbm>> -> memref<4x128xi32, #tpu.memory_space<hbm>>
      tpu.wait_dma2 semaphore(%arg17 : memref<!tpu.dma_semaphore, #tpu.memory_space<semaphore_mem>>) src(%dma_wait3A_119 : memref<4x128xi32, #tpu.memory_space<hbm>>) dst(%arg10 : memref<4x128xi32, #tpu.memory_space<vmem>>)
      %dma_start3A_120 = arith.constant 0 : i32
      %dma_start3A_121 = arith.constant 0 : i32
      %dma_start3A_122 = tpu.memref_slice %arg8[%dma_start3A_120, %dma_start3A_121] : memref<4x128xi32, #tpu.memory_space<vmem>> -> memref<1x128xi32, #tpu.memory_space<vmem>>
      %dma_start3A_123 = tpu.memref_squeeze %dma_start3A_122 : memref<1x128xi32, #tpu.memory_space<vmem>> -> memref<128xi32, #tpu.memory_space<vmem>>
      %dma_start3A_124 = arith.constant 0 : i32
      %dma_start3A_125 = arith.constant 0 : i32
      %dma_start3A_126 = tpu.memref_slice %arg2[%dma_start3A_124, %dma_start3A_125] : memref<10240x128xf32, #tpu.memory_space<hbm>> -> memref<10240x128xf32, #tpu.memory_space<hbm>>
      tpu.enqueue_indirect_dma source(%dma_start3A_126 : memref<10240x128xf32, #tpu.memory_space<hbm>>) target(%arg11 : memref<128x128xf32, #tpu.memory_space<vmem>>) offsets(%dma_start3A_123 : memref<128xi32, #tpu.memory_space<vmem>>) semaphore(%arg14 : memref<!tpu.dma_semaphore, #tpu.memory_space<semaphore_mem>>)
      %dma_wait3A_127 = arith.constant 3 : i32
      %dma_wait3A_128 = arith.constant 0 : i32
      %dma_wait3A_129 = tpu.memref_slice %arg7[%dma_wait3A_127, %dma_wait3A_128] : memref<4x128xi32, #tpu.memory_space<vmem>> -> memref<1x128xi32, #tpu.memory_space<vmem>>
      %dma_wait3A_130 = tpu.memref_squeeze %dma_wait3A_129 : memref<1x128xi32, #tpu.memory_space<vmem>> -> memref<128xi32, #tpu.memory_space<vmem>>
      %dma_wait3A_131 = arith.constant 0 : i32
      %dma_wait3A_132 = arith.constant 0 : i32
      %dma_wait3A_133 = tpu.memref_slice %arg2[%dma_wait3A_131, %dma_wait3A_132] : memref<10240x128xf32, #tpu.memory_space<hbm>> -> memref<10240x128xf32, #tpu.memory_space<hbm>>
      tpu.wait_indirect_dma semaphore(%arg15 : memref<!tpu.dma_semaphore, #tpu.memory_space<semaphore_mem>>) src(%dma_wait3A_133 : memref<10240x128xf32, #tpu.memory_space<hbm>>) dst(%arg12 : memref<128x128xf32, #tpu.memory_space<vmem>>)
      %run_scoped3A_134 = arith.constant 3 : i32
      "tpu.region"() ({
        %run_scoped3A_256 = tpu.sem_alloc : memref<!tpu.dma_semaphore, #tpu.memory_space<semaphore_mem>>
        %dma_start3A_257 = arith.constant 0 : i32
        %dma_start3A_258 = tpu.memref_slice %arg9[%run_scoped3A_134, %dma_start3A_257] : memref<4x128xi32, #tpu.memory_space<vmem>> -> memref<1x128xi32, #tpu.memory_space<vmem>>
        %dma_start3A_259 = tpu.memref_squeeze %dma_start3A_258 : memref<1x128xi32, #tpu.memory_space<vmem>> -> memref<128xi32, #tpu.memory_space<vmem>>
        %dma_start3A_260 = arith.constant 0 : i32
        %dma_start3A_261 = arith.constant 0 : i32
        %dma_start3A_262 = tpu.memref_slice %arg13[%dma_start3A_260, %dma_start3A_261] : memref<10240x128xf32, #tpu.memory_space<vmem_shared>> -> memref<10240x128xf32, #tpu.memory_space<vmem_shared>>
        tpu.enqueue_indirect_dma source(%arg12 : memref<128x128xf32, #tpu.memory_space<vmem>>) target(%dma_start3A_262 : memref<10240x128xf32, #tpu.memory_space<vmem_shared>>) offsets(%dma_start3A_259 : memref<128xi32, #tpu.memory_space<vmem>>) semaphore(%run_scoped3A_256 : memref<!tpu.dma_semaphore, #tpu.memory_space<semaphore_mem>>) {add = true}
        %dma_wait3A_263 = arith.constant 0 : i32
        %dma_wait3A_264 = tpu.memref_slice %arg9[%run_scoped3A_134, %dma_wait3A_263] : memref<4x128xi32, #tpu.memory_space<vmem>> -> memref<1x128xi32, #tpu.memory_space<vmem>>
        %dma_wait3A_265 = tpu.memref_squeeze %dma_wait3A_264 : memref<1x128xi32, #tpu.memory_space<vmem>> -> memref<128xi32, #tpu.memory_space<vmem>>
        %dma_wait3A_266 = arith.constant 0 : i32
        %dma_wait3A_267 = arith.constant 0 : i32
        %dma_wait3A_268 = tpu.memref_slice %arg13[%dma_wait3A_266, %dma_wait3A_267] : memref<10240x128xf32, #tpu.memory_space<vmem_shared>> -> memref<10240x128xf32, #tpu.memory_space<vmem_shared>>
        tpu.wait_indirect_dma semaphore(%run_scoped3A_256 : memref<!tpu.dma_semaphore, #tpu.memory_space<semaphore_mem>>) src(%arg12 : memref<128x128xf32, #tpu.memory_space<vmem>>) dst(%dma_wait3A_268 : memref<10240x128xf32, #tpu.memory_space<vmem_shared>>)
        tpu.yield
      }) : () -> ()
      %lt3A = arith.constant 9 : i32
      %lt3A_135 = arith.cmpi slt, %scan3A_59, %lt3A : i32
      %mul3A_136 = arith.constant 2 : i32
      %mul3A_137 = arith.muli %mul3A_136, %scan3A_59 : i32
      %add3A_138 = arith.constant 2 : i32
      %add3A_139 = arith.addi %mul3A_137, %add3A_138 : i32
      %jit3A = arith.constant 0 : i32
      %select_n3A = arith.select %lt3A_135, %add3A_139, %jit3A : i32
      %mul3A_140 = arith.constant 4 : i32
      %mul3A_141 = arith.muli %select_n3A, %mul3A_140 : i32
      %dma_start3A_142 = arith.constant 0 : i32
      %dma_start3A_143 = tpu.memref_slice %arg3[%add3A, %mul3A_141, %dma_start3A_142] : memref<32x80x128xi32, #tpu.memory_space<hbm>> -> memref<1x4x128xi32, #tpu.memory_space<hbm>>
      %dma_start3A_144 = tpu.memref_squeeze %dma_start3A_143 : memref<1x4x128xi32, #tpu.memory_space<hbm>> -> memref<4x128xi32, #tpu.memory_space<hbm>>
      %dma_start3A_145 = arith.constant 0 : i32
      %dma_start3A_146 = tpu.memref_slice %arg3[%add3A, %mul3A_141, %dma_start3A_145] : memref<32x80x128xi32, #tpu.memory_space<hbm>> -> memref<1x4x128xi32, #tpu.memory_space<hbm>>
      %dma_start3A_147 = tpu.memref_squeeze %dma_start3A_146 : memref<1x4x128xi32, #tpu.memory_space<hbm>> -> memref<4x128xi32, #tpu.memory_space<hbm>>
      tpu.enqueue_dma source(%dma_start3A_147 : memref<4x128xi32, #tpu.memory_space<hbm>>) target(%arg7 : memref<4x128xi32, #tpu.memory_space<vmem>>) target_semaphore(%arg16 : memref<!tpu.dma_semaphore, #tpu.memory_space<semaphore_mem>>)
      %mul3A_148 = arith.constant 4 : i32
      %mul3A_149 = arith.muli %select_n3A, %mul3A_148 : i32
      %dma_start3A_150 = arith.constant 0 : i32
      %dma_start3A_151 = tpu.memref_slice %arg4[%add3A, %mul3A_149, %dma_start3A_150] : memref<32x80x128xi32, #tpu.memory_space<hbm>> -> memref<1x4x128xi32, #tpu.memory_space<hbm>>
      %dma_start3A_152 = tpu.memref_squeeze %dma_start3A_151 : memref<1x4x128xi32, #tpu.memory_space<hbm>> -> memref<4x128xi32, #tpu.memory_space<hbm>>
      %dma_start3A_153 = arith.constant 0 : i32
      %dma_start3A_154 = tpu.memref_slice %arg4[%add3A, %mul3A_149, %dma_start3A_153] : memref<32x80x128xi32, #tpu.memory_space<hbm>> -> memref<1x4x128xi32, #tpu.memory_space<hbm>>
      %dma_start3A_155 = tpu.memref_squeeze %dma_start3A_154 : memref<1x4x128xi32, #tpu.memory_space<hbm>> -> memref<4x128xi32, #tpu.memory_space<hbm>>
      tpu.enqueue_dma source(%dma_start3A_155 : memref<4x128xi32, #tpu.memory_space<hbm>>) target(%arg9 : memref<4x128xi32, #tpu.memory_space<vmem>>) target_semaphore(%arg16 : memref<!tpu.dma_semaphore, #tpu.memory_space<semaphore_mem>>)
      %dma_start3A_156 = arith.constant 1 : i32
      %dma_start3A_157 = arith.constant 0 : i32
      %dma_start3A_158 = tpu.memref_slice %arg8[%dma_start3A_156, %dma_start3A_157] : memref<4x128xi32, #tpu.memory_space<vmem>> -> memref<1x128xi32, #tpu.memory_space<vmem>>
      %dma_start3A_159 = tpu.memref_squeeze %dma_start3A_158 : memref<1x128xi32, #tpu.memory_space<vmem>> -> memref<128xi32, #tpu.memory_space<vmem>>
      %dma_start3A_160 = arith.constant 0 : i32
      %dma_start3A_161 = arith.constant 0 : i32
      %dma_start3A_162 = tpu.memref_slice %arg2[%dma_start3A_160, %dma_start3A_161] : memref<10240x128xf32, #tpu.memory_space<hbm>> -> memref<10240x128xf32, #tpu.memory_space<hbm>>
      tpu.enqueue_indirect_dma source(%dma_start3A_162 : memref<10240x128xf32, #tpu.memory_space<hbm>>) target(%arg12 : memref<128x128xf32, #tpu.memory_space<vmem>>) offsets(%dma_start3A_159 : memref<128xi32, #tpu.memory_space<vmem>>) semaphore(%arg15 : memref<!tpu.dma_semaphore, #tpu.memory_space<semaphore_mem>>)
      %dma_wait3A_163 = arith.constant 0 : i32
      %dma_wait3A_164 = arith.constant 0 : i32
      %dma_wait3A_165 = tpu.memref_slice %arg8[%dma_wait3A_163, %dma_wait3A_164] : memref<4x128xi32, #tpu.memory_space<vmem>> -> memref<1x128xi32, #tpu.memory_space<vmem>>
      %dma_wait3A_166 = tpu.memref_squeeze %dma_wait3A_165 : memref<1x128xi32, #tpu.memory_space<vmem>> -> memref<128xi32, #tpu.memory_space<vmem>>
      %dma_wait3A_167 = arith.constant 0 : i32
      %dma_wait3A_168 = arith.constant 0 : i32
      %dma_wait3A_169 = tpu.memref_slice %arg2[%dma_wait3A_167, %dma_wait3A_168] : memref<10240x128xf32, #tpu.memory_space<hbm>> -> memref<10240x128xf32, #tpu.memory_space<hbm>>
      tpu.wait_indirect_dma semaphore(%arg14 : memref<!tpu.dma_semaphore, #tpu.memory_space<semaphore_mem>>) src(%dma_wait3A_169 : memref<10240x128xf32, #tpu.memory_space<hbm>>) dst(%arg11 : memref<128x128xf32, #tpu.memory_space<vmem>>)
      %run_scoped3A_170 = arith.constant 0 : i32
      "tpu.region"() ({
        %run_scoped3A_256 = tpu.sem_alloc : memref<!tpu.dma_semaphore, #tpu.memory_space<semaphore_mem>>
        %dma_start3A_257 = arith.constant 0 : i32
        %dma_start3A_258 = tpu.memref_slice %arg10[%run_scoped3A_170, %dma_start3A_257] : memref<4x128xi32, #tpu.memory_space<vmem>> -> memref<1x128xi32, #tpu.memory_space<vmem>>
        %dma_start3A_259 = tpu.memref_squeeze %dma_start3A_258 : memref<1x128xi32, #tpu.memory_space<vmem>> -> memref<128xi32, #tpu.memory_space<vmem>>
        %dma_start3A_260 = arith.constant 0 : i32
        %dma_start3A_261 = arith.constant 0 : i32
        %dma_start3A_262 = tpu.memref_slice %arg13[%dma_start3A_260, %dma_start3A_261] : memref<10240x128xf32, #tpu.memory_space<vmem_shared>> -> memref<10240x128xf32, #tpu.memory_space<vmem_shared>>
        tpu.enqueue_indirect_dma source(%arg11 : memref<128x128xf32, #tpu.memory_space<vmem>>) target(%dma_start3A_262 : memref<10240x128xf32, #tpu.memory_space<vmem_shared>>) offsets(%dma_start3A_259 : memref<128xi32, #tpu.memory_space<vmem>>) semaphore(%run_scoped3A_256 : memref<!tpu.dma_semaphore, #tpu.memory_space<semaphore_mem>>) {add = true}
        %dma_wait3A_263 = arith.constant 0 : i32
        %dma_wait3A_264 = tpu.memref_slice %arg10[%run_scoped3A_170, %dma_wait3A_263] : memref<4x128xi32, #tpu.memory_space<vmem>> -> memref<1x128xi32, #tpu.memory_space<vmem>>
        %dma_wait3A_265 = tpu.memref_squeeze %dma_wait3A_264 : memref<1x128xi32, #tpu.memory_space<vmem>> -> memref<128xi32, #tpu.memory_space<vmem>>
        %dma_wait3A_266 = arith.constant 0 : i32
        %dma_wait3A_267 = arith.constant 0 : i32
        %dma_wait3A_268 = tpu.memref_slice %arg13[%dma_wait3A_266, %dma_wait3A_267] : memref<10240x128xf32, #tpu.memory_space<vmem_shared>> -> memref<10240x128xf32, #tpu.memory_space<vmem_shared>>
        tpu.wait_indirect_dma semaphore(%run_scoped3A_256 : memref<!tpu.dma_semaphore, #tpu.memory_space<semaphore_mem>>) src(%arg11 : memref<128x128xf32, #tpu.memory_space<vmem>>) dst(%dma_wait3A_268 : memref<10240x128xf32, #tpu.memory_space<vmem_shared>>)
        tpu.yield
      }) : () -> ()
      %dma_start3A_171 = arith.constant 2 : i32
      %dma_start3A_172 = arith.constant 0 : i32
      %dma_start3A_173 = tpu.memref_slice %arg8[%dma_start3A_171, %dma_start3A_172] : memref<4x128xi32, #tpu.memory_space<vmem>> -> memref<1x128xi32, #tpu.memory_space<vmem>>
      %dma_start3A_174 = tpu.memref_squeeze %dma_start3A_173 : memref<1x128xi32, #tpu.memory_space<vmem>> -> memref<128xi32, #tpu.memory_space<vmem>>
      %dma_start3A_175 = arith.constant 0 : i32
      %dma_start3A_176 = arith.constant 0 : i32
      %dma_start3A_177 = tpu.memref_slice %arg2[%dma_start3A_175, %dma_start3A_176] : memref<10240x128xf32, #tpu.memory_space<hbm>> -> memref<10240x128xf32, #tpu.memory_space<hbm>>
      tpu.enqueue_indirect_dma source(%dma_start3A_177 : memref<10240x128xf32, #tpu.memory_space<hbm>>) target(%arg11 : memref<128x128xf32, #tpu.memory_space<vmem>>) offsets(%dma_start3A_174 : memref<128xi32, #tpu.memory_space<vmem>>) semaphore(%arg14 : memref<!tpu.dma_semaphore, #tpu.memory_space<semaphore_mem>>)
      %dma_wait3A_178 = arith.constant 1 : i32
      %dma_wait3A_179 = arith.constant 0 : i32
      %dma_wait3A_180 = tpu.memref_slice %arg8[%dma_wait3A_178, %dma_wait3A_179] : memref<4x128xi32, #tpu.memory_space<vmem>> -> memref<1x128xi32, #tpu.memory_space<vmem>>
      %dma_wait3A_181 = tpu.memref_squeeze %dma_wait3A_180 : memref<1x128xi32, #tpu.memory_space<vmem>> -> memref<128xi32, #tpu.memory_space<vmem>>
      %dma_wait3A_182 = arith.constant 0 : i32
      %dma_wait3A_183 = arith.constant 0 : i32
      %dma_wait3A_184 = tpu.memref_slice %arg2[%dma_wait3A_182, %dma_wait3A_183] : memref<10240x128xf32, #tpu.memory_space<hbm>> -> memref<10240x128xf32, #tpu.memory_space<hbm>>
      tpu.wait_indirect_dma semaphore(%arg15 : memref<!tpu.dma_semaphore, #tpu.memory_space<semaphore_mem>>) src(%dma_wait3A_184 : memref<10240x128xf32, #tpu.memory_space<hbm>>) dst(%arg12 : memref<128x128xf32, #tpu.memory_space<vmem>>)
      %run_scoped3A_185 = arith.constant 1 : i32
      "tpu.region"() ({
        %run_scoped3A_256 = tpu.sem_alloc : memref<!tpu.dma_semaphore, #tpu.memory_space<semaphore_mem>>
        %dma_start3A_257 = arith.constant 0 : i32
        %dma_start3A_258 = tpu.memref_slice %arg10[%run_scoped3A_185, %dma_start3A_257] : memref<4x128xi32, #tpu.memory_space<vmem>> -> memref<1x128xi32, #tpu.memory_space<vmem>>
        %dma_start3A_259 = tpu.memref_squeeze %dma_start3A_258 : memref<1x128xi32, #tpu.memory_space<vmem>> -> memref<128xi32, #tpu.memory_space<vmem>>
        %dma_start3A_260 = arith.constant 0 : i32
        %dma_start3A_261 = arith.constant 0 : i32
        %dma_start3A_262 = tpu.memref_slice %arg13[%dma_start3A_260, %dma_start3A_261] : memref<10240x128xf32, #tpu.memory_space<vmem_shared>> -> memref<10240x128xf32, #tpu.memory_space<vmem_shared>>
        tpu.enqueue_indirect_dma source(%arg12 : memref<128x128xf32, #tpu.memory_space<vmem>>) target(%dma_start3A_262 : memref<10240x128xf32, #tpu.memory_space<vmem_shared>>) offsets(%dma_start3A_259 : memref<128xi32, #tpu.memory_space<vmem>>) semaphore(%run_scoped3A_256 : memref<!tpu.dma_semaphore, #tpu.memory_space<semaphore_mem>>) {add = true}
        %dma_wait3A_263 = arith.constant 0 : i32
        %dma_wait3A_264 = tpu.memref_slice %arg10[%run_scoped3A_185, %dma_wait3A_263] : memref<4x128xi32, #tpu.memory_space<vmem>> -> memref<1x128xi32, #tpu.memory_space<vmem>>
        %dma_wait3A_265 = tpu.memref_squeeze %dma_wait3A_264 : memref<1x128xi32, #tpu.memory_space<vmem>> -> memref<128xi32, #tpu.memory_space<vmem>>
        %dma_wait3A_266 = arith.constant 0 : i32
        %dma_wait3A_267 = arith.constant 0 : i32
        %dma_wait3A_268 = tpu.memref_slice %arg13[%dma_wait3A_266, %dma_wait3A_267] : memref<10240x128xf32, #tpu.memory_space<vmem_shared>> -> memref<10240x128xf32, #tpu.memory_space<vmem_shared>>
        tpu.wait_indirect_dma semaphore(%run_scoped3A_256 : memref<!tpu.dma_semaphore, #tpu.memory_space<semaphore_mem>>) src(%arg12 : memref<128x128xf32, #tpu.memory_space<vmem>>) dst(%dma_wait3A_268 : memref<10240x128xf32, #tpu.memory_space<vmem_shared>>)
        tpu.yield
      }) : () -> ()
      %dma_start3A_186 = arith.constant 3 : i32
      %dma_start3A_187 = arith.constant 0 : i32
      %dma_start3A_188 = tpu.memref_slice %arg8[%dma_start3A_186, %dma_start3A_187] : memref<4x128xi32, #tpu.memory_space<vmem>> -> memref<1x128xi32, #tpu.memory_space<vmem>>
      %dma_start3A_189 = tpu.memref_squeeze %dma_start3A_188 : memref<1x128xi32, #tpu.memory_space<vmem>> -> memref<128xi32, #tpu.memory_space<vmem>>
      %dma_start3A_190 = arith.constant 0 : i32
      %dma_start3A_191 = arith.constant 0 : i32
      %dma_start3A_192 = tpu.memref_slice %arg2[%dma_start3A_190, %dma_start3A_191] : memref<10240x128xf32, #tpu.memory_space<hbm>> -> memref<10240x128xf32, #tpu.memory_space<hbm>>
      tpu.enqueue_indirect_dma source(%dma_start3A_192 : memref<10240x128xf32, #tpu.memory_space<hbm>>) target(%arg12 : memref<128x128xf32, #tpu.memory_space<vmem>>) offsets(%dma_start3A_189 : memref<128xi32, #tpu.memory_space<vmem>>) semaphore(%arg15 : memref<!tpu.dma_semaphore, #tpu.memory_space<semaphore_mem>>)
      %dma_wait3A_193 = arith.constant 2 : i32
      %dma_wait3A_194 = arith.constant 0 : i32
      %dma_wait3A_195 = tpu.memref_slice %arg8[%dma_wait3A_193, %dma_wait3A_194] : memref<4x128xi32, #tpu.memory_space<vmem>> -> memref<1x128xi32, #tpu.memory_space<vmem>>
      %dma_wait3A_196 = tpu.memref_squeeze %dma_wait3A_195 : memref<1x128xi32, #tpu.memory_space<vmem>> -> memref<128xi32, #tpu.memory_space<vmem>>
      %dma_wait3A_197 = arith.constant 0 : i32
      %dma_wait3A_198 = arith.constant 0 : i32
      %dma_wait3A_199 = tpu.memref_slice %arg2[%dma_wait3A_197, %dma_wait3A_198] : memref<10240x128xf32, #tpu.memory_space<hbm>> -> memref<10240x128xf32, #tpu.memory_space<hbm>>
      tpu.wait_indirect_dma semaphore(%arg14 : memref<!tpu.dma_semaphore, #tpu.memory_space<semaphore_mem>>) src(%dma_wait3A_199 : memref<10240x128xf32, #tpu.memory_space<hbm>>) dst(%arg11 : memref<128x128xf32, #tpu.memory_space<vmem>>)
      %run_scoped3A_200 = arith.constant 2 : i32
      "tpu.region"() ({
        %run_scoped3A_256 = tpu.sem_alloc : memref<!tpu.dma_semaphore, #tpu.memory_space<semaphore_mem>>
        %dma_start3A_257 = arith.constant 0 : i32
        %dma_start3A_258 = tpu.memref_slice %arg10[%run_scoped3A_200, %dma_start3A_257] : memref<4x128xi32, #tpu.memory_space<vmem>> -> memref<1x128xi32, #tpu.memory_space<vmem>>
        %dma_start3A_259 = tpu.memref_squeeze %dma_start3A_258 : memref<1x128xi32, #tpu.memory_space<vmem>> -> memref<128xi32, #tpu.memory_space<vmem>>
        %dma_start3A_260 = arith.constant 0 : i32
        %dma_start3A_261 = arith.constant 0 : i32
        %dma_start3A_262 = tpu.memref_slice %arg13[%dma_start3A_260, %dma_start3A_261] : memref<10240x128xf32, #tpu.memory_space<vmem_shared>> -> memref<10240x128xf32, #tpu.memory_space<vmem_shared>>
        tpu.enqueue_indirect_dma source(%arg11 : memref<128x128xf32, #tpu.memory_space<vmem>>) target(%dma_start3A_262 : memref<10240x128xf32, #tpu.memory_space<vmem_shared>>) offsets(%dma_start3A_259 : memref<128xi32, #tpu.memory_space<vmem>>) semaphore(%run_scoped3A_256 : memref<!tpu.dma_semaphore, #tpu.memory_space<semaphore_mem>>) {add = true}
        %dma_wait3A_263 = arith.constant 0 : i32
        %dma_wait3A_264 = tpu.memref_slice %arg10[%run_scoped3A_200, %dma_wait3A_263] : memref<4x128xi32, #tpu.memory_space<vmem>> -> memref<1x128xi32, #tpu.memory_space<vmem>>
        %dma_wait3A_265 = tpu.memref_squeeze %dma_wait3A_264 : memref<1x128xi32, #tpu.memory_space<vmem>> -> memref<128xi32, #tpu.memory_space<vmem>>
        %dma_wait3A_266 = arith.constant 0 : i32
        %dma_wait3A_267 = arith.constant 0 : i32
        %dma_wait3A_268 = tpu.memref_slice %arg13[%dma_wait3A_266, %dma_wait3A_267] : memref<10240x128xf32, #tpu.memory_space<vmem_shared>> -> memref<10240x128xf32, #tpu.memory_space<vmem_shared>>
        tpu.wait_indirect_dma semaphore(%run_scoped3A_256 : memref<!tpu.dma_semaphore, #tpu.memory_space<semaphore_mem>>) src(%arg11 : memref<128x128xf32, #tpu.memory_space<vmem>>) dst(%dma_wait3A_268 : memref<10240x128xf32, #tpu.memory_space<vmem_shared>>)
        tpu.yield
      }) : () -> ()
      %dma_wait3A_201 = arith.constant 0 : i32
      %dma_wait3A_202 = arith.constant 0 : i32
      %dma_wait3A_203 = tpu.memref_slice %arg3[%add3A, %dma_wait3A_201, %dma_wait3A_202] : memref<32x80x128xi32, #tpu.memory_space<hbm>> -> memref<1x4x128xi32, #tpu.memory_space<hbm>>
      %dma_wait3A_204 = tpu.memref_squeeze %dma_wait3A_203 : memref<1x4x128xi32, #tpu.memory_space<hbm>> -> memref<4x128xi32, #tpu.memory_space<hbm>>
      %dma_wait3A_205 = arith.constant 0 : i32
      %dma_wait3A_206 = arith.constant 0 : i32
      %dma_wait3A_207 = tpu.memref_slice %arg3[%add3A, %dma_wait3A_205, %dma_wait3A_206] : memref<32x80x128xi32, #tpu.memory_space<hbm>> -> memref<1x4x128xi32, #tpu.memory_space<hbm>>
      %dma_wait3A_208 = tpu.memref_squeeze %dma_wait3A_207 : memref<1x4x128xi32, #tpu.memory_space<hbm>> -> memref<4x128xi32, #tpu.memory_space<hbm>>
      tpu.wait_dma2 semaphore(%arg16 : memref<!tpu.dma_semaphore, #tpu.memory_space<semaphore_mem>>) src(%dma_wait3A_208 : memref<4x128xi32, #tpu.memory_space<hbm>>) dst(%arg7 : memref<4x128xi32, #tpu.memory_space<vmem>>)
      %dma_wait3A_209 = arith.constant 0 : i32
      %dma_wait3A_210 = arith.constant 0 : i32
      %dma_wait3A_211 = tpu.memref_slice %arg4[%add3A, %dma_wait3A_209, %dma_wait3A_210] : memref<32x80x128xi32, #tpu.memory_space<hbm>> -> memref<1x4x128xi32, #tpu.memory_space<hbm>>
      %dma_wait3A_212 = tpu.memref_squeeze %dma_wait3A_211 : memref<1x4x128xi32, #tpu.memory_space<hbm>> -> memref<4x128xi32, #tpu.memory_space<hbm>>
      %dma_wait3A_213 = arith.constant 0 : i32
      %dma_wait3A_214 = arith.constant 0 : i32
      %dma_wait3A_215 = tpu.memref_slice %arg4[%add3A, %dma_wait3A_213, %dma_wait3A_214] : memref<32x80x128xi32, #tpu.memory_space<hbm>> -> memref<1x4x128xi32, #tpu.memory_space<hbm>>
      %dma_wait3A_216 = tpu.memref_squeeze %dma_wait3A_215 : memref<1x4x128xi32, #tpu.memory_space<hbm>> -> memref<4x128xi32, #tpu.memory_space<hbm>>
      tpu.wait_dma2 semaphore(%arg16 : memref<!tpu.dma_semaphore, #tpu.memory_space<semaphore_mem>>) src(%dma_wait3A_216 : memref<4x128xi32, #tpu.memory_space<hbm>>) dst(%arg9 : memref<4x128xi32, #tpu.memory_space<vmem>>)
      %dma_start3A_217 = arith.constant 0 : i32
      %dma_start3A_218 = arith.constant 0 : i32
      %dma_start3A_219 = tpu.memref_slice %arg7[%dma_start3A_217, %dma_start3A_218] : memref<4x128xi32, #tpu.memory_space<vmem>> -> memref<1x128xi32, #tpu.memory_space<vmem>>
      %dma_start3A_220 = tpu.memref_squeeze %dma_start3A_219 : memref<1x128xi32, #tpu.memory_space<vmem>> -> memref<128xi32, #tpu.memory_space<vmem>>
      %dma_start3A_221 = arith.constant 0 : i32
      %dma_start3A_222 = arith.constant 0 : i32
      %dma_start3A_223 = tpu.memref_slice %arg2[%dma_start3A_221, %dma_start3A_222] : memref<10240x128xf32, #tpu.memory_space<hbm>> -> memref<10240x128xf32, #tpu.memory_space<hbm>>
      tpu.enqueue_indirect_dma source(%dma_start3A_223 : memref<10240x128xf32, #tpu.memory_space<hbm>>) target(%arg11 : memref<128x128xf32, #tpu.memory_space<vmem>>) offsets(%dma_start3A_220 : memref<128xi32, #tpu.memory_space<vmem>>) semaphore(%arg14 : memref<!tpu.dma_semaphore, #tpu.memory_space<semaphore_mem>>)
      %dma_wait3A_224 = arith.constant 3 : i32
      %dma_wait3A_225 = arith.constant 0 : i32
      %dma_wait3A_226 = tpu.memref_slice %arg8[%dma_wait3A_224, %dma_wait3A_225] : memref<4x128xi32, #tpu.memory_space<vmem>> -> memref<1x128xi32, #tpu.memory_space<vmem>>
      %dma_wait3A_227 = tpu.memref_squeeze %dma_wait3A_226 : memref<1x128xi32, #tpu.memory_space<vmem>> -> memref<128xi32, #tpu.memory_space<vmem>>
      %dma_wait3A_228 = arith.constant 0 : i32
      %dma_wait3A_229 = arith.constant 0 : i32
      %dma_wait3A_230 = tpu.memref_slice %arg2[%dma_wait3A_228, %dma_wait3A_229] : memref<10240x128xf32, #tpu.memory_space<hbm>> -> memref<10240x128xf32, #tpu.memory_space<hbm>>
      tpu.wait_indirect_dma semaphore(%arg15 : memref<!tpu.dma_semaphore, #tpu.memory_space<semaphore_mem>>) src(%dma_wait3A_230 : memref<10240x128xf32, #tpu.memory_space<hbm>>) dst(%arg12 : memref<128x128xf32, #tpu.memory_space<vmem>>)
      %run_scoped3A_231 = arith.constant 3 : i32
      "tpu.region"() ({
        %run_scoped3A_256 = tpu.sem_alloc : memref<!tpu.dma_semaphore, #tpu.memory_space<semaphore_mem>>
        %dma_start3A_257 = arith.constant 0 : i32
        %dma_start3A_258 = tpu.memref_slice %arg10[%run_scoped3A_231, %dma_start3A_257] : memref<4x128xi32, #tpu.memory_space<vmem>> -> memref<1x128xi32, #tpu.memory_space<vmem>>
        %dma_start3A_259 = tpu.memref_squeeze %dma_start3A_258 : memref<1x128xi32, #tpu.memory_space<vmem>> -> memref<128xi32, #tpu.memory_space<vmem>>
        %dma_start3A_260 = arith.constant 0 : i32
        %dma_start3A_261 = arith.constant 0 : i32
        %dma_start3A_262 = tpu.memref_slice %arg13[%dma_start3A_260, %dma_start3A_261] : memref<10240x128xf32, #tpu.memory_space<vmem_shared>> -> memref<10240x128xf32, #tpu.memory_space<vmem_shared>>
        tpu.enqueue_indirect_dma source(%arg12 : memref<128x128xf32, #tpu.memory_space<vmem>>) target(%dma_start3A_262 : memref<10240x128xf32, #tpu.memory_space<vmem_shared>>) offsets(%dma_start3A_259 : memref<128xi32, #tpu.memory_space<vmem>>) semaphore(%run_scoped3A_256 : memref<!tpu.dma_semaphore, #tpu.memory_space<semaphore_mem>>) {add = true}
        %dma_wait3A_263 = arith.constant 0 : i32
        %dma_wait3A_264 = tpu.memref_slice %arg10[%run_scoped3A_231, %dma_wait3A_263] : memref<4x128xi32, #tpu.memory_space<vmem>> -> memref<1x128xi32, #tpu.memory_space<vmem>>
        %dma_wait3A_265 = tpu.memref_squeeze %dma_wait3A_264 : memref<1x128xi32, #tpu.memory_space<vmem>> -> memref<128xi32, #tpu.memory_space<vmem>>
        %dma_wait3A_266 = arith.constant 0 : i32
        %dma_wait3A_267 = arith.constant 0 : i32
        %dma_wait3A_268 = tpu.memref_slice %arg13[%dma_wait3A_266, %dma_wait3A_267] : memref<10240x128xf32, #tpu.memory_space<vmem_shared>> -> memref<10240x128xf32, #tpu.memory_space<vmem_shared>>
        tpu.wait_indirect_dma semaphore(%run_scoped3A_256 : memref<!tpu.dma_semaphore, #tpu.memory_space<semaphore_mem>>) src(%arg12 : memref<128x128xf32, #tpu.memory_space<vmem>>) dst(%dma_wait3A_268 : memref<10240x128xf32, #tpu.memory_space<vmem_shared>>)
        tpu.yield
      }) : () -> ()
      %lt3A_232 = arith.constant 9 : i32
      %lt3A_233 = arith.cmpi slt, %scan3A_59, %lt3A_232 : i32
      %mul3A_234 = arith.constant 2 : i32
      %mul3A_235 = arith.muli %mul3A_234, %scan3A_59 : i32
      %add3A_236 = arith.constant 3 : i32
      %add3A_237 = arith.addi %mul3A_235, %add3A_236 : i32
      %jit3A_238 = arith.constant 1 : i32
      %select_n3A_239 = arith.select %lt3A_233, %add3A_237, %jit3A_238 : i32
      %mul3A_240 = arith.constant 4 : i32
      %mul3A_241 = arith.muli %select_n3A_239, %mul3A_240 : i32
      %dma_start3A_242 = arith.constant 0 : i32
      %dma_start3A_243 = tpu.memref_slice %arg3[%add3A, %mul3A_241, %dma_start3A_242] : memref<32x80x128xi32, #tpu.memory_space<hbm>> -> memref<1x4x128xi32, #tpu.memory_space<hbm>>
      %dma_start3A_244 = tpu.memref_squeeze %dma_start3A_243 : memref<1x4x128xi32, #tpu.memory_space<hbm>> -> memref<4x128xi32, #tpu.memory_space<hbm>>
      %dma_start3A_245 = arith.constant 0 : i32
      %dma_start3A_246 = tpu.memref_slice %arg3[%add3A, %mul3A_241, %dma_start3A_245] : memref<32x80x128xi32, #tpu.memory_space<hbm>> -> memref<1x4x128xi32, #tpu.memory_space<hbm>>
      %dma_start3A_247 = tpu.memref_squeeze %dma_start3A_246 : memref<1x4x128xi32, #tpu.memory_space<hbm>> -> memref<4x128xi32, #tpu.memory_space<hbm>>
      tpu.enqueue_dma source(%dma_start3A_247 : memref<4x128xi32, #tpu.memory_space<hbm>>) target(%arg8 : memref<4x128xi32, #tpu.memory_space<vmem>>) target_semaphore(%arg17 : memref<!tpu.dma_semaphore, #tpu.memory_space<semaphore_mem>>)
      %mul3A_248 = arith.constant 4 : i32
      %mul3A_249 = arith.muli %select_n3A_239, %mul3A_248 : i32
      %dma_start3A_250 = arith.constant 0 : i32
      %dma_start3A_251 = tpu.memref_slice %arg4[%add3A, %mul3A_249, %dma_start3A_250] : memref<32x80x128xi32, #tpu.memory_space<hbm>> -> memref<1x4x128xi32, #tpu.memory_space<hbm>>
      %dma_start3A_252 = tpu.memref_squeeze %dma_start3A_251 : memref<1x4x128xi32, #tpu.memory_space<hbm>> -> memref<4x128xi32, #tpu.memory_space<hbm>>
      %dma_start3A_253 = arith.constant 0 : i32
      %dma_start3A_254 = tpu.memref_slice %arg4[%add3A, %mul3A_249, %dma_start3A_253] : memref<32x80x128xi32, #tpu.memory_space<hbm>> -> memref<1x4x128xi32, #tpu.memory_space<hbm>>
      %dma_start3A_255 = tpu.memref_squeeze %dma_start3A_254 : memref<1x4x128xi32, #tpu.memory_space<hbm>> -> memref<4x128xi32, #tpu.memory_space<hbm>>
      tpu.enqueue_dma source(%dma_start3A_255 : memref<4x128xi32, #tpu.memory_space<hbm>>) target(%arg10 : memref<4x128xi32, #tpu.memory_space<vmem>>) target_semaphore(%arg17 : memref<!tpu.dma_semaphore, #tpu.memory_space<semaphore_mem>>)
    }
    %scan3A_31 = arith.constant 10 : i32
    %dma_wait3A = arith.constant 0 : i32
    %dma_wait3A_32 = arith.constant 0 : i32
    %dma_wait3A_33 = tpu.memref_slice %arg7[%dma_wait3A, %dma_wait3A_32] : memref<4x128xi32, #tpu.memory_space<vmem>> -> memref<1x128xi32, #tpu.memory_space<vmem>>
    %dma_wait3A_34 = tpu.memref_squeeze %dma_wait3A_33 : memref<1x128xi32, #tpu.memory_space<vmem>> -> memref<128xi32, #tpu.memory_space<vmem>>
    %dma_wait3A_35 = arith.constant 0 : i32
    %dma_wait3A_36 = arith.constant 0 : i32
    %dma_wait3A_37 = tpu.memref_slice %arg2[%dma_wait3A_35, %dma_wait3A_36] : memref<10240x128xf32, #tpu.memory_space<hbm>> -> memref<10240x128xf32, #tpu.memory_space<hbm>>
    tpu.wait_indirect_dma semaphore(%arg14 : memref<!tpu.dma_semaphore, #tpu.memory_space<semaphore_mem>>) src(%dma_wait3A_37 : memref<10240x128xf32, #tpu.memory_space<hbm>>) dst(%arg11 : memref<128x128xf32, #tpu.memory_space<vmem>>)
    %dma_wait3A_38 = arith.constant 0 : i32
    %dma_wait3A_39 = arith.constant 0 : i32
    %dma_wait3A_40 = tpu.memref_slice %arg3[%add3A, %dma_wait3A_38, %dma_wait3A_39] : memref<32x80x128xi32, #tpu.memory_space<hbm>> -> memref<1x4x128xi32, #tpu.memory_space<hbm>>
    %dma_wait3A_41 = tpu.memref_squeeze %dma_wait3A_40 : memref<1x4x128xi32, #tpu.memory_space<hbm>> -> memref<4x128xi32, #tpu.memory_space<hbm>>
    %dma_wait3A_42 = arith.constant 0 : i32
    %dma_wait3A_43 = arith.constant 0 : i32
    %dma_wait3A_44 = tpu.memref_slice %arg3[%add3A, %dma_wait3A_42, %dma_wait3A_43] : memref<32x80x128xi32, #tpu.memory_space<hbm>> -> memref<1x4x128xi32, #tpu.memory_space<hbm>>
    %dma_wait3A_45 = tpu.memref_squeeze %dma_wait3A_44 : memref<1x4x128xi32, #tpu.memory_space<hbm>> -> memref<4x128xi32, #tpu.memory_space<hbm>>
    tpu.wait_dma2 semaphore(%arg17 : memref<!tpu.dma_semaphore, #tpu.memory_space<semaphore_mem>>) src(%dma_wait3A_45 : memref<4x128xi32, #tpu.memory_space<hbm>>) dst(%arg8 : memref<4x128xi32, #tpu.memory_space<vmem>>)
    %dma_wait3A_46 = arith.constant 0 : i32
    %dma_wait3A_47 = arith.constant 0 : i32
    %dma_wait3A_48 = tpu.memref_slice %arg4[%add3A, %dma_wait3A_46, %dma_wait3A_47] : memref<32x80x128xi32, #tpu.memory_space<hbm>> -> memref<1x4x128xi32, #tpu.memory_space<hbm>>
    %dma_wait3A_49 = tpu.memref_squeeze %dma_wait3A_48 : memref<1x4x128xi32, #tpu.memory_space<hbm>> -> memref<4x128xi32, #tpu.memory_space<hbm>>
    %dma_wait3A_50 = arith.constant 0 : i32
    %dma_wait3A_51 = arith.constant 0 : i32
    %dma_wait3A_52 = tpu.memref_slice %arg4[%add3A, %dma_wait3A_50, %dma_wait3A_51] : memref<32x80x128xi32, #tpu.memory_space<hbm>> -> memref<1x4x128xi32, #tpu.memory_space<hbm>>
    %dma_wait3A_53 = tpu.memref_squeeze %dma_wait3A_52 : memref<1x4x128xi32, #tpu.memory_space<hbm>> -> memref<4x128xi32, #tpu.memory_space<hbm>>
    tpu.wait_dma2 semaphore(%arg17 : memref<!tpu.dma_semaphore, #tpu.memory_space<semaphore_mem>>) src(%dma_wait3A_53 : memref<4x128xi32, #tpu.memory_space<hbm>>) dst(%arg10 : memref<4x128xi32, #tpu.memory_space<vmem>>)
    %barrier3A_54 = arith.constant 0 : index
    tpu.barrier barrier_id(%barrier3A_54)
    %mul3A_55 = arith.constant 640 : i32
    %mul3A_56 = arith.muli %arg1, %mul3A_55 : i32
    %mul3A_57 = arith.constant 640 : i32
    %mul3A_58 = arith.muli %arg1, %mul3A_57 : i32
    "tpu.region"() ({
      %run_scoped3A = tpu.sem_alloc : memref<!tpu.dma_semaphore, #tpu.memory_space<semaphore_mem>>
      %dma_start3A_59 = arith.constant 0 : i32
      %dma_start3A_60 = tpu.memref_slice %arg6[%arg0, %mul3A_58, %dma_start3A_59] : memref<2x10240x128xf32, #tpu.memory_space<hbm>> -> memref<1x640x128xf32, #tpu.memory_space<hbm>>
      %dma_start3A_61 = tpu.memref_squeeze %dma_start3A_60 : memref<1x640x128xf32, #tpu.memory_space<hbm>> -> memref<640x128xf32, #tpu.memory_space<hbm>>
      %dma_start3A_62 = arith.constant 0 : i32
      %dma_start3A_63 = tpu.memref_slice %arg13[%mul3A_56, %dma_start3A_62] : memref<10240x128xf32, #tpu.memory_space<vmem_shared>> -> memref<640x128xf32, #tpu.memory_space<vmem_shared>>
      tpu.enqueue_dma source(%dma_start3A_63 : memref<640x128xf32, #tpu.memory_space<vmem_shared>>) target(%dma_start3A_61 : memref<640x128xf32, #tpu.memory_space<hbm>>) target_semaphore(%run_scoped3A : memref<!tpu.dma_semaphore, #tpu.memory_space<semaphore_mem>>)
      %dma_wait3A_64 = arith.constant 0 : i32
      %dma_wait3A_65 = tpu.memref_slice %arg6[%arg0, %mul3A_58, %dma_wait3A_64] : memref<2x10240x128xf32, #tpu.memory_space<hbm>> -> memref<1x640x128xf32, #tpu.memory_space<hbm>>
      %dma_wait3A_66 = tpu.memref_squeeze %dma_wait3A_65 : memref<1x640x128xf32, #tpu.memory_space<hbm>> -> memref<640x128xf32, #tpu.memory_space<hbm>>
      %dma_wait3A_67 = arith.constant 0 : i32
      %dma_wait3A_68 = tpu.memref_slice %arg13[%mul3A_56, %dma_wait3A_67] : memref<10240x128xf32, #tpu.memory_space<vmem_shared>> -> memref<640x128xf32, #tpu.memory_space<vmem_shared>>
      tpu.wait_dma2 semaphore(%run_scoped3A : memref<!tpu.dma_semaphore, #tpu.memory_space<semaphore_mem>>) src(%dma_wait3A_68 : memref<640x128xf32, #tpu.memory_space<vmem_shared>>) dst(%dma_wait3A_66 : memref<640x128xf32, #tpu.memory_space<hbm>>)
      tpu.yield
    }) : () -> ()
    return
  }
}

#map = affine_map<(d0, d1) -> (0, 0)>
#map1 = affine_map<(d0, d1) -> (0, 0, 0)>
module attributes {stable_mosaic.version = 14 : i64} {
  func.func @_sc_agg_body(%arg0: i32, %arg1: i32, %arg2: memref<10240x128xf32, #tpu.memory_space<hbm>>, %arg3: memref<32x80x128xi32, #tpu.memory_space<hbm>>, %arg4: memref<32x80x128xi32, #tpu.memory_space<hbm>>, %arg5: memref<10240x128xf32, #tpu.memory_space<hbm>>, %arg6: memref<2x10240x128xf32, #tpu.memory_space<hbm>>, %arg7: memref<4x128xi32, #tpu.memory_space<vmem>>, %arg8: memref<4x128xi32, #tpu.memory_space<vmem>>, %arg9: memref<4x128xi32, #tpu.memory_space<vmem>>, %arg10: memref<4x128xi32, #tpu.memory_space<vmem>>, %arg11: memref<128x128xf32, #tpu.memory_space<vmem>>, %arg12: memref<128x128xf32, #tpu.memory_space<vmem>>, %arg13: memref<10240x128xf32, #tpu.memory_space<vmem_shared>>, %arg14: memref<!tpu.dma_semaphore, #tpu.memory_space<semaphore_mem>>, %arg15: memref<!tpu.dma_semaphore, #tpu.memory_space<semaphore_mem>>, %arg16: memref<!tpu.dma_semaphore, #tpu.memory_space<semaphore_mem>>, %arg17: memref<!tpu.dma_semaphore, #tpu.memory_space<semaphore_mem>>) attributes {dimension_semantics = [#tpu.dimension_semantics<core_parallel>, #tpu.dimension_semantics<subcore_parallel>], iteration_bounds = array<i64: 2, 16>, scalar_prefetch = 0 : i64, scratch_operands = 11 : i64, tpu.core_type = #tpu.core_type<sc_vector_subcore>, window_params = [{transform_indices = #map}, {transform_indices = #map1}, {transform_indices = #map1}, {transform_indices = #map}, {transform_indices = #map1}]} {
    %mul3A = arith.constant 2 : i32
    %mul3A_0 = arith.muli %arg1, %mul3A : i32
    %add3A = arith.addi %mul3A_0, %arg0 : i32
    %mul3A_1 = arith.constant 640 : i32
    %mul3A_2 = arith.muli %arg1, %mul3A_1 : i32
    %mul3A_3 = arith.constant 640 : i32
    %mul3A_4 = arith.muli %arg1, %mul3A_3 : i32
    "tpu.region"() ({
      %run_scoped3A = tpu.sem_alloc : memref<!tpu.dma_semaphore, #tpu.memory_space<semaphore_mem>>
      %dma_start3A_59 = arith.constant 0 : i32
      %dma_start3A_60 = tpu.memref_slice %arg13[%mul3A_4, %dma_start3A_59] : memref<10240x128xf32, #tpu.memory_space<vmem_shared>> -> memref<640x128xf32, #tpu.memory_space<vmem_shared>>
      %dma_start3A_61 = arith.constant 0 : i32
      %dma_start3A_62 = tpu.memref_slice %arg5[%mul3A_2, %dma_start3A_61] : memref<10240x128xf32, #tpu.memory_space<hbm>> -> memref<640x128xf32, #tpu.memory_space<hbm>>
      tpu.enqueue_dma source(%dma_start3A_62 : memref<640x128xf32, #tpu.memory_space<hbm>>) target(%dma_start3A_60 : memref<640x128xf32, #tpu.memory_space<vmem_shared>>) target_semaphore(%run_scoped3A : memref<!tpu.dma_semaphore, #tpu.memory_space<semaphore_mem>>)
      %dma_wait3A_63 = arith.constant 0 : i32
      %dma_wait3A_64 = tpu.memref_slice %arg13[%mul3A_4, %dma_wait3A_63] : memref<10240x128xf32, #tpu.memory_space<vmem_shared>> -> memref<640x128xf32, #tpu.memory_space<vmem_shared>>
      %dma_wait3A_65 = arith.constant 0 : i32
      %dma_wait3A_66 = tpu.memref_slice %arg5[%mul3A_2, %dma_wait3A_65] : memref<10240x128xf32, #tpu.memory_space<hbm>> -> memref<640x128xf32, #tpu.memory_space<hbm>>
      tpu.wait_dma2 semaphore(%run_scoped3A : memref<!tpu.dma_semaphore, #tpu.memory_space<semaphore_mem>>) src(%dma_wait3A_66 : memref<640x128xf32, #tpu.memory_space<hbm>>) dst(%dma_wait3A_64 : memref<640x128xf32, #tpu.memory_space<vmem_shared>>)
      tpu.yield
    }) : () -> ()
    "tpu.region"() ({
      %run_scoped3A = tpu.sem_alloc : memref<!tpu.dma_semaphore, #tpu.memory_space<semaphore_mem>>
      %dma_start3A_59 = arith.constant 0 : i32
      %dma_start3A_60 = arith.constant 0 : i32
      %dma_start3A_61 = tpu.memref_slice %arg3[%add3A, %dma_start3A_59, %dma_start3A_60] : memref<32x80x128xi32, #tpu.memory_space<hbm>> -> memref<1x4x128xi32, #tpu.memory_space<hbm>>
      %dma_start3A_62 = tpu.memref_squeeze %dma_start3A_61 : memref<1x4x128xi32, #tpu.memory_space<hbm>> -> memref<4x128xi32, #tpu.memory_space<hbm>>
      %dma_start3A_63 = arith.constant 0 : i32
      %dma_start3A_64 = arith.constant 0 : i32
      %dma_start3A_65 = tpu.memref_slice %arg3[%add3A, %dma_start3A_63, %dma_start3A_64] : memref<32x80x128xi32, #tpu.memory_space<hbm>> -> memref<1x4x128xi32, #tpu.memory_space<hbm>>
      %dma_start3A_66 = tpu.memref_squeeze %dma_start3A_65 : memref<1x4x128xi32, #tpu.memory_space<hbm>> -> memref<4x128xi32, #tpu.memory_space<hbm>>
      tpu.enqueue_dma source(%dma_start3A_66 : memref<4x128xi32, #tpu.memory_space<hbm>>) target(%arg7 : memref<4x128xi32, #tpu.memory_space<vmem>>) target_semaphore(%run_scoped3A : memref<!tpu.dma_semaphore, #tpu.memory_space<semaphore_mem>>)
      %dma_wait3A_67 = arith.constant 0 : i32
      %dma_wait3A_68 = arith.constant 0 : i32
      %dma_wait3A_69 = tpu.memref_slice %arg3[%add3A, %dma_wait3A_67, %dma_wait3A_68] : memref<32x80x128xi32, #tpu.memory_space<hbm>> -> memref<1x4x128xi32, #tpu.memory_space<hbm>>
      %dma_wait3A_70 = tpu.memref_squeeze %dma_wait3A_69 : memref<1x4x128xi32, #tpu.memory_space<hbm>> -> memref<4x128xi32, #tpu.memory_space<hbm>>
      %dma_wait3A_71 = arith.constant 0 : i32
      %dma_wait3A_72 = arith.constant 0 : i32
      %dma_wait3A_73 = tpu.memref_slice %arg3[%add3A, %dma_wait3A_71, %dma_wait3A_72] : memref<32x80x128xi32, #tpu.memory_space<hbm>> -> memref<1x4x128xi32, #tpu.memory_space<hbm>>
      %dma_wait3A_74 = tpu.memref_squeeze %dma_wait3A_73 : memref<1x4x128xi32, #tpu.memory_space<hbm>> -> memref<4x128xi32, #tpu.memory_space<hbm>>
      tpu.wait_dma2 semaphore(%run_scoped3A : memref<!tpu.dma_semaphore, #tpu.memory_space<semaphore_mem>>) src(%dma_wait3A_74 : memref<4x128xi32, #tpu.memory_space<hbm>>) dst(%arg7 : memref<4x128xi32, #tpu.memory_space<vmem>>)
      tpu.yield
    }) : () -> ()
    "tpu.region"() ({
      %run_scoped3A = tpu.sem_alloc : memref<!tpu.dma_semaphore, #tpu.memory_space<semaphore_mem>>
      %dma_start3A_59 = arith.constant 0 : i32
      %dma_start3A_60 = arith.constant 0 : i32
      %dma_start3A_61 = tpu.memref_slice %arg4[%add3A, %dma_start3A_59, %dma_start3A_60] : memref<32x80x128xi32, #tpu.memory_space<hbm>> -> memref<1x4x128xi32, #tpu.memory_space<hbm>>
      %dma_start3A_62 = tpu.memref_squeeze %dma_start3A_61 : memref<1x4x128xi32, #tpu.memory_space<hbm>> -> memref<4x128xi32, #tpu.memory_space<hbm>>
      %dma_start3A_63 = arith.constant 0 : i32
      %dma_start3A_64 = arith.constant 0 : i32
      %dma_start3A_65 = tpu.memref_slice %arg4[%add3A, %dma_start3A_63, %dma_start3A_64] : memref<32x80x128xi32, #tpu.memory_space<hbm>> -> memref<1x4x128xi32, #tpu.memory_space<hbm>>
      %dma_start3A_66 = tpu.memref_squeeze %dma_start3A_65 : memref<1x4x128xi32, #tpu.memory_space<hbm>> -> memref<4x128xi32, #tpu.memory_space<hbm>>
      tpu.enqueue_dma source(%dma_start3A_66 : memref<4x128xi32, #tpu.memory_space<hbm>>) target(%arg9 : memref<4x128xi32, #tpu.memory_space<vmem>>) target_semaphore(%run_scoped3A : memref<!tpu.dma_semaphore, #tpu.memory_space<semaphore_mem>>)
      %dma_wait3A_67 = arith.constant 0 : i32
      %dma_wait3A_68 = arith.constant 0 : i32
      %dma_wait3A_69 = tpu.memref_slice %arg4[%add3A, %dma_wait3A_67, %dma_wait3A_68] : memref<32x80x128xi32, #tpu.memory_space<hbm>> -> memref<1x4x128xi32, #tpu.memory_space<hbm>>
      %dma_wait3A_70 = tpu.memref_squeeze %dma_wait3A_69 : memref<1x4x128xi32, #tpu.memory_space<hbm>> -> memref<4x128xi32, #tpu.memory_space<hbm>>
      %dma_wait3A_71 = arith.constant 0 : i32
      %dma_wait3A_72 = arith.constant 0 : i32
      %dma_wait3A_73 = tpu.memref_slice %arg4[%add3A, %dma_wait3A_71, %dma_wait3A_72] : memref<32x80x128xi32, #tpu.memory_space<hbm>> -> memref<1x4x128xi32, #tpu.memory_space<hbm>>
      %dma_wait3A_74 = tpu.memref_squeeze %dma_wait3A_73 : memref<1x4x128xi32, #tpu.memory_space<hbm>> -> memref<4x128xi32, #tpu.memory_space<hbm>>
      tpu.wait_dma2 semaphore(%run_scoped3A : memref<!tpu.dma_semaphore, #tpu.memory_space<semaphore_mem>>) src(%dma_wait3A_74 : memref<4x128xi32, #tpu.memory_space<hbm>>) dst(%arg9 : memref<4x128xi32, #tpu.memory_space<vmem>>)
      tpu.yield
    }) : () -> ()
    %dma_start3A = arith.constant 4 : i32
    %dma_start3A_5 = arith.constant 0 : i32
    %dma_start3A_6 = tpu.memref_slice %arg3[%add3A, %dma_start3A, %dma_start3A_5] : memref<32x80x128xi32, #tpu.memory_space<hbm>> -> memref<1x4x128xi32, #tpu.memory_space<hbm>>
    %dma_start3A_7 = tpu.memref_squeeze %dma_start3A_6 : memref<1x4x128xi32, #tpu.memory_space<hbm>> -> memref<4x128xi32, #tpu.memory_space<hbm>>
    %dma_start3A_8 = arith.constant 4 : i32
    %dma_start3A_9 = arith.constant 0 : i32
    %dma_start3A_10 = tpu.memref_slice %arg3[%add3A, %dma_start3A_8, %dma_start3A_9] : memref<32x80x128xi32, #tpu.memory_space<hbm>> -> memref<1x4x128xi32, #tpu.memory_space<hbm>>
    %dma_start3A_11 = tpu.memref_squeeze %dma_start3A_10 : memref<1x4x128xi32, #tpu.memory_space<hbm>> -> memref<4x128xi32, #tpu.memory_space<hbm>>
    tpu.enqueue_dma source(%dma_start3A_11 : memref<4x128xi32, #tpu.memory_space<hbm>>) target(%arg8 : memref<4x128xi32, #tpu.memory_space<vmem>>) target_semaphore(%arg17 : memref<!tpu.dma_semaphore, #tpu.memory_space<semaphore_mem>>)
    %dma_start3A_12 = arith.constant 4 : i32
    %dma_start3A_13 = arith.constant 0 : i32
    %dma_start3A_14 = tpu.memref_slice %arg4[%add3A, %dma_start3A_12, %dma_start3A_13] : memref<32x80x128xi32, #tpu.memory_space<hbm>> -> memref<1x4x128xi32, #tpu.memory_space<hbm>>
    %dma_start3A_15 = tpu.memref_squeeze %dma_start3A_14 : memref<1x4x128xi32, #tpu.memory_space<hbm>> -> memref<4x128xi32, #tpu.memory_space<hbm>>
    %dma_start3A_16 = arith.constant 4 : i32
    %dma_start3A_17 = arith.constant 0 : i32
    %dma_start3A_18 = tpu.memref_slice %arg4[%add3A, %dma_start3A_16, %dma_start3A_17] : memref<32x80x128xi32, #tpu.memory_space<hbm>> -> memref<1x4x128xi32, #tpu.memory_space<hbm>>
    %dma_start3A_19 = tpu.memref_squeeze %dma_start3A_18 : memref<1x4x128xi32, #tpu.memory_space<hbm>> -> memref<4x128xi32, #tpu.memory_space<hbm>>
    tpu.enqueue_dma source(%dma_start3A_19 : memref<4x128xi32, #tpu.memory_space<hbm>>) target(%arg10 : memref<4x128xi32, #tpu.memory_space<vmem>>) target_semaphore(%arg17 : memref<!tpu.dma_semaphore, #tpu.memory_space<semaphore_mem>>)
    %dma_start3A_20 = arith.constant 0 : i32
    %dma_start3A_21 = arith.constant 0 : i32
    %dma_start3A_22 = tpu.memref_slice %arg7[%dma_start3A_20, %dma_start3A_21] : memref<4x128xi32, #tpu.memory_space<vmem>> -> memref<1x128xi32, #tpu.memory_space<vmem>>
    %dma_start3A_23 = tpu.memref_squeeze %dma_start3A_22 : memref<1x128xi32, #tpu.memory_space<vmem>> -> memref<128xi32, #tpu.memory_space<vmem>>
    %dma_start3A_24 = arith.constant 0 : i32
    %dma_start3A_25 = arith.constant 0 : i32
    %dma_start3A_26 = tpu.memref_slice %arg2[%dma_start3A_24, %dma_start3A_25] : memref<10240x128xf32, #tpu.memory_space<hbm>> -> memref<10240x128xf32, #tpu.memory_space<hbm>>
    tpu.enqueue_indirect_dma source(%dma_start3A_26 : memref<10240x128xf32, #tpu.memory_space<hbm>>) target(%arg11 : memref<128x128xf32, #tpu.memory_space<vmem>>) offsets(%dma_start3A_23 : memref<128xi32, #tpu.memory_space<vmem>>) semaphore(%arg14 : memref<!tpu.dma_semaphore, #tpu.memory_space<semaphore_mem>>)
    %barrier3A = arith.constant 0 : index
    tpu.barrier barrier_id(%barrier3A)
    %scan3A = arith.constant 0 : i32
    %scan3A_27 = arith.constant 0 : i32
    %scan3A_28 = arith.constant 10 : i32
    %scan3A_29 = arith.addi %scan3A_27, %scan3A_28 : i32
    %scan3A_30 = arith.constant 1 : i32
    scf.for %scan3A_59 = %scan3A_27 to %scan3A_29 step %scan3A_30  : i32 {
      %dma_start3A_60 = arith.constant 1 : i32
      %dma_start3A_61 = arith.constant 0 : i32
      %dma_start3A_62 = tpu.memref_slice %arg7[%dma_start3A_60, %dma_start3A_61] : memref<4x128xi32, #tpu.memory_space<vmem>> -> memref<1x128xi32, #tpu.memory_space<vmem>>
      %dma_start3A_63 = tpu.memref_squeeze %dma_start3A_62 : memref<1x128xi32, #tpu.memory_space<vmem>> -> memref<128xi32, #tpu.memory_space<vmem>>
      %dma_start3A_64 = arith.constant 0 : i32
      %dma_start3A_65 = arith.constant 0 : i32
      %dma_start3A_66 = tpu.memref_slice %arg2[%dma_start3A_64, %dma_start3A_65] : memref<10240x128xf32, #tpu.memory_space<hbm>> -> memref<10240x128xf32, #tpu.memory_space<hbm>>
      tpu.enqueue_indirect_dma source(%dma_start3A_66 : memref<10240x128xf32, #tpu.memory_space<hbm>>) target(%arg12 : memref<128x128xf32, #tpu.memory_space<vmem>>) offsets(%dma_start3A_63 : memref<128xi32, #tpu.memory_space<vmem>>) semaphore(%arg15 : memref<!tpu.dma_semaphore, #tpu.memory_space<semaphore_mem>>)
      %dma_wait3A_67 = arith.constant 0 : i32
      %dma_wait3A_68 = arith.constant 0 : i32
      %dma_wait3A_69 = tpu.memref_slice %arg7[%dma_wait3A_67, %dma_wait3A_68] : memref<4x128xi32, #tpu.memory_space<vmem>> -> memref<1x128xi32, #tpu.memory_space<vmem>>
      %dma_wait3A_70 = tpu.memref_squeeze %dma_wait3A_69 : memref<1x128xi32, #tpu.memory_space<vmem>> -> memref<128xi32, #tpu.memory_space<vmem>>
      %dma_wait3A_71 = arith.constant 0 : i32
      %dma_wait3A_72 = arith.constant 0 : i32
      %dma_wait3A_73 = tpu.memref_slice %arg2[%dma_wait3A_71, %dma_wait3A_72] : memref<10240x128xf32, #tpu.memory_space<hbm>> -> memref<10240x128xf32, #tpu.memory_space<hbm>>
      tpu.wait_indirect_dma semaphore(%arg14 : memref<!tpu.dma_semaphore, #tpu.memory_space<semaphore_mem>>) src(%dma_wait3A_73 : memref<10240x128xf32, #tpu.memory_space<hbm>>) dst(%arg11 : memref<128x128xf32, #tpu.memory_space<vmem>>)
      %run_scoped3A = arith.constant 0 : i32
      "tpu.region"() ({
        %run_scoped3A_256 = tpu.sem_alloc : memref<!tpu.dma_semaphore, #tpu.memory_space<semaphore_mem>>
        %dma_start3A_257 = arith.constant 0 : i32
        %dma_start3A_258 = tpu.memref_slice %arg9[%run_scoped3A, %dma_start3A_257] : memref<4x128xi32, #tpu.memory_space<vmem>> -> memref<1x128xi32, #tpu.memory_space<vmem>>
        %dma_start3A_259 = tpu.memref_squeeze %dma_start3A_258 : memref<1x128xi32, #tpu.memory_space<vmem>> -> memref<128xi32, #tpu.memory_space<vmem>>
        %dma_start3A_260 = arith.constant 0 : i32
        %dma_start3A_261 = arith.constant 0 : i32
        %dma_start3A_262 = tpu.memref_slice %arg13[%dma_start3A_260, %dma_start3A_261] : memref<10240x128xf32, #tpu.memory_space<vmem_shared>> -> memref<10240x128xf32, #tpu.memory_space<vmem_shared>>
        tpu.enqueue_indirect_dma source(%arg11 : memref<128x128xf32, #tpu.memory_space<vmem>>) target(%dma_start3A_262 : memref<10240x128xf32, #tpu.memory_space<vmem_shared>>) offsets(%dma_start3A_259 : memref<128xi32, #tpu.memory_space<vmem>>) semaphore(%run_scoped3A_256 : memref<!tpu.dma_semaphore, #tpu.memory_space<semaphore_mem>>) {add = true}
        %dma_wait3A_263 = arith.constant 0 : i32
        %dma_wait3A_264 = tpu.memref_slice %arg9[%run_scoped3A, %dma_wait3A_263] : memref<4x128xi32, #tpu.memory_space<vmem>> -> memref<1x128xi32, #tpu.memory_space<vmem>>
        %dma_wait3A_265 = tpu.memref_squeeze %dma_wait3A_264 : memref<1x128xi32, #tpu.memory_space<vmem>> -> memref<128xi32, #tpu.memory_space<vmem>>
        %dma_wait3A_266 = arith.constant 0 : i32
        %dma_wait3A_267 = arith.constant 0 : i32
        %dma_wait3A_268 = tpu.memref_slice %arg13[%dma_wait3A_266, %dma_wait3A_267] : memref<10240x128xf32, #tpu.memory_space<vmem_shared>> -> memref<10240x128xf32, #tpu.memory_space<vmem_shared>>
        tpu.wait_indirect_dma semaphore(%run_scoped3A_256 : memref<!tpu.dma_semaphore, #tpu.memory_space<semaphore_mem>>) src(%arg11 : memref<128x128xf32, #tpu.memory_space<vmem>>) dst(%dma_wait3A_268 : memref<10240x128xf32, #tpu.memory_space<vmem_shared>>)
        tpu.yield
      }) : () -> ()
      %dma_start3A_74 = arith.constant 2 : i32
      %dma_start3A_75 = arith.constant 0 : i32
      %dma_start3A_76 = tpu.memref_slice %arg7[%dma_start3A_74, %dma_start3A_75] : memref<4x128xi32, #tpu.memory_space<vmem>> -> memref<1x128xi32, #tpu.memory_space<vmem>>
      %dma_start3A_77 = tpu.memref_squeeze %dma_start3A_76 : memref<1x128xi32, #tpu.memory_space<vmem>> -> memref<128xi32, #tpu.memory_space<vmem>>
      %dma_start3A_78 = arith.constant 0 : i32
      %dma_start3A_79 = arith.constant 0 : i32
      %dma_start3A_80 = tpu.memref_slice %arg2[%dma_start3A_78, %dma_start3A_79] : memref<10240x128xf32, #tpu.memory_space<hbm>> -> memref<10240x128xf32, #tpu.memory_space<hbm>>
      tpu.enqueue_indirect_dma source(%dma_start3A_80 : memref<10240x128xf32, #tpu.memory_space<hbm>>) target(%arg11 : memref<128x128xf32, #tpu.memory_space<vmem>>) offsets(%dma_start3A_77 : memref<128xi32, #tpu.memory_space<vmem>>) semaphore(%arg14 : memref<!tpu.dma_semaphore, #tpu.memory_space<semaphore_mem>>)
      %dma_wait3A_81 = arith.constant 1 : i32
      %dma_wait3A_82 = arith.constant 0 : i32
      %dma_wait3A_83 = tpu.memref_slice %arg7[%dma_wait3A_81, %dma_wait3A_82] : memref<4x128xi32, #tpu.memory_space<vmem>> -> memref<1x128xi32, #tpu.memory_space<vmem>>
      %dma_wait3A_84 = tpu.memref_squeeze %dma_wait3A_83 : memref<1x128xi32, #tpu.memory_space<vmem>> -> memref<128xi32, #tpu.memory_space<vmem>>
      %dma_wait3A_85 = arith.constant 0 : i32
      %dma_wait3A_86 = arith.constant 0 : i32
      %dma_wait3A_87 = tpu.memref_slice %arg2[%dma_wait3A_85, %dma_wait3A_86] : memref<10240x128xf32, #tpu.memory_space<hbm>> -> memref<10240x128xf32, #tpu.memory_space<hbm>>
      tpu.wait_indirect_dma semaphore(%arg15 : memref<!tpu.dma_semaphore, #tpu.memory_space<semaphore_mem>>) src(%dma_wait3A_87 : memref<10240x128xf32, #tpu.memory_space<hbm>>) dst(%arg12 : memref<128x128xf32, #tpu.memory_space<vmem>>)
      %run_scoped3A_88 = arith.constant 1 : i32
      "tpu.region"() ({
        %run_scoped3A_256 = tpu.sem_alloc : memref<!tpu.dma_semaphore, #tpu.memory_space<semaphore_mem>>
        %dma_start3A_257 = arith.constant 0 : i32
        %dma_start3A_258 = tpu.memref_slice %arg9[%run_scoped3A_88, %dma_start3A_257] : memref<4x128xi32, #tpu.memory_space<vmem>> -> memref<1x128xi32, #tpu.memory_space<vmem>>
        %dma_start3A_259 = tpu.memref_squeeze %dma_start3A_258 : memref<1x128xi32, #tpu.memory_space<vmem>> -> memref<128xi32, #tpu.memory_space<vmem>>
        %dma_start3A_260 = arith.constant 0 : i32
        %dma_start3A_261 = arith.constant 0 : i32
        %dma_start3A_262 = tpu.memref_slice %arg13[%dma_start3A_260, %dma_start3A_261] : memref<10240x128xf32, #tpu.memory_space<vmem_shared>> -> memref<10240x128xf32, #tpu.memory_space<vmem_shared>>
        tpu.enqueue_indirect_dma source(%arg12 : memref<128x128xf32, #tpu.memory_space<vmem>>) target(%dma_start3A_262 : memref<10240x128xf32, #tpu.memory_space<vmem_shared>>) offsets(%dma_start3A_259 : memref<128xi32, #tpu.memory_space<vmem>>) semaphore(%run_scoped3A_256 : memref<!tpu.dma_semaphore, #tpu.memory_space<semaphore_mem>>) {add = true}
        %dma_wait3A_263 = arith.constant 0 : i32
        %dma_wait3A_264 = tpu.memref_slice %arg9[%run_scoped3A_88, %dma_wait3A_263] : memref<4x128xi32, #tpu.memory_space<vmem>> -> memref<1x128xi32, #tpu.memory_space<vmem>>
        %dma_wait3A_265 = tpu.memref_squeeze %dma_wait3A_264 : memref<1x128xi32, #tpu.memory_space<vmem>> -> memref<128xi32, #tpu.memory_space<vmem>>
        %dma_wait3A_266 = arith.constant 0 : i32
        %dma_wait3A_267 = arith.constant 0 : i32
        %dma_wait3A_268 = tpu.memref_slice %arg13[%dma_wait3A_266, %dma_wait3A_267] : memref<10240x128xf32, #tpu.memory_space<vmem_shared>> -> memref<10240x128xf32, #tpu.memory_space<vmem_shared>>
        tpu.wait_indirect_dma semaphore(%run_scoped3A_256 : memref<!tpu.dma_semaphore, #tpu.memory_space<semaphore_mem>>) src(%arg12 : memref<128x128xf32, #tpu.memory_space<vmem>>) dst(%dma_wait3A_268 : memref<10240x128xf32, #tpu.memory_space<vmem_shared>>)
        tpu.yield
      }) : () -> ()
      %dma_start3A_89 = arith.constant 3 : i32
      %dma_start3A_90 = arith.constant 0 : i32
      %dma_start3A_91 = tpu.memref_slice %arg7[%dma_start3A_89, %dma_start3A_90] : memref<4x128xi32, #tpu.memory_space<vmem>> -> memref<1x128xi32, #tpu.memory_space<vmem>>
      %dma_start3A_92 = tpu.memref_squeeze %dma_start3A_91 : memref<1x128xi32, #tpu.memory_space<vmem>> -> memref<128xi32, #tpu.memory_space<vmem>>
      %dma_start3A_93 = arith.constant 0 : i32
      %dma_start3A_94 = arith.constant 0 : i32
      %dma_start3A_95 = tpu.memref_slice %arg2[%dma_start3A_93, %dma_start3A_94] : memref<10240x128xf32, #tpu.memory_space<hbm>> -> memref<10240x128xf32, #tpu.memory_space<hbm>>
      tpu.enqueue_indirect_dma source(%dma_start3A_95 : memref<10240x128xf32, #tpu.memory_space<hbm>>) target(%arg12 : memref<128x128xf32, #tpu.memory_space<vmem>>) offsets(%dma_start3A_92 : memref<128xi32, #tpu.memory_space<vmem>>) semaphore(%arg15 : memref<!tpu.dma_semaphore, #tpu.memory_space<semaphore_mem>>)
      %dma_wait3A_96 = arith.constant 2 : i32
      %dma_wait3A_97 = arith.constant 0 : i32
      %dma_wait3A_98 = tpu.memref_slice %arg7[%dma_wait3A_96, %dma_wait3A_97] : memref<4x128xi32, #tpu.memory_space<vmem>> -> memref<1x128xi32, #tpu.memory_space<vmem>>
      %dma_wait3A_99 = tpu.memref_squeeze %dma_wait3A_98 : memref<1x128xi32, #tpu.memory_space<vmem>> -> memref<128xi32, #tpu.memory_space<vmem>>
      %dma_wait3A_100 = arith.constant 0 : i32
      %dma_wait3A_101 = arith.constant 0 : i32
      %dma_wait3A_102 = tpu.memref_slice %arg2[%dma_wait3A_100, %dma_wait3A_101] : memref<10240x128xf32, #tpu.memory_space<hbm>> -> memref<10240x128xf32, #tpu.memory_space<hbm>>
      tpu.wait_indirect_dma semaphore(%arg14 : memref<!tpu.dma_semaphore, #tpu.memory_space<semaphore_mem>>) src(%dma_wait3A_102 : memref<10240x128xf32, #tpu.memory_space<hbm>>) dst(%arg11 : memref<128x128xf32, #tpu.memory_space<vmem>>)
      %run_scoped3A_103 = arith.constant 2 : i32
      "tpu.region"() ({
        %run_scoped3A_256 = tpu.sem_alloc : memref<!tpu.dma_semaphore, #tpu.memory_space<semaphore_mem>>
        %dma_start3A_257 = arith.constant 0 : i32
        %dma_start3A_258 = tpu.memref_slice %arg9[%run_scoped3A_103, %dma_start3A_257] : memref<4x128xi32, #tpu.memory_space<vmem>> -> memref<1x128xi32, #tpu.memory_space<vmem>>
        %dma_start3A_259 = tpu.memref_squeeze %dma_start3A_258 : memref<1x128xi32, #tpu.memory_space<vmem>> -> memref<128xi32, #tpu.memory_space<vmem>>
        %dma_start3A_260 = arith.constant 0 : i32
        %dma_start3A_261 = arith.constant 0 : i32
        %dma_start3A_262 = tpu.memref_slice %arg13[%dma_start3A_260, %dma_start3A_261] : memref<10240x128xf32, #tpu.memory_space<vmem_shared>> -> memref<10240x128xf32, #tpu.memory_space<vmem_shared>>
        tpu.enqueue_indirect_dma source(%arg11 : memref<128x128xf32, #tpu.memory_space<vmem>>) target(%dma_start3A_262 : memref<10240x128xf32, #tpu.memory_space<vmem_shared>>) offsets(%dma_start3A_259 : memref<128xi32, #tpu.memory_space<vmem>>) semaphore(%run_scoped3A_256 : memref<!tpu.dma_semaphore, #tpu.memory_space<semaphore_mem>>) {add = true}
        %dma_wait3A_263 = arith.constant 0 : i32
        %dma_wait3A_264 = tpu.memref_slice %arg9[%run_scoped3A_103, %dma_wait3A_263] : memref<4x128xi32, #tpu.memory_space<vmem>> -> memref<1x128xi32, #tpu.memory_space<vmem>>
        %dma_wait3A_265 = tpu.memref_squeeze %dma_wait3A_264 : memref<1x128xi32, #tpu.memory_space<vmem>> -> memref<128xi32, #tpu.memory_space<vmem>>
        %dma_wait3A_266 = arith.constant 0 : i32
        %dma_wait3A_267 = arith.constant 0 : i32
        %dma_wait3A_268 = tpu.memref_slice %arg13[%dma_wait3A_266, %dma_wait3A_267] : memref<10240x128xf32, #tpu.memory_space<vmem_shared>> -> memref<10240x128xf32, #tpu.memory_space<vmem_shared>>
        tpu.wait_indirect_dma semaphore(%run_scoped3A_256 : memref<!tpu.dma_semaphore, #tpu.memory_space<semaphore_mem>>) src(%arg11 : memref<128x128xf32, #tpu.memory_space<vmem>>) dst(%dma_wait3A_268 : memref<10240x128xf32, #tpu.memory_space<vmem_shared>>)
        tpu.yield
      }) : () -> ()
      %dma_wait3A_104 = arith.constant 0 : i32
      %dma_wait3A_105 = arith.constant 0 : i32
      %dma_wait3A_106 = tpu.memref_slice %arg3[%add3A, %dma_wait3A_104, %dma_wait3A_105] : memref<32x80x128xi32, #tpu.memory_space<hbm>> -> memref<1x4x128xi32, #tpu.memory_space<hbm>>
      %dma_wait3A_107 = tpu.memref_squeeze %dma_wait3A_106 : memref<1x4x128xi32, #tpu.memory_space<hbm>> -> memref<4x128xi32, #tpu.memory_space<hbm>>
      %dma_wait3A_108 = arith.constant 0 : i32
      %dma_wait3A_109 = arith.constant 0 : i32
      %dma_wait3A_110 = tpu.memref_slice %arg3[%add3A, %dma_wait3A_108, %dma_wait3A_109] : memref<32x80x128xi32, #tpu.memory_space<hbm>> -> memref<1x4x128xi32, #tpu.memory_space<hbm>>
      %dma_wait3A_111 = tpu.memref_squeeze %dma_wait3A_110 : memref<1x4x128xi32, #tpu.memory_space<hbm>> -> memref<4x128xi32, #tpu.memory_space<hbm>>
      tpu.wait_dma2 semaphore(%arg17 : memref<!tpu.dma_semaphore, #tpu.memory_space<semaphore_mem>>) src(%dma_wait3A_111 : memref<4x128xi32, #tpu.memory_space<hbm>>) dst(%arg8 : memref<4x128xi32, #tpu.memory_space<vmem>>)
      %dma_wait3A_112 = arith.constant 0 : i32
      %dma_wait3A_113 = arith.constant 0 : i32
      %dma_wait3A_114 = tpu.memref_slice %arg4[%add3A, %dma_wait3A_112, %dma_wait3A_113] : memref<32x80x128xi32, #tpu.memory_space<hbm>> -> memref<1x4x128xi32, #tpu.memory_space<hbm>>
      %dma_wait3A_115 = tpu.memref_squeeze %dma_wait3A_114 : memref<1x4x128xi32, #tpu.memory_space<hbm>> -> memref<4x128xi32, #tpu.memory_space<hbm>>
      %dma_wait3A_116 = arith.constant 0 : i32
      %dma_wait3A_117 = arith.constant 0 : i32
      %dma_wait3A_118 = tpu.memref_slice %arg4[%add3A, %dma_wait3A_116, %dma_wait3A_117] : memref<32x80x128xi32, #tpu.memory_space<hbm>> -> memref<1x4x128xi32, #tpu.memory_space<hbm>>
      %dma_wait3A_119 = tpu.memref_squeeze %dma_wait3A_118 : memref<1x4x128xi32, #tpu.memory_space<hbm>> -> memref<4x128xi32, #tpu.memory_space<hbm>>
      tpu.wait_dma2 semaphore(%arg17 : memref<!tpu.dma_semaphore, #tpu.memory_space<semaphore_mem>>) src(%dma_wait3A_119 : memref<4x128xi32, #tpu.memory_space<hbm>>) dst(%arg10 : memref<4x128xi32, #tpu.memory_space<vmem>>)
      %dma_start3A_120 = arith.constant 0 : i32
      %dma_start3A_121 = arith.constant 0 : i32
      %dma_start3A_122 = tpu.memref_slice %arg8[%dma_start3A_120, %dma_start3A_121] : memref<4x128xi32, #tpu.memory_space<vmem>> -> memref<1x128xi32, #tpu.memory_space<vmem>>
      %dma_start3A_123 = tpu.memref_squeeze %dma_start3A_122 : memref<1x128xi32, #tpu.memory_space<vmem>> -> memref<128xi32, #tpu.memory_space<vmem>>
      %dma_start3A_124 = arith.constant 0 : i32
      %dma_start3A_125 = arith.constant 0 : i32
      %dma_start3A_126 = tpu.memref_slice %arg2[%dma_start3A_124, %dma_start3A_125] : memref<10240x128xf32, #tpu.memory_space<hbm>> -> memref<10240x128xf32, #tpu.memory_space<hbm>>
      tpu.enqueue_indirect_dma source(%dma_start3A_126 : memref<10240x128xf32, #tpu.memory_space<hbm>>) target(%arg11 : memref<128x128xf32, #tpu.memory_space<vmem>>) offsets(%dma_start3A_123 : memref<128xi32, #tpu.memory_space<vmem>>) semaphore(%arg14 : memref<!tpu.dma_semaphore, #tpu.memory_space<semaphore_mem>>)
      %dma_wait3A_127 = arith.constant 3 : i32
      %dma_wait3A_128 = arith.constant 0 : i32
      %dma_wait3A_129 = tpu.memref_slice %arg7[%dma_wait3A_127, %dma_wait3A_128] : memref<4x128xi32, #tpu.memory_space<vmem>> -> memref<1x128xi32, #tpu.memory_space<vmem>>
      %dma_wait3A_130 = tpu.memref_squeeze %dma_wait3A_129 : memref<1x128xi32, #tpu.memory_space<vmem>> -> memref<128xi32, #tpu.memory_space<vmem>>
      %dma_wait3A_131 = arith.constant 0 : i32
      %dma_wait3A_132 = arith.constant 0 : i32
      %dma_wait3A_133 = tpu.memref_slice %arg2[%dma_wait3A_131, %dma_wait3A_132] : memref<10240x128xf32, #tpu.memory_space<hbm>> -> memref<10240x128xf32, #tpu.memory_space<hbm>>
      tpu.wait_indirect_dma semaphore(%arg15 : memref<!tpu.dma_semaphore, #tpu.memory_space<semaphore_mem>>) src(%dma_wait3A_133 : memref<10240x128xf32, #tpu.memory_space<hbm>>) dst(%arg12 : memref<128x128xf32, #tpu.memory_space<vmem>>)
      %run_scoped3A_134 = arith.constant 3 : i32
      "tpu.region"() ({
        %run_scoped3A_256 = tpu.sem_alloc : memref<!tpu.dma_semaphore, #tpu.memory_space<semaphore_mem>>
        %dma_start3A_257 = arith.constant 0 : i32
        %dma_start3A_258 = tpu.memref_slice %arg9[%run_scoped3A_134, %dma_start3A_257] : memref<4x128xi32, #tpu.memory_space<vmem>> -> memref<1x128xi32, #tpu.memory_space<vmem>>
        %dma_start3A_259 = tpu.memref_squeeze %dma_start3A_258 : memref<1x128xi32, #tpu.memory_space<vmem>> -> memref<128xi32, #tpu.memory_space<vmem>>
        %dma_start3A_260 = arith.constant 0 : i32
        %dma_start3A_261 = arith.constant 0 : i32
        %dma_start3A_262 = tpu.memref_slice %arg13[%dma_start3A_260, %dma_start3A_261] : memref<10240x128xf32, #tpu.memory_space<vmem_shared>> -> memref<10240x128xf32, #tpu.memory_space<vmem_shared>>
        tpu.enqueue_indirect_dma source(%arg12 : memref<128x128xf32, #tpu.memory_space<vmem>>) target(%dma_start3A_262 : memref<10240x128xf32, #tpu.memory_space<vmem_shared>>) offsets(%dma_start3A_259 : memref<128xi32, #tpu.memory_space<vmem>>) semaphore(%run_scoped3A_256 : memref<!tpu.dma_semaphore, #tpu.memory_space<semaphore_mem>>) {add = true}
        %dma_wait3A_263 = arith.constant 0 : i32
        %dma_wait3A_264 = tpu.memref_slice %arg9[%run_scoped3A_134, %dma_wait3A_263] : memref<4x128xi32, #tpu.memory_space<vmem>> -> memref<1x128xi32, #tpu.memory_space<vmem>>
        %dma_wait3A_265 = tpu.memref_squeeze %dma_wait3A_264 : memref<1x128xi32, #tpu.memory_space<vmem>> -> memref<128xi32, #tpu.memory_space<vmem>>
        %dma_wait3A_266 = arith.constant 0 : i32
        %dma_wait3A_267 = arith.constant 0 : i32
        %dma_wait3A_268 = tpu.memref_slice %arg13[%dma_wait3A_266, %dma_wait3A_267] : memref<10240x128xf32, #tpu.memory_space<vmem_shared>> -> memref<10240x128xf32, #tpu.memory_space<vmem_shared>>
        tpu.wait_indirect_dma semaphore(%run_scoped3A_256 : memref<!tpu.dma_semaphore, #tpu.memory_space<semaphore_mem>>) src(%arg12 : memref<128x128xf32, #tpu.memory_space<vmem>>) dst(%dma_wait3A_268 : memref<10240x128xf32, #tpu.memory_space<vmem_shared>>)
        tpu.yield
      }) : () -> ()
      %lt3A = arith.constant 9 : i32
      %lt3A_135 = arith.cmpi slt, %scan3A_59, %lt3A : i32
      %mul3A_136 = arith.constant 2 : i32
      %mul3A_137 = arith.muli %mul3A_136, %scan3A_59 : i32
      %add3A_138 = arith.constant 2 : i32
      %add3A_139 = arith.addi %mul3A_137, %add3A_138 : i32
      %jit3A = arith.constant 0 : i32
      %select_n3A = arith.select %lt3A_135, %add3A_139, %jit3A : i32
      %mul3A_140 = arith.constant 4 : i32
      %mul3A_141 = arith.muli %select_n3A, %mul3A_140 : i32
      %dma_start3A_142 = arith.constant 0 : i32
      %dma_start3A_143 = tpu.memref_slice %arg3[%add3A, %mul3A_141, %dma_start3A_142] : memref<32x80x128xi32, #tpu.memory_space<hbm>> -> memref<1x4x128xi32, #tpu.memory_space<hbm>>
      %dma_start3A_144 = tpu.memref_squeeze %dma_start3A_143 : memref<1x4x128xi32, #tpu.memory_space<hbm>> -> memref<4x128xi32, #tpu.memory_space<hbm>>
      %dma_start3A_145 = arith.constant 0 : i32
      %dma_start3A_146 = tpu.memref_slice %arg3[%add3A, %mul3A_141, %dma_start3A_145] : memref<32x80x128xi32, #tpu.memory_space<hbm>> -> memref<1x4x128xi32, #tpu.memory_space<hbm>>
      %dma_start3A_147 = tpu.memref_squeeze %dma_start3A_146 : memref<1x4x128xi32, #tpu.memory_space<hbm>> -> memref<4x128xi32, #tpu.memory_space<hbm>>
      tpu.enqueue_dma source(%dma_start3A_147 : memref<4x128xi32, #tpu.memory_space<hbm>>) target(%arg7 : memref<4x128xi32, #tpu.memory_space<vmem>>) target_semaphore(%arg16 : memref<!tpu.dma_semaphore, #tpu.memory_space<semaphore_mem>>)
      %mul3A_148 = arith.constant 4 : i32
      %mul3A_149 = arith.muli %select_n3A, %mul3A_148 : i32
      %dma_start3A_150 = arith.constant 0 : i32
      %dma_start3A_151 = tpu.memref_slice %arg4[%add3A, %mul3A_149, %dma_start3A_150] : memref<32x80x128xi32, #tpu.memory_space<hbm>> -> memref<1x4x128xi32, #tpu.memory_space<hbm>>
      %dma_start3A_152 = tpu.memref_squeeze %dma_start3A_151 : memref<1x4x128xi32, #tpu.memory_space<hbm>> -> memref<4x128xi32, #tpu.memory_space<hbm>>
      %dma_start3A_153 = arith.constant 0 : i32
      %dma_start3A_154 = tpu.memref_slice %arg4[%add3A, %mul3A_149, %dma_start3A_153] : memref<32x80x128xi32, #tpu.memory_space<hbm>> -> memref<1x4x128xi32, #tpu.memory_space<hbm>>
      %dma_start3A_155 = tpu.memref_squeeze %dma_start3A_154 : memref<1x4x128xi32, #tpu.memory_space<hbm>> -> memref<4x128xi32, #tpu.memory_space<hbm>>
      tpu.enqueue_dma source(%dma_start3A_155 : memref<4x128xi32, #tpu.memory_space<hbm>>) target(%arg9 : memref<4x128xi32, #tpu.memory_space<vmem>>) target_semaphore(%arg16 : memref<!tpu.dma_semaphore, #tpu.memory_space<semaphore_mem>>)
      %dma_start3A_156 = arith.constant 1 : i32
      %dma_start3A_157 = arith.constant 0 : i32
      %dma_start3A_158 = tpu.memref_slice %arg8[%dma_start3A_156, %dma_start3A_157] : memref<4x128xi32, #tpu.memory_space<vmem>> -> memref<1x128xi32, #tpu.memory_space<vmem>>
      %dma_start3A_159 = tpu.memref_squeeze %dma_start3A_158 : memref<1x128xi32, #tpu.memory_space<vmem>> -> memref<128xi32, #tpu.memory_space<vmem>>
      %dma_start3A_160 = arith.constant 0 : i32
      %dma_start3A_161 = arith.constant 0 : i32
      %dma_start3A_162 = tpu.memref_slice %arg2[%dma_start3A_160, %dma_start3A_161] : memref<10240x128xf32, #tpu.memory_space<hbm>> -> memref<10240x128xf32, #tpu.memory_space<hbm>>
      tpu.enqueue_indirect_dma source(%dma_start3A_162 : memref<10240x128xf32, #tpu.memory_space<hbm>>) target(%arg12 : memref<128x128xf32, #tpu.memory_space<vmem>>) offsets(%dma_start3A_159 : memref<128xi32, #tpu.memory_space<vmem>>) semaphore(%arg15 : memref<!tpu.dma_semaphore, #tpu.memory_space<semaphore_mem>>)
      %dma_wait3A_163 = arith.constant 0 : i32
      %dma_wait3A_164 = arith.constant 0 : i32
      %dma_wait3A_165 = tpu.memref_slice %arg8[%dma_wait3A_163, %dma_wait3A_164] : memref<4x128xi32, #tpu.memory_space<vmem>> -> memref<1x128xi32, #tpu.memory_space<vmem>>
      %dma_wait3A_166 = tpu.memref_squeeze %dma_wait3A_165 : memref<1x128xi32, #tpu.memory_space<vmem>> -> memref<128xi32, #tpu.memory_space<vmem>>
      %dma_wait3A_167 = arith.constant 0 : i32
      %dma_wait3A_168 = arith.constant 0 : i32
      %dma_wait3A_169 = tpu.memref_slice %arg2[%dma_wait3A_167, %dma_wait3A_168] : memref<10240x128xf32, #tpu.memory_space<hbm>> -> memref<10240x128xf32, #tpu.memory_space<hbm>>
      tpu.wait_indirect_dma semaphore(%arg14 : memref<!tpu.dma_semaphore, #tpu.memory_space<semaphore_mem>>) src(%dma_wait3A_169 : memref<10240x128xf32, #tpu.memory_space<hbm>>) dst(%arg11 : memref<128x128xf32, #tpu.memory_space<vmem>>)
      %run_scoped3A_170 = arith.constant 0 : i32
      "tpu.region"() ({
        %run_scoped3A_256 = tpu.sem_alloc : memref<!tpu.dma_semaphore, #tpu.memory_space<semaphore_mem>>
        %dma_start3A_257 = arith.constant 0 : i32
        %dma_start3A_258 = tpu.memref_slice %arg10[%run_scoped3A_170, %dma_start3A_257] : memref<4x128xi32, #tpu.memory_space<vmem>> -> memref<1x128xi32, #tpu.memory_space<vmem>>
        %dma_start3A_259 = tpu.memref_squeeze %dma_start3A_258 : memref<1x128xi32, #tpu.memory_space<vmem>> -> memref<128xi32, #tpu.memory_space<vmem>>
        %dma_start3A_260 = arith.constant 0 : i32
        %dma_start3A_261 = arith.constant 0 : i32
        %dma_start3A_262 = tpu.memref_slice %arg13[%dma_start3A_260, %dma_start3A_261] : memref<10240x128xf32, #tpu.memory_space<vmem_shared>> -> memref<10240x128xf32, #tpu.memory_space<vmem_shared>>
        tpu.enqueue_indirect_dma source(%arg11 : memref<128x128xf32, #tpu.memory_space<vmem>>) target(%dma_start3A_262 : memref<10240x128xf32, #tpu.memory_space<vmem_shared>>) offsets(%dma_start3A_259 : memref<128xi32, #tpu.memory_space<vmem>>) semaphore(%run_scoped3A_256 : memref<!tpu.dma_semaphore, #tpu.memory_space<semaphore_mem>>) {add = true}
        %dma_wait3A_263 = arith.constant 0 : i32
        %dma_wait3A_264 = tpu.memref_slice %arg10[%run_scoped3A_170, %dma_wait3A_263] : memref<4x128xi32, #tpu.memory_space<vmem>> -> memref<1x128xi32, #tpu.memory_space<vmem>>
        %dma_wait3A_265 = tpu.memref_squeeze %dma_wait3A_264 : memref<1x128xi32, #tpu.memory_space<vmem>> -> memref<128xi32, #tpu.memory_space<vmem>>
        %dma_wait3A_266 = arith.constant 0 : i32
        %dma_wait3A_267 = arith.constant 0 : i32
        %dma_wait3A_268 = tpu.memref_slice %arg13[%dma_wait3A_266, %dma_wait3A_267] : memref<10240x128xf32, #tpu.memory_space<vmem_shared>> -> memref<10240x128xf32, #tpu.memory_space<vmem_shared>>
        tpu.wait_indirect_dma semaphore(%run_scoped3A_256 : memref<!tpu.dma_semaphore, #tpu.memory_space<semaphore_mem>>) src(%arg11 : memref<128x128xf32, #tpu.memory_space<vmem>>) dst(%dma_wait3A_268 : memref<10240x128xf32, #tpu.memory_space<vmem_shared>>)
        tpu.yield
      }) : () -> ()
      %dma_start3A_171 = arith.constant 2 : i32
      %dma_start3A_172 = arith.constant 0 : i32
      %dma_start3A_173 = tpu.memref_slice %arg8[%dma_start3A_171, %dma_start3A_172] : memref<4x128xi32, #tpu.memory_space<vmem>> -> memref<1x128xi32, #tpu.memory_space<vmem>>
      %dma_start3A_174 = tpu.memref_squeeze %dma_start3A_173 : memref<1x128xi32, #tpu.memory_space<vmem>> -> memref<128xi32, #tpu.memory_space<vmem>>
      %dma_start3A_175 = arith.constant 0 : i32
      %dma_start3A_176 = arith.constant 0 : i32
      %dma_start3A_177 = tpu.memref_slice %arg2[%dma_start3A_175, %dma_start3A_176] : memref<10240x128xf32, #tpu.memory_space<hbm>> -> memref<10240x128xf32, #tpu.memory_space<hbm>>
      tpu.enqueue_indirect_dma source(%dma_start3A_177 : memref<10240x128xf32, #tpu.memory_space<hbm>>) target(%arg11 : memref<128x128xf32, #tpu.memory_space<vmem>>) offsets(%dma_start3A_174 : memref<128xi32, #tpu.memory_space<vmem>>) semaphore(%arg14 : memref<!tpu.dma_semaphore, #tpu.memory_space<semaphore_mem>>)
      %dma_wait3A_178 = arith.constant 1 : i32
      %dma_wait3A_179 = arith.constant 0 : i32
      %dma_wait3A_180 = tpu.memref_slice %arg8[%dma_wait3A_178, %dma_wait3A_179] : memref<4x128xi32, #tpu.memory_space<vmem>> -> memref<1x128xi32, #tpu.memory_space<vmem>>
      %dma_wait3A_181 = tpu.memref_squeeze %dma_wait3A_180 : memref<1x128xi32, #tpu.memory_space<vmem>> -> memref<128xi32, #tpu.memory_space<vmem>>
      %dma_wait3A_182 = arith.constant 0 : i32
      %dma_wait3A_183 = arith.constant 0 : i32
      %dma_wait3A_184 = tpu.memref_slice %arg2[%dma_wait3A_182, %dma_wait3A_183] : memref<10240x128xf32, #tpu.memory_space<hbm>> -> memref<10240x128xf32, #tpu.memory_space<hbm>>
      tpu.wait_indirect_dma semaphore(%arg15 : memref<!tpu.dma_semaphore, #tpu.memory_space<semaphore_mem>>) src(%dma_wait3A_184 : memref<10240x128xf32, #tpu.memory_space<hbm>>) dst(%arg12 : memref<128x128xf32, #tpu.memory_space<vmem>>)
      %run_scoped3A_185 = arith.constant 1 : i32
      "tpu.region"() ({
        %run_scoped3A_256 = tpu.sem_alloc : memref<!tpu.dma_semaphore, #tpu.memory_space<semaphore_mem>>
        %dma_start3A_257 = arith.constant 0 : i32
        %dma_start3A_258 = tpu.memref_slice %arg10[%run_scoped3A_185, %dma_start3A_257] : memref<4x128xi32, #tpu.memory_space<vmem>> -> memref<1x128xi32, #tpu.memory_space<vmem>>
        %dma_start3A_259 = tpu.memref_squeeze %dma_start3A_258 : memref<1x128xi32, #tpu.memory_space<vmem>> -> memref<128xi32, #tpu.memory_space<vmem>>
        %dma_start3A_260 = arith.constant 0 : i32
        %dma_start3A_261 = arith.constant 0 : i32
        %dma_start3A_262 = tpu.memref_slice %arg13[%dma_start3A_260, %dma_start3A_261] : memref<10240x128xf32, #tpu.memory_space<vmem_shared>> -> memref<10240x128xf32, #tpu.memory_space<vmem_shared>>
        tpu.enqueue_indirect_dma source(%arg12 : memref<128x128xf32, #tpu.memory_space<vmem>>) target(%dma_start3A_262 : memref<10240x128xf32, #tpu.memory_space<vmem_shared>>) offsets(%dma_start3A_259 : memref<128xi32, #tpu.memory_space<vmem>>) semaphore(%run_scoped3A_256 : memref<!tpu.dma_semaphore, #tpu.memory_space<semaphore_mem>>) {add = true}
        %dma_wait3A_263 = arith.constant 0 : i32
        %dma_wait3A_264 = tpu.memref_slice %arg10[%run_scoped3A_185, %dma_wait3A_263] : memref<4x128xi32, #tpu.memory_space<vmem>> -> memref<1x128xi32, #tpu.memory_space<vmem>>
        %dma_wait3A_265 = tpu.memref_squeeze %dma_wait3A_264 : memref<1x128xi32, #tpu.memory_space<vmem>> -> memref<128xi32, #tpu.memory_space<vmem>>
        %dma_wait3A_266 = arith.constant 0 : i32
        %dma_wait3A_267 = arith.constant 0 : i32
        %dma_wait3A_268 = tpu.memref_slice %arg13[%dma_wait3A_266, %dma_wait3A_267] : memref<10240x128xf32, #tpu.memory_space<vmem_shared>> -> memref<10240x128xf32, #tpu.memory_space<vmem_shared>>
        tpu.wait_indirect_dma semaphore(%run_scoped3A_256 : memref<!tpu.dma_semaphore, #tpu.memory_space<semaphore_mem>>) src(%arg12 : memref<128x128xf32, #tpu.memory_space<vmem>>) dst(%dma_wait3A_268 : memref<10240x128xf32, #tpu.memory_space<vmem_shared>>)
        tpu.yield
      }) : () -> ()
      %dma_start3A_186 = arith.constant 3 : i32
      %dma_start3A_187 = arith.constant 0 : i32
      %dma_start3A_188 = tpu.memref_slice %arg8[%dma_start3A_186, %dma_start3A_187] : memref<4x128xi32, #tpu.memory_space<vmem>> -> memref<1x128xi32, #tpu.memory_space<vmem>>
      %dma_start3A_189 = tpu.memref_squeeze %dma_start3A_188 : memref<1x128xi32, #tpu.memory_space<vmem>> -> memref<128xi32, #tpu.memory_space<vmem>>
      %dma_start3A_190 = arith.constant 0 : i32
      %dma_start3A_191 = arith.constant 0 : i32
      %dma_start3A_192 = tpu.memref_slice %arg2[%dma_start3A_190, %dma_start3A_191] : memref<10240x128xf32, #tpu.memory_space<hbm>> -> memref<10240x128xf32, #tpu.memory_space<hbm>>
      tpu.enqueue_indirect_dma source(%dma_start3A_192 : memref<10240x128xf32, #tpu.memory_space<hbm>>) target(%arg12 : memref<128x128xf32, #tpu.memory_space<vmem>>) offsets(%dma_start3A_189 : memref<128xi32, #tpu.memory_space<vmem>>) semaphore(%arg15 : memref<!tpu.dma_semaphore, #tpu.memory_space<semaphore_mem>>)
      %dma_wait3A_193 = arith.constant 2 : i32
      %dma_wait3A_194 = arith.constant 0 : i32
      %dma_wait3A_195 = tpu.memref_slice %arg8[%dma_wait3A_193, %dma_wait3A_194] : memref<4x128xi32, #tpu.memory_space<vmem>> -> memref<1x128xi32, #tpu.memory_space<vmem>>
      %dma_wait3A_196 = tpu.memref_squeeze %dma_wait3A_195 : memref<1x128xi32, #tpu.memory_space<vmem>> -> memref<128xi32, #tpu.memory_space<vmem>>
      %dma_wait3A_197 = arith.constant 0 : i32
      %dma_wait3A_198 = arith.constant 0 : i32
      %dma_wait3A_199 = tpu.memref_slice %arg2[%dma_wait3A_197, %dma_wait3A_198] : memref<10240x128xf32, #tpu.memory_space<hbm>> -> memref<10240x128xf32, #tpu.memory_space<hbm>>
      tpu.wait_indirect_dma semaphore(%arg14 : memref<!tpu.dma_semaphore, #tpu.memory_space<semaphore_mem>>) src(%dma_wait3A_199 : memref<10240x128xf32, #tpu.memory_space<hbm>>) dst(%arg11 : memref<128x128xf32, #tpu.memory_space<vmem>>)
      %run_scoped3A_200 = arith.constant 2 : i32
      "tpu.region"() ({
        %run_scoped3A_256 = tpu.sem_alloc : memref<!tpu.dma_semaphore, #tpu.memory_space<semaphore_mem>>
        %dma_start3A_257 = arith.constant 0 : i32
        %dma_start3A_258 = tpu.memref_slice %arg10[%run_scoped3A_200, %dma_start3A_257] : memref<4x128xi32, #tpu.memory_space<vmem>> -> memref<1x128xi32, #tpu.memory_space<vmem>>
        %dma_start3A_259 = tpu.memref_squeeze %dma_start3A_258 : memref<1x128xi32, #tpu.memory_space<vmem>> -> memref<128xi32, #tpu.memory_space<vmem>>
        %dma_start3A_260 = arith.constant 0 : i32
        %dma_start3A_261 = arith.constant 0 : i32
        %dma_start3A_262 = tpu.memref_slice %arg13[%dma_start3A_260, %dma_start3A_261] : memref<10240x128xf32, #tpu.memory_space<vmem_shared>> -> memref<10240x128xf32, #tpu.memory_space<vmem_shared>>
        tpu.enqueue_indirect_dma source(%arg11 : memref<128x128xf32, #tpu.memory_space<vmem>>) target(%dma_start3A_262 : memref<10240x128xf32, #tpu.memory_space<vmem_shared>>) offsets(%dma_start3A_259 : memref<128xi32, #tpu.memory_space<vmem>>) semaphore(%run_scoped3A_256 : memref<!tpu.dma_semaphore, #tpu.memory_space<semaphore_mem>>) {add = true}
        %dma_wait3A_263 = arith.constant 0 : i32
        %dma_wait3A_264 = tpu.memref_slice %arg10[%run_scoped3A_200, %dma_wait3A_263] : memref<4x128xi32, #tpu.memory_space<vmem>> -> memref<1x128xi32, #tpu.memory_space<vmem>>
        %dma_wait3A_265 = tpu.memref_squeeze %dma_wait3A_264 : memref<1x128xi32, #tpu.memory_space<vmem>> -> memref<128xi32, #tpu.memory_space<vmem>>
        %dma_wait3A_266 = arith.constant 0 : i32
        %dma_wait3A_267 = arith.constant 0 : i32
        %dma_wait3A_268 = tpu.memref_slice %arg13[%dma_wait3A_266, %dma_wait3A_267] : memref<10240x128xf32, #tpu.memory_space<vmem_shared>> -> memref<10240x128xf32, #tpu.memory_space<vmem_shared>>
        tpu.wait_indirect_dma semaphore(%run_scoped3A_256 : memref<!tpu.dma_semaphore, #tpu.memory_space<semaphore_mem>>) src(%arg11 : memref<128x128xf32, #tpu.memory_space<vmem>>) dst(%dma_wait3A_268 : memref<10240x128xf32, #tpu.memory_space<vmem_shared>>)
        tpu.yield
      }) : () -> ()
      %dma_wait3A_201 = arith.constant 0 : i32
      %dma_wait3A_202 = arith.constant 0 : i32
      %dma_wait3A_203 = tpu.memref_slice %arg3[%add3A, %dma_wait3A_201, %dma_wait3A_202] : memref<32x80x128xi32, #tpu.memory_space<hbm>> -> memref<1x4x128xi32, #tpu.memory_space<hbm>>
      %dma_wait3A_204 = tpu.memref_squeeze %dma_wait3A_203 : memref<1x4x128xi32, #tpu.memory_space<hbm>> -> memref<4x128xi32, #tpu.memory_space<hbm>>
      %dma_wait3A_205 = arith.constant 0 : i32
      %dma_wait3A_206 = arith.constant 0 : i32
      %dma_wait3A_207 = tpu.memref_slice %arg3[%add3A, %dma_wait3A_205, %dma_wait3A_206] : memref<32x80x128xi32, #tpu.memory_space<hbm>> -> memref<1x4x128xi32, #tpu.memory_space<hbm>>
      %dma_wait3A_208 = tpu.memref_squeeze %dma_wait3A_207 : memref<1x4x128xi32, #tpu.memory_space<hbm>> -> memref<4x128xi32, #tpu.memory_space<hbm>>
      tpu.wait_dma2 semaphore(%arg16 : memref<!tpu.dma_semaphore, #tpu.memory_space<semaphore_mem>>) src(%dma_wait3A_208 : memref<4x128xi32, #tpu.memory_space<hbm>>) dst(%arg7 : memref<4x128xi32, #tpu.memory_space<vmem>>)
      %dma_wait3A_209 = arith.constant 0 : i32
      %dma_wait3A_210 = arith.constant 0 : i32
      %dma_wait3A_211 = tpu.memref_slice %arg4[%add3A, %dma_wait3A_209, %dma_wait3A_210] : memref<32x80x128xi32, #tpu.memory_space<hbm>> -> memref<1x4x128xi32, #tpu.memory_space<hbm>>
      %dma_wait3A_212 = tpu.memref_squeeze %dma_wait3A_211 : memref<1x4x128xi32, #tpu.memory_space<hbm>> -> memref<4x128xi32, #tpu.memory_space<hbm>>
      %dma_wait3A_213 = arith.constant 0 : i32
      %dma_wait3A_214 = arith.constant 0 : i32
      %dma_wait3A_215 = tpu.memref_slice %arg4[%add3A, %dma_wait3A_213, %dma_wait3A_214] : memref<32x80x128xi32, #tpu.memory_space<hbm>> -> memref<1x4x128xi32, #tpu.memory_space<hbm>>
      %dma_wait3A_216 = tpu.memref_squeeze %dma_wait3A_215 : memref<1x4x128xi32, #tpu.memory_space<hbm>> -> memref<4x128xi32, #tpu.memory_space<hbm>>
      tpu.wait_dma2 semaphore(%arg16 : memref<!tpu.dma_semaphore, #tpu.memory_space<semaphore_mem>>) src(%dma_wait3A_216 : memref<4x128xi32, #tpu.memory_space<hbm>>) dst(%arg9 : memref<4x128xi32, #tpu.memory_space<vmem>>)
      %dma_start3A_217 = arith.constant 0 : i32
      %dma_start3A_218 = arith.constant 0 : i32
      %dma_start3A_219 = tpu.memref_slice %arg7[%dma_start3A_217, %dma_start3A_218] : memref<4x128xi32, #tpu.memory_space<vmem>> -> memref<1x128xi32, #tpu.memory_space<vmem>>
      %dma_start3A_220 = tpu.memref_squeeze %dma_start3A_219 : memref<1x128xi32, #tpu.memory_space<vmem>> -> memref<128xi32, #tpu.memory_space<vmem>>
      %dma_start3A_221 = arith.constant 0 : i32
      %dma_start3A_222 = arith.constant 0 : i32
      %dma_start3A_223 = tpu.memref_slice %arg2[%dma_start3A_221, %dma_start3A_222] : memref<10240x128xf32, #tpu.memory_space<hbm>> -> memref<10240x128xf32, #tpu.memory_space<hbm>>
      tpu.enqueue_indirect_dma source(%dma_start3A_223 : memref<10240x128xf32, #tpu.memory_space<hbm>>) target(%arg11 : memref<128x128xf32, #tpu.memory_space<vmem>>) offsets(%dma_start3A_220 : memref<128xi32, #tpu.memory_space<vmem>>) semaphore(%arg14 : memref<!tpu.dma_semaphore, #tpu.memory_space<semaphore_mem>>)
      %dma_wait3A_224 = arith.constant 3 : i32
      %dma_wait3A_225 = arith.constant 0 : i32
      %dma_wait3A_226 = tpu.memref_slice %arg8[%dma_wait3A_224, %dma_wait3A_225] : memref<4x128xi32, #tpu.memory_space<vmem>> -> memref<1x128xi32, #tpu.memory_space<vmem>>
      %dma_wait3A_227 = tpu.memref_squeeze %dma_wait3A_226 : memref<1x128xi32, #tpu.memory_space<vmem>> -> memref<128xi32, #tpu.memory_space<vmem>>
      %dma_wait3A_228 = arith.constant 0 : i32
      %dma_wait3A_229 = arith.constant 0 : i32
      %dma_wait3A_230 = tpu.memref_slice %arg2[%dma_wait3A_228, %dma_wait3A_229] : memref<10240x128xf32, #tpu.memory_space<hbm>> -> memref<10240x128xf32, #tpu.memory_space<hbm>>
      tpu.wait_indirect_dma semaphore(%arg15 : memref<!tpu.dma_semaphore, #tpu.memory_space<semaphore_mem>>) src(%dma_wait3A_230 : memref<10240x128xf32, #tpu.memory_space<hbm>>) dst(%arg12 : memref<128x128xf32, #tpu.memory_space<vmem>>)
      %run_scoped3A_231 = arith.constant 3 : i32
      "tpu.region"() ({
        %run_scoped3A_256 = tpu.sem_alloc : memref<!tpu.dma_semaphore, #tpu.memory_space<semaphore_mem>>
        %dma_start3A_257 = arith.constant 0 : i32
        %dma_start3A_258 = tpu.memref_slice %arg10[%run_scoped3A_231, %dma_start3A_257] : memref<4x128xi32, #tpu.memory_space<vmem>> -> memref<1x128xi32, #tpu.memory_space<vmem>>
        %dma_start3A_259 = tpu.memref_squeeze %dma_start3A_258 : memref<1x128xi32, #tpu.memory_space<vmem>> -> memref<128xi32, #tpu.memory_space<vmem>>
        %dma_start3A_260 = arith.constant 0 : i32
        %dma_start3A_261 = arith.constant 0 : i32
        %dma_start3A_262 = tpu.memref_slice %arg13[%dma_start3A_260, %dma_start3A_261] : memref<10240x128xf32, #tpu.memory_space<vmem_shared>> -> memref<10240x128xf32, #tpu.memory_space<vmem_shared>>
        tpu.enqueue_indirect_dma source(%arg12 : memref<128x128xf32, #tpu.memory_space<vmem>>) target(%dma_start3A_262 : memref<10240x128xf32, #tpu.memory_space<vmem_shared>>) offsets(%dma_start3A_259 : memref<128xi32, #tpu.memory_space<vmem>>) semaphore(%run_scoped3A_256 : memref<!tpu.dma_semaphore, #tpu.memory_space<semaphore_mem>>) {add = true}
        %dma_wait3A_263 = arith.constant 0 : i32
        %dma_wait3A_264 = tpu.memref_slice %arg10[%run_scoped3A_231, %dma_wait3A_263] : memref<4x128xi32, #tpu.memory_space<vmem>> -> memref<1x128xi32, #tpu.memory_space<vmem>>
        %dma_wait3A_265 = tpu.memref_squeeze %dma_wait3A_264 : memref<1x128xi32, #tpu.memory_space<vmem>> -> memref<128xi32, #tpu.memory_space<vmem>>
        %dma_wait3A_266 = arith.constant 0 : i32
        %dma_wait3A_267 = arith.constant 0 : i32
        %dma_wait3A_268 = tpu.memref_slice %arg13[%dma_wait3A_266, %dma_wait3A_267] : memref<10240x128xf32, #tpu.memory_space<vmem_shared>> -> memref<10240x128xf32, #tpu.memory_space<vmem_shared>>
        tpu.wait_indirect_dma semaphore(%run_scoped3A_256 : memref<!tpu.dma_semaphore, #tpu.memory_space<semaphore_mem>>) src(%arg12 : memref<128x128xf32, #tpu.memory_space<vmem>>) dst(%dma_wait3A_268 : memref<10240x128xf32, #tpu.memory_space<vmem_shared>>)
        tpu.yield
      }) : () -> ()
      %lt3A_232 = arith.constant 9 : i32
      %lt3A_233 = arith.cmpi slt, %scan3A_59, %lt3A_232 : i32
      %mul3A_234 = arith.constant 2 : i32
      %mul3A_235 = arith.muli %mul3A_234, %scan3A_59 : i32
      %add3A_236 = arith.constant 3 : i32
      %add3A_237 = arith.addi %mul3A_235, %add3A_236 : i32
      %jit3A_238 = arith.constant 1 : i32
      %select_n3A_239 = arith.select %lt3A_233, %add3A_237, %jit3A_238 : i32
      %mul3A_240 = arith.constant 4 : i32
      %mul3A_241 = arith.muli %select_n3A_239, %mul3A_240 : i32
      %dma_start3A_242 = arith.constant 0 : i32
      %dma_start3A_243 = tpu.memref_slice %arg3[%add3A, %mul3A_241, %dma_start3A_242] : memref<32x80x128xi32, #tpu.memory_space<hbm>> -> memref<1x4x128xi32, #tpu.memory_space<hbm>>
      %dma_start3A_244 = tpu.memref_squeeze %dma_start3A_243 : memref<1x4x128xi32, #tpu.memory_space<hbm>> -> memref<4x128xi32, #tpu.memory_space<hbm>>
      %dma_start3A_245 = arith.constant 0 : i32
      %dma_start3A_246 = tpu.memref_slice %arg3[%add3A, %mul3A_241, %dma_start3A_245] : memref<32x80x128xi32, #tpu.memory_space<hbm>> -> memref<1x4x128xi32, #tpu.memory_space<hbm>>
      %dma_start3A_247 = tpu.memref_squeeze %dma_start3A_246 : memref<1x4x128xi32, #tpu.memory_space<hbm>> -> memref<4x128xi32, #tpu.memory_space<hbm>>
      tpu.enqueue_dma source(%dma_start3A_247 : memref<4x128xi32, #tpu.memory_space<hbm>>) target(%arg8 : memref<4x128xi32, #tpu.memory_space<vmem>>) target_semaphore(%arg17 : memref<!tpu.dma_semaphore, #tpu.memory_space<semaphore_mem>>)
      %mul3A_248 = arith.constant 4 : i32
      %mul3A_249 = arith.muli %select_n3A_239, %mul3A_248 : i32
      %dma_start3A_250 = arith.constant 0 : i32
      %dma_start3A_251 = tpu.memref_slice %arg4[%add3A, %mul3A_249, %dma_start3A_250] : memref<32x80x128xi32, #tpu.memory_space<hbm>> -> memref<1x4x128xi32, #tpu.memory_space<hbm>>
      %dma_start3A_252 = tpu.memref_squeeze %dma_start3A_251 : memref<1x4x128xi32, #tpu.memory_space<hbm>> -> memref<4x128xi32, #tpu.memory_space<hbm>>
      %dma_start3A_253 = arith.constant 0 : i32
      %dma_start3A_254 = tpu.memref_slice %arg4[%add3A, %mul3A_249, %dma_start3A_253] : memref<32x80x128xi32, #tpu.memory_space<hbm>> -> memref<1x4x128xi32, #tpu.memory_space<hbm>>
      %dma_start3A_255 = tpu.memref_squeeze %dma_start3A_254 : memref<1x4x128xi32, #tpu.memory_space<hbm>> -> memref<4x128xi32, #tpu.memory_space<hbm>>
      tpu.enqueue_dma source(%dma_start3A_255 : memref<4x128xi32, #tpu.memory_space<hbm>>) target(%arg10 : memref<4x128xi32, #tpu.memory_space<vmem>>) target_semaphore(%arg17 : memref<!tpu.dma_semaphore, #tpu.memory_space<semaphore_mem>>)
    }
    %scan3A_31 = arith.constant 10 : i32
    %dma_wait3A = arith.constant 0 : i32
    %dma_wait3A_32 = arith.constant 0 : i32
    %dma_wait3A_33 = tpu.memref_slice %arg7[%dma_wait3A, %dma_wait3A_32] : memref<4x128xi32, #tpu.memory_space<vmem>> -> memref<1x128xi32, #tpu.memory_space<vmem>>
    %dma_wait3A_34 = tpu.memref_squeeze %dma_wait3A_33 : memref<1x128xi32, #tpu.memory_space<vmem>> -> memref<128xi32, #tpu.memory_space<vmem>>
    %dma_wait3A_35 = arith.constant 0 : i32
    %dma_wait3A_36 = arith.constant 0 : i32
    %dma_wait3A_37 = tpu.memref_slice %arg2[%dma_wait3A_35, %dma_wait3A_36] : memref<10240x128xf32, #tpu.memory_space<hbm>> -> memref<10240x128xf32, #tpu.memory_space<hbm>>
    tpu.wait_indirect_dma semaphore(%arg14 : memref<!tpu.dma_semaphore, #tpu.memory_space<semaphore_mem>>) src(%dma_wait3A_37 : memref<10240x128xf32, #tpu.memory_space<hbm>>) dst(%arg11 : memref<128x128xf32, #tpu.memory_space<vmem>>)
    %dma_wait3A_38 = arith.constant 0 : i32
    %dma_wait3A_39 = arith.constant 0 : i32
    %dma_wait3A_40 = tpu.memref_slice %arg3[%add3A, %dma_wait3A_38, %dma_wait3A_39] : memref<32x80x128xi32, #tpu.memory_space<hbm>> -> memref<1x4x128xi32, #tpu.memory_space<hbm>>
    %dma_wait3A_41 = tpu.memref_squeeze %dma_wait3A_40 : memref<1x4x128xi32, #tpu.memory_space<hbm>> -> memref<4x128xi32, #tpu.memory_space<hbm>>
    %dma_wait3A_42 = arith.constant 0 : i32
    %dma_wait3A_43 = arith.constant 0 : i32
    %dma_wait3A_44 = tpu.memref_slice %arg3[%add3A, %dma_wait3A_42, %dma_wait3A_43] : memref<32x80x128xi32, #tpu.memory_space<hbm>> -> memref<1x4x128xi32, #tpu.memory_space<hbm>>
    %dma_wait3A_45 = tpu.memref_squeeze %dma_wait3A_44 : memref<1x4x128xi32, #tpu.memory_space<hbm>> -> memref<4x128xi32, #tpu.memory_space<hbm>>
    tpu.wait_dma2 semaphore(%arg17 : memref<!tpu.dma_semaphore, #tpu.memory_space<semaphore_mem>>) src(%dma_wait3A_45 : memref<4x128xi32, #tpu.memory_space<hbm>>) dst(%arg8 : memref<4x128xi32, #tpu.memory_space<vmem>>)
    %dma_wait3A_46 = arith.constant 0 : i32
    %dma_wait3A_47 = arith.constant 0 : i32
    %dma_wait3A_48 = tpu.memref_slice %arg4[%add3A, %dma_wait3A_46, %dma_wait3A_47] : memref<32x80x128xi32, #tpu.memory_space<hbm>> -> memref<1x4x128xi32, #tpu.memory_space<hbm>>
    %dma_wait3A_49 = tpu.memref_squeeze %dma_wait3A_48 : memref<1x4x128xi32, #tpu.memory_space<hbm>> -> memref<4x128xi32, #tpu.memory_space<hbm>>
    %dma_wait3A_50 = arith.constant 0 : i32
    %dma_wait3A_51 = arith.constant 0 : i32
    %dma_wait3A_52 = tpu.memref_slice %arg4[%add3A, %dma_wait3A_50, %dma_wait3A_51] : memref<32x80x128xi32, #tpu.memory_space<hbm>> -> memref<1x4x128xi32, #tpu.memory_space<hbm>>
    %dma_wait3A_53 = tpu.memref_squeeze %dma_wait3A_52 : memref<1x4x128xi32, #tpu.memory_space<hbm>> -> memref<4x128xi32, #tpu.memory_space<hbm>>
    tpu.wait_dma2 semaphore(%arg17 : memref<!tpu.dma_semaphore, #tpu.memory_space<semaphore_mem>>) src(%dma_wait3A_53 : memref<4x128xi32, #tpu.memory_space<hbm>>) dst(%arg10 : memref<4x128xi32, #tpu.memory_space<vmem>>)
    %barrier3A_54 = arith.constant 0 : index
    tpu.barrier barrier_id(%barrier3A_54)
    %mul3A_55 = arith.constant 640 : i32
    %mul3A_56 = arith.muli %arg1, %mul3A_55 : i32
    %mul3A_57 = arith.constant 640 : i32
    %mul3A_58 = arith.muli %arg1, %mul3A_57 : i32
    "tpu.region"() ({
      %run_scoped3A = tpu.sem_alloc : memref<!tpu.dma_semaphore, #tpu.memory_space<semaphore_mem>>
      %dma_start3A_59 = arith.constant 0 : i32
      %dma_start3A_60 = tpu.memref_slice %arg6[%arg0, %mul3A_58, %dma_start3A_59] : memref<2x10240x128xf32, #tpu.memory_space<hbm>> -> memref<1x640x128xf32, #tpu.memory_space<hbm>>
      %dma_start3A_61 = tpu.memref_squeeze %dma_start3A_60 : memref<1x640x128xf32, #tpu.memory_space<hbm>> -> memref<640x128xf32, #tpu.memory_space<hbm>>
      %dma_start3A_62 = arith.constant 0 : i32
      %dma_start3A_63 = tpu.memref_slice %arg13[%mul3A_56, %dma_start3A_62] : memref<10240x128xf32, #tpu.memory_space<vmem_shared>> -> memref<640x128xf32, #tpu.memory_space<vmem_shared>>
      tpu.enqueue_dma source(%dma_start3A_63 : memref<640x128xf32, #tpu.memory_space<vmem_shared>>) target(%dma_start3A_61 : memref<640x128xf32, #tpu.memory_space<hbm>>) target_semaphore(%run_scoped3A : memref<!tpu.dma_semaphore, #tpu.memory_space<semaphore_mem>>)
      %dma_wait3A_64 = arith.constant 0 : i32
      %dma_wait3A_65 = tpu.memref_slice %arg6[%arg0, %mul3A_58, %dma_wait3A_64] : memref<2x10240x128xf32, #tpu.memory_space<hbm>> -> memref<1x640x128xf32, #tpu.memory_space<hbm>>
      %dma_wait3A_66 = tpu.memref_squeeze %dma_wait3A_65 : memref<1x640x128xf32, #tpu.memory_space<hbm>> -> memref<640x128xf32, #tpu.memory_space<hbm>>
      %dma_wait3A_67 = arith.constant 0 : i32
      %dma_wait3A_68 = tpu.memref_slice %arg13[%mul3A_56, %dma_wait3A_67] : memref<10240x128xf32, #tpu.memory_space<vmem_shared>> -> memref<640x128xf32, #tpu.memory_space<vmem_shared>>
      tpu.wait_dma2 semaphore(%run_scoped3A : memref<!tpu.dma_semaphore, #tpu.memory_space<semaphore_mem>>) src(%dma_wait3A_68 : memref<640x128xf32, #tpu.memory_space<vmem_shared>>) dst(%dma_wait3A_66 : memref<640x128xf32, #tpu.memory_space<hbm>>)
      tpu.yield
    }) : () -> ()
    return
  }
}

module attributes {stable_mosaic.version = 14 : i64} {
  func.func @_root_body(%arg0: i32, %arg1: memref<2048x128xf32, #tpu.memory_space<vmem>>, %arg2: memref<128x128xf32, #tpu.memory_space<vmem>>, %arg3: memref<1x128xf32, #tpu.memory_space<vmem>>, %arg4: memref<2048x128xf32, #tpu.memory_space<vmem>>) attributes {dimension_semantics = [#tpu.dimension_semantics<arbitrary>], iteration_bounds = array<i64: 5>, scalar_prefetch = 0 : i64, scratch_operands = 0 : i64, tpu.core_type = #tpu.core_type<tc>, window_params = [{transform_indices = @transform_0, window_bounds = array<i64: 2048, 128>}, {pipeline_mode = #tpu.pipeline_mode<synchronous>, transform_indices = @transform_1, window_bounds = array<i64: 128, 128>}, {pipeline_mode = #tpu.pipeline_mode<synchronous>, transform_indices = @transform_2, window_bounds = array<i64: 1, 128>}, {transform_indices = @transform_3, window_bounds = array<i64: 2048, 128>}]} {
    %get3A = arith.constant 0 : index
    %get3A_0 = arith.constant 0 : index
    %get3A_1 = vector.load %arg1[%get3A, %get3A_0] : memref<2048x128xf32, #tpu.memory_space<vmem>>, vector<2048x128xf32>
    %get3A_2 = arith.constant 0 : index
    %get3A_3 = arith.constant 0 : index
    %get3A_4 = vector.load %arg2[%get3A_2, %get3A_3] : memref<128x128xf32, #tpu.memory_space<vmem>>, vector<128x128xf32>
    %dot_general3A = arith.constant dense<0.000000e+00> : vector<2048x128xf32>
    %dot_general3A_5 = tpu.matmul %get3A_1, %get3A_4, %dot_general3A {dimension_numbers = #tpu.dot_dimension_numbers<[1], [0], [0], [1], [0, 0, 1, 1], [], []>, transpose_lhs_hint = false} : vector<2048x128xf32>, vector<128x128xf32>, vector<2048x128xf32> -> vector<2048x128xf32>
    %get3A_6 = arith.constant 0 : index
    %get3A_7 = arith.constant 0 : index
    %get3A_8 = vector.load %arg3[%get3A_6, %get3A_7] : memref<1x128xf32, #tpu.memory_space<vmem>>, vector<1x128xf32>
    %add3A = vector.broadcast %get3A_8 : vector<1x128xf32> to vector<2048x128xf32>
    %add3A_9 = arith.addf %dot_general3A_5, %add3A : vector<2048x128xf32>
    %swap3A = arith.constant 0 : index
    %swap3A_10 = arith.constant 0 : index
    %swap3A_11 = vector.load %arg4[%swap3A, %swap3A_10] : memref<2048x128xf32, #tpu.memory_space<vmem>>, vector<2048x128xf32>
    tpu.vector_store %arg4[%swap3A, %swap3A_10], %add3A_9 {strides = array<i32>} : memref<2048x128xf32, #tpu.memory_space<vmem>>, vector<2048x128xf32>,
    return
  }
  func.func @transform_0(%arg0: i32) -> (i32, i32) {
    %c0_i32 = arith.constant 0 : i32
    %c0_i32_0 = arith.constant 0 : i32
    return %arg0, %c0_i32 : i32, i32
  }
  func.func @transform_1(%arg0: i32) -> (i32, i32) {
    %c0_i32 = arith.constant 0 : i32
    %c0_i32_0 = arith.constant 0 : i32
    %c0_i32_1 = arith.constant 0 : i32
    return %c0_i32, %c0_i32_0 : i32, i32
  }
  func.func @transform_2(%arg0: i32) -> (i32, i32) {
    %c0_i32 = arith.constant 0 : i32
    %c0_i32_0 = arith.constant 0 : i32
    %c0_i32_1 = arith.constant 0 : i32
    return %c0_i32, %c0_i32_0 : i32, i32
  }
  func.func @transform_3(%arg0: i32) -> (i32, i32) {
    %c0_i32 = arith.constant 0 : i32
    %c0_i32_0 = arith.constant 0 : i32
    return %arg0, %c0_i32 : i32, i32
  }
}

module attributes {stable_mosaic.version = 14 : i64} {
  func.func @_combine1_body(%arg0: i32, %arg1: memref<2x2048x128xf32, #tpu.memory_space<vmem>>, %arg2: memref<2048x2xf32, #tpu.memory_space<vmem>>, %arg3: memref<2048x128xf32, #tpu.memory_space<vmem>>, %arg4: memref<128x128xf32, #tpu.memory_space<vmem>>, %arg5: memref<2048x128xf32, #tpu.memory_space<vmem>>, %arg6: memref<2048x1xf32, #tpu.memory_space<vmem>>) attributes {dimension_semantics = [#tpu.dimension_semantics<arbitrary>], iteration_bounds = array<i64: 5>, scalar_prefetch = 0 : i64, scratch_operands = 0 : i64, tpu.core_type = #tpu.core_type<tc>, window_params = [{transform_indices = @transform_0, window_bounds = array<i64: 2, 2048, 128>}, {transform_indices = @transform_1, window_bounds = array<i64: 2048, 2>}, {transform_indices = @transform_2, window_bounds = array<i64: 2048, 128>}, {pipeline_mode = #tpu.pipeline_mode<synchronous>, transform_indices = @transform_3, window_bounds = array<i64: 128, 128>}, {transform_indices = @transform_4, window_bounds = array<i64: 2048, 128>}, {transform_indices = @transform_5, window_bounds = array<i64: 2048, 1>}]} {
    %get3A = arith.constant 0 : index
    %get3A_0 = arith.constant 0 : index
    %get3A_1 = vector.load %arg2[%get3A, %get3A_0] : memref<2048x2xf32, #tpu.memory_space<vmem>>, vector<2048x1xf32>
    %get3A_2 = arith.constant 0 : index
    %get3A_3 = arith.constant 1 : index
    %get3A_4 = vector.load %arg2[%get3A_2, %get3A_3] : memref<2048x2xf32, #tpu.memory_space<vmem>>, vector<2048x1xf32>
    %add3A = arith.addf %get3A_1, %get3A_4 : vector<2048x1xf32>
    %max3A = arith.constant 1.000000e+00 : f32
    %max3A_5 = vector.broadcast %max3A : f32 to vector<2048x1xf32>
    %max3A_6 = arith.maximumf %add3A, %max3A_5 : vector<2048x1xf32>
    %div3A = arith.constant 1.000000e+00 : f32
    %div3A_7 = vector.broadcast %div3A : f32 to vector<2048x1xf32>
    %div3A_8 = arith.divf %div3A_7, %max3A_6 : vector<2048x1xf32>
    %get3A_9 = arith.constant 0 : index
    %get3A_10 = arith.constant 0 : index
    %get3A_11 = arith.constant 0 : index
    %get3A_12 = vector.load %arg1[%get3A_9, %get3A_10, %get3A_11] : memref<2x2048x128xf32, #tpu.memory_space<vmem>>, vector<1x2048x128xf32>
    %get3A_13 = vector.shape_cast %get3A_12 : vector<1x2048x128xf32> to vector<2048x128xf32>
    %get3A_14 = arith.constant 1 : index
    %get3A_15 = arith.constant 0 : index
    %get3A_16 = arith.constant 0 : index
    %get3A_17 = vector.load %arg1[%get3A_14, %get3A_15, %get3A_16] : memref<2x2048x128xf32, #tpu.memory_space<vmem>>, vector<1x2048x128xf32>
    %get3A_18 = vector.shape_cast %get3A_17 : vector<1x2048x128xf32> to vector<2048x128xf32>
    %add3A_19 = arith.addf %get3A_13, %get3A_18 : vector<2048x128xf32>
    %mul3A = vector.broadcast %div3A_8 : vector<2048x1xf32> to vector<2048x128xf32>
    %mul3A_20 = arith.mulf %add3A_19, %mul3A : vector<2048x128xf32>
    %get3A_21 = arith.constant 0 : index
    %get3A_22 = arith.constant 0 : index
    %get3A_23 = vector.load %arg4[%get3A_21, %get3A_22] : memref<128x128xf32, #tpu.memory_space<vmem>>, vector<128x128xf32>
    %dot_general3A = arith.constant dense<0.000000e+00> : vector<2048x128xf32>
    %dot_general3A_24 = tpu.matmul %mul3A_20, %get3A_23, %dot_general3A {dimension_numbers = #tpu.dot_dimension_numbers<[1], [0], [0], [1], [0, 0, 1, 1], [], []>, transpose_lhs_hint = false} : vector<2048x128xf32>, vector<128x128xf32>, vector<2048x128xf32> -> vector<2048x128xf32>
    %get3A_25 = arith.constant 0 : index
    %get3A_26 = arith.constant 0 : index
    %get3A_27 = vector.load %arg3[%get3A_25, %get3A_26] : memref<2048x128xf32, #tpu.memory_space<vmem>>, vector<2048x128xf32>
    %add3A_28 = arith.addf %dot_general3A_24, %get3A_27 : vector<2048x128xf32>
    %max3A_29 = arith.constant 0.000000e+00 : f32
    %max3A_30 = vector.broadcast %max3A_29 : f32 to vector<2048x128xf32>
    %max3A_31 = arith.maximumf %add3A_28, %max3A_30 : vector<2048x128xf32>
    %swap3A = arith.constant 0 : index
    %swap3A_32 = arith.constant 0 : index
    %swap3A_33 = vector.load %arg5[%swap3A, %swap3A_32] : memref<2048x128xf32, #tpu.memory_space<vmem>>, vector<2048x128xf32>
    tpu.vector_store %arg5[%swap3A, %swap3A_32], %max3A_31 {strides = array<i32>} : memref<2048x128xf32, #tpu.memory_space<vmem>>, vector<2048x128xf32>,
    %swap3A_34 = arith.constant 0 : index
    %swap3A_35 = arith.constant 0 : index
    %swap3A_36 = vector.load %arg6[%swap3A_34, %swap3A_35] : memref<2048x1xf32, #tpu.memory_space<vmem>>, vector<2048x1xf32>
    tpu.vector_store %arg6[%swap3A_34, %swap3A_35], %div3A_8 {strides = array<i32>} : memref<2048x1xf32, #tpu.memory_space<vmem>>, vector<2048x1xf32>,
    return
  }
  func.func @transform_0(%arg0: i32) -> (i32, i32, i32) {
    %c0_i32 = arith.constant 0 : i32
    %c0_i32_0 = arith.constant 0 : i32
    %c0_i32_1 = arith.constant 0 : i32
    return %c0_i32, %arg0, %c0_i32_0 : i32, i32, i32
  }
  func.func @transform_1(%arg0: i32) -> (i32, i32) {
    %c0_i32 = arith.constant 0 : i32
    %c0_i32_0 = arith.constant 0 : i32
    return %arg0, %c0_i32 : i32, i32
  }
  func.func @transform_2(%arg0: i32) -> (i32, i32) {
    %c0_i32 = arith.constant 0 : i32
    %c0_i32_0 = arith.constant 0 : i32
    return %arg0, %c0_i32 : i32, i32
  }
  func.func @transform_3(%arg0: i32) -> (i32, i32) {
    %c0_i32 = arith.constant 0 : i32
    %c0_i32_0 = arith.constant 0 : i32
    %c0_i32_1 = arith.constant 0 : i32
    return %c0_i32, %c0_i32_0 : i32, i32
  }
  func.func @transform_4(%arg0: i32) -> (i32, i32) {
    %c0_i32 = arith.constant 0 : i32
    %c0_i32_0 = arith.constant 0 : i32
    return %arg0, %c0_i32 : i32, i32
  }
  func.func @transform_5(%arg0: i32) -> (i32, i32) {
    %c0_i32 = arith.constant 0 : i32
    %c0_i32_0 = arith.constant 0 : i32
    return %arg0, %c0_i32 : i32, i32
  }
}

module attributes {stable_mosaic.version = 14 : i64} {
  func.func @_combine23_body(%arg0: i32, %arg1: memref<2x2048x128xf32, #tpu.memory_space<vmem>>, %arg2: memref<2048x1xf32, #tpu.memory_space<vmem>>, %arg3: memref<2048x128xf32, #tpu.memory_space<vmem>>, %arg4: memref<128x128xf32, #tpu.memory_space<vmem>>, %arg5: memref<2048x128xf32, #tpu.memory_space<vmem>>) attributes {dimension_semantics = [#tpu.dimension_semantics<arbitrary>], iteration_bounds = array<i64: 5>, scalar_prefetch = 0 : i64, scratch_operands = 0 : i64, tpu.core_type = #tpu.core_type<tc>, window_params = [{transform_indices = @transform_0, window_bounds = array<i64: 2, 2048, 128>}, {transform_indices = @transform_1, window_bounds = array<i64: 2048, 1>}, {transform_indices = @transform_2, window_bounds = array<i64: 2048, 128>}, {pipeline_mode = #tpu.pipeline_mode<synchronous>, transform_indices = @transform_3, window_bounds = array<i64: 128, 128>}, {transform_indices = @transform_4, window_bounds = array<i64: 2048, 128>}]} {
    %get3A = arith.constant 0 : index
    %get3A_0 = arith.constant 0 : index
    %get3A_1 = arith.constant 0 : index
    %get3A_2 = vector.load %arg1[%get3A, %get3A_0, %get3A_1] : memref<2x2048x128xf32, #tpu.memory_space<vmem>>, vector<1x2048x128xf32>
    %get3A_3 = vector.shape_cast %get3A_2 : vector<1x2048x128xf32> to vector<2048x128xf32>
    %get3A_4 = arith.constant 1 : index
    %get3A_5 = arith.constant 0 : index
    %get3A_6 = arith.constant 0 : index
    %get3A_7 = vector.load %arg1[%get3A_4, %get3A_5, %get3A_6] : memref<2x2048x128xf32, #tpu.memory_space<vmem>>, vector<1x2048x128xf32>
    %get3A_8 = vector.shape_cast %get3A_7 : vector<1x2048x128xf32> to vector<2048x128xf32>
    %add3A = arith.addf %get3A_3, %get3A_8 : vector<2048x128xf32>
    %get3A_9 = arith.constant 0 : index
    %get3A_10 = arith.constant 0 : index
    %get3A_11 = vector.load %arg2[%get3A_9, %get3A_10] : memref<2048x1xf32, #tpu.memory_space<vmem>>, vector<2048x1xf32>
    %mul3A = vector.broadcast %get3A_11 : vector<2048x1xf32> to vector<2048x128xf32>
    %mul3A_12 = arith.mulf %add3A, %mul3A : vector<2048x128xf32>
    %get3A_13 = arith.constant 0 : index
    %get3A_14 = arith.constant 0 : index
    %get3A_15 = vector.load %arg4[%get3A_13, %get3A_14] : memref<128x128xf32, #tpu.memory_space<vmem>>, vector<128x128xf32>
    %dot_general3A = arith.constant dense<0.000000e+00> : vector<2048x128xf32>
    %dot_general3A_16 = tpu.matmul %mul3A_12, %get3A_15, %dot_general3A {dimension_numbers = #tpu.dot_dimension_numbers<[1], [0], [0], [1], [0, 0, 1, 1], [], []>, transpose_lhs_hint = false} : vector<2048x128xf32>, vector<128x128xf32>, vector<2048x128xf32> -> vector<2048x128xf32>
    %get3A_17 = arith.constant 0 : index
    %get3A_18 = arith.constant 0 : index
    %get3A_19 = vector.load %arg3[%get3A_17, %get3A_18] : memref<2048x128xf32, #tpu.memory_space<vmem>>, vector<2048x128xf32>
    %add3A_20 = arith.addf %dot_general3A_16, %get3A_19 : vector<2048x128xf32>
    %max3A = arith.constant 0.000000e+00 : f32
    %max3A_21 = vector.broadcast %max3A : f32 to vector<2048x128xf32>
    %max3A_22 = arith.maximumf %add3A_20, %max3A_21 : vector<2048x128xf32>
    %swap3A = arith.constant 0 : index
    %swap3A_23 = arith.constant 0 : index
    %swap3A_24 = vector.load %arg5[%swap3A, %swap3A_23] : memref<2048x128xf32, #tpu.memory_space<vmem>>, vector<2048x128xf32>
    tpu.vector_store %arg5[%swap3A, %swap3A_23], %max3A_22 {strides = array<i32>} : memref<2048x128xf32, #tpu.memory_space<vmem>>, vector<2048x128xf32>,
    return
  }
  func.func @transform_0(%arg0: i32) -> (i32, i32, i32) {
    %c0_i32 = arith.constant 0 : i32
    %c0_i32_0 = arith.constant 0 : i32
    %c0_i32_1 = arith.constant 0 : i32
    return %c0_i32, %arg0, %c0_i32_0 : i32, i32, i32
  }
  func.func @transform_1(%arg0: i32) -> (i32, i32) {
    %c0_i32 = arith.constant 0 : i32
    %c0_i32_0 = arith.constant 0 : i32
    return %arg0, %c0_i32 : i32, i32
  }
  func.func @transform_2(%arg0: i32) -> (i32, i32) {
    %c0_i32 = arith.constant 0 : i32
    %c0_i32_0 = arith.constant 0 : i32
    return %arg0, %c0_i32 : i32, i32
  }
  func.func @transform_3(%arg0: i32) -> (i32, i32) {
    %c0_i32 = arith.constant 0 : i32
    %c0_i32_0 = arith.constant 0 : i32
    %c0_i32_1 = arith.constant 0 : i32
    return %c0_i32, %c0_i32_0 : i32, i32
  }
  func.func @transform_4(%arg0: i32) -> (i32, i32) {
    %c0_i32 = arith.constant 0 : i32
    %c0_i32_0 = arith.constant 0 : i32
    return %arg0, %c0_i32 : i32, i32
  }
}

module attributes {stable_mosaic.version = 14 : i64} {
  func.func @_pool_body(%arg0: memref<10240x128xf32, #tpu.memory_space<vmem>>, %arg1: memref<10240x1xi32, #tpu.memory_space<vmem>>, %arg2: memref<1x128xf32, #tpu.memory_space<vmem>>, %arg3: memref<1x1xf32, #tpu.memory_space<vmem>>, %arg4: memref<128x128xf32, #tpu.memory_space<vmem>>, %arg5: memref<1x128xf32, #tpu.memory_space<vmem>>, %arg6: memref<128x16xf32, #tpu.memory_space<vmem>>, %arg7: memref<1x16xf32, #tpu.memory_space<vmem>>, %arg8: memref<64x16xf32, #tpu.memory_space<vmem>>) attributes {dimension_semantics = [], scalar_prefetch = 0 : i64, scratch_operands = 0 : i64, tpu.core_type = #tpu.core_type<tc>} {
    %get3A = arith.constant 0 : index
    %get3A_0 = arith.constant 0 : index
    %get3A_1 = vector.load %arg0[%get3A, %get3A_0] : memref<10240x128xf32, #tpu.memory_space<vmem>>, vector<10240x128xf32>
    %get3A_2 = arith.constant 0 : index
    %get3A_3 = arith.constant 0 : index
    %get3A_4 = vector.load %arg2[%get3A_2, %get3A_3] : memref<1x128xf32, #tpu.memory_space<vmem>>, vector<1x128xf32>
    %mul3A = vector.broadcast %get3A_4 : vector<1x128xf32> to vector<10240x128xf32>
    %mul3A_5 = arith.mulf %get3A_1, %mul3A : vector<10240x128xf32>
    %reduce_sum3A = arith.constant dense<0.000000e+00> : vector<10240xf32>
    %reduce_sum3A_6 = vector.multi_reduction <add>, %mul3A_5, %reduce_sum3A [1] : vector<10240x128xf32> to vector<10240xf32>
    %broadcast_in_dim3A = vector.shape_cast %reduce_sum3A_6 : vector<10240xf32> to vector<10240x1xf32>
    %get3A_7 = arith.constant 0 : index
    %get3A_8 = arith.constant 0 : index
    %get3A_9 = vector.load %arg3[%get3A_7, %get3A_8] : memref<1x1xf32, #tpu.memory_space<vmem>>, vector<1x1xf32>
    %add3A = vector.broadcast %get3A_9 : vector<1x1xf32> to vector<10240x1xf32>
    %add3A_10 = arith.addf %broadcast_in_dim3A, %add3A : vector<10240x1xf32>
    %iota3A = tpu.iota {dimensions = array<i32: 1>} : vector<1x64xi32>
    %get3A_11 = arith.constant 0 : index
    %get3A_12 = arith.constant 0 : index
    %get3A_13 = vector.load %arg1[%get3A_11, %get3A_12] : memref<10240x1xi32, #tpu.memory_space<vmem>>, vector<10240x1xi32>
    %eq3A = vector.broadcast %get3A_13 : vector<10240x1xi32> to vector<10240x64xi32>
    %eq3A_14 = vector.broadcast %iota3A : vector<1x64xi32> to vector<10240x64xi32>
    %eq3A_15 = arith.cmpi eq, %eq3A, %eq3A_14 : vector<10240x64xi32>
    %jit3A = arith.constant -1.000000e+30 : f32
    %broadcast_in_dim3A_16 = vector.shape_cast %add3A_10 : vector<10240x1xf32> to vector<10240x1xf32>
    %broadcast_in_dim3A_17 = vector.broadcast %broadcast_in_dim3A_16 : vector<10240x1xf32> to vector<10240x64xf32>
    %broadcast_in_dim3A_18 = vector.broadcast %jit3A : f32 to vector<10240x64xf32>
    %select_n3A = arith.select %eq3A_15, %broadcast_in_dim3A_17, %broadcast_in_dim3A_18 : vector<10240x64xi1>, vector<10240x64xf32>
    %reduce_max3A = arith.constant dense<0xFF800000> : vector<64xf32>
    %reduce_max3A_19 = vector.multi_reduction <maximumf>, %select_n3A, %reduce_max3A [0] : vector<10240x64xf32> to vector<64xf32>
    %broadcast_in_dim3A_20 = vector.shape_cast %reduce_max3A_19 : vector<64xf32> to vector<1x64xf32>
    %sub3A = vector.broadcast %broadcast_in_dim3A_20 : vector<1x64xf32> to vector<10240x64xf32>
    %sub3A_21 = arith.subf %select_n3A, %sub3A : vector<10240x64xf32>
    %exp3A = math.exp %sub3A_21 : vector<10240x64xf32>
    %jit3A_22 = arith.constant 0.000000e+00 : f32
    %broadcast_in_dim3A_23 = vector.broadcast %jit3A_22 : f32 to vector<10240x64xf32>
    %select_n3A_24 = arith.select %eq3A_15, %exp3A, %broadcast_in_dim3A_23 : vector<10240x64xi1>, vector<10240x64xf32>
    %reduce_sum3A_25 = arith.constant dense<0.000000e+00> : vector<64xf32>
    %reduce_sum3A_26 = vector.multi_reduction <add>, %select_n3A_24, %reduce_sum3A_25 [0] : vector<10240x64xf32> to vector<64xf32>
    %broadcast_in_dim3A_27 = vector.shape_cast %reduce_sum3A_26 : vector<64xf32> to vector<1x64xf32>
    %add3A_28 = arith.constant 1.000000e-16 : f32
    %add3A_29 = vector.broadcast %add3A_28 : f32 to vector<1x64xf32>
    %add3A_30 = arith.addf %broadcast_in_dim3A_27, %add3A_29 : vector<1x64xf32>
    %div3A = vector.broadcast %add3A_30 : vector<1x64xf32> to vector<10240x64xf32>
    %div3A_31 = arith.divf %select_n3A_24, %div3A : vector<10240x64xf32>
    %dot_general3A = arith.constant dense<0.000000e+00> : vector<64x128xf32>
    %dot_general3A_32 = tpu.matmul %div3A_31, %get3A_1, %dot_general3A {dimension_numbers = #tpu.dot_dimension_numbers<[0], [0], [1], [1], [0, 1, 1, 1], [], []>, transpose_lhs_hint = false} : vector<10240x64xf32>, vector<10240x128xf32>, vector<64x128xf32> -> vector<64x128xf32>
    %get3A_33 = arith.constant 0 : index
    %get3A_34 = arith.constant 0 : index
    %get3A_35 = vector.load %arg4[%get3A_33, %get3A_34] : memref<128x128xf32, #tpu.memory_space<vmem>>, vector<128x128xf32>
    %dot_general3A_36 = arith.constant dense<0.000000e+00> : vector<64x128xf32>
    %dot_general3A_37 = tpu.matmul %dot_general3A_32, %get3A_35, %dot_general3A_36 {dimension_numbers = #tpu.dot_dimension_numbers<[1], [0], [0], [1], [0, 0, 1, 1], [], []>, transpose_lhs_hint = false} : vector<64x128xf32>, vector<128x128xf32>, vector<64x128xf32> -> vector<64x128xf32>
    %get3A_38 = arith.constant 0 : index
    %get3A_39 = arith.constant 0 : index
    %get3A_40 = vector.load %arg5[%get3A_38, %get3A_39] : memref<1x128xf32, #tpu.memory_space<vmem>>, vector<1x128xf32>
    %add3A_41 = vector.broadcast %get3A_40 : vector<1x128xf32> to vector<64x128xf32>
    %add3A_42 = arith.addf %dot_general3A_37, %add3A_41 : vector<64x128xf32>
    %max3A = arith.constant 0.000000e+00 : f32
    %max3A_43 = vector.broadcast %max3A : f32 to vector<64x128xf32>
    %max3A_44 = arith.maximumf %add3A_42, %max3A_43 : vector<64x128xf32>
    %get3A_45 = arith.constant 0 : index
    %get3A_46 = arith.constant 0 : index
    %get3A_47 = vector.load %arg6[%get3A_45, %get3A_46] : memref<128x16xf32, #tpu.memory_space<vmem>>, vector<128x16xf32>
    %dot_general3A_48 = arith.constant dense<0.000000e+00> : vector<64x16xf32>
    %dot_general3A_49 = tpu.matmul %max3A_44, %get3A_47, %dot_general3A_48 {dimension_numbers = #tpu.dot_dimension_numbers<[1], [0], [0], [1], [0, 0, 1, 1], [], []>, transpose_lhs_hint = false} : vector<64x128xf32>, vector<128x16xf32>, vector<64x16xf32> -> vector<64x16xf32>
    %get3A_50 = arith.constant 0 : index
    %get3A_51 = arith.constant 0 : index
    %get3A_52 = vector.load %arg7[%get3A_50, %get3A_51] : memref<1x16xf32, #tpu.memory_space<vmem>>, vector<1x16xf32>
    %add3A_53 = vector.broadcast %get3A_52 : vector<1x16xf32> to vector<64x16xf32>
    %add3A_54 = arith.addf %dot_general3A_49, %add3A_53 : vector<64x16xf32>
    %reduce_max3A_55 = arith.constant dense<0xFF800000> : vector<64xf32>
    %reduce_max3A_56 = vector.multi_reduction <maximumf>, %add3A_54, %reduce_max3A_55 [1] : vector<64x16xf32> to vector<64xf32>
    %broadcast_in_dim3A_57 = vector.shape_cast %reduce_max3A_56 : vector<64xf32> to vector<64x1xf32>
    %sub3A_58 = vector.broadcast %broadcast_in_dim3A_57 : vector<64x1xf32> to vector<64x16xf32>
    %sub3A_59 = arith.subf %add3A_54, %sub3A_58 : vector<64x16xf32>
    %exp3A_60 = math.exp %sub3A_59 : vector<64x16xf32>
    %reduce_sum3A_61 = arith.constant dense<0.000000e+00> : vector<64xf32>
    %reduce_sum3A_62 = vector.multi_reduction <add>, %exp3A_60, %reduce_sum3A_61 [1] : vector<64x16xf32> to vector<64xf32>
    %broadcast_in_dim3A_63 = vector.shape_cast %reduce_sum3A_62 : vector<64xf32> to vector<64x1xf32>
    %log3A = math.log %broadcast_in_dim3A_63 : vector<64x1xf32>
    %sub3A_64 = vector.broadcast %log3A : vector<64x1xf32> to vector<64x16xf32>
    %sub3A_65 = arith.subf %sub3A_59, %sub3A_64 : vector<64x16xf32>
    %swap3A = arith.constant 0 : index
    %swap3A_66 = arith.constant 0 : index
    %swap3A_67 = vector.load %arg8[%swap3A, %swap3A_66] : memref<64x16xf32, #tpu.memory_space<vmem>>, vector<64x16xf32>
    tpu.vector_store %arg8[%swap3A, %swap3A_66], %sub3A_65 {strides = array<i32>} : memref<64x16xf32, #tpu.memory_space<vmem>>, vector<64x16xf32>,
    return
  }
}

</mosaic_0001>

<sc_bundles>
// kernel: kernel.12.cloned.1.call-start
scs
__scs_entry_jumppad:
0x0: {  	(pc) =	sbr.rel $0x88, $3  }
0x1: {  	(tag) =	ssettag $0x0;
	lr =	simm.s32 $0x1  }
0x2: {  	[smem:$0x3F8F] =	sst lr;
	_ =	strace $0xD0000000  }
0x3: {  	_ = 	snop  }
0x4: {  	_ = 	snop  }
0x5: {  	_ = 	snop  }
0x6: {  	_ = 	snop  }
0x7: {  	_ = 	snop  }
__scs_overlays_trampoline_lowered:
0x8: {  	[smem:$0x3F9E] =	sst s0  }
0x9: {  	[smem:$0x3F9F] =	sst s1  }
0xa: {  	[smem:$0x3FA0] =	sst s2  }
0xb: {  	[smem:$0x3FA1] =	sst s3  }
0xc: {  	[smem:$0x3FA2] =	sst s4  }
0xd: {  	[smem:$0x3FA3] =	sst s5  }
0xe: {  	[smem:$0x3FA4] =	sst s6  }
0xf: {  	[smem:$0x3FA5] =	sst s7  }
0x10: {  	[smem:$0x3FA6] =	sst s8  }
0x11: {  	[smem:$0x3FA7] =	sst s9;
	s0 =	simm.s32 @!p0 $0x0  }
0x12: {  	s1 =	sld [smem:$0x3F8D];
	s0 =	simm.s32 @p0 $0x1  }
0x13: {  	[smem:$0x3FA8] =	sst s0;
	s0 =	simm.s32 @!p1 $0x0  }
0x14: {  	s2 =	sld [smem:$0x3F8C];
	s0 =	simm.s32 @p1 $0x1  }
0x15: {  	[smem:$0x3FA9] =	sst s0;
	s0 =	simm.s32 @!p2 $0x0  }
0x16: {  	s3 =	sld [smem:$0x3FDB];
	s0 =	simm.s32 @p2 $0x1  }
0x17: {  	s4 =	simm.s32 $0x1BF5;
	[smem:$0x3FAB] =	sst s0  }
0x18: {  	s0 =	sld [smem:$0x3F8E];
	_ =	swait.ge [sflag:s4], $0x0  }
0x19: {  	s7 =	sld [smem:$0x3F8F]  }
0x1a: {  	s8 =	sadd.s32 $0xFFFFE003, lr  }
0x1b: {  	s9 =	sadd.s32 $0xFFFFFEF7, lr;
	s5 =	simm.s32 $0xFFFFFFFF;
	p2 =	slt.u32 s8, $0xFFFFF086  }
0x1c: {  	p1 =	slt.u32 s9, $0xF7A;
	s5 =	simm.s32 @!p2 $0x0  }
0x1d: {  	s5 =	simm.s32 @p1 $0x1;
	p0 =	seq.s32 s7, s2  }
0x1e: {  	s7 =	smul.u32 @!p0 $0xF7A, s2;
	p2 =	seq.s32 @!p0 s5, $0x0  }
0x1f: {  	s9 =	smul.u32 $0xF7A, s1;
	s8 =	simm.s32 @!p0 $0x1BF5;
	p2 =	por !p2, p0  }
0x20: {  	[sflag:s8] =	ssyncset.s32 @!p0 $0xFFFFF086;
	s6 =	sadd.s32 @!p0 s3, s7;
	s7 =	simm.s32 @!p0 $0x108  }
0x21: {  	s3 =	sadd.s32 s3, s9;
	s6 =	sadd.s32 @!p0 $0x88, s6;
	s7 =	simm.s32 @p2 $0x1082  }
0x22: {  	[simem:s7], [sflag:s8] =	dma.local @!p0 [hbm:s6], $0xF7A  }
0x23: {  	s9 =	sor.u32 $0xD0000000, s2;
	s6 =	simm.s32 $0x108;
	_ =	swait.ge @!p0 [sflag:s8], $0x0  }
0x24: {  	s3 =	sadd.s32 $0x88, s3;
	s6 =	simm.s32 @!p1 $0x1082;
	[sflag:s4] =	ssyncset.s32 $0xFFFFF086  }
0x25: {  	[simem:s6], [sflag:s4] =	dma.local [hbm:s3], $0xF7A  }
0x26: {  	[smem:$0x3F8F] =	sst s1;
	(tag) =	ssettag s2;
	_ =	strace s9  }
0x27: {  	s1 =	sld [smem:$0x3F9F]  }
0x28: {  	s2 =	sld [smem:$0x3FA0]  }
0x29: {  	s4 =	sld [smem:$0x3FA2]  }
0x2a: {  	p0 =	seq.s32 s5, $0x0;
	s5 =	sld [smem:$0x3FA3]  }
0x2b: {  	s6 =	sld [smem:$0x3FA4]  }
0x2c: {  	s7 =	sld [smem:$0x3FA5]  }
0x2d: {  	s3 =	simm.s32 $0x108;
	s8 =	sld [smem:$0x3FA6]  }
0x2e: {  	s3 =	simm.s32 @!p0 $0x1082;
	s9 =	sld [smem:$0x3FA7]  }
0x2f: {  	lr =	sadd.s32 s0, s3;
	s0 =	sld [smem:$0x3F9E]  }
0x30: {  	s3 =	sld [smem:$0x3FA1]  }
0x31: {  	[smem:$0x3FAA] =	sst s10  }
0x32: {  	s10 =	sld [smem:$0x3FA8];
	_ =	sdelay $0x3  }
0x33: {  	p0 =	seq.s32 s10, $0x1;
	s10 =	sld [smem:$0x3FAA];
	_ =	sdelay $0x3  }
0x34: {  	[smem:$0x3FAA] =	sst s10  }
0x35: {  	s10 =	sld [smem:$0x3FA9];
	_ =	sdelay $0x3  }
0x36: {  	p1 =	seq.s32 s10, $0x1;
	s10 =	sld [smem:$0x3FAA];
	_ =	sdelay $0x3  }
0x37: {  	[smem:$0x3FAA] =	sst s10  }
0x38: {  	s10 =	sld [smem:$0x3FAB]  }
0x39: {  	_ = 	snop;
	(pc) =	sbr.ind lr, $3  }
0x3a: {  	_ = 	snop  }
0x3b: {  	_ = 	snop  }
0x3c: {  	p2 =	seq.s32 s10, $0x1;
	s10 =	sld [smem:$0x3FAA]  }
0x3d: {  	_ =	shalt  }
0x3e: {  	_ =	shalt  }
0x3f: {  	_ =	shalt  }
0x40: {  	_ =	shalt  }
0x41: {  	_ =	shalt  }
0x42: {  	_ =	shalt  }
0x43: {  	_ =	shalt  }
0x44: {  	_ =	shalt  }
0x45: {  	_ =	shalt  }
0x46: {  	_ =	shalt  }
0x47: {  	_ =	shalt  }
0x48: {  	_ =	shalt  }
0x49: {  	_ =	shalt  }
0x4a: {  	_ =	shalt  }
0x4b: {  	_ =	shalt  }
0x4c: {  	_ =	shalt  }
0x4d: {  	_ =	shalt  }
0x4e: {  	_ =	shalt  }
0x4f: {  	_ =	shalt  }
0x50: {  	_ =	shalt  }
0x51: {  	_ =	shalt  }
0x52: {  	_ =	shalt  }
0x53: {  	_ =	shalt  }
0x54: {  	_ =	shalt  }
0x55: {  	_ =	shalt  }
0x56: {  	_ =	shalt  }
0x57: {  	_ =	shalt  }
0x58: {  	_ =	shalt  }
0x59: {  	_ =	shalt  }
0x5a: {  	_ =	shalt  }
0x5b: {  	_ =	shalt  }
0x5c: {  	_ =	shalt  }
0x5d: {  	_ =	shalt  }
0x5e: {  	_ =	shalt  }
0x5f: {  	_ =	shalt  }
0x60: {  	_ =	shalt  }
0x61: {  	_ =	shalt  }
0x62: {  	_ =	shalt  }
0x63: {  	_ =	shalt  }
0x64: {  	_ =	shalt  }
0x65: {  	_ =	shalt  }
0x66: {  	_ =	shalt  }
0x67: {  	_ =	shalt  }
0x68: {  	_ =	shalt  }
0x69: {  	_ =	shalt  }
0x6a: {  	_ =	shalt  }
0x6b: {  	_ =	shalt  }
0x6c: {  	_ =	shalt  }
0x6d: {  	_ =	shalt  }
0x6e: {  	_ =	shalt  }
0x6f: {  	_ =	shalt  }
0x70: {  	_ =	shalt  }
0x71: {  	_ =	shalt  }
0x72: {  	_ =	shalt  }
0x73: {  	_ =	shalt  }
0x74: {  	_ =	shalt  }
0x75: {  	_ =	shalt  }
0x76: {  	_ =	shalt  }
0x77: {  	_ =	shalt  }
0x78: {  	_ =	shalt  }
0x79: {  	_ =	shalt  }
0x7a: {  	_ =	shalt  }
0x7b: {  	_ =	shalt  }
0x7c: {  	_ =	shalt  }
0x7d: {  	_ =	shalt  }
0x7e: {  	_ =	shalt  }
0x7f: {  	_ =	shalt  }
0x80: {  	_ =	shalt  }
0x81: {  	_ =	shalt  }
0x82: {  	_ =	shalt  }
0x83: {  	_ =	shalt  }
0x84: {  	_ =	shalt  }
0x85: {  	_ =	shalt  }
0x86: {  	_ =	shalt  }
0x87: {  	_ =	shalt  }
.Lfunc_end0:
.L_simem_size_0:
called_computation_lowered:
.L_overlay_start_0:
0x88: {  	s2 =	sld [smem:$0x3FD9]  }
0x89: {  	s3 =	sld [smem:$0x3FFE];
	_ =	sdelay $0x1  }
0x8a: {  	s1 =	srdreg.scid  }
0x8b: {  	s0 =	sand.u32 $0x1, s1  }
0x8c: {  	s16 =	sshll.u32 s0, $0xA;
	s2 =	sadd.s32 s3, s2  }
0x8d: {  	s2 =	sadd.s32 s2, s16  }
0x8e: {  	[smem:$0x3FB6] =	sst s2  }
0x8f: {  	_ = 	snop  }
0x90: {  	(tm) =	ssettm $0x1  }
0x91: {  	s17 =	sld [smem:$0x3FFB];
	_ =	sdelay $0x3  }
0x92: {  	_ =	strace s17  }
0x93: {  	s2 =	sld [smem:$0x3FFC];
	_ =	sdelay $0x3  }
0x94: {  	_ =	strace s2  }
0x95: {  	s2 =	sld [smem:$0x3FFD];
	_ =	sdelay $0x3  }
0x96: {  	_ =	strace s2  }
0x97: {  	_ =	strace $0x8FFFFFFF  }
0x98: {  	s18 =	sld [smem:$0x3FDB];
	_ =	sdelay $0x1  }
0x99: {  	s19 =	simm.s32 $_scs_section_size  }
0x9a: {  	s4 =	simm.s32 $_size__tile_overlayer_lowered;
	s5 =	simm.s32 $_tile_overlayer_lowered  }
0x9b: {  	s22 =	simm.s32 $0x1BFF;
	s21 =	sshll.u32 s5, $0x1;
	s2 =	sadd.s32 s19, s18  }
0x9c: {  	s6 =	simm.s32 $0x0;
	s20 =	sshll.u32 s4, $0x1;
	s4 =	sadd.s32 s21, s2  }
0x9d: {  	[timem:s6], [sflag:s22] =	dma.local [hbm:s4], s20  }
0x9e: {  	_ =	swait.ge [sflag:s22], s20  }
0x9f: {  	s3 =	ssub.s32 $0x0, s20;
	[sflag:s22] =	ssyncset.done $0x0  }
0xa0: {  	[sflag:s22] =	ssyncadd.s32 s3;
	_ =	sdelay $0x1  }
0xa1: {  	s23 =	simm.s32 $0x1B8B  }
0xa2: {  	_ =	swait.ge [sflag:s23], $0x1  }
0xa3: {  	[sflag:s23] =	ssyncset.done $0x0  }
0xa4: {  	s25 =	simm.s32 $0x1B8E;
	s24 =	sld [smem:$0x3FFE];
	[sflag:s23] =	ssyncadd.s32 $0xFFFFFFFF  }
0xa5: {  	s26 =	simm.s32 $execute0_lowered;
	[smem:$0x3FD2] =	sst s25  }
0xa6: {  	s4 =	sshll.u32 s26, $0x1;
	_ =	strace $0x80000046;
	[dreg:$0x1] =	wrdreg $0xFFFFFFFF  }
0xa7: {  	s28 =	simm.s32 $_size_execute0_lowered;
	s2 =	sadd.s32 s2, s4;
	[dreg:$0x0] =	wrdreg $0x0  }
0xa8: {  	s4 =	sshll.u32 s28, $0x1;
	[dreg:$0x2] =	wrdreg s2  }
0xa9: {  	[dreg:$0x3] =	wrdreg s4  }
0xaa: {  	[dreg:$0x4] =	wrdreg $0xC0  }
0xab: {  	_ =	task [dreg:s6], $0x5FFFF  }
0xac: {  	[dreg:$0x1] =	wrdreg $0xFFFFFFFF  }
0xad: {  	[dreg:$0x0] =	wrdreg $0x60  }
0xae: {  	[dreg:$0x2] =	wrdreg s24  }
0xaf: {  	[dreg:$0x3] =	wrdreg $0x88800  }
0xb0: {  	[dreg:$0x4] =	wrdreg $0x1C8800  }
0xb1: {  	[dreg:$0x5] =	wrdreg $0x9  }
0xb2: {  	_ =	task.clear_ibuf [dreg:s6], $0x6FFFF;
	_ =	strace $0x90000046  }
0xb3: {  	s29 =	simm.s32 $0x9;
	_ =	strace $0x80000048  }
0xb4: {  	_ =	swait.ge [sflag:s29], $0x1  }
0xb5: {  	[sflag:s29] =	ssyncadd.s32 $0xFFFFFFFF  }
0xb6: {  	_ =	strace $0x90000048  }
0xb7: {  	_ =	sfence  }
0xb8: {  	s30 =	sld [smem:$0x0];
	_ =	sdelay $0x2  }
0xb9: {  	s31 =	sshll.u32 s1, $0xD;
	s1 =	sshrl.u32 s1, $0x2  }
0xba: {  	s3 =	sand.u32 $0x4000, s31;
	s1 =	sadd.s32 s1, s30  }
0xbb: {  	s0 =	sor.u32 s3, s0;
	s1 =	sshll.u32 s1, $0x11  }
0xbc: {  	s0 =	sor.u32 s1, s0  }
0xbd: {  	s0 =	sadd.s32 $0x8F2B, s0  }
0xbe: {  	[sflag:s0] =	ssyncadd.remote.s32 $0x1  }
0xbf: {  	_ =	sfence.sel $0xFFFF  }
0xc0: {  	[dreg:$0x0] =	wrdreg $0xFFFFFFFF;
	(pc) =	sbr.abs _section_cstart, $3  }
0xc1: {  	[dreg:$0x1] =	wrdreg $0xFFFFFFFF  }
0xc2: {  	_ =	task.clear_ibuf [dreg:s6], $0x2FFFF;
	_ =	strace $0x9FFFFFFF  }
0xc3: {  	(tm) =	ssettm $0x7FFFFFFF  }
tec
execute0_lowered:
.L_overlay_start_1:
0x0: {  	(tag) =	ssettag $0x1  }
0x1: {  	s0 =	rddreg [dreg:$0x0]  }
0x2: {  	s1 =	rddreg [dreg:$0x1]  }
0x3: {  	s2 =	rddreg [dreg:$0x2];
	s8 =	stileid.u32  }
0x4: {  	s4 =	srdreg.scid;
	s3 =	simm.s32 $0x0;
	s28 =	simm.s32 $0x400  }
0x5: {  	s29 =	simm.s32 $0x8800;
	s30 =	simm.s32 $0x2;
	s31 =	simm.s32 $0x480  }
0x6: {  	s7 =	smul.u32 $0x14000, s8;
	s9 =	sand.u32 $0x1, s4;
	[smem:$0x7FF] =	sst s3  }
0x7: {  	s4 =	sadd.s32 $0x17A00, s0;
	s11 =	smul.u32 $0x280, s8;
	s5 =	sadd.s32 $0x3A00, s0  }
0x8: {  	s6 =	sadd.s32 $0xDA00, s0;
	s14 =	sshll.u32 s8, $0x1;
	s15 =	smul.u32 $0x50000, s8  }
0x9: {  	s22 =	sshll.u32 s8, $0x6;
	p0 =	sne.s32 s8, $0x0;
	s8 =	simm.s32 $0x4  }
0xa: {  	s10 =	smul.u32 $0x140000, s9;
	_ =	strace $0x80000047;
	s17 =	sshll.u32 s9, $0x4  }
0xb: {  	s16 =	ssub.s32 $0x2, s9;
	s18 =	sor.u32 s9, s14;
	s12 =	sshrl.u32 s11, $0x3  }
0xc: {  	s19 =	sshrl.u32 s16, $0x1;
	s20 =	sshrl.u32 s15, $0x2;
	s11 =	sadd.s32 s11, s2  }
0xd: {  	s10 =	sadd.s32 s7, s10;
	s7 =	sshrl.u32 s7, $0x3;
	s12 =	sadd.s32 s12, s0  }
0xe: {  	s14 =	sadd.s32 s20, s1;
	s20 =	sor.u32 $0x1C05, s22;
	s22 =	simm.s32 $0x180  }
0xf: {  	s21 =	ssub.s32 s16, s19;
	s10 =	sshrl.u32 s10, $0x3;
	[dreg:$0x5] =	wrdreg s22  }
0x10: {  	s13 =	sadd.s32 s7, s0;
	s24 =	sadd.s32 $0x67A00, s12;
	[dreg:$0xa] =	wrdreg s20  }
0x11: {  	s7 =	smul.u32 $0x2800, s18;
	s19 =	smax.u32 s21, $0x1;
	[dreg:$0xb] =	wrdreg s24  }
0x12: {  	s15 =	sshrl.u32 s14, $0x3;
	s21 =	simm.s32 $0x100;
	[dreg:$0x12] =	wrdreg s19  }
0x13: {  	s22 =	simm.s32 $0x600;
	s12 =	simm.s32 $0x700;
	[dreg:$0x4] =	wrdreg s21  }
0x14: {  	s14 =	simm.s32 $0x780;
	s13 =	sadd.s32 $0x3FA00, s13;
	[dreg:$0x15] =	wrdreg s15  }
0x15: {  	s10 =	sadd.s32 s10, s0;
	s24 =	simm.s32 $0x280;
	[dreg:$0x9] =	wrdreg s13  }
0x16: {  	s0 =	sadd.s32 s17, s0;
	s18 =	sadd.s32 $0x68A00, s10;
	[dreg:$0x6] =	wrdreg s24  }
0x17: {  	s23 =	sshrl.u32 s7, $0x3;
	s0 =	sadd.s32 $0x68000, s0;
	[dreg:$0x10] =	wrdreg s18  }
0x18: {  	s19 =	simm.s32 $0x5;
	s26 =	sadd.s32 s5, s23;
	[dreg:$0x11] =	wrdreg s0  }
0x19: {  	s21 =	simm.s32 $0x200;
	s13 =	sadd.s32 s6, s23;
	[dreg:$0xc] =	wrdreg s26  }
0x1a: {  	s25 =	sor.u32 $0x40, s23;
	s23 =	sshrl.u32 s11, $0x3;
	[dreg:$0xd] =	wrdreg s13  }
0x1b: {  	s24 =	simm.s32 $0x800;
	s16 =	sadd.s32 s5, s25;
	[dreg:$0x13] =	wrdreg s23  }
0x1c: {  	s10 =	simm.s32 $0x580;
	s17 =	sadd.s32 s6, s25;
	[dreg:$0xe] =	wrdreg s16  }
0x1d: {  	s0 =	simm.s32 $0x500;
	s25 =	simm.s32 $0x300;
	[dreg:$0xf] =	wrdreg s17  }
0x1e: {  	s11 =	simm.s32 $0x680;
	s26 =	simm.s32 $0x380;
	[dreg:$0x7] =	wrdreg s25  }
0x1f: {  	s23 =	simm.s32 $0x80;
	s13 =	simm.s32 $0x3;
	[dreg:$0x8] =	wrdreg s26  }
0x20: {  	v0 =	vimm.f32 $1.000000000e+00;
	s25 =	simm.s32 $0x4800;
	s26 =	simm.s32 $0x1;
	s17 =	simm.s32 $0x0  }
.LBB2_1:
0x21: {  	[dreg:$0x14] =	wrdreg s17  }
0x22: {  	s9 =	rddreg [dreg:$0x9]  }
0x23: {  	[spmem:s15], [sflag:s20] =	dma.local [hbm:s9], $0x2800  }
0x24: {  	_ =	swait.ge [sflag:s19], $0x2800  }
0x25: {  	[sflag:s19] =	ssyncset.done $0x0;
	s18 =	rddreg [dreg:$0xb]  }
0x26: {  	s16 =	rddreg [dreg:$0x13];
	[sflag:s19] =	ssyncadd.s32 $0xFFFFD800  }
0x27: {  	[spmem:s16], [sflag:s20] =	dma.local [hbm:s18], $0x50  }
0x28: {  	_ =	swait.ge [sflag:s19], $0x50  }
0x29: {  	[sflag:s19] =	ssyncset.done $0x0  }
0x2a: {  	[sflag:s19] =	ssyncadd.s32 $0xFFFFFFB0  }
0x2b: {  	[tilespmem:$0x8800] =	vst v0  }
0x2c: {  	[tilespmem:$0x8810] =	vst v0  }
0x2d: {  	[tilespmem:$0x8820] =	vst v0  }
0x2e: {  	[tilespmem:$0x8830] =	vst v0  }
0x2f: {  	[tilespmem:$0x8840] =	vst v0  }
0x30: {  	[tilespmem:$0x8850] =	vst v0  }
0x31: {  	[tilespmem:$0x8860] =	vst v0  }
0x32: {  	s17 =	rddreg [dreg:$0xc];
	[tilespmem:$0x8870] =	vst v0  }
0x33: {  	[tilespmem:s3], [sflag:$0x5] =	stream.linear.gather [hbm4b:s17+s3], $0x200, $0x38;
	[tilespmem:$0x1CB00] =	vst v63  }
0x34: {  	_ =	swait.ge [sflag:s19], $0x200  }
0x35: {  	[sflag:s19] =	ssyncset.done $0x0  }
0x36: {  	s18 =	rddreg [dreg:$0xd];
	[sflag:s19] =	ssyncadd.s32 $0xFFFFFE00  }
0x37: {  	[tilespmem:s28], [sflag:$0x5] =	stream.linear.gather [hbm4b:s18+s3], $0x200, $0x38;
	[tilespmem:$0x1CB00] =	vst v63  }
0x38: {  	_ =	swait.ge [sflag:s19], $0x200  }
0x39: {  	[sflag:s19] =	ssyncset.done $0x0  }
0x3a: {  	s20 =	rddreg [dreg:$0xe];
	[sflag:s19] =	ssyncadd.s32 $0xFFFFFE00  }
0x3b: {  	[tilespmem:s21], [sflag:$0x4] =	stream.linear.gather [hbm4b:s20+s3], $0x200, $0x38;
	[tilespmem:$0x1CB00] =	vst v63  }
0x3c: {  	s16 =	rddreg [dreg:$0xf]  }
0x3d: {  	[tilespmem:s22], [sflag:$0x4] =	stream.linear.gather [hbm4b:s16+s3], $0x200, $0x38;
	[tilespmem:$0x1CB00] =	vst v63  }
0x3e: {  	_ = 	snop  }
0x3f: {  	[tilespmem:s24], [sflag:$0x1] =	stream.indirect.gather [hbm4b:s4+s23], $0x80, s3, s23, $0xb8;
	[tilespmem:$0x1CB00] =	vst v63  }
0x40: {  	[bflag:$0x0] =	sbarrier.arrive $0xFFFF  }
0x41: {  	[tilespmem:s25], [sflag:$0x2] =	stream.indirect.gather [hbm4b:s4+s23], $0x80, s23, s23, $0xb8;
	[tilespmem:$0x1CB00] =	vst v63  }
0x42: {  	_ =	swait.ge [sflag:s26], $0x4000  }
0x43: {  	[sflag:s26] =	ssyncset.done $0x0  }
0x44: {  	[sflag:s26] =	ssyncadd.s32 $0xFFFFC000  }
0x45: {  	[spmem:s1] =	stream.indirect.scatter.add.f32 [tilespmem:s24], [sflag:$0x5], $0x80, s28, s23, $0xb8;
	[tilespmem:$0x1CB00] =	vst v63  }
0x46: {  	_ =	swait.ge [sflag:s19], $0x4000  }
0x47: {  	[sflag:s19] =	ssyncset.done $0x0  }
0x48: {  	[sflag:s19] =	ssyncadd.s32 $0xFFFFC000  }
0x49: {  	[spmem:s2] =	stream.indirect.scatter.add.f32 [tilespmem:s29], [sflag:$0x5], $0x1, s28, s23, $0xb8;
	[tilespmem:$0x1CB00] =	vst v63  }
0x4a: {  	_ =	swait.ge [sflag:s19], $0x80  }
0x4b: {  	[sflag:s19] =	ssyncset.done $0x0  }
0x4c: {  	s17 =	rddreg [dreg:$0x4];
	[sflag:s19] =	ssyncadd.s32 $0xFFFFFF80  }
0x4d: {  	[tilespmem:s24], [sflag:$0x1] =	stream.indirect.gather [hbm4b:s4+s23], $0x80, s17, s23, $0xb8;
	[tilespmem:$0x1CB00] =	vst v63  }
0x4e: {  	_ =	swait.ge [sflag:s30], $0x4000  }
0x4f: {  	[sflag:s30] =	ssyncset.done $0x0  }
0x50: {  	[sflag:s30] =	ssyncadd.s32 $0xFFFFC000  }
0x51: {  	[spmem:s1] =	stream.indirect.scatter.add.f32 [tilespmem:s25], [sflag:$0x5], $0x80, s31, s23, $0xb8;
	[tilespmem:$0x1CB00] =	vst v63  }
0x52: {  	_ =	swait.ge [sflag:s19], $0x4000  }
0x53: {  	[sflag:s19] =	ssyncset.done $0x0  }
0x54: {  	[sflag:s19] =	ssyncadd.s32 $0xFFFFC000  }
0x55: {  	[spmem:s2] =	stream.indirect.scatter.add.f32 [tilespmem:s29], [sflag:$0x5], $0x1, s31, s23, $0xb8;
	[tilespmem:$0x1CB00] =	vst v63  }
0x56: {  	_ =	swait.ge [sflag:s19], $0x80  }
0x57: {  	[sflag:s19] =	ssyncset.done $0x0  }
0x58: {  	s18 =	rddreg [dreg:$0x5];
	[sflag:s19] =	ssyncadd.s32 $0xFFFFFF80  }
0x59: {  	[tilespmem:s25], [sflag:$0x2] =	stream.indirect.gather [hbm4b:s4+s23], $0x80, s18, s23, $0xb8;
	[tilespmem:$0x1CB00] =	vst v63  }
0x5a: {  	_ =	swait.ge [sflag:s26], $0x4000  }
0x5b: {  	[sflag:s26] =	ssyncset.done $0x0  }
0x5c: {  	[sflag:s26] =	ssyncadd.s32 $0xFFFFC000  }
0x5d: {  	[spmem:s1] =	stream.indirect.scatter.add.f32 [tilespmem:s24], [sflag:$0x5], $0x80, s0, s23, $0xb8;
	[tilespmem:$0x1CB00] =	vst v63  }
0x5e: {  	_ =	swait.ge [sflag:s19], $0x4000  }
0x5f: {  	[sflag:s19] =	ssyncset.done $0x0  }
0x60: {  	[sflag:s19] =	ssyncadd.s32 $0xFFFFC000  }
0x61: {  	[spmem:s2] =	stream.indirect.scatter.add.f32 [tilespmem:s29], [sflag:$0x5], $0x1, s0, s23, $0xb8;
	[tilespmem:$0x1CB00] =	vst v63  }
0x62: {  	_ =	swait.ge [sflag:s19], $0x80  }
0x63: {  	[sflag:s19] =	ssyncset.done $0x0  }
0x64: {  	[sflag:s19] =	ssyncadd.s32 $0xFFFFFF80  }
0x65: {  	_ =	swait.ge [sflag:s8], $0x200  }
0x66: {  	[sflag:s8] =	ssyncset.done $0x0  }
0x67: {  	[sflag:s8] =	ssyncadd.s32 $0xFFFFFE00  }
0x68: {  	_ =	swait.ge [sflag:s8], $0x200  }
0x69: {  	[sflag:s8] =	ssyncset.done $0x0  }
0x6a: {  	[sflag:s8] =	ssyncadd.s32 $0xFFFFFE00  }
0x6b: {  	[tilespmem:s24], [sflag:$0x1] =	stream.indirect.gather [hbm4b:s4+s23], $0x80, s21, s23, $0xb8;
	[tilespmem:$0x1CB00] =	vst v63  }
0x6c: {  	_ =	swait.ge [sflag:s30], $0x4000  }
0x6d: {  	[sflag:s30] =	ssyncset.done $0x0  }
0x6e: {  	[sflag:s30] =	ssyncadd.s32 $0xFFFFC000  }
0x6f: {  	[spmem:s1] =	stream.indirect.scatter.add.f32 [tilespmem:s25], [sflag:$0x5], $0x80, s10, s23, $0xb8;
	[tilespmem:$0x1CB00] =	vst v63  }
0x70: {  	_ =	swait.ge [sflag:s19], $0x4000  }
0x71: {  	p1 =	por $0x0, $0x0;
	s16 =	simm.s32 $0x400;
	[sflag:s19] =	ssyncset.done $0x0  }
0x72: {  	s16 =	simm.s32 @p1 $0x0;
	[sflag:s19] =	ssyncadd.s32 $0xFFFFC000  }
0x73: {  	[spmem:s2] =	stream.indirect.scatter.add.f32 [tilespmem:s29], [sflag:$0x5], $0x1, s10, s23, $0xb8;
	[tilespmem:$0x1CB00] =	vst v63  }
0x74: {  	s16 =	sadd.s32 s7, s16;
	_ =	swait.ge [sflag:s19], $0x80  }
0x75: {  	s16 =	sshrl.u32 s16, $0x3;
	[sflag:s19] =	ssyncset.done $0x0  }
0x76: {  	s20 =	sadd.s32 s5, s16;
	[sflag:s19] =	ssyncadd.s32 $0xFFFFFF80  }
0x77: {  	[tilespmem:s3], [sflag:$0x3] =	stream.linear.gather [hbm4b:s20+s3], $0x200, $0x38;
	[tilespmem:$0x1CB00] =	vst v63  }
0x78: {  	s9 =	sadd.s32 s6, s16  }
0x79: {  	[tilespmem:s28], [sflag:$0x3] =	stream.linear.gather [hbm4b:s9+s3], $0x200, $0x38;
	[tilespmem:$0x1CB00] =	vst v63  }
0x7a: {  	s18 =	rddreg [dreg:$0x6]  }
0x7b: {  	[tilespmem:s25], [sflag:$0x2] =	stream.indirect.gather [hbm4b:s4+s23], $0x80, s18, s23, $0xb8;
	[tilespmem:$0x1CB00] =	vst v63  }
0x7c: {  	_ =	swait.ge [sflag:s26], $0x4000  }
0x7d: {  	[sflag:s26] =	ssyncset.done $0x0  }
0x7e: {  	[sflag:s26] =	ssyncadd.s32 $0xFFFFC000  }
0x7f: {  	[spmem:s1] =	stream.indirect.scatter.add.f32 [tilespmem:s24], [sflag:$0x5], $0x80, s22, s23, $0xb8;
	[tilespmem:$0x1CB00] =	vst v63  }
0x80: {  	_ =	swait.ge [sflag:s19], $0x4000  }
0x81: {  	[sflag:s19] =	ssyncset.done $0x0  }
0x82: {  	[sflag:s19] =	ssyncadd.s32 $0xFFFFC000  }
0x83: {  	[spmem:s2] =	stream.indirect.scatter.add.f32 [tilespmem:s29], [sflag:$0x5], $0x1, s22, s23, $0xb8;
	[tilespmem:$0x1CB00] =	vst v63  }
0x84: {  	_ =	swait.ge [sflag:s19], $0x80  }
0x85: {  	[sflag:s19] =	ssyncset.done $0x0  }
0x86: {  	s9 =	rddreg [dreg:$0x7];
	[sflag:s19] =	ssyncadd.s32 $0xFFFFFF80  }
0x87: {  	[tilespmem:s24], [sflag:$0x1] =	stream.indirect.gather [hbm4b:s4+s23], $0x80, s9, s23, $0xb8;
	[tilespmem:$0x1CB00] =	vst v63  }
0x88: {  	_ =	swait.ge [sflag:s30], $0x4000  }
0x89: {  	[sflag:s30] =	ssyncset.done $0x0  }
0x8a: {  	[sflag:s30] =	ssyncadd.s32 $0xFFFFC000  }
0x8b: {  	[spmem:s1] =	stream.indirect.scatter.add.f32 [tilespmem:s25], [sflag:$0x5], $0x80, s11, s23, $0xb8;
	[tilespmem:$0x1CB00] =	vst v63  }
0x8c: {  	_ =	swait.ge [sflag:s19], $0x4000  }
0x8d: {  	[sflag:s19] =	ssyncset.done $0x0  }
0x8e: {  	[sflag:s19] =	ssyncadd.s32 $0xFFFFC000  }
0x8f: {  	[spmem:s2] =	stream.indirect.scatter.add.f32 [tilespmem:s29], [sflag:$0x5], $0x1, s11, s23, $0xb8;
	[tilespmem:$0x1CB00] =	vst v63  }
0x90: {  	_ =	swait.ge [sflag:s19], $0x80  }
0x91: {  	[sflag:s19] =	ssyncset.done $0x0  }
0x92: {  	s18 =	rddreg [dreg:$0x8];
	[sflag:s19] =	ssyncadd.s32 $0xFFFFFF80  }
0x93: {  	[tilespmem:s25], [sflag:$0x2] =	stream.indirect.gather [hbm4b:s4+s23], $0x80, s18, s23, $0xb8;
	[tilespmem:$0x1CB00] =	vst v63  }
0x94: {  	_ =	swait.ge [sflag:s26], $0x4000  }
0x95: {  	[sflag:s26] =	ssyncset.done $0x0  }
0x96: {  	[sflag:s26] =	ssyncadd.s32 $0xFFFFC000  }
0x97: {  	[spmem:s1] =	stream.indirect.scatter.add.f32 [tilespmem:s24], [sflag:$0x5], $0x80, s12, s23, $0xb8;
	[tilespmem:$0x1CB00] =	vst v63  }
0x98: {  	_ =	swait.ge [sflag:s19], $0x4000  }
0x99: {  	[sflag:s19] =	ssyncset.done $0x0  }
0x9a: {  	[sflag:s19] =	ssyncadd.s32 $0xFFFFC000  }
0x9b: {  	[spmem:s2] =	stream.indirect.scatter.add.f32 [tilespmem:s29], [sflag:$0x5], $0x1, s12, s23, $0xb8;
	[tilespmem:$0x1CB00] =	vst v63  }
0x9c: {  	_ =	swait.ge [sflag:s19], $0x80  }
0x9d: {  	[sflag:s19] =	ssyncset.done $0x0  }
0x9e: {  	[sflag:s19] =	ssyncadd.s32 $0xFFFFFF80  }
0x9f: {  	_ =	swait.ge [sflag:s13], $0x200  }
0xa0: {  	[sflag:s13] =	ssyncset.done $0x0  }
0xa1: {  	[sflag:s13] =	ssyncadd.s32 $0xFFFFFE00  }
0xa2: {  	_ =	swait.ge [sflag:s13], $0x200  }
0xa3: {  	[sflag:s13] =	ssyncset.done $0x0  }
0xa4: {  	[sflag:s13] =	ssyncadd.s32 $0xFFFFFE00  }
0xa5: {  	[tilespmem:s24], [sflag:$0x1] =	stream.indirect.gather [hbm4b:s4+s23], $0x80, s3, s23, $0xb8;
	[tilespmem:$0x1CB00] =	vst v63  }
0xa6: {  	_ =	swait.ge [sflag:s30], $0x4000  }
0xa7: {  	[sflag:s30] =	ssyncset.done $0x0  }
0xa8: {  	[sflag:s30] =	ssyncadd.s32 $0xFFFFC000  }
0xa9: {  	[spmem:s1] =	stream.indirect.scatter.add.f32 [tilespmem:s25], [sflag:$0x5], $0x80, s14, s23, $0xb8;
	[tilespmem:$0x1CB00] =	vst v63  }
0xaa: {  	_ =	swait.ge [sflag:s19], $0x4000  }
0xab: {  	[sflag:s19] =	ssyncset.done $0x0  }
0xac: {  	[sflag:s19] =	ssyncadd.s32 $0xFFFFC000  }
0xad: {  	[spmem:s2] =	stream.indirect.scatter.add.f32 [tilespmem:s29], [sflag:$0x5], $0x1, s14, s23, $0xb8;
	[tilespmem:$0x1CB00] =	vst v63  }
0xae: {  	_ =	swait.ge [sflag:s19], $0x80  }
0xaf: {  	s20 =	sor.u32 $0x40, s16;
	[sflag:s19] =	ssyncset.done $0x0  }
0xb0: {  	s16 =	sadd.s32 s5, s20;
	[sflag:s19] =	ssyncadd.s32 $0xFFFFFF80  }
0xb1: {  	[tilespmem:s21], [sflag:$0x4] =	stream.linear.gather [hbm4b:s16+s3], $0x200, $0x38;
	[tilespmem:$0x1CB00] =	vst v63  }
0xb2: {  	s20 =	sadd.s32 s6, s20;
	s16 =	simm.s32 $0x800  }
.LBB2_2:
0xb3: {  	[tilespmem:s22], [sflag:$0x4] =	stream.linear.gather [hbm4b:s20+s3], $0x200, $0x38;
	[tilespmem:$0x1CB00] =	vst v63  }
0xb4: {  	_ = 	snop  }
0xb5: {  	[tilespmem:s25], [sflag:$0x2] =	stream.indirect.gather [hbm4b:s4+s23], $0x80, s23, s23, $0xb8;
	[tilespmem:$0x1CB00] =	vst v63  }
0xb6: {  	_ =	swait.ge [sflag:s26], $0x4000  }
0xb7: {  	[sflag:s26] =	ssyncset.done $0x0  }
0xb8: {  	[sflag:s26] =	ssyncadd.s32 $0xFFFFC000  }
0xb9: {  	[spmem:s1] =	stream.indirect.scatter.add.f32 [tilespmem:s24], [sflag:$0x5], $0x80, s28, s23, $0xb8;
	[tilespmem:$0x1CB00] =	vst v63  }
0xba: {  	_ =	swait.ge [sflag:s19], $0x4000  }
0xbb: {  	[sflag:s19] =	ssyncset.done $0x0  }
0xbc: {  	[sflag:s19] =	ssyncadd.s32 $0xFFFFC000  }
0xbd: {  	[spmem:s2] =	stream.indirect.scatter.add.f32 [tilespmem:s29], [sflag:$0x5], $0x1, s28, s23, $0xb8;
	[tilespmem:$0x1CB00] =	vst v63  }
0xbe: {  	_ =	swait.ge [sflag:s19], $0x80  }
0xbf: {  	[sflag:s19] =	ssyncset.done $0x0  }
0xc0: {  	s18 =	rddreg [dreg:$0x4];
	[sflag:s19] =	ssyncadd.s32 $0xFFFFFF80  }
0xc1: {  	[tilespmem:s24], [sflag:$0x1] =	stream.indirect.gather [hbm4b:s4+s23], $0x80, s18, s23, $0xb8;
	[tilespmem:$0x1CB00] =	vst v63  }
0xc2: {  	_ =	swait.ge [sflag:s30], $0x4000  }
0xc3: {  	[sflag:s30] =	ssyncset.done $0x0  }
0xc4: {  	[sflag:s30] =	ssyncadd.s32 $0xFFFFC000  }
0xc5: {  	[spmem:s1] =	stream.indirect.scatter.add.f32 [tilespmem:s25], [sflag:$0x5], $0x80, s31, s23, $0xb8;
	[tilespmem:$0x1CB00] =	vst v63  }
0xc6: {  	_ =	swait.ge [sflag:s19], $0x4000  }
0xc7: {  	[sflag:s19] =	ssyncset.done $0x0  }
0xc8: {  	[sflag:s19] =	ssyncadd.s32 $0xFFFFC000  }
0xc9: {  	[spmem:s2] =	stream.indirect.scatter.add.f32 [tilespmem:s29], [sflag:$0x5], $0x1, s31, s23, $0xb8;
	[tilespmem:$0x1CB00] =	vst v63  }
0xca: {  	_ =	swait.ge [sflag:s19], $0x80  }
0xcb: {  	[sflag:s19] =	ssyncset.done $0x0  }
0xcc: {  	s9 =	rddreg [dreg:$0x5];
	[sflag:s19] =	ssyncadd.s32 $0xFFFFFF80  }
0xcd: {  	[tilespmem:s25], [sflag:$0x2] =	stream.indirect.gather [hbm4b:s4+s23], $0x80, s9, s23, $0xb8;
	[tilespmem:$0x1CB00] =	vst v63  }
0xce: {  	_ =	swait.ge [sflag:s26], $0x4000  }
0xcf: {  	[sflag:s26] =	ssyncset.done $0x0  }
0xd0: {  	[sflag:s26] =	ssyncadd.s32 $0xFFFFC000  }
0xd1: {  	[spmem:s1] =	stream.indirect.scatter.add.f32 [tilespmem:s24], [sflag:$0x5], $0x80, s0, s23, $0xb8;
	[tilespmem:$0x1CB00] =	vst v63  }
0xd2: {  	_ =	swait.ge [sflag:s19], $0x4000  }
0xd3: {  	[sflag:s19] =	ssyncset.done $0x0  }
0xd4: {  	[sflag:s19] =	ssyncadd.s32 $0xFFFFC000  }
0xd5: {  	[spmem:s2] =	stream.indirect.scatter.add.f32 [tilespmem:s29], [sflag:$0x5], $0x1, s0, s23, $0xb8;
	[tilespmem:$0x1CB00] =	vst v63  }
0xd6: {  	_ =	swait.ge [sflag:s19], $0x80  }
0xd7: {  	[sflag:s19] =	ssyncset.done $0x0  }
0xd8: {  	[sflag:s19] =	ssyncadd.s32 $0xFFFFFF80  }
0xd9: {  	_ =	swait.ge [sflag:s8], $0x200  }
0xda: {  	[sflag:s8] =	ssyncset.done $0x0  }
0xdb: {  	[sflag:s8] =	ssyncadd.s32 $0xFFFFFE00  }
0xdc: {  	_ =	swait.ge [sflag:s8], $0x200  }
0xdd: {  	[sflag:s8] =	ssyncset.done $0x0  }
0xde: {  	[sflag:s8] =	ssyncadd.s32 $0xFFFFFE00  }
0xdf: {  	[tilespmem:s24], [sflag:$0x1] =	stream.indirect.gather [hbm4b:s4+s23], $0x80, s21, s23, $0xb8;
	[tilespmem:$0x1CB00] =	vst v63  }
0xe0: {  	_ =	swait.ge [sflag:s30], $0x4000  }
0xe1: {  	[sflag:s30] =	ssyncset.done $0x0  }
0xe2: {  	[sflag:s30] =	ssyncadd.s32 $0xFFFFC000  }
0xe3: {  	[spmem:s1] =	stream.indirect.scatter.add.f32 [tilespmem:s25], [sflag:$0x5], $0x80, s10, s23, $0xb8;
	[tilespmem:$0x1CB00] =	vst v63  }
0xe4: {  	s17 =	smov.u32 s16;
	_ =	swait.ge [sflag:s19], $0x4000  }
0xe5: {  	p2 =	seq.s32 s17, $0x2800;
	[sflag:s19] =	ssyncset.done $0x0  }
0xe6: {  	s17 =	simm.s32 @p2 $0x0;
	[sflag:s19] =	ssyncadd.s32 $0xFFFFC000  }
0xe7: {  	[spmem:s2] =	stream.indirect.scatter.add.f32 [tilespmem:s29], [sflag:$0x5], $0x1, s10, s23, $0xb8;
	[tilespmem:$0x1CB00] =	vst v63  }
0xe8: {  	s17 =	sadd.s32 s7, s17;
	_ =	swait.ge [sflag:s19], $0x80  }
0xe9: {  	s17 =	sshrl.u32 s17, $0x3;
	[sflag:s19] =	ssyncset.done $0x0  }
0xea: {  	s20 =	sadd.s32 s5, s17;
	[sflag:s19] =	ssyncadd.s32 $0xFFFFFF80  }
0xeb: {  	[tilespmem:s3], [sflag:$0x3] =	stream.linear.gather [hbm4b:s20+s3], $0x200, $0x38;
	[tilespmem:$0x1CB00] =	vst v63  }
0xec: {  	s18 =	sadd.s32 s6, s17  }
0xed: {  	[tilespmem:s28], [sflag:$0x3] =	stream.linear.gather [hbm4b:s18+s3], $0x200, $0x38;
	[tilespmem:$0x1CB00] =	vst v63  }
0xee: {  	s9 =	rddreg [dreg:$0x6]  }
0xef: {  	[tilespmem:s25], [sflag:$0x2] =	stream.indirect.gather [hbm4b:s4+s23], $0x80, s9, s23, $0xb8;
	[tilespmem:$0x1CB00] =	vst v63  }
0xf0: {  	_ =	swait.ge [sflag:s26], $0x4000  }
0xf1: {  	[sflag:s26] =	ssyncset.done $0x0  }
0xf2: {  	[sflag:s26] =	ssyncadd.s32 $0xFFFFC000  }
0xf3: {  	[spmem:s1] =	stream.indirect.scatter.add.f32 [tilespmem:s24], [sflag:$0x5], $0x80, s22, s23, $0xb8;
	[tilespmem:$0x1CB00] =	vst v63  }
0xf4: {  	_ =	swait.ge [sflag:s19], $0x4000  }
0xf5: {  	[sflag:s19] =	ssyncset.done $0x0  }
0xf6: {  	[sflag:s19] =	ssyncadd.s32 $0xFFFFC000  }
0xf7: {  	[spmem:s2] =	stream.indirect.scatter.add.f32 [tilespmem:s29], [sflag:$0x5], $0x1, s22, s23, $0xb8;
	[tilespmem:$0x1CB00] =	vst v63  }
0xf8: {  	_ =	swait.ge [sflag:s19], $0x80  }
0xf9: {  	[sflag:s19] =	ssyncset.done $0x0  }
0xfa: {  	s18 =	rddreg [dreg:$0x7];
	[sflag:s19] =	ssyncadd.s32 $0xFFFFFF80  }
0xfb: {  	[tilespmem:s24], [sflag:$0x1] =	stream.indirect.gather [hbm4b:s4+s23], $0x80, s18, s23, $0xb8;
	[tilespmem:$0x1CB00] =	vst v63  }
0xfc: {  	_ =	swait.ge [sflag:s30], $0x4000  }
0xfd: {  	[sflag:s30] =	ssyncset.done $0x0  }
0xfe: {  	[sflag:s30] =	ssyncadd.s32 $0xFFFFC000  }
0xff: {  	[spmem:s1] =	stream.indirect.scatter.add.f32 [tilespmem:s25], [sflag:$0x5], $0x80, s11, s23, $0xb8;
	[tilespmem:$0x1CB00] =	vst v63  }
0x100: {  	_ =	swait.ge [sflag:s19], $0x4000  }
0x101: {  	[sflag:s19] =	ssyncset.done $0x0  }
0x102: {  	[sflag:s19] =	ssyncadd.s32 $0xFFFFC000  }
0x103: {  	[spmem:s2] =	stream.indirect.scatter.add.f32 [tilespmem:s29], [sflag:$0x5], $0x1, s11, s23, $0xb8;
	[tilespmem:$0x1CB00] =	vst v63  }
0x104: {  	_ =	swait.ge [sflag:s19], $0x80  }
0x105: {  	[sflag:s19] =	ssyncset.done $0x0  }
0x106: {  	s20 =	rddreg [dreg:$0x8];
	[sflag:s19] =	ssyncadd.s32 $0xFFFFFF80  }
0x107: {  	[tilespmem:s25], [sflag:$0x2] =	stream.indirect.gather [hbm4b:s4+s23], $0x80, s20, s23, $0xb8;
	[tilespmem:$0x1CB00] =	vst v63  }
0x108: {  	_ =	swait.ge [sflag:s26], $0x4000  }
0x109: {  	[sflag:s26] =	ssyncset.done $0x0  }
0x10a: {  	[sflag:s26] =	ssyncadd.s32 $0xFFFFC000  }
0x10b: {  	[spmem:s1] =	stream.indirect.scatter.add.f32 [tilespmem:s24], [sflag:$0x5], $0x80, s12, s23, $0xb8;
	[tilespmem:$0x1CB00] =	vst v63  }
0x10c: {  	_ =	swait.ge [sflag:s19], $0x4000  }
0x10d: {  	[sflag:s19] =	ssyncset.done $0x0  }
0x10e: {  	[sflag:s19] =	ssyncadd.s32 $0xFFFFC000  }
0x10f: {  	[spmem:s2] =	stream.indirect.scatter.add.f32 [tilespmem:s29], [sflag:$0x5], $0x1, s12, s23, $0xb8;
	[tilespmem:$0x1CB00] =	vst v63  }
0x110: {  	_ =	swait.ge [sflag:s19], $0x80  }
0x111: {  	[sflag:s19] =	ssyncset.done $0x0  }
0x112: {  	[sflag:s19] =	ssyncadd.s32 $0xFFFFFF80  }
0x113: {  	_ =	swait.ge [sflag:s13], $0x200  }
0x114: {  	[sflag:s13] =	ssyncset.done $0x0  }
0x115: {  	[sflag:s13] =	ssyncadd.s32 $0xFFFFFE00  }
0x116: {  	_ =	swait.ge [sflag:s13], $0x200  }
0x117: {  	[sflag:s13] =	ssyncset.done $0x0  }
0x118: {  	[sflag:s13] =	ssyncadd.s32 $0xFFFFFE00  }
0x119: {  	[tilespmem:s24], [sflag:$0x1] =	stream.indirect.gather [hbm4b:s4+s23], $0x80, s3, s23, $0xb8;
	[tilespmem:$0x1CB00] =	vst v63  }
0x11a: {  	_ =	swait.ge [sflag:s30], $0x4000  }
0x11b: {  	[sflag:s30] =	ssyncset.done $0x0  }
0x11c: {  	[sflag:s30] =	ssyncadd.s32 $0xFFFFC000  }
0x11d: {  	[spmem:s1] =	stream.indirect.scatter.add.f32 [tilespmem:s25], [sflag:$0x5], $0x80, s14, s23, $0xb8;
	[tilespmem:$0x1CB00] =	vst v63  }
0x11e: {  	_ =	swait.ge [sflag:s19], $0x4000  }
0x11f: {  	[sflag:s19] =	ssyncset.done $0x0  }
0x120: {  	p1 =	sne.s32 s16, $0x2800;
	[sflag:s19] =	ssyncadd.s32 $0xFFFFC000  }
0x121: {  	[spmem:s2] =	stream.indirect.scatter.add.f32 [tilespmem:s29], [sflag:$0x5], $0x1, s14, s23, $0xb8;
	[tilespmem:$0x1CB00] =	vst v63  }
.Ltmp0:
0x122: {  	_ = 	snop;
	(pc) =	sbr.rel @p1 .LBB2_2-.Ltmp0, $4  }
0x123: {  	_ =	swait.ge [sflag:s19], $0x80  }
0x124: {  	s16 =	sadd.s32 $0x400, s16;
	s17 =	sor.u32 $0x40, s17;
	[sflag:s19] =	ssyncset.done $0x0  }
0x125: {  	s18 =	sadd.s32 s5, s17;
	s20 =	sadd.s32 s6, s17;
	[sflag:s19] =	ssyncadd.s32 $0xFFFFFF80  }
0x126: {  	[tilespmem:s21], [sflag:$0x4] =	stream.linear.gather [hbm4b:s18+s3], $0x200, $0x38;
	[tilespmem:$0x1CB00] =	vst v63  }
0x127: {  	[tilespmem:s22], [sflag:$0x4] =	stream.linear.gather [hbm4b:s20+s3], $0x200, $0x38;
	[tilespmem:$0x1CB00] =	vst v63  }
0x128: {  	_ =	swait.ge [sflag:s26], $0x4000  }
0x129: {  	[sflag:s26] =	ssyncset.done $0x0  }
0x12a: {  	[sflag:s26] =	ssyncadd.s32 $0xFFFFC000  }
0x12b: {  	_ =	swait.ge [sflag:s8], $0x200  }
0x12c: {  	[sflag:s8] =	ssyncset.done $0x0  }
0x12d: {  	[sflag:s8] =	ssyncadd.s32 $0xFFFFFE00  }
0x12e: {  	_ =	swait.ge [sflag:s8], $0x200  }
0x12f: {  	[sflag:s8] =	ssyncset.done $0x0  }
0x130: {  	[sflag:s8] =	ssyncadd.s32 $0xFFFFFE00  }
0x131: {  	[bflag:$0x0] =	sbarrier.arrive $0xFFFF  }
0x132: {  	s20 =	rddreg [dreg:$0xa]  }
0x133: {  	s9 =	rddreg [dreg:$0x10]  }
0x134: {  	[hbm:s9], [sflag:s20] =	dma.local [spmem:s15], $0x2800  }
0x135: {  	s18 =	simm.s32 @!p0 $0x10;
	_ =	swait.ge [sflag:s19], $0x2800  }
0x136: {  	s17 =	simm.s32 @!p0 $0x1;
	s16 =	simm.s32 @!p0 $0x20;
	[sflag:s19] =	ssyncset.done $0x0  }
0x137: {  	s9 =	sshrl.u32 @!p0 s2, $0x3;
	s15 =	rddreg [dreg:$0x11];
	[sflag:s19] =	ssyncadd.s32 $0xFFFFD800  }
0x138: {  	[hbm:s15@s16], [sflag:s20] =	dma.strided @!p0 [spmem:s9@s18], $0x500, s17, $0x10   }
0x139: {  	s9 =	simm.s32 @!p0 $0x5  }
0x13a: {  	_ =	swait.ge @!p0 [sflag:s9], $0x500  }
0x13b: {  	s16 =	rddreg [dreg:$0x14]  }
0x13c: {  	s18 =	rddreg [dreg:$0x12];
	s17 =	sadd.s32 $0x1, s16  }
0x13d: {  	p1 =	sne.s32 s17, s18  }
.Ltmp1:
0x13e: {  	_ = 	snop;
	(pc) =	sbr.rel @p1 .LBB2_1-.Ltmp1, $3  }
0x13f: {  	_ =	sdelay $0x1  }
0x140: {  	[sflag:s9] =	ssyncset.done @!p0 $0x0  }
0x141: {  	s15 =	rddreg [dreg:$0x15];
	[sflag:s9] =	ssyncadd.s32 @!p0 $0xFFFFFB00  }
0x142: {  	_ =	sfence.sel $0x180000  }
0x143: {  	[bflag:$0x0] =	sbarrier.arrive $0xFFFF  }
0x144: {  	_ =	strace $0x90000047  }
0x145: {  	[bflag:$0x2] =	sbarrier.arrive $0xFFFF  }
0x146: {  	s0 =	rddreg [dreg:$0x3]  }
0x147: {  	s0 =	sadd.s32 @!p0 $0x100000, s0  }
0x148: {  	[sflag:s0] =	ssyncadd.tile.s32 @!p0 $0x1;
	_ =	shalt  }
.Lfunc_end2:
_tile_overlayer_lowered:
.L_overlay_start_2:
0x149: {  	(tag) =	ssettag $0x2  }
0x14a: {  	s0 =	rddreg [dreg:$0x0];
	s2 =	stileid.u32  }
0x14b: {  	s1 =	rddreg [dreg:$0x1];
	p0 =	sne.s32 s2, $0x0  }
0x14c: {  	s3 =	rddreg [dreg:$0x2];
	[bflag:$0x3] =	sbarrier.arrive $0xFFFF;
	s2 =	simm.s32 @!p0 $0x1C05  }
0x14d: {  	[timem:s3], [sflag:s2] =	dma.local @!p0 [hbm:s0], s1  }
0x14e: {  	s0 =	simm.s32 @!p0 $0x5  }
0x14f: {  	_ =	swait.ge @!p0 [sflag:s0], s1  }
0x150: {  	s1 =	ssub.s32 @!p0 $0x0, s1;
	[sflag:s0] =	ssyncset.done @!p0 $0x0  }
0x151: {  	[sflag:s0] =	ssyncadd.s32 @!p0 s1  }
0x152: {  	[bflag:$0x3] =	sbarrier.arrive $0xFFFF  }
0x153: {  	_ =	shalt  }

// kernel: kernel.15.cloned.1.call-start
scs
__scs_entry_jumppad:
0x0: {  	(pc) =	sbr.rel $0x88, $3  }
0x1: {  	(tag) =	ssettag $0x0;
	lr =	simm.s32 $0x1  }
0x2: {  	[smem:$0x3F8F] =	sst lr;
	_ =	strace $0xD0000000  }
0x3: {  	_ = 	snop  }
0x4: {  	_ = 	snop  }
0x5: {  	_ = 	snop  }
0x6: {  	_ = 	snop  }
0x7: {  	_ = 	snop  }
__scs_overlays_trampoline_lowered:
0x8: {  	[smem:$0x3F9E] =	sst s0  }
0x9: {  	[smem:$0x3F9F] =	sst s1  }
0xa: {  	[smem:$0x3FA0] =	sst s2  }
0xb: {  	[smem:$0x3FA1] =	sst s3  }
0xc: {  	[smem:$0x3FA2] =	sst s4  }
0xd: {  	[smem:$0x3FA3] =	sst s5  }
0xe: {  	[smem:$0x3FA4] =	sst s6  }
0xf: {  	[smem:$0x3FA5] =	sst s7  }
0x10: {  	[smem:$0x3FA6] =	sst s8  }
0x11: {  	[smem:$0x3FA7] =	sst s9;
	s0 =	simm.s32 @!p0 $0x0  }
0x12: {  	s1 =	sld [smem:$0x3F8D];
	s0 =	simm.s32 @p0 $0x1  }
0x13: {  	[smem:$0x3FA8] =	sst s0;
	s0 =	simm.s32 @!p1 $0x0  }
0x14: {  	s2 =	sld [smem:$0x3F8C];
	s0 =	simm.s32 @p1 $0x1  }
0x15: {  	[smem:$0x3FA9] =	sst s0;
	s0 =	simm.s32 @!p2 $0x0  }
0x16: {  	s3 =	sld [smem:$0x3FDB];
	s0 =	simm.s32 @p2 $0x1  }
0x17: {  	s4 =	simm.s32 $0x1BF5;
	[smem:$0x3FAB] =	sst s0  }
0x18: {  	s0 =	sld [smem:$0x3F8E];
	_ =	swait.ge [sflag:s4], $0x0  }
0x19: {  	s7 =	sld [smem:$0x3F8F]  }
0x1a: {  	s8 =	sadd.s32 $0xFFFFE003, lr  }
0x1b: {  	s9 =	sadd.s32 $0xFFFFFEF7, lr;
	s5 =	simm.s32 $0xFFFFFFFF;
	p2 =	slt.u32 s8, $0xFFFFF086  }
0x1c: {  	p1 =	slt.u32 s9, $0xF7A;
	s5 =	simm.s32 @!p2 $0x0  }
0x1d: {  	s5 =	simm.s32 @p1 $0x1;
	p0 =	seq.s32 s7, s2  }
0x1e: {  	s7 =	smul.u32 @!p0 $0xF7A, s2;
	p2 =	seq.s32 @!p0 s5, $0x0  }
0x1f: {  	s9 =	smul.u32 $0xF7A, s1;
	s8 =	simm.s32 @!p0 $0x1BF5;
	p2 =	por !p2, p0  }
0x20: {  	[sflag:s8] =	ssyncset.s32 @!p0 $0xFFFFF086;
	s6 =	sadd.s32 @!p0 s3, s7;
	s7 =	simm.s32 @!p0 $0x108  }
0x21: {  	s3 =	sadd.s32 s3, s9;
	s6 =	sadd.s32 @!p0 $0x88, s6;
	s7 =	simm.s32 @p2 $0x1082  }
0x22: {  	[simem:s7], [sflag:s8] =	dma.local @!p0 [hbm:s6], $0xF7A  }
0x23: {  	s9 =	sor.u32 $0xD0000000, s2;
	s6 =	simm.s32 $0x108;
	_ =	swait.ge @!p0 [sflag:s8], $0x0  }
0x24: {  	s3 =	sadd.s32 $0x88, s3;
	s6 =	simm.s32 @!p1 $0x1082;
	[sflag:s4] =	ssyncset.s32 $0xFFFFF086  }
0x25: {  	[simem:s6], [sflag:s4] =	dma.local [hbm:s3], $0xF7A  }
0x26: {  	[smem:$0x3F8F] =	sst s1;
	(tag) =	ssettag s2;
	_ =	strace s9  }
0x27: {  	s1 =	sld [smem:$0x3F9F]  }
0x28: {  	s2 =	sld [smem:$0x3FA0]  }
0x29: {  	s4 =	sld [smem:$0x3FA2]  }
0x2a: {  	p0 =	seq.s32 s5, $0x0;
	s5 =	sld [smem:$0x3FA3]  }
0x2b: {  	s6 =	sld [smem:$0x3FA4]  }
0x2c: {  	s7 =	sld [smem:$0x3FA5]  }
0x2d: {  	s3 =	simm.s32 $0x108;
	s8 =	sld [smem:$0x3FA6]  }
0x2e: {  	s3 =	simm.s32 @!p0 $0x1082;
	s9 =	sld [smem:$0x3FA7]  }
0x2f: {  	lr =	sadd.s32 s0, s3;
	s0 =	sld [smem:$0x3F9E]  }
0x30: {  	s3 =	sld [smem:$0x3FA1]  }
0x31: {  	[smem:$0x3FAA] =	sst s10  }
0x32: {  	s10 =	sld [smem:$0x3FA8];
	_ =	sdelay $0x3  }
0x33: {  	p0 =	seq.s32 s10, $0x1;
	s10 =	sld [smem:$0x3FAA];
	_ =	sdelay $0x3  }
0x34: {  	[smem:$0x3FAA] =	sst s10  }
0x35: {  	s10 =	sld [smem:$0x3FA9];
	_ =	sdelay $0x3  }
0x36: {  	p1 =	seq.s32 s10, $0x1;
	s10 =	sld [smem:$0x3FAA];
	_ =	sdelay $0x3  }
0x37: {  	[smem:$0x3FAA] =	sst s10  }
0x38: {  	s10 =	sld [smem:$0x3FAB]  }
0x39: {  	_ = 	snop;
	(pc) =	sbr.ind lr, $3  }
0x3a: {  	_ = 	snop  }
0x3b: {  	_ = 	snop  }
0x3c: {  	p2 =	seq.s32 s10, $0x1;
	s10 =	sld [smem:$0x3FAA]  }
0x3d: {  	_ =	shalt  }
0x3e: {  	_ =	shalt  }
0x3f: {  	_ =	shalt  }
0x40: {  	_ =	shalt  }
0x41: {  	_ =	shalt  }
0x42: {  	_ =	shalt  }
0x43: {  	_ =	shalt  }
0x44: {  	_ =	shalt  }
0x45: {  	_ =	shalt  }
0x46: {  	_ =	shalt  }
0x47: {  	_ =	shalt  }
0x48: {  	_ =	shalt  }
0x49: {  	_ =	shalt  }
0x4a: {  	_ =	shalt  }
0x4b: {  	_ =	shalt  }
0x4c: {  	_ =	shalt  }
0x4d: {  	_ =	shalt  }
0x4e: {  	_ =	shalt  }
0x4f: {  	_ =	shalt  }
0x50: {  	_ =	shalt  }
0x51: {  	_ =	shalt  }
0x52: {  	_ =	shalt  }
0x53: {  	_ =	shalt  }
0x54: {  	_ =	shalt  }
0x55: {  	_ =	shalt  }
0x56: {  	_ =	shalt  }
0x57: {  	_ =	shalt  }
0x58: {  	_ =	shalt  }
0x59: {  	_ =	shalt  }
0x5a: {  	_ =	shalt  }
0x5b: {  	_ =	shalt  }
0x5c: {  	_ =	shalt  }
0x5d: {  	_ =	shalt  }
0x5e: {  	_ =	shalt  }
0x5f: {  	_ =	shalt  }
0x60: {  	_ =	shalt  }
0x61: {  	_ =	shalt  }
0x62: {  	_ =	shalt  }
0x63: {  	_ =	shalt  }
0x64: {  	_ =	shalt  }
0x65: {  	_ =	shalt  }
0x66: {  	_ =	shalt  }
0x67: {  	_ =	shalt  }
0x68: {  	_ =	shalt  }
0x69: {  	_ =	shalt  }
0x6a: {  	_ =	shalt  }
0x6b: {  	_ =	shalt  }
0x6c: {  	_ =	shalt  }
0x6d: {  	_ =	shalt  }
0x6e: {  	_ =	shalt  }
0x6f: {  	_ =	shalt  }
0x70: {  	_ =	shalt  }
0x71: {  	_ =	shalt  }
0x72: {  	_ =	shalt  }
0x73: {  	_ =	shalt  }
0x74: {  	_ =	shalt  }
0x75: {  	_ =	shalt  }
0x76: {  	_ =	shalt  }
0x77: {  	_ =	shalt  }
0x78: {  	_ =	shalt  }
0x79: {  	_ =	shalt  }
0x7a: {  	_ =	shalt  }
0x7b: {  	_ =	shalt  }
0x7c: {  	_ =	shalt  }
0x7d: {  	_ =	shalt  }
0x7e: {  	_ =	shalt  }
0x7f: {  	_ =	shalt  }
0x80: {  	_ =	shalt  }
0x81: {  	_ =	shalt  }
0x82: {  	_ =	shalt  }
0x83: {  	_ =	shalt  }
0x84: {  	_ =	shalt  }
0x85: {  	_ =	shalt  }
0x86: {  	_ =	shalt  }
0x87: {  	_ =	shalt  }
.Lfunc_end0:
.L_simem_size_0:
called_computation.1_lowered:
.L_overlay_start_0:
0x88: {  	s2 =	sld [smem:$0x3FD9]  }
0x89: {  	s3 =	sld [smem:$0x3FFE];
	_ =	sdelay $0x1  }
0x8a: {  	s1 =	srdreg.scid  }
0x8b: {  	s0 =	sand.u32 $0x1, s1  }
0x8c: {  	s16 =	sshll.u32 s0, $0xA;
	s2 =	sadd.s32 s3, s2  }
0x8d: {  	s2 =	sadd.s32 s2, s16  }
0x8e: {  	[smem:$0x3FB6] =	sst s2  }
0x8f: {  	_ = 	snop  }
0x90: {  	(tm) =	ssettm $0x1  }
0x91: {  	s17 =	sld [smem:$0x3FFB];
	_ =	sdelay $0x3  }
0x92: {  	_ =	strace s17  }
0x93: {  	s2 =	sld [smem:$0x3FFC];
	_ =	sdelay $0x3  }
0x94: {  	_ =	strace s2  }
0x95: {  	s2 =	sld [smem:$0x3FFD];
	_ =	sdelay $0x3  }
0x96: {  	_ =	strace s2  }
0x97: {  	_ =	strace $0x8FFFFFFF  }
0x98: {  	s18 =	sld [smem:$0x3FDB];
	_ =	sdelay $0x1  }
0x99: {  	s19 =	simm.s32 $_scs_section_size  }
0x9a: {  	s4 =	simm.s32 $_size__tile_overlayer_lowered;
	s5 =	simm.s32 $_tile_overlayer_lowered  }
0x9b: {  	s22 =	simm.s32 $0x1BFF;
	s21 =	sshll.u32 s5, $0x1;
	s2 =	sadd.s32 s19, s18  }
0x9c: {  	s6 =	simm.s32 $0x0;
	s20 =	sshll.u32 s4, $0x1;
	s4 =	sadd.s32 s21, s2  }
0x9d: {  	[timem:s6], [sflag:s22] =	dma.local [hbm:s4], s20  }
0x9e: {  	_ =	swait.ge [sflag:s22], s20  }
0x9f: {  	s3 =	ssub.s32 $0x0, s20;
	[sflag:s22] =	ssyncset.done $0x0  }
0xa0: {  	[sflag:s22] =	ssyncadd.s32 s3;
	_ =	sdelay $0x1  }
0xa1: {  	s23 =	simm.s32 $0x1B8B  }
0xa2: {  	_ =	swait.ge [sflag:s23], $0x1  }
0xa3: {  	[sflag:s23] =	ssyncset.done $0x0  }
0xa4: {  	s25 =	simm.s32 $0x1B8E;
	s24 =	sld [smem:$0x3FFE];
	[sflag:s23] =	ssyncadd.s32 $0xFFFFFFFF  }
0xa5: {  	s26 =	simm.s32 $execute0_lowered;
	[smem:$0x3FD2] =	sst s25  }
0xa6: {  	s4 =	sshll.u32 s26, $0x1;
	_ =	strace $0x80000049;
	[dreg:$0x1] =	wrdreg $0xFFFFFFFF  }
0xa7: {  	s28 =	simm.s32 $_size_execute0_lowered;
	s2 =	sadd.s32 s2, s4;
	[dreg:$0x0] =	wrdreg $0x0  }
0xa8: {  	s4 =	sshll.u32 s28, $0x1;
	[dreg:$0x2] =	wrdreg s2  }
0xa9: {  	[dreg:$0x3] =	wrdreg s4  }
0xaa: {  	[dreg:$0x4] =	wrdreg $0xC0  }
0xab: {  	_ =	task [dreg:s6], $0x5FFFF  }
0xac: {  	[dreg:$0x1] =	wrdreg $0xFFFFFFFF  }
0xad: {  	[dreg:$0x0] =	wrdreg $0x60  }
0xae: {  	[dreg:$0x2] =	wrdreg s24  }
0xaf: {  	[dreg:$0x3] =	wrdreg $0x88000  }
0xb0: {  	[dreg:$0x4] =	wrdreg $0x9  }
0xb1: {  	_ =	task.clear_ibuf [dreg:s6], $0x5FFFF;
	_ =	strace $0x90000049  }
0xb2: {  	s29 =	simm.s32 $0x9;
	_ =	strace $0x8000004B  }
0xb3: {  	_ =	swait.ge [sflag:s29], $0x1  }
0xb4: {  	[sflag:s29] =	ssyncadd.s32 $0xFFFFFFFF  }
0xb5: {  	_ =	strace $0x9000004B  }
0xb6: {  	_ =	sfence  }
0xb7: {  	s30 =	sld [smem:$0x0];
	_ =	sdelay $0x2  }
0xb8: {  	s31 =	sshll.u32 s1, $0xD;
	s1 =	sshrl.u32 s1, $0x2  }
0xb9: {  	s3 =	sand.u32 $0x4000, s31;
	s1 =	sadd.s32 s1, s30  }
0xba: {  	s0 =	sor.u32 s3, s0;
	s1 =	sshll.u32 s1, $0x11  }
0xbb: {  	s0 =	sor.u32 s1, s0  }
0xbc: {  	s0 =	sadd.s32 $0x8F2B, s0  }
0xbd: {  	[sflag:s0] =	ssyncadd.remote.s32 $0x1  }
0xbe: {  	_ =	sfence.sel $0xFFFF  }
0xbf: {  	[dreg:$0x0] =	wrdreg $0xFFFFFFFF;
	(pc) =	sbr.abs _section_cstart, $3  }
0xc0: {  	[dreg:$0x1] =	wrdreg $0xFFFFFFFF  }
0xc1: {  	_ =	task.clear_ibuf [dreg:s6], $0x2FFFF;
	_ =	strace $0x9FFFFFFF  }
0xc2: {  	(tm) =	ssettm $0x7FFFFFFF  }
0xc3: {  	_ =	shalt  }
tec
execute0_lowered:
.L_overlay_start_1:
0x0: {  	(tag) =	ssettag $0x1  }
0x1: {  	s0 =	rddreg [dreg:$0x0]  }
0x2: {  	s2 =	rddreg [dreg:$0x1]  }
0x3: {  	s3 =	simm.s32 $0x0;
	s13 =	stileid.u32;
	s1 =	srdreg.scid  }
0x4: {  	s21 =	simm.s32 $0x100;
	s22 =	simm.s32 $0x480;
	s23 =	simm.s32 $0x180  }
0x5: {  	s24 =	simm.s32 $0x500;
	s28 =	simm.s32 $0x300;
	s29 =	simm.s32 $0x680  }
0x6: {  	s30 =	simm.s32 $0x380;
	s31 =	simm.s32 $0x700;
	[smem:$0x7FF] =	sst s3  }
0x7: {  	s7 =	smul.u32 $0x14000, s13;
	s1 =	sand.u32 $0x1, s1;
	s4 =	sadd.s32 $0x17A00, s0  }
0x8: {  	s5 =	sadd.s32 $0x3A00, s0;
	s6 =	sadd.s32 $0xDA00, s0;
	s25 =	sshll.u32 s13, $0x1  }
0x9: {  	s11 =	smul.u32 $0x50000, s13;
	_ =	strace $0x8000004A;
	[dreg:$0x3] =	wrdreg s21  }
0xa: {  	s16 =	sshll.u32 s13, $0x6;
	s8 =	smul.u32 $0x140000, s1;
	[dreg:$0x4] =	wrdreg s22  }
0xb: {  	s10 =	ssub.s32 $0x2, s1;
	s1 =	sor.u32 s1, s25;
	[dreg:$0x5] =	wrdreg s23  }
0xc: {  	s21 =	simm.s32 $0x800;
	[dreg:$0x6] =	wrdreg s24;
	s25 =	simm.s32 $0x580  }
0xd: {  	s22 =	simm.s32 $0x4800;
	s23 =	simm.s32 $0x1;
	s24 =	simm.s32 $0x400  }
0xe: {  	s9 =	sshrl.u32 s7, $0x3;
	s12 =	sshrl.u32 s10, $0x1;
	s15 =	sshrl.u32 s11, $0x2  }
0xf: {  	[dreg:$0x7] =	wrdreg s25;
	s25 =	simm.s32 $0x2;
	s9 =	sadd.s32 s9, s0  }
0x10: {  	s7 =	sadd.s32 s7, s8;
	s14 =	ssub.s32 s10, s12;
	s8 =	sadd.s32 s15, s2  }
0x11: {  	s26 =	sshrl.u32 s7, $0x3;
	s7 =	smul.u32 $0x2800, s1;
	s9 =	sadd.s32 $0x3FA00, s9  }
0x12: {  	s15 =	smax.u32 s14, $0x1;
	s1 =	simm.s32 $0x780;
	s0 =	sadd.s32 s26, s0  }
0x13: {  	[dreg:$0x9] =	wrdreg s9;
	s9 =	sor.u32 $0x1C05, s16;
	s16 =	sshrl.u32 s8, $0x3  }
0x14: {  	s26 =	simm.s32 $0x280;
	s8 =	simm.s32 $0x0;
	s17 =	sshrl.u32 s7, $0x3  }
0x15: {  	s0 =	sadd.s32 $0x67A00, s0;
	[dreg:$0x8] =	wrdreg s26;
	s26 =	simm.s32 $0x4  }
0x16: {  	s18 =	sor.u32 $0x40, s17;
	s19 =	sadd.s32 s5, s17;
	[dreg:$0xe] =	wrdreg s0  }
0x17: {  	s11 =	sadd.s32 s6, s17;
	s17 =	simm.s32 $0x5;
	[dreg:$0xa] =	wrdreg s19  }
0x18: {  	s0 =	simm.s32 $0x3;
	[dreg:$0xb] =	wrdreg s11;
	s20 =	sadd.s32 s5, s18  }
0x19: {  	s10 =	sadd.s32 s6, s18;
	s18 =	simm.s32 $0x200;
	[dreg:$0xc] =	wrdreg s20  }
0x1a: {  	s19 =	simm.s32 $0x600;
	[dreg:$0xd] =	wrdreg s10;
	s20 =	simm.s32 $0x80  }
.LBB2_1:
0x1b: {  	s10 =	rddreg [dreg:$0x9]  }
0x1c: {  	[spmem:s16], [sflag:s9] =	dma.local [hbm:s10], $0x2800  }
0x1d: {  	_ =	swait.ge [sflag:s17], $0x2800  }
0x1e: {  	[sflag:s17] =	ssyncset.done $0x0  }
0x1f: {  	s12 =	rddreg [dreg:$0xa];
	[sflag:s17] =	ssyncadd.s32 $0xFFFFD800  }
0x20: {  	[tilespmem:s3], [sflag:$0x5] =	stream.linear.gather [hbm4b:s12+s3], $0x200, $0x38;
	[tilespmem:$0x1C800] =	vst v63  }
0x21: {  	_ =	swait.ge [sflag:s17], $0x200  }
0x22: {  	[sflag:s17] =	ssyncset.done $0x0  }
0x23: {  	s13 =	rddreg [dreg:$0xb];
	[sflag:s17] =	ssyncadd.s32 $0xFFFFFE00  }
0x24: {  	[tilespmem:s24], [sflag:$0x5] =	stream.linear.gather [hbm4b:s13+s3], $0x200, $0x38;
	[tilespmem:$0x1C800] =	vst v63  }
0x25: {  	_ =	swait.ge [sflag:s17], $0x200  }
0x26: {  	[sflag:s17] =	ssyncset.done $0x0  }
0x27: {  	s14 =	rddreg [dreg:$0xc];
	[sflag:s17] =	ssyncadd.s32 $0xFFFFFE00  }
0x28: {  	[tilespmem:s18], [sflag:$0x4] =	stream.linear.gather [hbm4b:s14+s3], $0x200, $0x38;
	[tilespmem:$0x1C800] =	vst v63  }
0x29: {  	s11 =	rddreg [dreg:$0xd]  }
0x2a: {  	[tilespmem:s19], [sflag:$0x4] =	stream.linear.gather [hbm4b:s11+s3], $0x200, $0x38;
	[tilespmem:$0x1C800] =	vst v63  }
0x2b: {  	_ = 	snop  }
0x2c: {  	[tilespmem:s21], [sflag:$0x1] =	stream.indirect.gather [hbm4b:s4+s20], $0x80, s3, s20, $0xb8;
	[tilespmem:$0x1C800] =	vst v63  }
0x2d: {  	[bflag:$0x0] =	sbarrier.arrive $0xFFFF  }
0x2e: {  	[tilespmem:s22], [sflag:$0x2] =	stream.indirect.gather [hbm4b:s4+s20], $0x80, s20, s20, $0xb8;
	[tilespmem:$0x1C800] =	vst v63  }
0x2f: {  	_ =	swait.ge [sflag:s23], $0x4000  }
0x30: {  	[sflag:s23] =	ssyncset.done $0x0  }
0x31: {  	[sflag:s23] =	ssyncadd.s32 $0xFFFFC000  }
0x32: {  	[spmem:s2] =	stream.indirect.scatter.add.f32 [tilespmem:s21], [sflag:$0x5], $0x80, s24, s20, $0xb8;
	[tilespmem:$0x1C800] =	vst v63  }
0x33: {  	_ =	swait.ge [sflag:s17], $0x4000  }
0x34: {  	[sflag:s17] =	ssyncset.done $0x0  }
0x35: {  	s12 =	rddreg [dreg:$0x3];
	[sflag:s17] =	ssyncadd.s32 $0xFFFFC000  }
0x36: {  	[tilespmem:s21], [sflag:$0x1] =	stream.indirect.gather [hbm4b:s4+s20], $0x80, s12, s20, $0xb8;
	[tilespmem:$0x1C800] =	vst v63  }
0x37: {  	_ =	swait.ge [sflag:s25], $0x4000  }
0x38: {  	[sflag:s25] =	ssyncset.done $0x0  }
0x39: {  	s13 =	rddreg [dreg:$0x4];
	[sflag:s25] =	ssyncadd.s32 $0xFFFFC000  }
0x3a: {  	[spmem:s2] =	stream.indirect.scatter.add.f32 [tilespmem:s22], [sflag:$0x5], $0x80, s13, s20, $0xb8;
	[tilespmem:$0x1C800] =	vst v63  }
0x3b: {  	_ =	swait.ge [sflag:s17], $0x4000  }
0x3c: {  	[sflag:s17] =	ssyncset.done $0x0  }
0x3d: {  	s14 =	rddreg [dreg:$0x5];
	[sflag:s17] =	ssyncadd.s32 $0xFFFFC000  }
0x3e: {  	[tilespmem:s22], [sflag:$0x2] =	stream.indirect.gather [hbm4b:s4+s20], $0x80, s14, s20, $0xb8;
	[tilespmem:$0x1C800] =	vst v63  }
0x3f: {  	_ =	swait.ge [sflag:s23], $0x4000  }
0x40: {  	[sflag:s23] =	ssyncset.done $0x0  }
0x41: {  	s11 =	rddreg [dreg:$0x6];
	[sflag:s23] =	ssyncadd.s32 $0xFFFFC000  }
0x42: {  	[spmem:s2] =	stream.indirect.scatter.add.f32 [tilespmem:s21], [sflag:$0x5], $0x80, s11, s20, $0xb8;
	[tilespmem:$0x1C800] =	vst v63  }
0x43: {  	_ =	swait.ge [sflag:s17], $0x4000  }
0x44: {  	[sflag:s17] =	ssyncset.done $0x0  }
0x45: {  	[sflag:s17] =	ssyncadd.s32 $0xFFFFC000  }
0x46: {  	_ =	swait.ge [sflag:s26], $0x200  }
0x47: {  	[sflag:s26] =	ssyncset.done $0x0  }
0x48: {  	[sflag:s26] =	ssyncadd.s32 $0xFFFFFE00  }
0x49: {  	_ =	swait.ge [sflag:s26], $0x200  }
0x4a: {  	[sflag:s26] =	ssyncset.done $0x0  }
0x4b: {  	[sflag:s26] =	ssyncadd.s32 $0xFFFFFE00  }
0x4c: {  	[tilespmem:s21], [sflag:$0x1] =	stream.indirect.gather [hbm4b:s4+s20], $0x80, s18, s20, $0xb8;
	[tilespmem:$0x1C800] =	vst v63  }
0x4d: {  	_ =	swait.ge [sflag:s25], $0x4000  }
0x4e: {  	p0 =	por $0x0, $0x0;
	s10 =	simm.s32 $0x400;
	[sflag:s25] =	ssyncset.done $0x0  }
0x4f: {  	s10 =	simm.s32 @p0 $0x0;
	s12 =	rddreg [dreg:$0x7];
	[sflag:s25] =	ssyncadd.s32 $0xFFFFC000  }
0x50: {  	[spmem:s2] =	stream.indirect.scatter.add.f32 [tilespmem:s22], [sflag:$0x5], $0x80, s12, s20, $0xb8;
	[tilespmem:$0x1C800] =	vst v63  }
0x51: {  	s10 =	sadd.s32 s7, s10;
	_ =	swait.ge [sflag:s17], $0x4000  }
0x52: {  	s10 =	sshrl.u32 s10, $0x3;
	[sflag:s17] =	ssyncset.done $0x0  }
0x53: {  	s11 =	sadd.s32 s5, s10;
	[sflag:s17] =	ssyncadd.s32 $0xFFFFC000  }
0x54: {  	[tilespmem:s3], [sflag:$0x3] =	stream.linear.gather [hbm4b:s11+s3], $0x200, $0x38;
	[tilespmem:$0x1C800] =	vst v63  }
0x55: {  	s13 =	sadd.s32 s6, s10  }
0x56: {  	[tilespmem:s24], [sflag:$0x3] =	stream.linear.gather [hbm4b:s13+s3], $0x200, $0x38;
	[tilespmem:$0x1C800] =	vst v63  }
0x57: {  	s12 =	rddreg [dreg:$0x8]  }
0x58: {  	[tilespmem:s22], [sflag:$0x2] =	stream.indirect.gather [hbm4b:s4+s20], $0x80, s12, s20, $0xb8;
	[tilespmem:$0x1C800] =	vst v63  }
0x59: {  	_ =	swait.ge [sflag:s23], $0x4000  }
0x5a: {  	[sflag:s23] =	ssyncset.done $0x0  }
0x5b: {  	[sflag:s23] =	ssyncadd.s32 $0xFFFFC000  }
0x5c: {  	[spmem:s2] =	stream.indirect.scatter.add.f32 [tilespmem:s21], [sflag:$0x5], $0x80, s19, s20, $0xb8;
	[tilespmem:$0x1C800] =	vst v63  }
0x5d: {  	_ =	swait.ge [sflag:s17], $0x4000  }
0x5e: {  	[sflag:s17] =	ssyncset.done $0x0  }
0x5f: {  	[sflag:s17] =	ssyncadd.s32 $0xFFFFC000  }
0x60: {  	[tilespmem:s21], [sflag:$0x1] =	stream.indirect.gather [hbm4b:s4+s20], $0x80, s28, s20, $0xb8;
	[tilespmem:$0x1C800] =	vst v63  }
0x61: {  	_ =	swait.ge [sflag:s25], $0x4000  }
0x62: {  	[sflag:s25] =	ssyncset.done $0x0  }
0x63: {  	[sflag:s25] =	ssyncadd.s32 $0xFFFFC000  }
0x64: {  	[spmem:s2] =	stream.indirect.scatter.add.f32 [tilespmem:s22], [sflag:$0x5], $0x80, s29, s20, $0xb8;
	[tilespmem:$0x1C800] =	vst v63  }
0x65: {  	_ =	swait.ge [sflag:s17], $0x4000  }
0x66: {  	[sflag:s17] =	ssyncset.done $0x0  }
0x67: {  	[sflag:s17] =	ssyncadd.s32 $0xFFFFC000  }
0x68: {  	[tilespmem:s22], [sflag:$0x2] =	stream.indirect.gather [hbm4b:s4+s20], $0x80, s30, s20, $0xb8;
	[tilespmem:$0x1C800] =	vst v63  }
0x69: {  	_ =	swait.ge [sflag:s23], $0x4000  }
0x6a: {  	[sflag:s23] =	ssyncset.done $0x0  }
0x6b: {  	[sflag:s23] =	ssyncadd.s32 $0xFFFFC000  }
0x6c: {  	[spmem:s2] =	stream.indirect.scatter.add.f32 [tilespmem:s21], [sflag:$0x5], $0x80, s31, s20, $0xb8;
	[tilespmem:$0x1C800] =	vst v63  }
0x6d: {  	_ =	swait.ge [sflag:s17], $0x4000  }
0x6e: {  	[sflag:s17] =	ssyncset.done $0x0  }
0x6f: {  	[sflag:s17] =	ssyncadd.s32 $0xFFFFC000  }
0x70: {  	_ =	swait.ge [sflag:s0], $0x200  }
0x71: {  	[sflag:s0] =	ssyncset.done $0x0  }
0x72: {  	[sflag:s0] =	ssyncadd.s32 $0xFFFFFE00  }
0x73: {  	_ =	swait.ge [sflag:s0], $0x200  }
0x74: {  	[sflag:s0] =	ssyncset.done $0x0  }
0x75: {  	[sflag:s0] =	ssyncadd.s32 $0xFFFFFE00  }
0x76: {  	[tilespmem:s21], [sflag:$0x1] =	stream.indirect.gather [hbm4b:s4+s20], $0x80, s3, s20, $0xb8;
	[tilespmem:$0x1C800] =	vst v63  }
0x77: {  	_ =	swait.ge [sflag:s25], $0x4000  }
0x78: {  	[sflag:s25] =	ssyncset.done $0x0  }
0x79: {  	[sflag:s25] =	ssyncadd.s32 $0xFFFFC000  }
0x7a: {  	[spmem:s2] =	stream.indirect.scatter.add.f32 [tilespmem:s22], [sflag:$0x5], $0x80, s1, s20, $0xb8;
	[tilespmem:$0x1C800] =	vst v63  }
0x7b: {  	_ =	swait.ge [sflag:s17], $0x4000  }
0x7c: {  	s14 =	sor.u32 $0x40, s10;
	[sflag:s17] =	ssyncset.done $0x0  }
0x7d: {  	s10 =	sadd.s32 s5, s14;
	[sflag:s17] =	ssyncadd.s32 $0xFFFFC000  }
0x7e: {  	[tilespmem:s18], [sflag:$0x4] =	stream.linear.gather [hbm4b:s10+s3], $0x200, $0x38;
	[tilespmem:$0x1C800] =	vst v63  }
0x7f: {  	s12 =	sadd.s32 s6, s14;
	s10 =	simm.s32 $0x800  }
.LBB2_2:
0x80: {  	[tilespmem:s19], [sflag:$0x4] =	stream.linear.gather [hbm4b:s12+s3], $0x200, $0x38;
	[tilespmem:$0x1C800] =	vst v63  }
0x81: {  	_ = 	snop  }
0x82: {  	[tilespmem:s22], [sflag:$0x2] =	stream.indirect.gather [hbm4b:s4+s20], $0x80, s20, s20, $0xb8;
	[tilespmem:$0x1C800] =	vst v63  }
0x83: {  	_ =	swait.ge [sflag:s23], $0x4000  }
0x84: {  	[sflag:s23] =	ssyncset.done $0x0  }
0x85: {  	[sflag:s23] =	ssyncadd.s32 $0xFFFFC000  }
0x86: {  	[spmem:s2] =	stream.indirect.scatter.add.f32 [tilespmem:s21], [sflag:$0x5], $0x80, s24, s20, $0xb8;
	[tilespmem:$0x1C800] =	vst v63  }
0x87: {  	_ =	swait.ge [sflag:s17], $0x4000  }
0x88: {  	[sflag:s17] =	ssyncset.done $0x0  }
0x89: {  	s13 =	rddreg [dreg:$0x3];
	[sflag:s17] =	ssyncadd.s32 $0xFFFFC000  }
0x8a: {  	[tilespmem:s21], [sflag:$0x1] =	stream.indirect.gather [hbm4b:s4+s20], $0x80, s13, s20, $0xb8;
	[tilespmem:$0x1C800] =	vst v63  }
0x8b: {  	_ =	swait.ge [sflag:s25], $0x4000  }
0x8c: {  	[sflag:s25] =	ssyncset.done $0x0  }
0x8d: {  	s14 =	rddreg [dreg:$0x4];
	[sflag:s25] =	ssyncadd.s32 $0xFFFFC000  }
0x8e: {  	[spmem:s2] =	stream.indirect.scatter.add.f32 [tilespmem:s22], [sflag:$0x5], $0x80, s14, s20, $0xb8;
	[tilespmem:$0x1C800] =	vst v63  }
0x8f: {  	_ =	swait.ge [sflag:s17], $0x4000  }
0x90: {  	[sflag:s17] =	ssyncset.done $0x0  }
0x91: {  	s13 =	rddreg [dreg:$0x5];
	[sflag:s17] =	ssyncadd.s32 $0xFFFFC000  }
0x92: {  	[tilespmem:s22], [sflag:$0x2] =	stream.indirect.gather [hbm4b:s4+s20], $0x80, s13, s20, $0xb8;
	[tilespmem:$0x1C800] =	vst v63  }
0x93: {  	_ =	swait.ge [sflag:s23], $0x4000  }
0x94: {  	[sflag:s23] =	ssyncset.done $0x0  }
0x95: {  	s14 =	rddreg [dreg:$0x6];
	[sflag:s23] =	ssyncadd.s32 $0xFFFFC000  }
0x96: {  	[spmem:s2] =	stream.indirect.scatter.add.f32 [tilespmem:s21], [sflag:$0x5], $0x80, s14, s20, $0xb8;
	[tilespmem:$0x1C800] =	vst v63  }
0x97: {  	_ =	swait.ge [sflag:s17], $0x4000  }
0x98: {  	[sflag:s17] =	ssyncset.done $0x0  }
0x99: {  	[sflag:s17] =	ssyncadd.s32 $0xFFFFC000  }
0x9a: {  	_ =	swait.ge [sflag:s26], $0x200  }
0x9b: {  	[sflag:s26] =	ssyncset.done $0x0  }
0x9c: {  	[sflag:s26] =	ssyncadd.s32 $0xFFFFFE00  }
0x9d: {  	_ =	swait.ge [sflag:s26], $0x200  }
0x9e: {  	[sflag:s26] =	ssyncset.done $0x0  }
0x9f: {  	[sflag:s26] =	ssyncadd.s32 $0xFFFFFE00  }
0xa0: {  	[tilespmem:s21], [sflag:$0x1] =	stream.indirect.gather [hbm4b:s4+s20], $0x80, s18, s20, $0xb8;
	[tilespmem:$0x1C800] =	vst v63  }
0xa1: {  	s11 =	smov.u32 s10;
	_ =	swait.ge [sflag:s25], $0x4000  }
0xa2: {  	p1 =	seq.s32 s11, $0x2800;
	[sflag:s25] =	ssyncset.done $0x0  }
0xa3: {  	s11 =	simm.s32 @p1 $0x0;
	s13 =	rddreg [dreg:$0x7];
	[sflag:s25] =	ssyncadd.s32 $0xFFFFC000  }
0xa4: {  	[spmem:s2] =	stream.indirect.scatter.add.f32 [tilespmem:s22], [sflag:$0x5], $0x80, s13, s20, $0xb8;
	[tilespmem:$0x1C800] =	vst v63  }
0xa5: {  	s11 =	sadd.s32 s7, s11;
	_ =	swait.ge [sflag:s17], $0x4000  }
0xa6: {  	s11 =	sshrl.u32 s11, $0x3;
	[sflag:s17] =	ssyncset.done $0x0  }
0xa7: {  	s12 =	sadd.s32 s5, s11;
	[sflag:s17] =	ssyncadd.s32 $0xFFFFC000  }
0xa8: {  	[tilespmem:s3], [sflag:$0x3] =	stream.linear.gather [hbm4b:s12+s3], $0x200, $0x38;
	[tilespmem:$0x1C800] =	vst v63  }
0xa9: {  	s13 =	sadd.s32 s6, s11  }
0xaa: {  	[tilespmem:s24], [sflag:$0x3] =	stream.linear.gather [hbm4b:s13+s3], $0x200, $0x38;
	[tilespmem:$0x1C800] =	vst v63  }
0xab: {  	s14 =	rddreg [dreg:$0x8]  }
0xac: {  	[tilespmem:s22], [sflag:$0x2] =	stream.indirect.gather [hbm4b:s4+s20], $0x80, s14, s20, $0xb8;
	[tilespmem:$0x1C800] =	vst v63  }
0xad: {  	_ =	swait.ge [sflag:s23], $0x4000  }
0xae: {  	[sflag:s23] =	ssyncset.done $0x0  }
0xaf: {  	[sflag:s23] =	ssyncadd.s32 $0xFFFFC000  }
0xb0: {  	[spmem:s2] =	stream.indirect.scatter.add.f32 [tilespmem:s21], [sflag:$0x5], $0x80, s19, s20, $0xb8;
	[tilespmem:$0x1C800] =	vst v63  }
0xb1: {  	_ =	swait.ge [sflag:s17], $0x4000  }
0xb2: {  	[sflag:s17] =	ssyncset.done $0x0  }
0xb3: {  	[sflag:s17] =	ssyncadd.s32 $0xFFFFC000  }
0xb4: {  	[tilespmem:s21], [sflag:$0x1] =	stream.indirect.gather [hbm4b:s4+s20], $0x80, s28, s20, $0xb8;
	[tilespmem:$0x1C800] =	vst v63  }
0xb5: {  	_ =	swait.ge [sflag:s25], $0x4000  }
0xb6: {  	[sflag:s25] =	ssyncset.done $0x0  }
0xb7: {  	[sflag:s25] =	ssyncadd.s32 $0xFFFFC000  }
0xb8: {  	[spmem:s2] =	stream.indirect.scatter.add.f32 [tilespmem:s22], [sflag:$0x5], $0x80, s29, s20, $0xb8;
	[tilespmem:$0x1C800] =	vst v63  }
0xb9: {  	_ =	swait.ge [sflag:s17], $0x4000  }
0xba: {  	[sflag:s17] =	ssyncset.done $0x0  }
0xbb: {  	[sflag:s17] =	ssyncadd.s32 $0xFFFFC000  }
0xbc: {  	[tilespmem:s22], [sflag:$0x2] =	stream.indirect.gather [hbm4b:s4+s20], $0x80, s30, s20, $0xb8;
	[tilespmem:$0x1C800] =	vst v63  }
0xbd: {  	_ =	swait.ge [sflag:s23], $0x4000  }
0xbe: {  	[sflag:s23] =	ssyncset.done $0x0  }
0xbf: {  	[sflag:s23] =	ssyncadd.s32 $0xFFFFC000  }
0xc0: {  	[spmem:s2] =	stream.indirect.scatter.add.f32 [tilespmem:s21], [sflag:$0x5], $0x80, s31, s20, $0xb8;
	[tilespmem:$0x1C800] =	vst v63  }
0xc1: {  	_ =	swait.ge [sflag:s17], $0x4000  }
0xc2: {  	[sflag:s17] =	ssyncset.done $0x0  }
0xc3: {  	[sflag:s17] =	ssyncadd.s32 $0xFFFFC000  }
0xc4: {  	_ =	swait.ge [sflag:s0], $0x200  }
0xc5: {  	[sflag:s0] =	ssyncset.done $0x0  }
0xc6: {  	[sflag:s0] =	ssyncadd.s32 $0xFFFFFE00  }
0xc7: {  	_ =	swait.ge [sflag:s0], $0x200  }
0xc8: {  	[sflag:s0] =	ssyncset.done $0x0  }
0xc9: {  	[sflag:s0] =	ssyncadd.s32 $0xFFFFFE00  }
0xca: {  	[tilespmem:s21], [sflag:$0x1] =	stream.indirect.gather [hbm4b:s4+s20], $0x80, s3, s20, $0xb8;
	[tilespmem:$0x1C800] =	vst v63  }
0xcb: {  	_ =	swait.ge [sflag:s25], $0x4000  }
0xcc: {  	[sflag:s25] =	ssyncset.done $0x0  }
0xcd: {  	p0 =	sne.s32 s10, $0x2800;
	[sflag:s25] =	ssyncadd.s32 $0xFFFFC000  }
0xce: {  	[spmem:s2] =	stream.indirect.scatter.add.f32 [tilespmem:s22], [sflag:$0x5], $0x80, s1, s20, $0xb8;
	[tilespmem:$0x1C800] =	vst v63  }
.Ltmp0:
0xcf: {  	_ = 	snop;
	(pc) =	sbr.rel @p0 .LBB2_2-.Ltmp0, $4  }
0xd0: {  	_ =	swait.ge [sflag:s17], $0x4000  }
0xd1: {  	s10 =	sadd.s32 $0x400, s10;
	s11 =	sor.u32 $0x40, s11;
	[sflag:s17] =	ssyncset.done $0x0  }
0xd2: {  	s12 =	sadd.s32 s6, s11;
	s14 =	sadd.s32 s5, s11;
	[sflag:s17] =	ssyncadd.s32 $0xFFFFC000  }
0xd3: {  	[tilespmem:s18], [sflag:$0x4] =	stream.linear.gather [hbm4b:s14+s3], $0x200, $0x38;
	[tilespmem:$0x1C800] =	vst v63  }
0xd4: {  	[tilespmem:s19], [sflag:$0x4] =	stream.linear.gather [hbm4b:s12+s3], $0x200, $0x38;
	[tilespmem:$0x1C800] =	vst v63  }
0xd5: {  	_ =	swait.ge [sflag:s23], $0x4000  }
0xd6: {  	[sflag:s23] =	ssyncset.done $0x0  }
0xd7: {  	[sflag:s23] =	ssyncadd.s32 $0xFFFFC000  }
0xd8: {  	_ =	swait.ge [sflag:s26], $0x200  }
0xd9: {  	[sflag:s26] =	ssyncset.done $0x0  }
0xda: {  	[sflag:s26] =	ssyncadd.s32 $0xFFFFFE00  }
0xdb: {  	_ =	swait.ge [sflag:s26], $0x200  }
0xdc: {  	[sflag:s26] =	ssyncset.done $0x0  }
0xdd: {  	s8 =	sadd.s32 $0x1, s8;
	[sflag:s26] =	ssyncadd.s32 $0xFFFFFE00  }
0xde: {  	p0 =	sne.s32 s8, s15;
	[bflag:$0x0] =	sbarrier.arrive $0xFFFF  }
.Ltmp1:
0xdf: {  	s10 =	rddreg [dreg:$0xe];
	(pc) =	sbr.rel @p0 .LBB2_1-.Ltmp1, $4  }
0xe0: {  	[hbm:s10], [sflag:s9] =	dma.local [spmem:s16], $0x2800  }
0xe1: {  	_ =	swait.ge [sflag:s17], $0x2800  }
0xe2: {  	[sflag:s17] =	ssyncset.done $0x0  }
0xe3: {  	[sflag:s17] =	ssyncadd.s32 $0xFFFFD800  }
0xe4: {  	_ =	sfence.sel $0x180000  }
0xe5: {  	[bflag:$0x0] =	sbarrier.arrive $0xFFFF  }
0xe6: {  	_ =	strace $0x9000004A  }
0xe7: {  	s0 =	stileid.u32;
	[bflag:$0x2] =	sbarrier.arrive $0xFFFF  }
0xe8: {  	p0 =	sne.s32 s0, $0x0;
	s0 =	rddreg [dreg:$0x2]  }
0xe9: {  	s0 =	sadd.s32 @!p0 $0x100000, s0  }
0xea: {  	[sflag:s0] =	ssyncadd.tile.s32 @!p0 $0x1;
	_ =	shalt  }
.Lfunc_end2:
_tile_overlayer_lowered:
.L_overlay_start_2:
0xeb: {  	(tag) =	ssettag $0x2  }
0xec: {  	s0 =	rddreg [dreg:$0x0];
	s2 =	stileid.u32  }
0xed: {  	s1 =	rddreg [dreg:$0x1];
	p0 =	sne.s32 s2, $0x0  }
0xee: {  	s3 =	rddreg [dreg:$0x2];
	[bflag:$0x3] =	sbarrier.arrive $0xFFFF;
	s2 =	simm.s32 @!p0 $0x1C05  }
0xef: {  	[timem:s3], [sflag:s2] =	dma.local @!p0 [hbm:s0], s1  }
0xf0: {  	s0 =	simm.s32 @!p0 $0x5  }
0xf1: {  	_ =	swait.ge @!p0 [sflag:s0], s1  }
0xf2: {  	s1 =	ssub.s32 @!p0 $0x0, s1;
	[sflag:s0] =	ssyncset.done @!p0 $0x0  }
0xf3: {  	[sflag:s0] =	ssyncadd.s32 @!p0 s1  }
0xf4: {  	[bflag:$0x3] =	sbarrier.arrive $0xFFFF  }
0xf5: {  	_ =	shalt  }

// kernel: kernel.18.cloned.1.call-start
scs
__scs_entry_jumppad:
0x0: {  	(pc) =	sbr.rel $0x88, $3  }
0x1: {  	(tag) =	ssettag $0x0;
	lr =	simm.s32 $0x1  }
0x2: {  	[smem:$0x3F8F] =	sst lr;
	_ =	strace $0xD0000000  }
0x3: {  	_ = 	snop  }
0x4: {  	_ = 	snop  }
0x5: {  	_ = 	snop  }
0x6: {  	_ = 	snop  }
0x7: {  	_ = 	snop  }
__scs_overlays_trampoline_lowered:
0x8: {  	[smem:$0x3F9E] =	sst s0  }
0x9: {  	[smem:$0x3F9F] =	sst s1  }
0xa: {  	[smem:$0x3FA0] =	sst s2  }
0xb: {  	[smem:$0x3FA1] =	sst s3  }
0xc: {  	[smem:$0x3FA2] =	sst s4  }
0xd: {  	[smem:$0x3FA3] =	sst s5  }
0xe: {  	[smem:$0x3FA4] =	sst s6  }
0xf: {  	[smem:$0x3FA5] =	sst s7  }
0x10: {  	[smem:$0x3FA6] =	sst s8  }
0x11: {  	[smem:$0x3FA7] =	sst s9;
	s0 =	simm.s32 @!p0 $0x0  }
0x12: {  	s1 =	sld [smem:$0x3F8D];
	s0 =	simm.s32 @p0 $0x1  }
0x13: {  	[smem:$0x3FA8] =	sst s0;
	s0 =	simm.s32 @!p1 $0x0  }
0x14: {  	s2 =	sld [smem:$0x3F8C];
	s0 =	simm.s32 @p1 $0x1  }
0x15: {  	[smem:$0x3FA9] =	sst s0;
	s0 =	simm.s32 @!p2 $0x0  }
0x16: {  	s3 =	sld [smem:$0x3FDB];
	s0 =	simm.s32 @p2 $0x1  }
0x17: {  	s4 =	simm.s32 $0x1BF5;
	[smem:$0x3FAB] =	sst s0  }
0x18: {  	s0 =	sld [smem:$0x3F8E];
	_ =	swait.ge [sflag:s4], $0x0  }
0x19: {  	s7 =	sld [smem:$0x3F8F]  }
0x1a: {  	s8 =	sadd.s32 $0xFFFFE003, lr  }
0x1b: {  	s9 =	sadd.s32 $0xFFFFFEF7, lr;
	s5 =	simm.s32 $0xFFFFFFFF;
	p2 =	slt.u32 s8, $0xFFFFF086  }
0x1c: {  	p1 =	slt.u32 s9, $0xF7A;
	s5 =	simm.s32 @!p2 $0x0  }
0x1d: {  	s5 =	simm.s32 @p1 $0x1;
	p0 =	seq.s32 s7, s2  }
0x1e: {  	s7 =	smul.u32 @!p0 $0xF7A, s2;
	p2 =	seq.s32 @!p0 s5, $0x0  }
0x1f: {  	s9 =	smul.u32 $0xF7A, s1;
	s8 =	simm.s32 @!p0 $0x1BF5;
	p2 =	por !p2, p0  }
0x20: {  	[sflag:s8] =	ssyncset.s32 @!p0 $0xFFFFF086;
	s6 =	sadd.s32 @!p0 s3, s7;
	s7 =	simm.s32 @!p0 $0x108  }
0x21: {  	s3 =	sadd.s32 s3, s9;
	s6 =	sadd.s32 @!p0 $0x88, s6;
	s7 =	simm.s32 @p2 $0x1082  }
0x22: {  	[simem:s7], [sflag:s8] =	dma.local @!p0 [hbm:s6], $0xF7A  }
0x23: {  	s9 =	sor.u32 $0xD0000000, s2;
	s6 =	simm.s32 $0x108;
	_ =	swait.ge @!p0 [sflag:s8], $0x0  }
0x24: {  	s3 =	sadd.s32 $0x88, s3;
	s6 =	simm.s32 @!p1 $0x1082;
	[sflag:s4] =	ssyncset.s32 $0xFFFFF086  }
0x25: {  	[simem:s6], [sflag:s4] =	dma.local [hbm:s3], $0xF7A  }
0x26: {  	[smem:$0x3F8F] =	sst s1;
	(tag) =	ssettag s2;
	_ =	strace s9  }
0x27: {  	s1 =	sld [smem:$0x3F9F]  }
0x28: {  	s2 =	sld [smem:$0x3FA0]  }
0x29: {  	s4 =	sld [smem:$0x3FA2]  }
0x2a: {  	p0 =	seq.s32 s5, $0x0;
	s5 =	sld [smem:$0x3FA3]  }
0x2b: {  	s6 =	sld [smem:$0x3FA4]  }
0x2c: {  	s7 =	sld [smem:$0x3FA5]  }
0x2d: {  	s3 =	simm.s32 $0x108;
	s8 =	sld [smem:$0x3FA6]  }
0x2e: {  	s3 =	simm.s32 @!p0 $0x1082;
	s9 =	sld [smem:$0x3FA7]  }
0x2f: {  	lr =	sadd.s32 s0, s3;
	s0 =	sld [smem:$0x3F9E]  }
0x30: {  	s3 =	sld [smem:$0x3FA1]  }
0x31: {  	[smem:$0x3FAA] =	sst s10  }
0x32: {  	s10 =	sld [smem:$0x3FA8];
	_ =	sdelay $0x3  }
0x33: {  	p0 =	seq.s32 s10, $0x1;
	s10 =	sld [smem:$0x3FAA];
	_ =	sdelay $0x3  }
0x34: {  	[smem:$0x3FAA] =	sst s10  }
0x35: {  	s10 =	sld [smem:$0x3FA9];
	_ =	sdelay $0x3  }
0x36: {  	p1 =	seq.s32 s10, $0x1;
	s10 =	sld [smem:$0x3FAA];
	_ =	sdelay $0x3  }
0x37: {  	[smem:$0x3FAA] =	sst s10  }
0x38: {  	s10 =	sld [smem:$0x3FAB]  }
0x39: {  	_ = 	snop;
	(pc) =	sbr.ind lr, $3  }
0x3a: {  	_ = 	snop  }
0x3b: {  	_ = 	snop  }
0x3c: {  	p2 =	seq.s32 s10, $0x1;
	s10 =	sld [smem:$0x3FAA]  }
0x3d: {  	_ =	shalt  }
0x3e: {  	_ =	shalt  }
0x3f: {  	_ =	shalt  }
0x40: {  	_ =	shalt  }
0x41: {  	_ =	shalt  }
0x42: {  	_ =	shalt  }
0x43: {  	_ =	shalt  }
0x44: {  	_ =	shalt  }
0x45: {  	_ =	shalt  }
0x46: {  	_ =	shalt  }
0x47: {  	_ =	shalt  }
0x48: {  	_ =	shalt  }
0x49: {  	_ =	shalt  }
0x4a: {  	_ =	shalt  }
0x4b: {  	_ =	shalt  }
0x4c: {  	_ =	shalt  }
0x4d: {  	_ =	shalt  }
0x4e: {  	_ =	shalt  }
0x4f: {  	_ =	shalt  }
0x50: {  	_ =	shalt  }
0x51: {  	_ =	shalt  }
0x52: {  	_ =	shalt  }
0x53: {  	_ =	shalt  }
0x54: {  	_ =	shalt  }
0x55: {  	_ =	shalt  }
0x56: {  	_ =	shalt  }
0x57: {  	_ =	shalt  }
0x58: {  	_ =	shalt  }
0x59: {  	_ =	shalt  }
0x5a: {  	_ =	shalt  }
0x5b: {  	_ =	shalt  }
0x5c: {  	_ =	shalt  }
0x5d: {  	_ =	shalt  }
0x5e: {  	_ =	shalt  }
0x5f: {  	_ =	shalt  }
0x60: {  	_ =	shalt  }
0x61: {  	_ =	shalt  }
0x62: {  	_ =	shalt  }
0x63: {  	_ =	shalt  }
0x64: {  	_ =	shalt  }
0x65: {  	_ =	shalt  }
0x66: {  	_ =	shalt  }
0x67: {  	_ =	shalt  }
0x68: {  	_ =	shalt  }
0x69: {  	_ =	shalt  }
0x6a: {  	_ =	shalt  }
0x6b: {  	_ =	shalt  }
0x6c: {  	_ =	shalt  }
0x6d: {  	_ =	shalt  }
0x6e: {  	_ =	shalt  }
0x6f: {  	_ =	shalt  }
0x70: {  	_ =	shalt  }
0x71: {  	_ =	shalt  }
0x72: {  	_ =	shalt  }
0x73: {  	_ =	shalt  }
0x74: {  	_ =	shalt  }
0x75: {  	_ =	shalt  }
0x76: {  	_ =	shalt  }
0x77: {  	_ =	shalt  }
0x78: {  	_ =	shalt  }
0x79: {  	_ =	shalt  }
0x7a: {  	_ =	shalt  }
0x7b: {  	_ =	shalt  }
0x7c: {  	_ =	shalt  }
0x7d: {  	_ =	shalt  }
0x7e: {  	_ =	shalt  }
0x7f: {  	_ =	shalt  }
0x80: {  	_ =	shalt  }
0x81: {  	_ =	shalt  }
0x82: {  	_ =	shalt  }
0x83: {  	_ =	shalt  }
0x84: {  	_ =	shalt  }
0x85: {  	_ =	shalt  }
0x86: {  	_ =	shalt  }
0x87: {  	_ =	shalt  }
.Lfunc_end0:
.L_simem_size_0:
called_computation.2_lowered:
.L_overlay_start_0:
0x88: {  	s2 =	sld [smem:$0x3FD9]  }
0x89: {  	s3 =	sld [smem:$0x3FFE];
	_ =	sdelay $0x1  }
0x8a: {  	s1 =	srdreg.scid  }
0x8b: {  	s0 =	sand.u32 $0x1, s1  }
0x8c: {  	s16 =	sshll.u32 s0, $0xA;
	s2 =	sadd.s32 s3, s2  }
0x8d: {  	s2 =	sadd.s32 s2, s16  }
0x8e: {  	[smem:$0x3FB6] =	sst s2  }
0x8f: {  	_ = 	snop  }
0x90: {  	(tm) =	ssettm $0x1  }
0x91: {  	s17 =	sld [smem:$0x3FFB];
	_ =	sdelay $0x3  }
0x92: {  	_ =	strace s17  }
0x93: {  	s2 =	sld [smem:$0x3FFC];
	_ =	sdelay $0x3  }
0x94: {  	_ =	strace s2  }
0x95: {  	s2 =	sld [smem:$0x3FFD];
	_ =	sdelay $0x3  }
0x96: {  	_ =	strace s2  }
0x97: {  	_ =	strace $0x8FFFFFFF  }
0x98: {  	s18 =	sld [smem:$0x3FDB];
	_ =	sdelay $0x1  }
0x99: {  	s19 =	simm.s32 $_scs_section_size  }
0x9a: {  	s4 =	simm.s32 $_size__tile_overlayer_lowered;
	s5 =	simm.s32 $_tile_overlayer_lowered  }
0x9b: {  	s22 =	simm.s32 $0x1BFF;
	s21 =	sshll.u32 s5, $0x1;
	s2 =	sadd.s32 s19, s18  }
0x9c: {  	s6 =	simm.s32 $0x0;
	s20 =	sshll.u32 s4, $0x1;
	s4 =	sadd.s32 s21, s2  }
0x9d: {  	[timem:s6], [sflag:s22] =	dma.local [hbm:s4], s20  }
0x9e: {  	_ =	swait.ge [sflag:s22], s20  }
0x9f: {  	s3 =	ssub.s32 $0x0, s20;
	[sflag:s22] =	ssyncset.done $0x0  }
0xa0: {  	[sflag:s22] =	ssyncadd.s32 s3;
	_ =	sdelay $0x1  }
0xa1: {  	s23 =	simm.s32 $0x1B8B  }
0xa2: {  	_ =	swait.ge [sflag:s23], $0x1  }
0xa3: {  	[sflag:s23] =	ssyncset.done $0x0  }
0xa4: {  	s25 =	simm.s32 $0x1B8E;
	s24 =	sld [smem:$0x3FFE];
	[sflag:s23] =	ssyncadd.s32 $0xFFFFFFFF  }
0xa5: {  	s26 =	simm.s32 $execute0_lowered;
	[smem:$0x3FD2] =	sst s25  }
0xa6: {  	s4 =	sshll.u32 s26, $0x1;
	_ =	strace $0x8000004C;
	[dreg:$0x1] =	wrdreg $0xFFFFFFFF  }
0xa7: {  	s28 =	simm.s32 $_size_execute0_lowered;
	s2 =	sadd.s32 s2, s4;
	[dreg:$0x0] =	wrdreg $0x0  }
0xa8: {  	s4 =	sshll.u32 s28, $0x1;
	[dreg:$0x2] =	wrdreg s2  }
0xa9: {  	[dreg:$0x3] =	wrdreg s4  }
0xaa: {  	[dreg:$0x4] =	wrdreg $0xC0  }
0xab: {  	_ =	task [dreg:s6], $0x5FFFF  }
0xac: {  	[dreg:$0x1] =	wrdreg $0xFFFFFFFF  }
0xad: {  	[dreg:$0x0] =	wrdreg $0x60  }
0xae: {  	[dreg:$0x2] =	wrdreg s24  }
0xaf: {  	[dreg:$0x3] =	wrdreg $0x88000  }
0xb0: {  	[dreg:$0x4] =	wrdreg $0x9  }
0xb1: {  	_ =	task.clear_ibuf [dreg:s6], $0x5FFFF;
	_ =	strace $0x9000004C  }
0xb2: {  	s29 =	simm.s32 $0x9;
	_ =	strace $0x8000004E  }
0xb3: {  	_ =	swait.ge [sflag:s29], $0x1  }
0xb4: {  	[sflag:s29] =	ssyncadd.s32 $0xFFFFFFFF  }
0xb5: {  	_ =	strace $0x9000004E  }
0xb6: {  	_ =	sfence  }
0xb7: {  	s30 =	sld [smem:$0x0];
	_ =	sdelay $0x2  }
0xb8: {  	s31 =	sshll.u32 s1, $0xD;
	s1 =	sshrl.u32 s1, $0x2  }
0xb9: {  	s3 =	sand.u32 $0x4000, s31;
	s1 =	sadd.s32 s1, s30  }
0xba: {  	s0 =	sor.u32 s3, s0;
	s1 =	sshll.u32 s1, $0x11  }
0xbb: {  	s0 =	sor.u32 s1, s0  }
0xbc: {  	s0 =	sadd.s32 $0x8F2B, s0  }
0xbd: {  	[sflag:s0] =	ssyncadd.remote.s32 $0x1  }
0xbe: {  	_ =	sfence.sel $0xFFFF  }
0xbf: {  	[dreg:$0x0] =	wrdreg $0xFFFFFFFF;
	(pc) =	sbr.abs _section_cstart, $3  }
0xc0: {  	[dreg:$0x1] =	wrdreg $0xFFFFFFFF  }
0xc1: {  	_ =	task.clear_ibuf [dreg:s6], $0x2FFFF;
	_ =	strace $0x9FFFFFFF  }
0xc2: {  	(tm) =	ssettm $0x7FFFFFFF  }
0xc3: {  	_ =	shalt  }
tec
execute0_lowered:
.L_overlay_start_1:
0x0: {  	(tag) =	ssettag $0x1  }
0x1: {  	s0 =	rddreg [dreg:$0x0]  }
0x2: {  	s2 =	rddreg [dreg:$0x1]  }
0x3: {  	s3 =	simm.s32 $0x0;
	s13 =	stileid.u32;
	s1 =	srdreg.scid  }
0x4: {  	s21 =	simm.s32 $0x100;
	s22 =	simm.s32 $0x480;
	s23 =	simm.s32 $0x180  }
0x5: {  	s24 =	simm.s32 $0x500;
	s28 =	simm.s32 $0x300;
	s29 =	simm.s32 $0x680  }
0x6: {  	s30 =	simm.s32 $0x380;
	s31 =	simm.s32 $0x700;
	[smem:$0x7FF] =	sst s3  }
0x7: {  	s7 =	smul.u32 $0x14000, s13;
	s1 =	sand.u32 $0x1, s1;
	s4 =	sadd.s32 $0x17A00, s0  }
0x8: {  	s5 =	sadd.s32 $0x3A00, s0;
	s6 =	sadd.s32 $0xDA00, s0;
	s25 =	sshll.u32 s13, $0x1  }
0x9: {  	s11 =	smul.u32 $0x50000, s13;
	_ =	strace $0x8000004D;
	[dreg:$0x3] =	wrdreg s21  }
0xa: {  	s16 =	sshll.u32 s13, $0x6;
	s8 =	smul.u32 $0x140000, s1;
	[dreg:$0x4] =	wrdreg s22  }
0xb: {  	s10 =	ssub.s32 $0x2, s1;
	s1 =	sor.u32 s1, s25;
	[dreg:$0x5] =	wrdreg s23  }
0xc: {  	s21 =	simm.s32 $0x800;
	[dreg:$0x6] =	wrdreg s24;
	s25 =	simm.s32 $0x580  }
0xd: {  	s22 =	simm.s32 $0x4800;
	s23 =	simm.s32 $0x1;
	s24 =	simm.s32 $0x400  }
0xe: {  	s9 =	sshrl.u32 s7, $0x3;
	s12 =	sshrl.u32 s10, $0x1;
	s15 =	sshrl.u32 s11, $0x2  }
0xf: {  	[dreg:$0x7] =	wrdreg s25;
	s25 =	simm.s32 $0x2;
	s9 =	sadd.s32 s9, s0  }
0x10: {  	s7 =	sadd.s32 s7, s8;
	s14 =	ssub.s32 s10, s12;
	s8 =	sadd.s32 s15, s2  }
0x11: {  	s26 =	sshrl.u32 s7, $0x3;
	s7 =	smul.u32 $0x2800, s1;
	s9 =	sadd.s32 $0x3FA00, s9  }
0x12: {  	s15 =	smax.u32 s14, $0x1;
	s1 =	simm.s32 $0x780;
	s0 =	sadd.s32 s26, s0  }
0x13: {  	[dreg:$0x9] =	wrdreg s9;
	s9 =	sor.u32 $0x1C05, s16;
	s16 =	sshrl.u32 s8, $0x3  }
0x14: {  	s26 =	simm.s32 $0x280;
	s8 =	simm.s32 $0x0;
	s17 =	sshrl.u32 s7, $0x3  }
0x15: {  	s0 =	sadd.s32 $0x67A00, s0;
	[dreg:$0x8] =	wrdreg s26;
	s26 =	simm.s32 $0x4  }
0x16: {  	s18 =	sor.u32 $0x40, s17;
	s19 =	sadd.s32 s5, s17;
	[dreg:$0xe] =	wrdreg s0  }
0x17: {  	s11 =	sadd.s32 s6, s17;
	s17 =	simm.s32 $0x5;
	[dreg:$0xa] =	wrdreg s19  }
0x18: {  	s0 =	simm.s32 $0x3;
	[dreg:$0xb] =	wrdreg s11;
	s20 =	sadd.s32 s5, s18  }
0x19: {  	s10 =	sadd.s32 s6, s18;
	s18 =	simm.s32 $0x200;
	[dreg:$0xc] =	wrdreg s20  }
0x1a: {  	s19 =	simm.s32 $0x600;
	[dreg:$0xd] =	wrdreg s10;
	s20 =	simm.s32 $0x80  }
.LBB2_1:
0x1b: {  	s10 =	rddreg [dreg:$0x9]  }
0x1c: {  	[spmem:s16], [sflag:s9] =	dma.local [hbm:s10], $0x2800  }
0x1d: {  	_ =	swait.ge [sflag:s17], $0x2800  }
0x1e: {  	[sflag:s17] =	ssyncset.done $0x0  }
0x1f: {  	s12 =	rddreg [dreg:$0xa];
	[sflag:s17] =	ssyncadd.s32 $0xFFFFD800  }
0x20: {  	[tilespmem:s3], [sflag:$0x5] =	stream.linear.gather [hbm4b:s12+s3], $0x200, $0x38;
	[tilespmem:$0x1C800] =	vst v63  }
0x21: {  	_ =	swait.ge [sflag:s17], $0x200  }
0x22: {  	[sflag:s17] =	ssyncset.done $0x0  }
0x23: {  	s13 =	rddreg [dreg:$0xb];
	[sflag:s17] =	ssyncadd.s32 $0xFFFFFE00  }
0x24: {  	[tilespmem:s24], [sflag:$0x5] =	stream.linear.gather [hbm4b:s13+s3], $0x200, $0x38;
	[tilespmem:$0x1C800] =	vst v63  }
0x25: {  	_ =	swait.ge [sflag:s17], $0x200  }
0x26: {  	[sflag:s17] =	ssyncset.done $0x0  }
0x27: {  	s14 =	rddreg [dreg:$0xc];
	[sflag:s17] =	ssyncadd.s32 $0xFFFFFE00  }
0x28: {  	[tilespmem:s18], [sflag:$0x4] =	stream.linear.gather [hbm4b:s14+s3], $0x200, $0x38;
	[tilespmem:$0x1C800] =	vst v63  }
0x29: {  	s11 =	rddreg [dreg:$0xd]  }
0x2a: {  	[tilespmem:s19], [sflag:$0x4] =	stream.linear.gather [hbm4b:s11+s3], $0x200, $0x38;
	[tilespmem:$0x1C800] =	vst v63  }
0x2b: {  	_ = 	snop  }
0x2c: {  	[tilespmem:s21], [sflag:$0x1] =	stream.indirect.gather [hbm4b:s4+s20], $0x80, s3, s20, $0xb8;
	[tilespmem:$0x1C800] =	vst v63  }
0x2d: {  	[bflag:$0x0] =	sbarrier.arrive $0xFFFF  }
0x2e: {  	[tilespmem:s22], [sflag:$0x2] =	stream.indirect.gather [hbm4b:s4+s20], $0x80, s20, s20, $0xb8;
	[tilespmem:$0x1C800] =	vst v63  }
0x2f: {  	_ =	swait.ge [sflag:s23], $0x4000  }
0x30: {  	[sflag:s23] =	ssyncset.done $0x0  }
0x31: {  	[sflag:s23] =	ssyncadd.s32 $0xFFFFC000  }
0x32: {  	[spmem:s2] =	stream.indirect.scatter.add.f32 [tilespmem:s21], [sflag:$0x5], $0x80, s24, s20, $0xb8;
	[tilespmem:$0x1C800] =	vst v63  }
0x33: {  	_ =	swait.ge [sflag:s17], $0x4000  }
0x34: {  	[sflag:s17] =	ssyncset.done $0x0  }
0x35: {  	s12 =	rddreg [dreg:$0x3];
	[sflag:s17] =	ssyncadd.s32 $0xFFFFC000  }
0x36: {  	[tilespmem:s21], [sflag:$0x1] =	stream.indirect.gather [hbm4b:s4+s20], $0x80, s12, s20, $0xb8;
	[tilespmem:$0x1C800] =	vst v63  }
0x37: {  	_ =	swait.ge [sflag:s25], $0x4000  }
0x38: {  	[sflag:s25] =	ssyncset.done $0x0  }
0x39: {  	s13 =	rddreg [dreg:$0x4];
	[sflag:s25] =	ssyncadd.s32 $0xFFFFC000  }
0x3a: {  	[spmem:s2] =	stream.indirect.scatter.add.f32 [tilespmem:s22], [sflag:$0x5], $0x80, s13, s20, $0xb8;
	[tilespmem:$0x1C800] =	vst v63  }
0x3b: {  	_ =	swait.ge [sflag:s17], $0x4000  }
0x3c: {  	[sflag:s17] =	ssyncset.done $0x0  }
0x3d: {  	s14 =	rddreg [dreg:$0x5];
	[sflag:s17] =	ssyncadd.s32 $0xFFFFC000  }
0x3e: {  	[tilespmem:s22], [sflag:$0x2] =	stream.indirect.gather [hbm4b:s4+s20], $0x80, s14, s20, $0xb8;
	[tilespmem:$0x1C800] =	vst v63  }
0x3f: {  	_ =	swait.ge [sflag:s23], $0x4000  }
0x40: {  	[sflag:s23] =	ssyncset.done $0x0  }
0x41: {  	s11 =	rddreg [dreg:$0x6];
	[sflag:s23] =	ssyncadd.s32 $0xFFFFC000  }
0x42: {  	[spmem:s2] =	stream.indirect.scatter.add.f32 [tilespmem:s21], [sflag:$0x5], $0x80, s11, s20, $0xb8;
	[tilespmem:$0x1C800] =	vst v63  }
0x43: {  	_ =	swait.ge [sflag:s17], $0x4000  }
0x44: {  	[sflag:s17] =	ssyncset.done $0x0  }
0x45: {  	[sflag:s17] =	ssyncadd.s32 $0xFFFFC000  }
0x46: {  	_ =	swait.ge [sflag:s26], $0x200  }
0x47: {  	[sflag:s26] =	ssyncset.done $0x0  }
0x48: {  	[sflag:s26] =	ssyncadd.s32 $0xFFFFFE00  }
0x49: {  	_ =	swait.ge [sflag:s26], $0x200  }
0x4a: {  	[sflag:s26] =	ssyncset.done $0x0  }
0x4b: {  	[sflag:s26] =	ssyncadd.s32 $0xFFFFFE00  }
0x4c: {  	[tilespmem:s21], [sflag:$0x1] =	stream.indirect.gather [hbm4b:s4+s20], $0x80, s18, s20, $0xb8;
	[tilespmem:$0x1C800] =	vst v63  }
0x4d: {  	_ =	swait.ge [sflag:s25], $0x4000  }
0x4e: {  	p0 =	por $0x0, $0x0;
	s10 =	simm.s32 $0x400;
	[sflag:s25] =	ssyncset.done $0x0  }
0x4f: {  	s10 =	simm.s32 @p0 $0x0;
	s12 =	rddreg [dreg:$0x7];
	[sflag:s25] =	ssyncadd.s32 $0xFFFFC000  }
0x50: {  	[spmem:s2] =	stream.indirect.scatter.add.f32 [tilespmem:s22], [sflag:$0x5], $0x80, s12, s20, $0xb8;
	[tilespmem:$0x1C800] =	vst v63  }
0x51: {  	s10 =	sadd.s32 s7, s10;
	_ =	swait.ge [sflag:s17], $0x4000  }
0x52: {  	s10 =	sshrl.u32 s10, $0x3;
	[sflag:s17] =	ssyncset.done $0x0  }
0x53: {  	s11 =	sadd.s32 s5, s10;
	[sflag:s17] =	ssyncadd.s32 $0xFFFFC000  }
0x54: {  	[tilespmem:s3], [sflag:$0x3] =	stream.linear.gather [hbm4b:s11+s3], $0x200, $0x38;
	[tilespmem:$0x1C800] =	vst v63  }
0x55: {  	s13 =	sadd.s32 s6, s10  }
0x56: {  	[tilespmem:s24], [sflag:$0x3] =	stream.linear.gather [hbm4b:s13+s3], $0x200, $0x38;
	[tilespmem:$0x1C800] =	vst v63  }
0x57: {  	s12 =	rddreg [dreg:$0x8]  }
0x58: {  	[tilespmem:s22], [sflag:$0x2] =	stream.indirect.gather [hbm4b:s4+s20], $0x80, s12, s20, $0xb8;
	[tilespmem:$0x1C800] =	vst v63  }
0x59: {  	_ =	swait.ge [sflag:s23], $0x4000  }
0x5a: {  	[sflag:s23] =	ssyncset.done $0x0  }
0x5b: {  	[sflag:s23] =	ssyncadd.s32 $0xFFFFC000  }
0x5c: {  	[spmem:s2] =	stream.indirect.scatter.add.f32 [tilespmem:s21], [sflag:$0x5], $0x80, s19, s20, $0xb8;
	[tilespmem:$0x1C800] =	vst v63  }
0x5d: {  	_ =	swait.ge [sflag:s17], $0x4000  }
0x5e: {  	[sflag:s17] =	ssyncset.done $0x0  }
0x5f: {  	[sflag:s17] =	ssyncadd.s32 $0xFFFFC000  }
0x60: {  	[tilespmem:s21], [sflag:$0x1] =	stream.indirect.gather [hbm4b:s4+s20], $0x80, s28, s20, $0xb8;
	[tilespmem:$0x1C800] =	vst v63  }
0x61: {  	_ =	swait.ge [sflag:s25], $0x4000  }
0x62: {  	[sflag:s25] =	ssyncset.done $0x0  }
0x63: {  	[sflag:s25] =	ssyncadd.s32 $0xFFFFC000  }
0x64: {  	[spmem:s2] =	stream.indirect.scatter.add.f32 [tilespmem:s22], [sflag:$0x5], $0x80, s29, s20, $0xb8;
	[tilespmem:$0x1C800] =	vst v63  }
0x65: {  	_ =	swait.ge [sflag:s17], $0x4000  }
0x66: {  	[sflag:s17] =	ssyncset.done $0x0  }
0x67: {  	[sflag:s17] =	ssyncadd.s32 $0xFFFFC000  }
0x68: {  	[tilespmem:s22], [sflag:$0x2] =	stream.indirect.gather [hbm4b:s4+s20], $0x80, s30, s20, $0xb8;
	[tilespmem:$0x1C800] =	vst v63  }
0x69: {  	_ =	swait.ge [sflag:s23], $0x4000  }
0x6a: {  	[sflag:s23] =	ssyncset.done $0x0  }
0x6b: {  	[sflag:s23] =	ssyncadd.s32 $0xFFFFC000  }
0x6c: {  	[spmem:s2] =	stream.indirect.scatter.add.f32 [tilespmem:s21], [sflag:$0x5], $0x80, s31, s20, $0xb8;
	[tilespmem:$0x1C800] =	vst v63  }
0x6d: {  	_ =	swait.ge [sflag:s17], $0x4000  }
0x6e: {  	[sflag:s17] =	ssyncset.done $0x0  }
0x6f: {  	[sflag:s17] =	ssyncadd.s32 $0xFFFFC000  }
0x70: {  	_ =	swait.ge [sflag:s0], $0x200  }
0x71: {  	[sflag:s0] =	ssyncset.done $0x0  }
0x72: {  	[sflag:s0] =	ssyncadd.s32 $0xFFFFFE00  }
0x73: {  	_ =	swait.ge [sflag:s0], $0x200  }
0x74: {  	[sflag:s0] =	ssyncset.done $0x0  }
0x75: {  	[sflag:s0] =	ssyncadd.s32 $0xFFFFFE00  }
0x76: {  	[tilespmem:s21], [sflag:$0x1] =	stream.indirect.gather [hbm4b:s4+s20], $0x80, s3, s20, $0xb8;
	[tilespmem:$0x1C800] =	vst v63  }
0x77: {  	_ =	swait.ge [sflag:s25], $0x4000  }
0x78: {  	[sflag:s25] =	ssyncset.done $0x0  }
0x79: {  	[sflag:s25] =	ssyncadd.s32 $0xFFFFC000  }
0x7a: {  	[spmem:s2] =	stream.indirect.scatter.add.f32 [tilespmem:s22], [sflag:$0x5], $0x80, s1, s20, $0xb8;
	[tilespmem:$0x1C800] =	vst v63  }
0x7b: {  	_ =	swait.ge [sflag:s17], $0x4000  }
0x7c: {  	s14 =	sor.u32 $0x40, s10;
	[sflag:s17] =	ssyncset.done $0x0  }
0x7d: {  	s10 =	sadd.s32 s5, s14;
	[sflag:s17] =	ssyncadd.s32 $0xFFFFC000  }
0x7e: {  	[tilespmem:s18], [sflag:$0x4] =	stream.linear.gather [hbm4b:s10+s3], $0x200, $0x38;
	[tilespmem:$0x1C800] =	vst v63  }
0x7f: {  	s12 =	sadd.s32 s6, s14;
	s10 =	simm.s32 $0x800  }
.LBB2_2:
0x80: {  	[tilespmem:s19], [sflag:$0x4] =	stream.linear.gather [hbm4b:s12+s3], $0x200, $0x38;
	[tilespmem:$0x1C800] =	vst v63  }
0x81: {  	_ = 	snop  }
0x82: {  	[tilespmem:s22], [sflag:$0x2] =	stream.indirect.gather [hbm4b:s4+s20], $0x80, s20, s20, $0xb8;
	[tilespmem:$0x1C800] =	vst v63  }
0x83: {  	_ =	swait.ge [sflag:s23], $0x4000  }
0x84: {  	[sflag:s23] =	ssyncset.done $0x0  }
0x85: {  	[sflag:s23] =	ssyncadd.s32 $0xFFFFC000  }
0x86: {  	[spmem:s2] =	stream.indirect.scatter.add.f32 [tilespmem:s21], [sflag:$0x5], $0x80, s24, s20, $0xb8;
	[tilespmem:$0x1C800] =	vst v63  }
0x87: {  	_ =	swait.ge [sflag:s17], $0x4000  }
0x88: {  	[sflag:s17] =	ssyncset.done $0x0  }
0x89: {  	s13 =	rddreg [dreg:$0x3];
	[sflag:s17] =	ssyncadd.s32 $0xFFFFC000  }
0x8a: {  	[tilespmem:s21], [sflag:$0x1] =	stream.indirect.gather [hbm4b:s4+s20], $0x80, s13, s20, $0xb8;
	[tilespmem:$0x1C800] =	vst v63  }
0x8b: {  	_ =	swait.ge [sflag:s25], $0x4000  }
0x8c: {  	[sflag:s25] =	ssyncset.done $0x0  }
0x8d: {  	s14 =	rddreg [dreg:$0x4];
	[sflag:s25] =	ssyncadd.s32 $0xFFFFC000  }
0x8e: {  	[spmem:s2] =	stream.indirect.scatter.add.f32 [tilespmem:s22], [sflag:$0x5], $0x80, s14, s20, $0xb8;
	[tilespmem:$0x1C800] =	vst v63  }
0x8f: {  	_ =	swait.ge [sflag:s17], $0x4000  }
0x90: {  	[sflag:s17] =	ssyncset.done $0x0  }
0x91: {  	s13 =	rddreg [dreg:$0x5];
	[sflag:s17] =	ssyncadd.s32 $0xFFFFC000  }
0x92: {  	[tilespmem:s22], [sflag:$0x2] =	stream.indirect.gather [hbm4b:s4+s20], $0x80, s13, s20, $0xb8;
	[tilespmem:$0x1C800] =	vst v63  }
0x93: {  	_ =	swait.ge [sflag:s23], $0x4000  }
0x94: {  	[sflag:s23] =	ssyncset.done $0x0  }
0x95: {  	s14 =	rddreg [dreg:$0x6];
	[sflag:s23] =	ssyncadd.s32 $0xFFFFC000  }
0x96: {  	[spmem:s2] =	stream.indirect.scatter.add.f32 [tilespmem:s21], [sflag:$0x5], $0x80, s14, s20, $0xb8;
	[tilespmem:$0x1C800] =	vst v63  }
0x97: {  	_ =	swait.ge [sflag:s17], $0x4000  }
0x98: {  	[sflag:s17] =	ssyncset.done $0x0  }
0x99: {  	[sflag:s17] =	ssyncadd.s32 $0xFFFFC000  }
0x9a: {  	_ =	swait.ge [sflag:s26], $0x200  }
0x9b: {  	[sflag:s26] =	ssyncset.done $0x0  }
0x9c: {  	[sflag:s26] =	ssyncadd.s32 $0xFFFFFE00  }
0x9d: {  	_ =	swait.ge [sflag:s26], $0x200  }
0x9e: {  	[sflag:s26] =	ssyncset.done $0x0  }
0x9f: {  	[sflag:s26] =	ssyncadd.s32 $0xFFFFFE00  }
0xa0: {  	[tilespmem:s21], [sflag:$0x1] =	stream.indirect.gather [hbm4b:s4+s20], $0x80, s18, s20, $0xb8;
	[tilespmem:$0x1C800] =	vst v63  }
0xa1: {  	s11 =	smov.u32 s10;
	_ =	swait.ge [sflag:s25], $0x4000  }
0xa2: {  	p1 =	seq.s32 s11, $0x2800;
	[sflag:s25] =	ssyncset.done $0x0  }
0xa3: {  	s11 =	simm.s32 @p1 $0x0;
	s13 =	rddreg [dreg:$0x7];
	[sflag:s25] =	ssyncadd.s32 $0xFFFFC000  }
0xa4: {  	[spmem:s2] =	stream.indirect.scatter.add.f32 [tilespmem:s22], [sflag:$0x5], $0x80, s13, s20, $0xb8;
	[tilespmem:$0x1C800] =	vst v63  }
0xa5: {  	s11 =	sadd.s32 s7, s11;
	_ =	swait.ge [sflag:s17], $0x4000  }
0xa6: {  	s11 =	sshrl.u32 s11, $0x3;
	[sflag:s17] =	ssyncset.done $0x0  }
0xa7: {  	s12 =	sadd.s32 s5, s11;
	[sflag:s17] =	ssyncadd.s32 $0xFFFFC000  }
0xa8: {  	[tilespmem:s3], [sflag:$0x3] =	stream.linear.gather [hbm4b:s12+s3], $0x200, $0x38;
	[tilespmem:$0x1C800] =	vst v63  }
0xa9: {  	s13 =	sadd.s32 s6, s11  }
0xaa: {  	[tilespmem:s24], [sflag:$0x3] =	stream.linear.gather [hbm4b:s13+s3], $0x200, $0x38;
	[tilespmem:$0x1C800] =	vst v63  }
0xab: {  	s14 =	rddreg [dreg:$0x8]  }
0xac: {  	[tilespmem:s22], [sflag:$0x2] =	stream.indirect.gather [hbm4b:s4+s20], $0x80, s14, s20, $0xb8;
	[tilespmem:$0x1C800] =	vst v63  }
0xad: {  	_ =	swait.ge [sflag:s23], $0x4000  }
0xae: {  	[sflag:s23] =	ssyncset.done $0x0  }
0xaf: {  	[sflag:s23] =	ssyncadd.s32 $0xFFFFC000  }
0xb0: {  	[spmem:s2] =	stream.indirect.scatter.add.f32 [tilespmem:s21], [sflag:$0x5], $0x80, s19, s20, $0xb8;
	[tilespmem:$0x1C800] =	vst v63  }
0xb1: {  	_ =	swait.ge [sflag:s17], $0x4000  }
0xb2: {  	[sflag:s17] =	ssyncset.done $0x0  }
0xb3: {  	[sflag:s17] =	ssyncadd.s32 $0xFFFFC000  }
0xb4: {  	[tilespmem:s21], [sflag:$0x1] =	stream.indirect.gather [hbm4b:s4+s20], $0x80, s28, s20, $0xb8;
	[tilespmem:$0x1C800] =	vst v63  }
0xb5: {  	_ =	swait.ge [sflag:s25], $0x4000  }
0xb6: {  	[sflag:s25] =	ssyncset.done $0x0  }
0xb7: {  	[sflag:s25] =	ssyncadd.s32 $0xFFFFC000  }
0xb8: {  	[spmem:s2] =	stream.indirect.scatter.add.f32 [tilespmem:s22], [sflag:$0x5], $0x80, s29, s20, $0xb8;
	[tilespmem:$0x1C800] =	vst v63  }
0xb9: {  	_ =	swait.ge [sflag:s17], $0x4000  }
0xba: {  	[sflag:s17] =	ssyncset.done $0x0  }
0xbb: {  	[sflag:s17] =	ssyncadd.s32 $0xFFFFC000  }
0xbc: {  	[tilespmem:s22], [sflag:$0x2] =	stream.indirect.gather [hbm4b:s4+s20], $0x80, s30, s20, $0xb8;
	[tilespmem:$0x1C800] =	vst v63  }
0xbd: {  	_ =	swait.ge [sflag:s23], $0x4000  }
0xbe: {  	[sflag:s23] =	ssyncset.done $0x0  }
0xbf: {  	[sflag:s23] =	ssyncadd.s32 $0xFFFFC000  }
0xc0: {  	[spmem:s2] =	stream.indirect.scatter.add.f32 [tilespmem:s21], [sflag:$0x5], $0x80, s31, s20, $0xb8;
	[tilespmem:$0x1C800] =	vst v63  }
0xc1: {  	_ =	swait.ge [sflag:s17], $0x4000  }
0xc2: {  	[sflag:s17] =	ssyncset.done $0x0  }
0xc3: {  	[sflag:s17] =	ssyncadd.s32 $0xFFFFC000  }
0xc4: {  	_ =	swait.ge [sflag:s0], $0x200  }
0xc5: {  	[sflag:s0] =	ssyncset.done $0x0  }
0xc6: {  	[sflag:s0] =	ssyncadd.s32 $0xFFFFFE00  }
0xc7: {  	_ =	swait.ge [sflag:s0], $0x200  }
0xc8: {  	[sflag:s0] =	ssyncset.done $0x0  }
0xc9: {  	[sflag:s0] =	ssyncadd.s32 $0xFFFFFE00  }
0xca: {  	[tilespmem:s21], [sflag:$0x1] =	stream.indirect.gather [hbm4b:s4+s20], $0x80, s3, s20, $0xb8;
	[tilespmem:$0x1C800] =	vst v63  }
0xcb: {  	_ =	swait.ge [sflag:s25], $0x4000  }
0xcc: {  	[sflag:s25] =	ssyncset.done $0x0  }
0xcd: {  	p0 =	sne.s32 s10, $0x2800;
	[sflag:s25] =	ssyncadd.s32 $0xFFFFC000  }
0xce: {  	[spmem:s2] =	stream.indirect.scatter.add.f32 [tilespmem:s22], [sflag:$0x5], $0x80, s1, s20, $0xb8;
	[tilespmem:$0x1C800] =	vst v63  }
.Ltmp0:
0xcf: {  	_ = 	snop;
	(pc) =	sbr.rel @p0 .LBB2_2-.Ltmp0, $4  }
0xd0: {  	_ =	swait.ge [sflag:s17], $0x4000  }
0xd1: {  	s10 =	sadd.s32 $0x400, s10;
	s11 =	sor.u32 $0x40, s11;
	[sflag:s17] =	ssyncset.done $0x0  }
0xd2: {  	s12 =	sadd.s32 s6, s11;
	s14 =	sadd.s32 s5, s11;
	[sflag:s17] =	ssyncadd.s32 $0xFFFFC000  }
0xd3: {  	[tilespmem:s18], [sflag:$0x4] =	stream.linear.gather [hbm4b:s14+s3], $0x200, $0x38;
	[tilespmem:$0x1C800] =	vst v63  }
0xd4: {  	[tilespmem:s19], [sflag:$0x4] =	stream.linear.gather [hbm4b:s12+s3], $0x200, $0x38;
	[tilespmem:$0x1C800] =	vst v63  }
0xd5: {  	_ =	swait.ge [sflag:s23], $0x4000  }
0xd6: {  	[sflag:s23] =	ssyncset.done $0x0  }
0xd7: {  	[sflag:s23] =	ssyncadd.s32 $0xFFFFC000  }
0xd8: {  	_ =	swait.ge [sflag:s26], $0x200  }
0xd9: {  	[sflag:s26] =	ssyncset.done $0x0  }
0xda: {  	[sflag:s26] =	ssyncadd.s32 $0xFFFFFE00  }
0xdb: {  	_ =	swait.ge [sflag:s26], $0x200  }
0xdc: {  	[sflag:s26] =	ssyncset.done $0x0  }
0xdd: {  	s8 =	sadd.s32 $0x1, s8;
	[sflag:s26] =	ssyncadd.s32 $0xFFFFFE00  }
0xde: {  	p0 =	sne.s32 s8, s15;
	[bflag:$0x0] =	sbarrier.arrive $0xFFFF  }
.Ltmp1:
0xdf: {  	s10 =	rddreg [dreg:$0xe];
	(pc) =	sbr.rel @p0 .LBB2_1-.Ltmp1, $4  }
0xe0: {  	[hbm:s10], [sflag:s9] =	dma.local [spmem:s16], $0x2800  }
0xe1: {  	_ =	swait.ge [sflag:s17], $0x2800  }
0xe2: {  	[sflag:s17] =	ssyncset.done $0x0  }
0xe3: {  	[sflag:s17] =	ssyncadd.s32 $0xFFFFD800  }
0xe4: {  	_ =	sfence.sel $0x180000  }
0xe5: {  	[bflag:$0x0] =	sbarrier.arrive $0xFFFF  }
0xe6: {  	_ =	strace $0x9000004D  }
0xe7: {  	s0 =	stileid.u32;
	[bflag:$0x2] =	sbarrier.arrive $0xFFFF  }
0xe8: {  	p0 =	sne.s32 s0, $0x0;
	s0 =	rddreg [dreg:$0x2]  }
0xe9: {  	s0 =	sadd.s32 @!p0 $0x100000, s0  }
0xea: {  	[sflag:s0] =	ssyncadd.tile.s32 @!p0 $0x1;
	_ =	shalt  }
.Lfunc_end2:
_tile_overlayer_lowered:
.L_overlay_start_2:
0xeb: {  	(tag) =	ssettag $0x2  }
0xec: {  	s0 =	rddreg [dreg:$0x0];
	s2 =	stileid.u32  }
0xed: {  	s1 =	rddreg [dreg:$0x1];
	p0 =	sne.s32 s2, $0x0  }
0xee: {  	s3 =	rddreg [dreg:$0x2];
	[bflag:$0x3] =	sbarrier.arrive $0xFFFF;
	s2 =	simm.s32 @!p0 $0x1C05  }
0xef: {  	[timem:s3], [sflag:s2] =	dma.local @!p0 [hbm:s0], s1  }
0xf0: {  	s0 =	simm.s32 @!p0 $0x5  }
0xf1: {  	_ =	swait.ge @!p0 [sflag:s0], s1  }
0xf2: {  	s1 =	ssub.s32 @!p0 $0x0, s1;
	[sflag:s0] =	ssyncset.done @!p0 $0x0  }
0xf3: {  	[sflag:s0] =	ssyncadd.s32 @!p0 s1  }
0xf4: {  	[bflag:$0x3] =	sbarrier.arrive $0xFFFF  }
0xf5: {  	_ =	shalt  }

</sc_bundles>
